<compile_context>
chip_gen: v7x
topology: tpu7x:2x2x1
jax: 0.10.2.dev20260603
libtpu: 0.0.44.dev20260713+nightly
codegen_flags: <defaults>
</compile_context>

<pallas_src>
import functools

import jax
import jax.numpy as jnp
from jax import lax
from jax.experimental import pallas as pl
from jax.experimental.pallas import tpu as pltpu
from jax.experimental.pallas import tpu_sc as plsc

N = 10000
E = 320000
D_IN = 128
D_HID = 16
N_CLS = 40

NSC = 2
NTILE = 16
NW = NSC * NTILE

N_PAD = 10240
ROWS_PER_TILE = N_PAD // NTILE
E_PAD = 4096 * 80
ROWS_E = E_PAD // 128
ROWS_E_TILE = ROWS_E // NW
CH = 128

_mesh = plsc.VectorSubcoreMesh(core_axis_name="c", subcore_axis_name="s")
_sc_params = pltpu.CompilerParams(use_tc_tiling_on_sc=False,
                                  needs_layout_passes=False)


@functools.partial(
    pl.kernel,
    out_type=(jax.ShapeDtypeStruct((N_PAD,), jnp.float32),
              jax.ShapeDtypeStruct((N_PAD,), jnp.float32)),
    mesh=_mesh,
    compiler_params=_sc_params,
    scratch_types=[
        pltpu.VMEM((ROWS_E_TILE, 128), jnp.int32),
        pltpu.VMEM((128,), jnp.float32),
        pltpu.VMEM((ROWS_PER_TILE,), jnp.float32),
        pltpu.VMEM_SHARED((N_PAD,), jnp.float32),
    ],
)
def _deg_kernel(edges_hbm, out0, out1, dst_v, ones_v, buf_v, deg_sh):
    cid = lax.axis_index("c")
    sid = lax.axis_index("s")
    wid = cid * NTILE + sid
    r0 = sid * ROWS_PER_TILE

    def fill_ones(i, carry):
        ones_v[pl.ds(i * 16, 16)] = jnp.full((16,), 1.0, jnp.float32)
        return carry
    lax.fori_loop(0, 128 // 16, fill_ones, 0)

    def fill_zero(i, carry):
        buf_v[pl.ds(i * 16, 16)] = jnp.zeros((16,), jnp.float32)
        return carry
    lax.fori_loop(0, ROWS_PER_TILE // 16, fill_zero, 0)

    pltpu.sync_copy(buf_v, deg_sh.at[pl.ds(r0, ROWS_PER_TILE)])
    pltpu.sync_copy(
        edges_hbm.at[pl.ds(ROWS_E + wid * ROWS_E_TILE, ROWS_E_TILE)], dst_v)
    plsc.subcore_barrier()

    def step(c, carry):
        pltpu.sync_copy(ones_v, deg_sh.at[dst_v.at[c]], add=True)
        return carry
    lax.fori_loop(0, ROWS_E_TILE, step, 0)

    plsc.subcore_barrier()
    pltpu.sync_copy(deg_sh.at[pl.ds(r0, ROWS_PER_TILE)], buf_v)

    @pl.when(cid == 0)
    def _():
        pltpu.sync_copy(buf_v, out0.at[pl.ds(r0, ROWS_PER_TILE)])

    @pl.when(cid == 1)
    def _():
        pltpu.sync_copy(buf_v, out1.at[pl.ds(r0, ROWS_PER_TILE)])


def _col_groups(d):
    groups = []
    c = 0
    while c + 16 <= d:
        groups.append((c, 0))
        c += 16
    if c < d:
        groups.append((d - 16, 16 - (d - c)))
    return groups


def _make_prop_kernel(d, g):
    G = g
    G128 = G * 128
    STEPS = ROWS_E_TILE // G
    PAIRS = STEPS // 2
    assert STEPS * G == ROWS_E_TILE and PAIRS * 2 == STEPS
    GRPS = _col_groups(d)
    NCHUNK = ROWS_PER_TILE // CH

    @functools.partial(
        pl.kernel,
        out_type=(jax.ShapeDtypeStruct((N_PAD, d), jnp.float32),
                  jax.ShapeDtypeStruct((N_PAD, d), jnp.float32)),
        mesh=_mesh,
        compiler_params=_sc_params,
        scratch_types=[
            pltpu.VMEM((ROWS_E_TILE, 128), jnp.int32),
            pltpu.VMEM((ROWS_E_TILE, 128), jnp.int32),
            pltpu.VMEM((2 * G128, d), jnp.float32),
            pltpu.VMEM((CH, d), jnp.float32),
            pltpu.VMEM((CH, d), jnp.float32),
            pltpu.VMEM((ROWS_PER_TILE,), jnp.float32),
            pltpu.VMEM((ROWS_PER_TILE,), jnp.float32),
            pltpu.VMEM((ROWS_PER_TILE,), jnp.float32),
            pltpu.VMEM_SHARED((N_PAD, d), jnp.float32),
            pltpu.VMEM_SHARED((N_PAD, d), jnp.float32),
            pltpu.SemaphoreType.DMA,
            pltpu.SemaphoreType.DMA,
            pltpu.SemaphoreType.DMA,
        ],
    )
    def prop(h_hbm, dega_hbm, degb_hbm, edges_hbm, out0, out1,
             src_v, dst_v, rows_v, cbuf, tbuf, dis_v, da_v, db_v,
             table_sh, acc_sh, gsem0, gsem1, ssem):
        cid = lax.axis_index("c")
        sid = lax.axis_index("s")
        wid = cid * NTILE + sid
        r0 = sid * ROWS_PER_TILE
        lanes = lax.broadcasted_iota(jnp.int32, (16,), 0)

        pltpu.sync_copy(dega_hbm.at[pl.ds(r0, ROWS_PER_TILE)], da_v)
        pltpu.sync_copy(degb_hbm.at[pl.ds(r0, ROWS_PER_TILE)], db_v)

        def disrow(i, carry):
            dv = da_v[pl.ds(i * 16, 16)] + db_v[pl.ds(i * 16, 16)] + 1.0
            bits = plsc.bitcast(dv, jnp.int32)
            y = plsc.bitcast(0x5F3759DF - lax.shift_right_logical(bits, 1),
                             jnp.float32)
            for _ in range(3):
                y = y * (1.5 - 0.5 * dv * y * y)
            dis_v[pl.ds(i * 16, 16)] = y
            return carry
        lax.fori_loop(0, ROWS_PER_TILE // 16, disrow, 0)

        def stage_chunk(z, carry):
            base = z * CH
            pltpu.sync_copy(h_hbm.at[pl.ds(r0 + base, CH)], cbuf)

            def scalerow(i, carry2):
                dv = plsc.load_gather(dis_v, [jnp.full((16,), base + i,
                                                       jnp.int32)])
                for (c0, lo) in GRPS:
                    f = dv if lo == 0 else jnp.where(lanes >= lo, dv, 1.0)
                    cbuf[i, pl.ds(c0, 16)] = cbuf[i, pl.ds(c0, 16)] * f
                return carry2
            lax.fori_loop(0, CH, scalerow, 0)
            pltpu.sync_copy(cbuf, table_sh.at[pl.ds(r0 + base, CH)])
            return carry
        lax.fori_loop(0, NCHUNK, stage_chunk, 0)

        def zrow(i, carry):
            for (c0, _) in GRPS:
                cbuf[i, pl.ds(c0, 16)] = jnp.zeros((16,), jnp.float32)
            return carry
        lax.fori_loop(0, CH, zrow, 0)
        for z in range(NCHUNK):
            pltpu.sync_copy(cbuf, acc_sh.at[pl.ds(r0 + z * CH, CH)])

        pltpu.sync_copy(
            edges_hbm.at[pl.ds(wid * ROWS_E_TILE, ROWS_E_TILE)], src_v)
        pltpu.sync_copy(
            edges_hbm.at[pl.ds(ROWS_E + wid * ROWS_E_TILE, ROWS_E_TILE)], dst_v)
        plsc.subcore_barrier()

        def fire_gathers(grp, off, sem):
            for j in range(G):
                pltpu.async_copy(table_sh.at[src_v.at[grp * G + j]],
                                 rows_v.at[pl.ds(off + j * 128, 128)], sem)

        def drain_gathers(grp, off, sem):
            for j in range(G):
                pltpu.make_async_copy(
                    table_sh.at[src_v.at[grp * G + j]],
                    rows_v.at[pl.ds(off + j * 128, 128)], sem).wait()

        def scatter_group(grp, off):
            cps = [
                pltpu.async_copy(rows_v.at[pl.ds(off + j * 128, 128)],
                                 acc_sh.at[dst_v.at[grp * G + j]], ssem,
                                 add=True)
                for j in range(G)
            ]
            for cp in cps:
                cp.wait()

        fire_gathers(0, 0, gsem0)

        def step(t, carry):
            fire_gathers(2 * t + 1, G128, gsem1)
            drain_gathers(2 * t, 0, gsem0)
            scatter_group(2 * t, 0)

            @pl.when(t + 1 < PAIRS)
            def _():
                fire_gathers(2 * t + 2, 0, gsem0)
            drain_gathers(2 * t + 1, G128, gsem1)
            scatter_group(2 * t + 1, G128)
            return carry
        lax.fori_loop(0, PAIRS, step, 0)

        plsc.subcore_barrier()

        def post_chunk(z, carry):
            base = z * CH
            pltpu.sync_copy(acc_sh.at[pl.ds(r0 + base, CH)], cbuf)
            pltpu.sync_copy(table_sh.at[pl.ds(r0 + base, CH)], tbuf)

            def postrow(i, carry2):
                dv = plsc.load_gather(dis_v, [jnp.full((16,), base + i,
                                                       jnp.int32)])
                for (c0, lo) in GRPS:
                    a = cbuf[i, pl.ds(c0, 16)]
                    t = tbuf[i, pl.ds(c0, 16)]
                    if lo == 0:
                        f, tg = dv, t
                    else:
                        f = jnp.where(lanes >= lo, dv, 1.0)
                        tg = jnp.where(lanes >= lo, t, 0.0)
                    tg = jnp.where(cid == 0, tg, jnp.zeros((16,), jnp.float32))
                    cbuf[i, pl.ds(c0, 16)] = (a + tg) * f
                return carry2
            lax.fori_loop(0, CH, postrow, 0)

            @pl.when(cid == 0)
            def _():
                pltpu.sync_copy(cbuf, out0.at[pl.ds(r0 + base, CH)])

            @pl.when(cid == 1)
            def _():
                pltpu.sync_copy(cbuf, out1.at[pl.ds(r0 + base, CH)])
            return carry
        lax.fori_loop(0, NCHUNK, post_chunk, 0)

    return prop


_prop16 = _make_prop_kernel(D_HID, 8)
_prop40 = _make_prop_kernel(N_CLS, 2)




def _mm1_body(x_ref, w1_ref, h_ref):
    h_ref[...] = jnp.dot(x_ref[...], w1_ref[...],
                         preferred_element_type=jnp.float32)


_mm1 = pl.pallas_call(
    _mm1_body,
    grid=(1,),
    in_specs=[
        pl.BlockSpec((N, D_IN), lambda i: (0, 0)),
        pl.BlockSpec((D_IN, D_HID), lambda i: (0, 0)),
    ],
    out_specs=pl.BlockSpec((N, D_HID), lambda i: (0, 0)),
    out_shape=jax.ShapeDtypeStruct((N_PAD, D_HID), jnp.float32),
)


def _tc2_body(resa_ref, resb_ref, w2_ref, b1_ref, h2_ref):
    z = jnp.maximum(resa_ref[...] + resb_ref[...] + b1_ref[...], 0.0)
    h2_ref[...] = jnp.dot(z, w2_ref[...], preferred_element_type=jnp.float32)


_tc2 = pl.pallas_call(
    _tc2_body,
    grid=(1,),
    in_specs=[
        pl.BlockSpec((N, D_HID), lambda i: (0, 0)),
        pl.BlockSpec((N, D_HID), lambda i: (0, 0)),
        pl.BlockSpec((D_HID, N_CLS), lambda i: (0, 0)),
        pl.BlockSpec((1, D_HID), lambda i: (0, 0)),
    ],
    out_specs=pl.BlockSpec((N, N_CLS), lambda i: (0, 0)),
    out_shape=jax.ShapeDtypeStruct((N_PAD, N_CLS), jnp.float32),
)


def _tc3_body(resa_ref, resb_ref, b2_ref, out_ref):
    s = resa_ref[...] + resb_ref[...] + b2_ref[...]
    m = jnp.max(s, axis=1, keepdims=True)
    e = s - m
    out_ref[...] = e - jnp.log(jnp.sum(jnp.exp(e), axis=1, keepdims=True))


_tc3 = pl.pallas_call(
    _tc3_body,
    grid=(1,),
    in_specs=[
        pl.BlockSpec((N, N_CLS), lambda i: (0, 0)),
        pl.BlockSpec((N, N_CLS), lambda i: (0, 0)),
        pl.BlockSpec((1, N_CLS), lambda i: (0, 0)),
    ],
    out_specs=pl.BlockSpec((N, N_CLS), lambda i: (0, 0)),
    out_shape=jax.ShapeDtypeStruct((N, N_CLS), jnp.float32),
)


def kernel(x, edge_index, W1, b1, W2, b2):
    edges = jnp.pad(edge_index, ((0, 0), (0, E_PAD - E)),
                    constant_values=N_PAD - 1).reshape(2 * ROWS_E, 128)

    h1 = _mm1(x, W1)
    deg_a, deg_b = _deg_kernel(edges)
    res1_a, res1_b = _prop16(h1, deg_a, deg_b, edges)
    h2 = _tc2(res1_a, res1_b, W2, b1.reshape(1, D_HID))
    res2_a, res2_b = _prop40(h2, deg_a, deg_b, edges)
    return _tc3(res2_a, res2_b, b2.reshape(1, N_CLS))

# --- scband reference (transcript-rebuilt; emitter-appended) ---
"""Pipeline reference for scband-gcnnet-24498493456719 (READ-ONLY COPY).

The authoritative reference and input builder live on the scoring server;
editing this copy changes nothing except your own understanding.
"""

import jax, jax.numpy as jnp
import numpy as np

N = 10000
E = 320000
D_IN = 128
D_HID = 16
N_CLS = 40


def setup_inputs(seed: int = 0) -> dict:
    key = jax.random.key(seed)
    k1, k2, k3, k4 = jax.random.split(key, 4)
    x = jax.random.normal(k1, (N, D_IN), dtype=jnp.float32)
    edge_index = jax.random.randint(k2, (2, E), 0, N, dtype=jnp.int32)
    W1 = jax.random.normal(k3, (D_IN, D_HID), dtype=jnp.float32) * (1.0 / np.sqrt(D_IN))
    b1 = jnp.zeros((D_HID,), dtype=jnp.float32)
    W2 = jax.random.normal(k4, (D_HID, N_CLS), dtype=jnp.float32) * (1.0 / np.sqrt(D_HID))
    b2 = jnp.zeros((N_CLS,), dtype=jnp.float32)
    return {"x": x, "edge_index": edge_index, "W1": W1, "b1": b1, "W2": W2, "b2": b2}


def _gcn_conv(x, src, dst, W, b, n):
    # GCNConv: h = D^{-1/2} (A + I) D^{-1/2} X W + b  (self-loops already in src/dst)
    h = x @ W
    deg = jnp.zeros((n,), dtype=x.dtype).at[dst].add(1.0)
    deg_inv_sqrt = jnp.where(deg > 0, 1.0 / jnp.sqrt(deg), 0.0)
    norm = deg_inv_sqrt[src] * deg_inv_sqrt[dst]
    msg = h[src] * norm[:, None]
    out = jnp.zeros((n, h.shape[1]), dtype=x.dtype).at[dst].add(msg)
    return out + b


def reference(x, edge_index, W1, b1, W2, b2):
    n = x.shape[0]
    loops = jnp.arange(n, dtype=edge_index.dtype)
    src = jnp.concatenate([edge_index[0], loops])
    dst = jnp.concatenate([edge_index[1], loops])
    h = _gcn_conv(x, src, dst, W1, b1, n)
    h = jax.nn.relu(h)
    # F.dropout(training=self.training) -> identity in eval mode
    h = _gcn_conv(h, src, dst, W2, b2, n)
    return jax.nn.log_softmax(h, axis=1)

if __name__ == "__main__":
    import jax
    _d = setup_inputs()
    print(jax.jit(kernel)(*tuple(_d.values())))

</pallas_src>

<mosaic_0001>
#map = affine_map<(d0, d1) -> (0, 0)>
#map1 = affine_map<(d0, d1) -> (0)>
module attributes {stable_mosaic.version = 14 : i64} {
  func.func @_deg_kernel(%arg0: i32, %arg1: i32, %arg2: memref<5120x128xi32, #tpu.memory_space<hbm>>, %arg3: memref<10240xf32, #tpu.memory_space<hbm>>, %arg4: memref<10240xf32, #tpu.memory_space<hbm>>, %arg5: memref<80x128xi32, #tpu.memory_space<vmem>>, %arg6: memref<128xf32, #tpu.memory_space<vmem>>, %arg7: memref<640xf32, #tpu.memory_space<vmem>>, %arg8: memref<10240xf32, #tpu.memory_space<vmem_shared>>) attributes {dimension_semantics = [#tpu.dimension_semantics<core_parallel>, #tpu.dimension_semantics<subcore_parallel>], iteration_bounds = array<i64: 2, 16>, scalar_prefetch = 0 : i64, scratch_operands = 4 : i64, tpu.core_type = #tpu.core_type<sc_vector_subcore>, window_params = [{transform_indices = #map}, {transform_indices = #map1}, {transform_indices = #map1}]} {
    %mul3A = arith.constant 16 : i32
    %mul3A_0 = arith.muli %arg0, %mul3A : i32
    %add3A = arith.addi %mul3A_0, %arg1 : i32
    %mul3A_1 = arith.constant 640 : i32
    %mul3A_2 = arith.muli %arg1, %mul3A_1 : i32
    %scan3A = arith.constant 0 : i32
    %scan3A_3 = arith.constant 0 : i32
    %scan3A_4 = arith.constant 8 : i32
    %scan3A_5 = arith.addi %scan3A_3, %scan3A_4 : i32
    %scan3A_6 = arith.constant 1 : i32
    scf.for %scan3A_32 = %scan3A_3 to %scan3A_5 step %scan3A_6  : i32 {
      %broadcast_in_dim3A = arith.constant 1.000000e+00 : f32
      %broadcast_in_dim3A_33 = vector.broadcast %broadcast_in_dim3A : f32 to vector<16xf32>
      %mul3A_34 = arith.constant 16 : i32
      %mul3A_35 = arith.muli %scan3A_32, %mul3A_34 : i32
      %swap3A = arith.index_cast %mul3A_35 : i32 to index
      %swap3A_36 = tpu.vector_load %arg6[%swap3A] {strides = array<i32>} : memref<128xf32, #tpu.memory_space<vmem>>, vector<16xf32>,
      tpu.vector_store %arg6[%swap3A], %broadcast_in_dim3A_33 {strides = array<i32>} : memref<128xf32, #tpu.memory_space<vmem>>, vector<16xf32>,
    }
    %scan3A_7 = arith.constant 8 : i32
    %scan3A_8 = arith.constant 0 : i32
    %scan3A_9 = arith.constant 0 : i32
    %scan3A_10 = arith.constant 40 : i32
    %scan3A_11 = arith.addi %scan3A_9, %scan3A_10 : i32
    %scan3A_12 = arith.constant 1 : i32
    scf.for %scan3A_32 = %scan3A_9 to %scan3A_11 step %scan3A_12  : i32 {
      %broadcast_in_dim3A = arith.constant 0.000000e+00 : f32
      %broadcast_in_dim3A_33 = vector.broadcast %broadcast_in_dim3A : f32 to vector<16xf32>
      %mul3A_34 = arith.constant 16 : i32
      %mul3A_35 = arith.muli %scan3A_32, %mul3A_34 : i32
      %swap3A = arith.index_cast %mul3A_35 : i32 to index
      %swap3A_36 = tpu.vector_load %arg7[%swap3A] {strides = array<i32>} : memref<640xf32, #tpu.memory_space<vmem>>, vector<16xf32>,
      tpu.vector_store %arg7[%swap3A], %broadcast_in_dim3A_33 {strides = array<i32>} : memref<640xf32, #tpu.memory_space<vmem>>, vector<16xf32>,
    }
    %scan3A_13 = arith.constant 40 : i32
    "tpu.region"() ({
      %run_scoped3A = tpu.sem_alloc : memref<!tpu.dma_semaphore, #tpu.memory_space<semaphore_mem>>
      %dma_start3A = tpu.memref_slice %arg8[%mul3A_2] : memref<10240xf32, #tpu.memory_space<vmem_shared>> -> memref<640xf32, #tpu.memory_space<vmem_shared>>
      %dma_start3A_32 = tpu.memref_slice %arg8[%mul3A_2] : memref<10240xf32, #tpu.memory_space<vmem_shared>> -> memref<640xf32, #tpu.memory_space<vmem_shared>>
      tpu.enqueue_dma source(%arg7 : memref<640xf32, #tpu.memory_space<vmem>>) target(%dma_start3A_32 : memref<640xf32, #tpu.memory_space<vmem_shared>>) target_semaphore(%run_scoped3A : memref<!tpu.dma_semaphore, #tpu.memory_space<semaphore_mem>>)
      %dma_wait3A = tpu.memref_slice %arg8[%mul3A_2] : memref<10240xf32, #tpu.memory_space<vmem_shared>> -> memref<640xf32, #tpu.memory_space<vmem_shared>>
      %dma_wait3A_33 = tpu.memref_slice %arg8[%mul3A_2] : memref<10240xf32, #tpu.memory_space<vmem_shared>> -> memref<640xf32, #tpu.memory_space<vmem_shared>>
      tpu.wait_dma2 semaphore(%run_scoped3A : memref<!tpu.dma_semaphore, #tpu.memory_space<semaphore_mem>>) src(%arg7 : memref<640xf32, #tpu.memory_space<vmem>>) dst(%dma_wait3A_33 : memref<640xf32, #tpu.memory_space<vmem_shared>>)
      tpu.yield
    }) : () -> ()
    %mul3A_14 = arith.constant 80 : i32
    %mul3A_15 = arith.muli %add3A, %mul3A_14 : i32
    %add3A_16 = arith.constant 2560 : i32
    %add3A_17 = arith.addi %add3A_16, %mul3A_15 : i32
    "tpu.region"() ({
      %run_scoped3A = tpu.sem_alloc : memref<!tpu.dma_semaphore, #tpu.memory_space<semaphore_mem>>
      %dma_start3A = arith.constant 0 : i32
      %dma_start3A_32 = tpu.memref_slice %arg2[%add3A_17, %dma_start3A] : memref<5120x128xi32, #tpu.memory_space<hbm>> -> memref<80x128xi32, #tpu.memory_space<hbm>>
      %dma_start3A_33 = arith.constant 0 : i32
      %dma_start3A_34 = tpu.memref_slice %arg2[%add3A_17, %dma_start3A_33] : memref<5120x128xi32, #tpu.memory_space<hbm>> -> memref<80x128xi32, #tpu.memory_space<hbm>>
      tpu.enqueue_dma source(%dma_start3A_34 : memref<80x128xi32, #tpu.memory_space<hbm>>) target(%arg5 : memref<80x128xi32, #tpu.memory_space<vmem>>) target_semaphore(%run_scoped3A : memref<!tpu.dma_semaphore, #tpu.memory_space<semaphore_mem>>)
      %dma_wait3A = arith.constant 0 : i32
      %dma_wait3A_35 = tpu.memref_slice %arg2[%add3A_17, %dma_wait3A] : memref<5120x128xi32, #tpu.memory_space<hbm>> -> memref<80x128xi32, #tpu.memory_space<hbm>>
      %dma_wait3A_36 = arith.constant 0 : i32
      %dma_wait3A_37 = tpu.memref_slice %arg2[%add3A_17, %dma_wait3A_36] : memref<5120x128xi32, #tpu.memory_space<hbm>> -> memref<80x128xi32, #tpu.memory_space<hbm>>
      tpu.wait_dma2 semaphore(%run_scoped3A : memref<!tpu.dma_semaphore, #tpu.memory_space<semaphore_mem>>) src(%dma_wait3A_37 : memref<80x128xi32, #tpu.memory_space<hbm>>) dst(%arg5 : memref<80x128xi32, #tpu.memory_space<vmem>>)
      tpu.yield
    }) : () -> ()
    %barrier3A = arith.constant 0 : index
    tpu.barrier barrier_id(%barrier3A)
    %scan3A_18 = arith.constant 0 : i32
    %scan3A_19 = arith.constant 0 : i32
    %scan3A_20 = arith.constant 80 : i32
    %scan3A_21 = arith.addi %scan3A_19, %scan3A_20 : i32
    %scan3A_22 = arith.constant 1 : i32
    scf.for %scan3A_32 = %scan3A_19 to %scan3A_21 step %scan3A_22  : i32 {
      "tpu.region"() ({
        %run_scoped3A = tpu.sem_alloc : memref<!tpu.dma_semaphore, #tpu.memory_space<semaphore_mem>>
        %dma_start3A = arith.constant 0 : i32
        %dma_start3A_33 = tpu.memref_slice %arg5[%scan3A_32, %dma_start3A] : memref<80x128xi32, #tpu.memory_space<vmem>> -> memref<1x128xi32, #tpu.memory_space<vmem>>
        %dma_start3A_34 = tpu.memref_squeeze %dma_start3A_33 : memref<1x128xi32, #tpu.memory_space<vmem>> -> memref<128xi32, #tpu.memory_space<vmem>>
        %dma_start3A_35 = arith.constant 0 : i32
        %dma_start3A_36 = tpu.memref_slice %arg8[%dma_start3A_35] : memref<10240xf32, #tpu.memory_space<vmem_shared>> -> memref<10240xf32, #tpu.memory_space<vmem_shared>>
        tpu.enqueue_indirect_dma source(%arg6 : memref<128xf32, #tpu.memory_space<vmem>>) target(%dma_start3A_36 : memref<10240xf32, #tpu.memory_space<vmem_shared>>) offsets(%dma_start3A_34 : memref<128xi32, #tpu.memory_space<vmem>>) semaphore(%run_scoped3A : memref<!tpu.dma_semaphore, #tpu.memory_space<semaphore_mem>>) {add = true}
        %dma_wait3A = arith.constant 0 : i32
        %dma_wait3A_37 = tpu.memref_slice %arg5[%scan3A_32, %dma_wait3A] : memref<80x128xi32, #tpu.memory_space<vmem>> -> memref<1x128xi32, #tpu.memory_space<vmem>>
        %dma_wait3A_38 = tpu.memref_squeeze %dma_wait3A_37 : memref<1x128xi32, #tpu.memory_space<vmem>> -> memref<128xi32, #tpu.memory_space<vmem>>
        %dma_wait3A_39 = arith.constant 0 : i32
        %dma_wait3A_40 = tpu.memref_slice %arg8[%dma_wait3A_39] : memref<10240xf32, #tpu.memory_space<vmem_shared>> -> memref<10240xf32, #tpu.memory_space<vmem_shared>>
        tpu.wait_indirect_dma semaphore(%run_scoped3A : memref<!tpu.dma_semaphore, #tpu.memory_space<semaphore_mem>>) src(%arg6 : memref<128xf32, #tpu.memory_space<vmem>>) dst(%dma_wait3A_40 : memref<10240xf32, #tpu.memory_space<vmem_shared>>)
        tpu.yield
      }) : () -> ()
    }
    %scan3A_23 = arith.constant 80 : i32
    %barrier3A_24 = arith.constant 0 : index
    tpu.barrier barrier_id(%barrier3A_24)
    "tpu.region"() ({
      %run_scoped3A = tpu.sem_alloc : memref<!tpu.dma_semaphore, #tpu.memory_space<semaphore_mem>>
      %dma_start3A = tpu.memref_slice %arg8[%mul3A_2] : memref<10240xf32, #tpu.memory_space<vmem_shared>> -> memref<640xf32, #tpu.memory_space<vmem_shared>>
      %dma_start3A_32 = tpu.memref_slice %arg8[%mul3A_2] : memref<10240xf32, #tpu.memory_space<vmem_shared>> -> memref<640xf32, #tpu.memory_space<vmem_shared>>
      tpu.enqueue_dma source(%dma_start3A_32 : memref<640xf32, #tpu.memory_space<vmem_shared>>) target(%arg7 : memref<640xf32, #tpu.memory_space<vmem>>) target_semaphore(%run_scoped3A : memref<!tpu.dma_semaphore, #tpu.memory_space<semaphore_mem>>)
      %dma_wait3A = tpu.memref_slice %arg8[%mul3A_2] : memref<10240xf32, #tpu.memory_space<vmem_shared>> -> memref<640xf32, #tpu.memory_space<vmem_shared>>
      %dma_wait3A_33 = tpu.memref_slice %arg8[%mul3A_2] : memref<10240xf32, #tpu.memory_space<vmem_shared>> -> memref<640xf32, #tpu.memory_space<vmem_shared>>
      tpu.wait_dma2 semaphore(%run_scoped3A : memref<!tpu.dma_semaphore, #tpu.memory_space<semaphore_mem>>) src(%dma_wait3A_33 : memref<640xf32, #tpu.memory_space<vmem_shared>>) dst(%arg7 : memref<640xf32, #tpu.memory_space<vmem>>)
      tpu.yield
    }) : () -> ()
    %eq3A = arith.constant 0 : i32
    %eq3A_25 = arith.cmpi eq, %arg0, %eq3A : i32
    %convert_element_type3A = arith.extui %eq3A_25 : i1 to i32
    %cond3A = arith.constant 0 : i32
    %cond3A_26 = arith.cmpi ne, %convert_element_type3A, %cond3A : i32
    scf.if %cond3A_26 {
      "tpu.region"() ({
        %run_scoped3A = tpu.sem_alloc : memref<!tpu.dma_semaphore, #tpu.memory_space<semaphore_mem>>
        %dma_start3A = tpu.memref_slice %arg3[%mul3A_2] : memref<10240xf32, #tpu.memory_space<hbm>> -> memref<640xf32, #tpu.memory_space<hbm>>
        %dma_start3A_32 = tpu.memref_slice %arg3[%mul3A_2] : memref<10240xf32, #tpu.memory_space<hbm>> -> memref<640xf32, #tpu.memory_space<hbm>>
        tpu.enqueue_dma source(%arg7 : memref<640xf32, #tpu.memory_space<vmem>>) target(%dma_start3A_32 : memref<640xf32, #tpu.memory_space<hbm>>) target_semaphore(%run_scoped3A : memref<!tpu.dma_semaphore, #tpu.memory_space<semaphore_mem>>)
        %dma_wait3A = tpu.memref_slice %arg3[%mul3A_2] : memref<10240xf32, #tpu.memory_space<hbm>> -> memref<640xf32, #tpu.memory_space<hbm>>
        %dma_wait3A_33 = tpu.memref_slice %arg3[%mul3A_2] : memref<10240xf32, #tpu.memory_space<hbm>> -> memref<640xf32, #tpu.memory_space<hbm>>
        tpu.wait_dma2 semaphore(%run_scoped3A : memref<!tpu.dma_semaphore, #tpu.memory_space<semaphore_mem>>) src(%arg7 : memref<640xf32, #tpu.memory_space<vmem>>) dst(%dma_wait3A_33 : memref<640xf32, #tpu.memory_space<hbm>>)
        tpu.yield
      }) : () -> ()
    } else {
    }
    %eq3A_27 = arith.constant 1 : i32
    %eq3A_28 = arith.cmpi eq, %arg0, %eq3A_27 : i32
    %convert_element_type3A_29 = arith.extui %eq3A_28 : i1 to i32
    %cond3A_30 = arith.constant 0 : i32
    %cond3A_31 = arith.cmpi ne, %convert_element_type3A_29, %cond3A_30 : i32
    scf.if %cond3A_31 {
      "tpu.region"() ({
        %run_scoped3A = tpu.sem_alloc : memref<!tpu.dma_semaphore, #tpu.memory_space<semaphore_mem>>
        %dma_start3A = tpu.memref_slice %arg4[%mul3A_2] : memref<10240xf32, #tpu.memory_space<hbm>> -> memref<640xf32, #tpu.memory_space<hbm>>
        %dma_start3A_32 = tpu.memref_slice %arg4[%mul3A_2] : memref<10240xf32, #tpu.memory_space<hbm>> -> memref<640xf32, #tpu.memory_space<hbm>>
        tpu.enqueue_dma source(%arg7 : memref<640xf32, #tpu.memory_space<vmem>>) target(%dma_start3A_32 : memref<640xf32, #tpu.memory_space<hbm>>) target_semaphore(%run_scoped3A : memref<!tpu.dma_semaphore, #tpu.memory_space<semaphore_mem>>)
        %dma_wait3A = tpu.memref_slice %arg4[%mul3A_2] : memref<10240xf32, #tpu.memory_space<hbm>> -> memref<640xf32, #tpu.memory_space<hbm>>
        %dma_wait3A_33 = tpu.memref_slice %arg4[%mul3A_2] : memref<10240xf32, #tpu.memory_space<hbm>> -> memref<640xf32, #tpu.memory_space<hbm>>
        tpu.wait_dma2 semaphore(%run_scoped3A : memref<!tpu.dma_semaphore, #tpu.memory_space<semaphore_mem>>) src(%arg7 : memref<640xf32, #tpu.memory_space<vmem>>) dst(%dma_wait3A_33 : memref<640xf32, #tpu.memory_space<hbm>>)
        tpu.yield
      }) : () -> ()
    } else {
    }
    return
  }
}

#map = affine_map<(d0, d1) -> (0, 0)>
#map1 = affine_map<(d0, d1) -> (0)>
module attributes {stable_mosaic.version = 14 : i64} {
  func.func @prop(%arg0: i32, %arg1: i32, %arg2: memref<10240x40xf32, #tpu.memory_space<hbm>>, %arg3: memref<10240xf32, #tpu.memory_space<hbm>>, %arg4: memref<10240xf32, #tpu.memory_space<hbm>>, %arg5: memref<5120x128xi32, #tpu.memory_space<hbm>>, %arg6: memref<10240x40xf32, #tpu.memory_space<hbm>>, %arg7: memref<10240x40xf32, #tpu.memory_space<hbm>>, %arg8: memref<80x128xi32, #tpu.memory_space<vmem>>, %arg9: memref<80x128xi32, #tpu.memory_space<vmem>>, %arg10: memref<512x40xf32, #tpu.memory_space<vmem>>, %arg11: memref<128x40xf32, #tpu.memory_space<vmem>>, %arg12: memref<128x40xf32, #tpu.memory_space<vmem>>, %arg13: memref<640xf32, #tpu.memory_space<vmem>>, %arg14: memref<640xf32, #tpu.memory_space<vmem>>, %arg15: memref<640xf32, #tpu.memory_space<vmem>>, %arg16: memref<10240x40xf32, #tpu.memory_space<vmem_shared>>, %arg17: memref<10240x40xf32, #tpu.memory_space<vmem_shared>>, %arg18: memref<!tpu.dma_semaphore, #tpu.memory_space<semaphore_mem>>, %arg19: memref<!tpu.dma_semaphore, #tpu.memory_space<semaphore_mem>>, %arg20: memref<!tpu.dma_semaphore, #tpu.memory_space<semaphore_mem>>) attributes {dimension_semantics = [#tpu.dimension_semantics<core_parallel>, #tpu.dimension_semantics<subcore_parallel>], iteration_bounds = array<i64: 2, 16>, scalar_prefetch = 0 : i64, scratch_operands = 13 : i64, tpu.core_type = #tpu.core_type<sc_vector_subcore>, window_params = [{transform_indices = #map}, {transform_indices = #map1}, {transform_indices = #map1}, {transform_indices = #map}, {transform_indices = #map}, {transform_indices = #map}]} {
    %mul3A = arith.constant 16 : i32
    %mul3A_0 = arith.muli %arg0, %mul3A : i32
    %add3A = arith.addi %mul3A_0, %arg1 : i32
    %mul3A_1 = arith.constant 640 : i32
    %mul3A_2 = arith.muli %arg1, %mul3A_1 : i32
    %iota3A = tpu.iota {dimensions = array<i32: 0>} : vector<16xi32>
    "tpu.region"() ({
      %run_scoped3A = tpu.sem_alloc : memref<!tpu.dma_semaphore, #tpu.memory_space<semaphore_mem>>
      %dma_start3A_68 = tpu.memref_slice %arg3[%mul3A_2] : memref<10240xf32, #tpu.memory_space<hbm>> -> memref<640xf32, #tpu.memory_space<hbm>>
      %dma_start3A_69 = tpu.memref_slice %arg3[%mul3A_2] : memref<10240xf32, #tpu.memory_space<hbm>> -> memref<640xf32, #tpu.memory_space<hbm>>
      tpu.enqueue_dma source(%dma_start3A_69 : memref<640xf32, #tpu.memory_space<hbm>>) target(%arg14 : memref<640xf32, #tpu.memory_space<vmem>>) target_semaphore(%run_scoped3A : memref<!tpu.dma_semaphore, #tpu.memory_space<semaphore_mem>>)
      %dma_wait3A = tpu.memref_slice %arg3[%mul3A_2] : memref<10240xf32, #tpu.memory_space<hbm>> -> memref<640xf32, #tpu.memory_space<hbm>>
      %dma_wait3A_70 = tpu.memref_slice %arg3[%mul3A_2] : memref<10240xf32, #tpu.memory_space<hbm>> -> memref<640xf32, #tpu.memory_space<hbm>>
      tpu.wait_dma2 semaphore(%run_scoped3A : memref<!tpu.dma_semaphore, #tpu.memory_space<semaphore_mem>>) src(%dma_wait3A_70 : memref<640xf32, #tpu.memory_space<hbm>>) dst(%arg14 : memref<640xf32, #tpu.memory_space<vmem>>)
      tpu.yield
    }) : () -> ()
    "tpu.region"() ({
      %run_scoped3A = tpu.sem_alloc : memref<!tpu.dma_semaphore, #tpu.memory_space<semaphore_mem>>
      %dma_start3A_68 = tpu.memref_slice %arg4[%mul3A_2] : memref<10240xf32, #tpu.memory_space<hbm>> -> memref<640xf32, #tpu.memory_space<hbm>>
      %dma_start3A_69 = tpu.memref_slice %arg4[%mul3A_2] : memref<10240xf32, #tpu.memory_space<hbm>> -> memref<640xf32, #tpu.memory_space<hbm>>
      tpu.enqueue_dma source(%dma_start3A_69 : memref<640xf32, #tpu.memory_space<hbm>>) target(%arg15 : memref<640xf32, #tpu.memory_space<vmem>>) target_semaphore(%run_scoped3A : memref<!tpu.dma_semaphore, #tpu.memory_space<semaphore_mem>>)
      %dma_wait3A = tpu.memref_slice %arg4[%mul3A_2] : memref<10240xf32, #tpu.memory_space<hbm>> -> memref<640xf32, #tpu.memory_space<hbm>>
      %dma_wait3A_70 = tpu.memref_slice %arg4[%mul3A_2] : memref<10240xf32, #tpu.memory_space<hbm>> -> memref<640xf32, #tpu.memory_space<hbm>>
      tpu.wait_dma2 semaphore(%run_scoped3A : memref<!tpu.dma_semaphore, #tpu.memory_space<semaphore_mem>>) src(%dma_wait3A_70 : memref<640xf32, #tpu.memory_space<hbm>>) dst(%arg15 : memref<640xf32, #tpu.memory_space<vmem>>)
      tpu.yield
    }) : () -> ()
    %scan3A = arith.constant 0 : i32
    %scan3A_3 = arith.constant 0 : i32
    %scan3A_4 = arith.constant 40 : i32
    %scan3A_5 = arith.addi %scan3A_3, %scan3A_4 : i32
    %scan3A_6 = arith.constant 1 : i32
    scf.for %scan3A_68 = %scan3A_3 to %scan3A_5 step %scan3A_6  : i32 {
      %mul3A_69 = arith.constant 16 : i32
      %mul3A_70 = arith.muli %scan3A_68, %mul3A_69 : i32
      %get3A = arith.index_cast %mul3A_70 : i32 to index
      %get3A_71 = tpu.vector_load %arg14[%get3A] {strides = array<i32>} : memref<640xf32, #tpu.memory_space<vmem>>, vector<16xf32>,
      %mul3A_72 = arith.constant 16 : i32
      %mul3A_73 = arith.muli %scan3A_68, %mul3A_72 : i32
      %get3A_74 = arith.index_cast %mul3A_73 : i32 to index
      %get3A_75 = tpu.vector_load %arg15[%get3A_74] {strides = array<i32>} : memref<640xf32, #tpu.memory_space<vmem>>, vector<16xf32>,
      %add3A_76 = arith.addf %get3A_71, %get3A_75 : vector<16xf32>
      %add3A_77 = arith.constant 1.000000e+00 : f32
      %add3A_78 = vector.broadcast %add3A_77 : f32 to vector<16xf32>
      %add3A_79 = arith.addf %add3A_76, %add3A_78 : vector<16xf32>
      %bitcast3A = vector.bitcast %add3A_79 : vector<16xf32> to vector<16xi32>
      %shift_right_logical3A = arith.constant 1 : i32
      %shift_right_logical3A_80 = vector.broadcast %shift_right_logical3A : i32 to vector<16xi32>
      %shift_right_logical3A_81 = arith.shrui %bitcast3A, %shift_right_logical3A_80 : vector<16xi32>
      %sub3A = arith.constant 1597463007 : i32
      %sub3A_82 = vector.broadcast %sub3A : i32 to vector<16xi32>
      %sub3A_83 = arith.subi %sub3A_82, %shift_right_logical3A_81 : vector<16xi32>
      %bitcast3A_84 = vector.bitcast %sub3A_83 : vector<16xi32> to vector<16xf32>
      %mul3A_85 = arith.constant 5.000000e-01 : f32
      %mul3A_86 = vector.broadcast %mul3A_85 : f32 to vector<16xf32>
      %mul3A_87 = arith.mulf %mul3A_86, %add3A_79 : vector<16xf32>
      %mul3A_88 = arith.mulf %mul3A_87, %bitcast3A_84 : vector<16xf32>
      %mul3A_89 = arith.mulf %mul3A_88, %bitcast3A_84 : vector<16xf32>
      %sub3A_90 = arith.constant 1.500000e+00 : f32
      %sub3A_91 = vector.broadcast %sub3A_90 : f32 to vector<16xf32>
      %sub3A_92 = arith.subf %sub3A_91, %mul3A_89 : vector<16xf32>
      %mul3A_93 = arith.mulf %bitcast3A_84, %sub3A_92 : vector<16xf32>
      %mul3A_94 = arith.constant 5.000000e-01 : f32
      %mul3A_95 = vector.broadcast %mul3A_94 : f32 to vector<16xf32>
      %mul3A_96 = arith.mulf %mul3A_95, %add3A_79 : vector<16xf32>
      %mul3A_97 = arith.mulf %mul3A_96, %mul3A_93 : vector<16xf32>
      %mul3A_98 = arith.mulf %mul3A_97, %mul3A_93 : vector<16xf32>
      %sub3A_99 = arith.constant 1.500000e+00 : f32
      %sub3A_100 = vector.broadcast %sub3A_99 : f32 to vector<16xf32>
      %sub3A_101 = arith.subf %sub3A_100, %mul3A_98 : vector<16xf32>
      %mul3A_102 = arith.mulf %mul3A_93, %sub3A_101 : vector<16xf32>
      %mul3A_103 = arith.constant 5.000000e-01 : f32
      %mul3A_104 = vector.broadcast %mul3A_103 : f32 to vector<16xf32>
      %mul3A_105 = arith.mulf %mul3A_104, %add3A_79 : vector<16xf32>
      %mul3A_106 = arith.mulf %mul3A_105, %mul3A_102 : vector<16xf32>
      %mul3A_107 = arith.mulf %mul3A_106, %mul3A_102 : vector<16xf32>
      %sub3A_108 = arith.constant 1.500000e+00 : f32
      %sub3A_109 = vector.broadcast %sub3A_108 : f32 to vector<16xf32>
      %sub3A_110 = arith.subf %sub3A_109, %mul3A_107 : vector<16xf32>
      %mul3A_111 = arith.mulf %mul3A_102, %sub3A_110 : vector<16xf32>
      %mul3A_112 = arith.constant 16 : i32
      %mul3A_113 = arith.muli %scan3A_68, %mul3A_112 : i32
      %swap3A = arith.index_cast %mul3A_113 : i32 to index
      %swap3A_114 = tpu.vector_load %arg13[%swap3A] {strides = array<i32>} : memref<640xf32, #tpu.memory_space<vmem>>, vector<16xf32>,
      tpu.vector_store %arg13[%swap3A], %mul3A_111 {strides = array<i32>} : memref<640xf32, #tpu.memory_space<vmem>>, vector<16xf32>,
    }
    %scan3A_7 = arith.constant 40 : i32
    %scan3A_8 = arith.constant 0 : i32
    %scan3A_9 = arith.constant 0 : i32
    %scan3A_10 = arith.constant 5 : i32
    %scan3A_11 = arith.addi %scan3A_9, %scan3A_10 : i32
    %scan3A_12 = arith.constant 1 : i32
    scf.for %scan3A_68 = %scan3A_9 to %scan3A_11 step %scan3A_12  : i32 {
      %mul3A_69 = arith.constant 128 : i32
      %mul3A_70 = arith.muli %scan3A_68, %mul3A_69 : i32
      %add3A_71 = arith.addi %mul3A_2, %mul3A_70 : i32
      "tpu.region"() ({
        %run_scoped3A = tpu.sem_alloc : memref<!tpu.dma_semaphore, #tpu.memory_space<semaphore_mem>>
        %dma_start3A_79 = arith.constant 0 : i32
        %dma_start3A_80 = tpu.memref_slice %arg2[%add3A_71, %dma_start3A_79] : memref<10240x40xf32, #tpu.memory_space<hbm>> -> memref<128x40xf32, #tpu.memory_space<hbm>>
        %dma_start3A_81 = arith.constant 0 : i32
        %dma_start3A_82 = tpu.memref_slice %arg2[%add3A_71, %dma_start3A_81] : memref<10240x40xf32, #tpu.memory_space<hbm>> -> memref<128x40xf32, #tpu.memory_space<hbm>>
        tpu.enqueue_dma source(%dma_start3A_82 : memref<128x40xf32, #tpu.memory_space<hbm>>) target(%arg11 : memref<128x40xf32, #tpu.memory_space<vmem>>) target_semaphore(%run_scoped3A : memref<!tpu.dma_semaphore, #tpu.memory_space<semaphore_mem>>)
        %dma_wait3A = arith.constant 0 : i32
        %dma_wait3A_83 = tpu.memref_slice %arg2[%add3A_71, %dma_wait3A] : memref<10240x40xf32, #tpu.memory_space<hbm>> -> memref<128x40xf32, #tpu.memory_space<hbm>>
        %dma_wait3A_84 = arith.constant 0 : i32
        %dma_wait3A_85 = tpu.memref_slice %arg2[%add3A_71, %dma_wait3A_84] : memref<10240x40xf32, #tpu.memory_space<hbm>> -> memref<128x40xf32, #tpu.memory_space<hbm>>
        tpu.wait_dma2 semaphore(%run_scoped3A : memref<!tpu.dma_semaphore, #tpu.memory_space<semaphore_mem>>) src(%dma_wait3A_85 : memref<128x40xf32, #tpu.memory_space<hbm>>) dst(%arg11 : memref<128x40xf32, #tpu.memory_space<vmem>>)
        tpu.yield
      }) : () -> ()
      %scan3A_72 = arith.constant 0 : i32
      %scan3A_73 = arith.constant 0 : i32
      %scan3A_74 = arith.constant 128 : i32
      %scan3A_75 = arith.addi %scan3A_73, %scan3A_74 : i32
      %scan3A_76 = arith.constant 1 : i32
      scf.for %scan3A_79 = %scan3A_73 to %scan3A_75 step %scan3A_76  : i32 {
        %add3A_80 = arith.addi %mul3A_70, %scan3A_79 : i32
        %broadcast_in_dim3A = vector.broadcast %add3A_80 : i32 to vector<16xi32>
        %gather3A = tpu.vector_load_idx %arg13[%broadcast_in_dim3A] : memref<640xf32, #tpu.memory_space<vmem>>[vector<16xi32>], vector<16xf32>,
        %get3A = arith.index_cast %scan3A_79 : i32 to index
        %get3A_81 = arith.constant 0 : index
        %get3A_82 = tpu.vector_load %arg11[%get3A, %get3A_81] {strides = array<i32>} : memref<128x40xf32, #tpu.memory_space<vmem>>, vector<16xf32>,
        %mul3A_83 = arith.mulf %get3A_82, %gather3A : vector<16xf32>
        %swap3A = arith.index_cast %scan3A_79 : i32 to index
        %swap3A_84 = arith.constant 0 : index
        %swap3A_85 = tpu.vector_load %arg11[%swap3A, %swap3A_84] {strides = array<i32>} : memref<128x40xf32, #tpu.memory_space<vmem>>, vector<16xf32>,
        tpu.vector_store %arg11[%swap3A, %swap3A_84], %mul3A_83 {strides = array<i32>} : memref<128x40xf32, #tpu.memory_space<vmem>>, vector<16xf32>,
        %get3A_86 = arith.index_cast %scan3A_79 : i32 to index
        %get3A_87 = arith.constant 16 : index
        %get3A_88 = tpu.vector_load %arg11[%get3A_86, %get3A_87] {strides = array<i32>} : memref<128x40xf32, #tpu.memory_space<vmem>>, vector<16xf32>,
        %mul3A_89 = arith.mulf %get3A_88, %gather3A : vector<16xf32>
        %swap3A_90 = arith.index_cast %scan3A_79 : i32 to index
        %swap3A_91 = arith.constant 16 : index
        %swap3A_92 = tpu.vector_load %arg11[%swap3A_90, %swap3A_91] {strides = array<i32>} : memref<128x40xf32, #tpu.memory_space<vmem>>, vector<16xf32>,
        tpu.vector_store %arg11[%swap3A_90, %swap3A_91], %mul3A_89 {strides = array<i32>} : memref<128x40xf32, #tpu.memory_space<vmem>>, vector<16xf32>,
        %ge3A = arith.constant 8 : i32
        %ge3A_93 = vector.broadcast %ge3A : i32 to vector<16xi32>
        %ge3A_94 = arith.cmpi sge, %iota3A, %ge3A_93 : vector<16xi32>
        %jit3A = arith.constant 1.000000e+00 : f32
        %broadcast_in_dim3A_95 = vector.broadcast %jit3A : f32 to vector<16xf32>
        %select_n3A = arith.select %ge3A_94, %gather3A, %broadcast_in_dim3A_95 : vector<16xi1>, vector<16xf32>
        %get3A_96 = arith.index_cast %scan3A_79 : i32 to index
        %get3A_97 = arith.constant 24 : index
        %get3A_98 = tpu.vector_load %arg11[%get3A_96, %get3A_97] {strides = array<i32>} : memref<128x40xf32, #tpu.memory_space<vmem>>, vector<16xf32>,
        %mul3A_99 = arith.mulf %get3A_98, %select_n3A : vector<16xf32>
        %swap3A_100 = arith.index_cast %scan3A_79 : i32 to index
        %swap3A_101 = arith.constant 24 : index
        %swap3A_102 = tpu.vector_load %arg11[%swap3A_100, %swap3A_101] {strides = array<i32>} : memref<128x40xf32, #tpu.memory_space<vmem>>, vector<16xf32>,
        tpu.vector_store %arg11[%swap3A_100, %swap3A_101], %mul3A_99 {strides = array<i32>} : memref<128x40xf32, #tpu.memory_space<vmem>>, vector<16xf32>,
      }
      %scan3A_77 = arith.constant 128 : i32
      %add3A_78 = arith.addi %mul3A_2, %mul3A_70 : i32
      "tpu.region"() ({
        %run_scoped3A = tpu.sem_alloc : memref<!tpu.dma_semaphore, #tpu.memory_space<semaphore_mem>>
        %dma_start3A_79 = arith.constant 0 : i32
        %dma_start3A_80 = tpu.memref_slice %arg16[%add3A_78, %dma_start3A_79] : memref<10240x40xf32, #tpu.memory_space<vmem_shared>> -> memref<128x40xf32, #tpu.memory_space<vmem_shared>>
        %dma_start3A_81 = arith.constant 0 : i32
        %dma_start3A_82 = tpu.memref_slice %arg16[%add3A_78, %dma_start3A_81] : memref<10240x40xf32, #tpu.memory_space<vmem_shared>> -> memref<128x40xf32, #tpu.memory_space<vmem_shared>>
        tpu.enqueue_dma source(%arg11 : memref<128x40xf32, #tpu.memory_space<vmem>>) target(%dma_start3A_82 : memref<128x40xf32, #tpu.memory_space<vmem_shared>>) target_semaphore(%run_scoped3A : memref<!tpu.dma_semaphore, #tpu.memory_space<semaphore_mem>>)
        %dma_wait3A = arith.constant 0 : i32
        %dma_wait3A_83 = tpu.memref_slice %arg16[%add3A_78, %dma_wait3A] : memref<10240x40xf32, #tpu.memory_space<vmem_shared>> -> memref<128x40xf32, #tpu.memory_space<vmem_shared>>
        %dma_wait3A_84 = arith.constant 0 : i32
        %dma_wait3A_85 = tpu.memref_slice %arg16[%add3A_78, %dma_wait3A_84] : memref<10240x40xf32, #tpu.memory_space<vmem_shared>> -> memref<128x40xf32, #tpu.memory_space<vmem_shared>>
        tpu.wait_dma2 semaphore(%run_scoped3A : memref<!tpu.dma_semaphore, #tpu.memory_space<semaphore_mem>>) src(%arg11 : memref<128x40xf32, #tpu.memory_space<vmem>>) dst(%dma_wait3A_85 : memref<128x40xf32, #tpu.memory_space<vmem_shared>>)
        tpu.yield
      }) : () -> ()
    }
    %scan3A_13 = arith.constant 5 : i32
    %scan3A_14 = arith.constant 0 : i32
    %scan3A_15 = arith.constant 0 : i32
    %scan3A_16 = arith.constant 128 : i32
    %scan3A_17 = arith.addi %scan3A_15, %scan3A_16 : i32
    %scan3A_18 = arith.constant 1 : i32
    scf.for %scan3A_68 = %scan3A_15 to %scan3A_17 step %scan3A_18  : i32 {
      %broadcast_in_dim3A = arith.constant 0.000000e+00 : f32
      %broadcast_in_dim3A_69 = vector.broadcast %broadcast_in_dim3A : f32 to vector<16xf32>
      %swap3A = arith.index_cast %scan3A_68 : i32 to index
      %swap3A_70 = arith.constant 0 : index
      %swap3A_71 = tpu.vector_load %arg11[%swap3A, %swap3A_70] {strides = array<i32>} : memref<128x40xf32, #tpu.memory_space<vmem>>, vector<16xf32>,
      tpu.vector_store %arg11[%swap3A, %swap3A_70], %broadcast_in_dim3A_69 {strides = array<i32>} : memref<128x40xf32, #tpu.memory_space<vmem>>, vector<16xf32>,
      %broadcast_in_dim3A_72 = arith.constant 0.000000e+00 : f32
      %broadcast_in_dim3A_73 = vector.broadcast %broadcast_in_dim3A_72 : f32 to vector<16xf32>
      %swap3A_74 = arith.index_cast %scan3A_68 : i32 to index
      %swap3A_75 = arith.constant 16 : index
      %swap3A_76 = tpu.vector_load %arg11[%swap3A_74, %swap3A_75] {strides = array<i32>} : memref<128x40xf32, #tpu.memory_space<vmem>>, vector<16xf32>,
      tpu.vector_store %arg11[%swap3A_74, %swap3A_75], %broadcast_in_dim3A_73 {strides = array<i32>} : memref<128x40xf32, #tpu.memory_space<vmem>>, vector<16xf32>,
      %broadcast_in_dim3A_77 = arith.constant 0.000000e+00 : f32
      %broadcast_in_dim3A_78 = vector.broadcast %broadcast_in_dim3A_77 : f32 to vector<16xf32>
      %swap3A_79 = arith.index_cast %scan3A_68 : i32 to index
      %swap3A_80 = arith.constant 24 : index
      %swap3A_81 = tpu.vector_load %arg11[%swap3A_79, %swap3A_80] {strides = array<i32>} : memref<128x40xf32, #tpu.memory_space<vmem>>, vector<16xf32>,
      tpu.vector_store %arg11[%swap3A_79, %swap3A_80], %broadcast_in_dim3A_78 {strides = array<i32>} : memref<128x40xf32, #tpu.memory_space<vmem>>, vector<16xf32>,
    }
    %scan3A_19 = arith.constant 128 : i32
    %add3A_20 = arith.constant 0 : i32
    %add3A_21 = arith.addi %mul3A_2, %add3A_20 : i32
    "tpu.region"() ({
      %run_scoped3A = tpu.sem_alloc : memref<!tpu.dma_semaphore, #tpu.memory_space<semaphore_mem>>
      %dma_start3A_68 = arith.constant 0 : i32
      %dma_start3A_69 = tpu.memref_slice %arg17[%add3A_21, %dma_start3A_68] : memref<10240x40xf32, #tpu.memory_space<vmem_shared>> -> memref<128x40xf32, #tpu.memory_space<vmem_shared>>
      %dma_start3A_70 = arith.constant 0 : i32
      %dma_start3A_71 = tpu.memref_slice %arg17[%add3A_21, %dma_start3A_70] : memref<10240x40xf32, #tpu.memory_space<vmem_shared>> -> memref<128x40xf32, #tpu.memory_space<vmem_shared>>
      tpu.enqueue_dma source(%arg11 : memref<128x40xf32, #tpu.memory_space<vmem>>) target(%dma_start3A_71 : memref<128x40xf32, #tpu.memory_space<vmem_shared>>) target_semaphore(%run_scoped3A : memref<!tpu.dma_semaphore, #tpu.memory_space<semaphore_mem>>)
      %dma_wait3A = arith.constant 0 : i32
      %dma_wait3A_72 = tpu.memref_slice %arg17[%add3A_21, %dma_wait3A] : memref<10240x40xf32, #tpu.memory_space<vmem_shared>> -> memref<128x40xf32, #tpu.memory_space<vmem_shared>>
      %dma_wait3A_73 = arith.constant 0 : i32
      %dma_wait3A_74 = tpu.memref_slice %arg17[%add3A_21, %dma_wait3A_73] : memref<10240x40xf32, #tpu.memory_space<vmem_shared>> -> memref<128x40xf32, #tpu.memory_space<vmem_shared>>
      tpu.wait_dma2 semaphore(%run_scoped3A : memref<!tpu.dma_semaphore, #tpu.memory_space<semaphore_mem>>) src(%arg11 : memref<128x40xf32, #tpu.memory_space<vmem>>) dst(%dma_wait3A_74 : memref<128x40xf32, #tpu.memory_space<vmem_shared>>)
      tpu.yield
    }) : () -> ()
    %add3A_22 = arith.constant 128 : i32
    %add3A_23 = arith.addi %mul3A_2, %add3A_22 : i32
    "tpu.region"() ({
      %run_scoped3A = tpu.sem_alloc : memref<!tpu.dma_semaphore, #tpu.memory_space<semaphore_mem>>
      %dma_start3A_68 = arith.constant 0 : i32
      %dma_start3A_69 = tpu.memref_slice %arg17[%add3A_23, %dma_start3A_68] : memref<10240x40xf32, #tpu.memory_space<vmem_shared>> -> memref<128x40xf32, #tpu.memory_space<vmem_shared>>
      %dma_start3A_70 = arith.constant 0 : i32
      %dma_start3A_71 = tpu.memref_slice %arg17[%add3A_23, %dma_start3A_70] : memref<10240x40xf32, #tpu.memory_space<vmem_shared>> -> memref<128x40xf32, #tpu.memory_space<vmem_shared>>
      tpu.enqueue_dma source(%arg11 : memref<128x40xf32, #tpu.memory_space<vmem>>) target(%dma_start3A_71 : memref<128x40xf32, #tpu.memory_space<vmem_shared>>) target_semaphore(%run_scoped3A : memref<!tpu.dma_semaphore, #tpu.memory_space<semaphore_mem>>)
      %dma_wait3A = arith.constant 0 : i32
      %dma_wait3A_72 = tpu.memref_slice %arg17[%add3A_23, %dma_wait3A] : memref<10240x40xf32, #tpu.memory_space<vmem_shared>> -> memref<128x40xf32, #tpu.memory_space<vmem_shared>>
      %dma_wait3A_73 = arith.constant 0 : i32
      %dma_wait3A_74 = tpu.memref_slice %arg17[%add3A_23, %dma_wait3A_73] : memref<10240x40xf32, #tpu.memory_space<vmem_shared>> -> memref<128x40xf32, #tpu.memory_space<vmem_shared>>
      tpu.wait_dma2 semaphore(%run_scoped3A : memref<!tpu.dma_semaphore, #tpu.memory_space<semaphore_mem>>) src(%arg11 : memref<128x40xf32, #tpu.memory_space<vmem>>) dst(%dma_wait3A_74 : memref<128x40xf32, #tpu.memory_space<vmem_shared>>)
      tpu.yield
    }) : () -> ()
    %add3A_24 = arith.constant 256 : i32
    %add3A_25 = arith.addi %mul3A_2, %add3A_24 : i32
    "tpu.region"() ({
      %run_scoped3A = tpu.sem_alloc : memref<!tpu.dma_semaphore, #tpu.memory_space<semaphore_mem>>
      %dma_start3A_68 = arith.constant 0 : i32
      %dma_start3A_69 = tpu.memref_slice %arg17[%add3A_25, %dma_start3A_68] : memref<10240x40xf32, #tpu.memory_space<vmem_shared>> -> memref<128x40xf32, #tpu.memory_space<vmem_shared>>
      %dma_start3A_70 = arith.constant 0 : i32
      %dma_start3A_71 = tpu.memref_slice %arg17[%add3A_25, %dma_start3A_70] : memref<10240x40xf32, #tpu.memory_space<vmem_shared>> -> memref<128x40xf32, #tpu.memory_space<vmem_shared>>
      tpu.enqueue_dma source(%arg11 : memref<128x40xf32, #tpu.memory_space<vmem>>) target(%dma_start3A_71 : memref<128x40xf32, #tpu.memory_space<vmem_shared>>) target_semaphore(%run_scoped3A : memref<!tpu.dma_semaphore, #tpu.memory_space<semaphore_mem>>)
      %dma_wait3A = arith.constant 0 : i32
      %dma_wait3A_72 = tpu.memref_slice %arg17[%add3A_25, %dma_wait3A] : memref<10240x40xf32, #tpu.memory_space<vmem_shared>> -> memref<128x40xf32, #tpu.memory_space<vmem_shared>>
      %dma_wait3A_73 = arith.constant 0 : i32
      %dma_wait3A_74 = tpu.memref_slice %arg17[%add3A_25, %dma_wait3A_73] : memref<10240x40xf32, #tpu.memory_space<vmem_shared>> -> memref<128x40xf32, #tpu.memory_space<vmem_shared>>
      tpu.wait_dma2 semaphore(%run_scoped3A : memref<!tpu.dma_semaphore, #tpu.memory_space<semaphore_mem>>) src(%arg11 : memref<128x40xf32, #tpu.memory_space<vmem>>) dst(%dma_wait3A_74 : memref<128x40xf32, #tpu.memory_space<vmem_shared>>)
      tpu.yield
    }) : () -> ()
    %add3A_26 = arith.constant 384 : i32
    %add3A_27 = arith.addi %mul3A_2, %add3A_26 : i32
    "tpu.region"() ({
      %run_scoped3A = tpu.sem_alloc : memref<!tpu.dma_semaphore, #tpu.memory_space<semaphore_mem>>
      %dma_start3A_68 = arith.constant 0 : i32
      %dma_start3A_69 = tpu.memref_slice %arg17[%add3A_27, %dma_start3A_68] : memref<10240x40xf32, #tpu.memory_space<vmem_shared>> -> memref<128x40xf32, #tpu.memory_space<vmem_shared>>
      %dma_start3A_70 = arith.constant 0 : i32
      %dma_start3A_71 = tpu.memref_slice %arg17[%add3A_27, %dma_start3A_70] : memref<10240x40xf32, #tpu.memory_space<vmem_shared>> -> memref<128x40xf32, #tpu.memory_space<vmem_shared>>
      tpu.enqueue_dma source(%arg11 : memref<128x40xf32, #tpu.memory_space<vmem>>) target(%dma_start3A_71 : memref<128x40xf32, #tpu.memory_space<vmem_shared>>) target_semaphore(%run_scoped3A : memref<!tpu.dma_semaphore, #tpu.memory_space<semaphore_mem>>)
      %dma_wait3A = arith.constant 0 : i32
      %dma_wait3A_72 = tpu.memref_slice %arg17[%add3A_27, %dma_wait3A] : memref<10240x40xf32, #tpu.memory_space<vmem_shared>> -> memref<128x40xf32, #tpu.memory_space<vmem_shared>>
      %dma_wait3A_73 = arith.constant 0 : i32
      %dma_wait3A_74 = tpu.memref_slice %arg17[%add3A_27, %dma_wait3A_73] : memref<10240x40xf32, #tpu.memory_space<vmem_shared>> -> memref<128x40xf32, #tpu.memory_space<vmem_shared>>
      tpu.wait_dma2 semaphore(%run_scoped3A : memref<!tpu.dma_semaphore, #tpu.memory_space<semaphore_mem>>) src(%arg11 : memref<128x40xf32, #tpu.memory_space<vmem>>) dst(%dma_wait3A_74 : memref<128x40xf32, #tpu.memory_space<vmem_shared>>)
      tpu.yield
    }) : () -> ()
    %add3A_28 = arith.constant 512 : i32
    %add3A_29 = arith.addi %mul3A_2, %add3A_28 : i32
    "tpu.region"() ({
      %run_scoped3A = tpu.sem_alloc : memref<!tpu.dma_semaphore, #tpu.memory_space<semaphore_mem>>
      %dma_start3A_68 = arith.constant 0 : i32
      %dma_start3A_69 = tpu.memref_slice %arg17[%add3A_29, %dma_start3A_68] : memref<10240x40xf32, #tpu.memory_space<vmem_shared>> -> memref<128x40xf32, #tpu.memory_space<vmem_shared>>
      %dma_start3A_70 = arith.constant 0 : i32
      %dma_start3A_71 = tpu.memref_slice %arg17[%add3A_29, %dma_start3A_70] : memref<10240x40xf32, #tpu.memory_space<vmem_shared>> -> memref<128x40xf32, #tpu.memory_space<vmem_shared>>
      tpu.enqueue_dma source(%arg11 : memref<128x40xf32, #tpu.memory_space<vmem>>) target(%dma_start3A_71 : memref<128x40xf32, #tpu.memory_space<vmem_shared>>) target_semaphore(%run_scoped3A : memref<!tpu.dma_semaphore, #tpu.memory_space<semaphore_mem>>)
      %dma_wait3A = arith.constant 0 : i32
      %dma_wait3A_72 = tpu.memref_slice %arg17[%add3A_29, %dma_wait3A] : memref<10240x40xf32, #tpu.memory_space<vmem_shared>> -> memref<128x40xf32, #tpu.memory_space<vmem_shared>>
      %dma_wait3A_73 = arith.constant 0 : i32
      %dma_wait3A_74 = tpu.memref_slice %arg17[%add3A_29, %dma_wait3A_73] : memref<10240x40xf32, #tpu.memory_space<vmem_shared>> -> memref<128x40xf32, #tpu.memory_space<vmem_shared>>
      tpu.wait_dma2 semaphore(%run_scoped3A : memref<!tpu.dma_semaphore, #tpu.memory_space<semaphore_mem>>) src(%arg11 : memref<128x40xf32, #tpu.memory_space<vmem>>) dst(%dma_wait3A_74 : memref<128x40xf32, #tpu.memory_space<vmem_shared>>)
      tpu.yield
    }) : () -> ()
    %mul3A_30 = arith.constant 80 : i32
    %mul3A_31 = arith.muli %add3A, %mul3A_30 : i32
    "tpu.region"() ({
      %run_scoped3A = tpu.sem_alloc : memref<!tpu.dma_semaphore, #tpu.memory_space<semaphore_mem>>
      %dma_start3A_68 = arith.constant 0 : i32
      %dma_start3A_69 = tpu.memref_slice %arg5[%mul3A_31, %dma_start3A_68] : memref<5120x128xi32, #tpu.memory_space<hbm>> -> memref<80x128xi32, #tpu.memory_space<hbm>>
      %dma_start3A_70 = arith.constant 0 : i32
      %dma_start3A_71 = tpu.memref_slice %arg5[%mul3A_31, %dma_start3A_70] : memref<5120x128xi32, #tpu.memory_space<hbm>> -> memref<80x128xi32, #tpu.memory_space<hbm>>
      tpu.enqueue_dma source(%dma_start3A_71 : memref<80x128xi32, #tpu.memory_space<hbm>>) target(%arg8 : memref<80x128xi32, #tpu.memory_space<vmem>>) target_semaphore(%run_scoped3A : memref<!tpu.dma_semaphore, #tpu.memory_space<semaphore_mem>>)
      %dma_wait3A = arith.constant 0 : i32
      %dma_wait3A_72 = tpu.memref_slice %arg5[%mul3A_31, %dma_wait3A] : memref<5120x128xi32, #tpu.memory_space<hbm>> -> memref<80x128xi32, #tpu.memory_space<hbm>>
      %dma_wait3A_73 = arith.constant 0 : i32
      %dma_wait3A_74 = tpu.memref_slice %arg5[%mul3A_31, %dma_wait3A_73] : memref<5120x128xi32, #tpu.memory_space<hbm>> -> memref<80x128xi32, #tpu.memory_space<hbm>>
      tpu.wait_dma2 semaphore(%run_scoped3A : memref<!tpu.dma_semaphore, #tpu.memory_space<semaphore_mem>>) src(%dma_wait3A_74 : memref<80x128xi32, #tpu.memory_space<hbm>>) dst(%arg8 : memref<80x128xi32, #tpu.memory_space<vmem>>)
      tpu.yield
    }) : () -> ()
    %mul3A_32 = arith.constant 80 : i32
    %mul3A_33 = arith.muli %add3A, %mul3A_32 : i32
    %add3A_34 = arith.constant 2560 : i32
    %add3A_35 = arith.addi %add3A_34, %mul3A_33 : i32
    "tpu.region"() ({
      %run_scoped3A = tpu.sem_alloc : memref<!tpu.dma_semaphore, #tpu.memory_space<semaphore_mem>>
      %dma_start3A_68 = arith.constant 0 : i32
      %dma_start3A_69 = tpu.memref_slice %arg5[%add3A_35, %dma_start3A_68] : memref<5120x128xi32, #tpu.memory_space<hbm>> -> memref<80x128xi32, #tpu.memory_space<hbm>>
      %dma_start3A_70 = arith.constant 0 : i32
      %dma_start3A_71 = tpu.memref_slice %arg5[%add3A_35, %dma_start3A_70] : memref<5120x128xi32, #tpu.memory_space<hbm>> -> memref<80x128xi32, #tpu.memory_space<hbm>>
      tpu.enqueue_dma source(%dma_start3A_71 : memref<80x128xi32, #tpu.memory_space<hbm>>) target(%arg9 : memref<80x128xi32, #tpu.memory_space<vmem>>) target_semaphore(%run_scoped3A : memref<!tpu.dma_semaphore, #tpu.memory_space<semaphore_mem>>)
      %dma_wait3A = arith.constant 0 : i32
      %dma_wait3A_72 = tpu.memref_slice %arg5[%add3A_35, %dma_wait3A] : memref<5120x128xi32, #tpu.memory_space<hbm>> -> memref<80x128xi32, #tpu.memory_space<hbm>>
      %dma_wait3A_73 = arith.constant 0 : i32
      %dma_wait3A_74 = tpu.memref_slice %arg5[%add3A_35, %dma_wait3A_73] : memref<5120x128xi32, #tpu.memory_space<hbm>> -> memref<80x128xi32, #tpu.memory_space<hbm>>
      tpu.wait_dma2 semaphore(%run_scoped3A : memref<!tpu.dma_semaphore, #tpu.memory_space<semaphore_mem>>) src(%dma_wait3A_74 : memref<80x128xi32, #tpu.memory_space<hbm>>) dst(%arg9 : memref<80x128xi32, #tpu.memory_space<vmem>>)
      tpu.yield
    }) : () -> ()
    %barrier3A = arith.constant 0 : index
    tpu.barrier barrier_id(%barrier3A)
    %dma_start3A = arith.constant 0 : i32
    %dma_start3A_36 = arith.constant 0 : i32
    %dma_start3A_37 = arith.constant 0 : i32
    %dma_start3A_38 = tpu.memref_slice %arg10[%dma_start3A_36, %dma_start3A_37] : memref<512x40xf32, #tpu.memory_space<vmem>> -> memref<128x40xf32, #tpu.memory_space<vmem>>
    %dma_start3A_39 = arith.constant 0 : i32
    %dma_start3A_40 = tpu.memref_slice %arg8[%dma_start3A, %dma_start3A_39] : memref<80x128xi32, #tpu.memory_space<vmem>> -> memref<1x128xi32, #tpu.memory_space<vmem>>
    %dma_start3A_41 = tpu.memref_squeeze %dma_start3A_40 : memref<1x128xi32, #tpu.memory_space<vmem>> -> memref<128xi32, #tpu.memory_space<vmem>>
    %dma_start3A_42 = arith.constant 0 : i32
    %dma_start3A_43 = arith.constant 0 : i32
    %dma_start3A_44 = tpu.memref_slice %arg16[%dma_start3A_42, %dma_start3A_43] : memref<10240x40xf32, #tpu.memory_space<vmem_shared>> -> memref<10240x40xf32, #tpu.memory_space<vmem_shared>>
    tpu.enqueue_indirect_dma source(%dma_start3A_44 : memref<10240x40xf32, #tpu.memory_space<vmem_shared>>) target(%dma_start3A_38 : memref<128x40xf32, #tpu.memory_space<vmem>>) offsets(%dma_start3A_41 : memref<128xi32, #tpu.memory_space<vmem>>) semaphore(%arg18 : memref<!tpu.dma_semaphore, #tpu.memory_space<semaphore_mem>>)
    %dma_start3A_45 = arith.constant 1 : i32
    %dma_start3A_46 = arith.constant 128 : i32
    %dma_start3A_47 = arith.constant 0 : i32
    %dma_start3A_48 = tpu.memref_slice %arg10[%dma_start3A_46, %dma_start3A_47] : memref<512x40xf32, #tpu.memory_space<vmem>> -> memref<128x40xf32, #tpu.memory_space<vmem>>
    %dma_start3A_49 = arith.constant 0 : i32
    %dma_start3A_50 = tpu.memref_slice %arg8[%dma_start3A_45, %dma_start3A_49] : memref<80x128xi32, #tpu.memory_space<vmem>> -> memref<1x128xi32, #tpu.memory_space<vmem>>
    %dma_start3A_51 = tpu.memref_squeeze %dma_start3A_50 : memref<1x128xi32, #tpu.memory_space<vmem>> -> memref<128xi32, #tpu.memory_space<vmem>>
    %dma_start3A_52 = arith.constant 0 : i32
    %dma_start3A_53 = arith.constant 0 : i32
    %dma_start3A_54 = tpu.memref_slice %arg16[%dma_start3A_52, %dma_start3A_53] : memref<10240x40xf32, #tpu.memory_space<vmem_shared>> -> memref<10240x40xf32, #tpu.memory_space<vmem_shared>>
    tpu.enqueue_indirect_dma source(%dma_start3A_54 : memref<10240x40xf32, #tpu.memory_space<vmem_shared>>) target(%dma_start3A_48 : memref<128x40xf32, #tpu.memory_space<vmem>>) offsets(%dma_start3A_51 : memref<128xi32, #tpu.memory_space<vmem>>) semaphore(%arg18 : memref<!tpu.dma_semaphore, #tpu.memory_space<semaphore_mem>>)
    %scan3A_55 = arith.constant 0 : i32
    %scan3A_56 = arith.constant 0 : i32
    %scan3A_57 = arith.constant 20 : i32
    %scan3A_58 = arith.addi %scan3A_56, %scan3A_57 : i32
    %scan3A_59 = arith.constant 1 : i32
    scf.for %scan3A_68 = %scan3A_56 to %scan3A_58 step %scan3A_59  : i32 {
      %mul3A_69 = arith.constant 2 : i32
      %mul3A_70 = arith.muli %mul3A_69, %scan3A_68 : i32
      %add3A_71 = arith.constant 1 : i32
      %add3A_72 = arith.addi %mul3A_70, %add3A_71 : i32
      %mul3A_73 = arith.constant 2 : i32
      %mul3A_74 = arith.muli %add3A_72, %mul3A_73 : i32
      %add3A_75 = arith.constant 0 : i32
      %add3A_76 = arith.addi %mul3A_74, %add3A_75 : i32
      %dma_start3A_77 = arith.constant 256 : i32
      %dma_start3A_78 = arith.constant 0 : i32
      %dma_start3A_79 = tpu.memref_slice %arg10[%dma_start3A_77, %dma_start3A_78] : memref<512x40xf32, #tpu.memory_space<vmem>> -> memref<128x40xf32, #tpu.memory_space<vmem>>
      %dma_start3A_80 = arith.constant 0 : i32
      %dma_start3A_81 = tpu.memref_slice %arg8[%add3A_76, %dma_start3A_80] : memref<80x128xi32, #tpu.memory_space<vmem>> -> memref<1x128xi32, #tpu.memory_space<vmem>>
      %dma_start3A_82 = tpu.memref_squeeze %dma_start3A_81 : memref<1x128xi32, #tpu.memory_space<vmem>> -> memref<128xi32, #tpu.memory_space<vmem>>
      %dma_start3A_83 = arith.constant 0 : i32
      %dma_start3A_84 = arith.constant 0 : i32
      %dma_start3A_85 = tpu.memref_slice %arg16[%dma_start3A_83, %dma_start3A_84] : memref<10240x40xf32, #tpu.memory_space<vmem_shared>> -> memref<10240x40xf32, #tpu.memory_space<vmem_shared>>
      tpu.enqueue_indirect_dma source(%dma_start3A_85 : memref<10240x40xf32, #tpu.memory_space<vmem_shared>>) target(%dma_start3A_79 : memref<128x40xf32, #tpu.memory_space<vmem>>) offsets(%dma_start3A_82 : memref<128xi32, #tpu.memory_space<vmem>>) semaphore(%arg19 : memref<!tpu.dma_semaphore, #tpu.memory_space<semaphore_mem>>)
      %mul3A_86 = arith.constant 2 : i32
      %mul3A_87 = arith.muli %add3A_72, %mul3A_86 : i32
      %add3A_88 = arith.constant 1 : i32
      %add3A_89 = arith.addi %mul3A_87, %add3A_88 : i32
      %dma_start3A_90 = arith.constant 384 : i32
      %dma_start3A_91 = arith.constant 0 : i32
      %dma_start3A_92 = tpu.memref_slice %arg10[%dma_start3A_90, %dma_start3A_91] : memref<512x40xf32, #tpu.memory_space<vmem>> -> memref<128x40xf32, #tpu.memory_space<vmem>>
      %dma_start3A_93 = arith.constant 0 : i32
      %dma_start3A_94 = tpu.memref_slice %arg8[%add3A_89, %dma_start3A_93] : memref<80x128xi32, #tpu.memory_space<vmem>> -> memref<1x128xi32, #tpu.memory_space<vmem>>
      %dma_start3A_95 = tpu.memref_squeeze %dma_start3A_94 : memref<1x128xi32, #tpu.memory_space<vmem>> -> memref<128xi32, #tpu.memory_space<vmem>>
      %dma_start3A_96 = arith.constant 0 : i32
      %dma_start3A_97 = arith.constant 0 : i32
      %dma_start3A_98 = tpu.memref_slice %arg16[%dma_start3A_96, %dma_start3A_97] : memref<10240x40xf32, #tpu.memory_space<vmem_shared>> -> memref<10240x40xf32, #tpu.memory_space<vmem_shared>>
      tpu.enqueue_indirect_dma source(%dma_start3A_98 : memref<10240x40xf32, #tpu.memory_space<vmem_shared>>) target(%dma_start3A_92 : memref<128x40xf32, #tpu.memory_space<vmem>>) offsets(%dma_start3A_95 : memref<128xi32, #tpu.memory_space<vmem>>) semaphore(%arg19 : memref<!tpu.dma_semaphore, #tpu.memory_space<semaphore_mem>>)
      %mul3A_99 = arith.constant 2 : i32
      %mul3A_100 = arith.muli %mul3A_99, %scan3A_68 : i32
      %mul3A_101 = arith.constant 2 : i32
      %mul3A_102 = arith.muli %mul3A_100, %mul3A_101 : i32
      %add3A_103 = arith.constant 0 : i32
      %add3A_104 = arith.addi %mul3A_102, %add3A_103 : i32
      %dma_wait3A = arith.constant 0 : i32
      %dma_wait3A_105 = arith.constant 0 : i32
      %dma_wait3A_106 = tpu.memref_slice %arg10[%dma_wait3A, %dma_wait3A_105] : memref<512x40xf32, #tpu.memory_space<vmem>> -> memref<128x40xf32, #tpu.memory_space<vmem>>
      %dma_wait3A_107 = arith.constant 0 : i32
      %dma_wait3A_108 = tpu.memref_slice %arg8[%add3A_104, %dma_wait3A_107] : memref<80x128xi32, #tpu.memory_space<vmem>> -> memref<1x128xi32, #tpu.memory_space<vmem>>
      %dma_wait3A_109 = tpu.memref_squeeze %dma_wait3A_108 : memref<1x128xi32, #tpu.memory_space<vmem>> -> memref<128xi32, #tpu.memory_space<vmem>>
      %dma_wait3A_110 = arith.constant 0 : i32
      %dma_wait3A_111 = arith.constant 0 : i32
      %dma_wait3A_112 = tpu.memref_slice %arg16[%dma_wait3A_110, %dma_wait3A_111] : memref<10240x40xf32, #tpu.memory_space<vmem_shared>> -> memref<10240x40xf32, #tpu.memory_space<vmem_shared>>
      tpu.wait_indirect_dma semaphore(%arg18 : memref<!tpu.dma_semaphore, #tpu.memory_space<semaphore_mem>>) src(%dma_wait3A_112 : memref<10240x40xf32, #tpu.memory_space<vmem_shared>>) dst(%dma_wait3A_106 : memref<128x40xf32, #tpu.memory_space<vmem>>)
      %mul3A_113 = arith.constant 2 : i32
      %mul3A_114 = arith.muli %mul3A_100, %mul3A_113 : i32
      %add3A_115 = arith.constant 1 : i32
      %add3A_116 = arith.addi %mul3A_114, %add3A_115 : i32
      %dma_wait3A_117 = arith.constant 128 : i32
      %dma_wait3A_118 = arith.constant 0 : i32
      %dma_wait3A_119 = tpu.memref_slice %arg10[%dma_wait3A_117, %dma_wait3A_118] : memref<512x40xf32, #tpu.memory_space<vmem>> -> memref<128x40xf32, #tpu.memory_space<vmem>>
      %dma_wait3A_120 = arith.constant 0 : i32
      %dma_wait3A_121 = tpu.memref_slice %arg8[%add3A_116, %dma_wait3A_120] : memref<80x128xi32, #tpu.memory_space<vmem>> -> memref<1x128xi32, #tpu.memory_space<vmem>>
      %dma_wait3A_122 = tpu.memref_squeeze %dma_wait3A_121 : memref<1x128xi32, #tpu.memory_space<vmem>> -> memref<128xi32, #tpu.memory_space<vmem>>
      %dma_wait3A_123 = arith.constant 0 : i32
      %dma_wait3A_124 = arith.constant 0 : i32
      %dma_wait3A_125 = tpu.memref_slice %arg16[%dma_wait3A_123, %dma_wait3A_124] : memref<10240x40xf32, #tpu.memory_space<vmem_shared>> -> memref<10240x40xf32, #tpu.memory_space<vmem_shared>>
      tpu.wait_indirect_dma semaphore(%arg18 : memref<!tpu.dma_semaphore, #tpu.memory_space<semaphore_mem>>) src(%dma_wait3A_125 : memref<10240x40xf32, #tpu.memory_space<vmem_shared>>) dst(%dma_wait3A_119 : memref<128x40xf32, #tpu.memory_space<vmem>>)
      %mul3A_126 = arith.constant 2 : i32
      %mul3A_127 = arith.muli %mul3A_126, %scan3A_68 : i32
      %mul3A_128 = arith.constant 2 : i32
      %mul3A_129 = arith.muli %mul3A_127, %mul3A_128 : i32
      %add3A_130 = arith.constant 0 : i32
      %add3A_131 = arith.addi %mul3A_129, %add3A_130 : i32
      %dma_start3A_132 = arith.constant 0 : i32
      %dma_start3A_133 = arith.constant 0 : i32
      %dma_start3A_134 = tpu.memref_slice %arg10[%dma_start3A_132, %dma_start3A_133] : memref<512x40xf32, #tpu.memory_space<vmem>> -> memref<128x40xf32, #tpu.memory_space<vmem>>
      %dma_start3A_135 = arith.constant 0 : i32
      %dma_start3A_136 = tpu.memref_slice %arg9[%add3A_131, %dma_start3A_135] : memref<80x128xi32, #tpu.memory_space<vmem>> -> memref<1x128xi32, #tpu.memory_space<vmem>>
      %dma_start3A_137 = tpu.memref_squeeze %dma_start3A_136 : memref<1x128xi32, #tpu.memory_space<vmem>> -> memref<128xi32, #tpu.memory_space<vmem>>
      %dma_start3A_138 = arith.constant 0 : i32
      %dma_start3A_139 = arith.constant 0 : i32
      %dma_start3A_140 = tpu.memref_slice %arg17[%dma_start3A_138, %dma_start3A_139] : memref<10240x40xf32, #tpu.memory_space<vmem_shared>> -> memref<10240x40xf32, #tpu.memory_space<vmem_shared>>
      tpu.enqueue_indirect_dma source(%dma_start3A_134 : memref<128x40xf32, #tpu.memory_space<vmem>>) target(%dma_start3A_140 : memref<10240x40xf32, #tpu.memory_space<vmem_shared>>) offsets(%dma_start3A_137 : memref<128xi32, #tpu.memory_space<vmem>>) semaphore(%arg20 : memref<!tpu.dma_semaphore, #tpu.memory_space<semaphore_mem>>) {add = true}
      %mul3A_141 = arith.constant 2 : i32
      %mul3A_142 = arith.muli %mul3A_127, %mul3A_141 : i32
      %add3A_143 = arith.constant 1 : i32
      %add3A_144 = arith.addi %mul3A_142, %add3A_143 : i32
      %dma_start3A_145 = arith.constant 128 : i32
      %dma_start3A_146 = arith.constant 0 : i32
      %dma_start3A_147 = tpu.memref_slice %arg10[%dma_start3A_145, %dma_start3A_146] : memref<512x40xf32, #tpu.memory_space<vmem>> -> memref<128x40xf32, #tpu.memory_space<vmem>>
      %dma_start3A_148 = arith.constant 0 : i32
      %dma_start3A_149 = tpu.memref_slice %arg9[%add3A_144, %dma_start3A_148] : memref<80x128xi32, #tpu.memory_space<vmem>> -> memref<1x128xi32, #tpu.memory_space<vmem>>
      %dma_start3A_150 = tpu.memref_squeeze %dma_start3A_149 : memref<1x128xi32, #tpu.memory_space<vmem>> -> memref<128xi32, #tpu.memory_space<vmem>>
      %dma_start3A_151 = arith.constant 0 : i32
      %dma_start3A_152 = arith.constant 0 : i32
      %dma_start3A_153 = tpu.memref_slice %arg17[%dma_start3A_151, %dma_start3A_152] : memref<10240x40xf32, #tpu.memory_space<vmem_shared>> -> memref<10240x40xf32, #tpu.memory_space<vmem_shared>>
      tpu.enqueue_indirect_dma source(%dma_start3A_147 : memref<128x40xf32, #tpu.memory_space<vmem>>) target(%dma_start3A_153 : memref<10240x40xf32, #tpu.memory_space<vmem_shared>>) offsets(%dma_start3A_150 : memref<128xi32, #tpu.memory_space<vmem>>) semaphore(%arg20 : memref<!tpu.dma_semaphore, #tpu.memory_space<semaphore_mem>>) {add = true}
      %dma_wait3A_154 = arith.constant 0 : i32
      %dma_wait3A_155 = arith.constant 0 : i32
      %dma_wait3A_156 = tpu.memref_slice %arg10[%dma_wait3A_154, %dma_wait3A_155] : memref<512x40xf32, #tpu.memory_space<vmem>> -> memref<128x40xf32, #tpu.memory_space<vmem>>
      %dma_wait3A_157 = arith.constant 0 : i32
      %dma_wait3A_158 = tpu.memref_slice %arg9[%add3A_131, %dma_wait3A_157] : memref<80x128xi32, #tpu.memory_space<vmem>> -> memref<1x128xi32, #tpu.memory_space<vmem>>
      %dma_wait3A_159 = tpu.memref_squeeze %dma_wait3A_158 : memref<1x128xi32, #tpu.memory_space<vmem>> -> memref<128xi32, #tpu.memory_space<vmem>>
      %dma_wait3A_160 = arith.constant 0 : i32
      %dma_wait3A_161 = arith.constant 0 : i32
      %dma_wait3A_162 = tpu.memref_slice %arg17[%dma_wait3A_160, %dma_wait3A_161] : memref<10240x40xf32, #tpu.memory_space<vmem_shared>> -> memref<10240x40xf32, #tpu.memory_space<vmem_shared>>
      tpu.wait_indirect_dma semaphore(%arg20 : memref<!tpu.dma_semaphore, #tpu.memory_space<semaphore_mem>>) src(%dma_wait3A_156 : memref<128x40xf32, #tpu.memory_space<vmem>>) dst(%dma_wait3A_162 : memref<10240x40xf32, #tpu.memory_space<vmem_shared>>)
      %dma_wait3A_163 = arith.constant 128 : i32
      %dma_wait3A_164 = arith.constant 0 : i32
      %dma_wait3A_165 = tpu.memref_slice %arg10[%dma_wait3A_163, %dma_wait3A_164] : memref<512x40xf32, #tpu.memory_space<vmem>> -> memref<128x40xf32, #tpu.memory_space<vmem>>
      %dma_wait3A_166 = arith.constant 0 : i32
      %dma_wait3A_167 = tpu.memref_slice %arg9[%add3A_144, %dma_wait3A_166] : memref<80x128xi32, #tpu.memory_space<vmem>> -> memref<1x128xi32, #tpu.memory_space<vmem>>
      %dma_wait3A_168 = tpu.memref_squeeze %dma_wait3A_167 : memref<1x128xi32, #tpu.memory_space<vmem>> -> memref<128xi32, #tpu.memory_space<vmem>>
      %dma_wait3A_169 = arith.constant 0 : i32
      %dma_wait3A_170 = arith.constant 0 : i32
      %dma_wait3A_171 = tpu.memref_slice %arg17[%dma_wait3A_169, %dma_wait3A_170] : memref<10240x40xf32, #tpu.memory_space<vmem_shared>> -> memref<10240x40xf32, #tpu.memory_space<vmem_shared>>
      tpu.wait_indirect_dma semaphore(%arg20 : memref<!tpu.dma_semaphore, #tpu.memory_space<semaphore_mem>>) src(%dma_wait3A_165 : memref<128x40xf32, #tpu.memory_space<vmem>>) dst(%dma_wait3A_171 : memref<10240x40xf32, #tpu.memory_space<vmem_shared>>)
      %add3A_172 = arith.constant 1 : i32
      %add3A_173 = arith.addi %scan3A_68, %add3A_172 : i32
      %lt3A = arith.constant 20 : i32
      %lt3A_174 = arith.cmpi slt, %add3A_173, %lt3A : i32
      %convert_element_type3A = arith.extui %lt3A_174 : i1 to i32
      %cond3A = arith.constant 0 : i32
      %cond3A_175 = arith.cmpi ne, %convert_element_type3A, %cond3A : i32
      scf.if %cond3A_175 {
        %mul3A_254 = arith.constant 2 : i32
        %mul3A_255 = arith.muli %mul3A_254, %scan3A_68 : i32
        %add3A_256 = arith.constant 2 : i32
        %add3A_257 = arith.addi %mul3A_255, %add3A_256 : i32
        %mul3A_258 = arith.constant 2 : i32
        %mul3A_259 = arith.muli %add3A_257, %mul3A_258 : i32
        %add3A_260 = arith.constant 0 : i32
        %add3A_261 = arith.addi %mul3A_259, %add3A_260 : i32
        %dma_start3A_262 = arith.constant 0 : i32
        %dma_start3A_263 = arith.constant 0 : i32
        %dma_start3A_264 = tpu.memref_slice %arg10[%dma_start3A_262, %dma_start3A_263] : memref<512x40xf32, #tpu.memory_space<vmem>> -> memref<128x40xf32, #tpu.memory_space<vmem>>
        %dma_start3A_265 = arith.constant 0 : i32
        %dma_start3A_266 = tpu.memref_slice %arg8[%add3A_261, %dma_start3A_265] : memref<80x128xi32, #tpu.memory_space<vmem>> -> memref<1x128xi32, #tpu.memory_space<vmem>>
        %dma_start3A_267 = tpu.memref_squeeze %dma_start3A_266 : memref<1x128xi32, #tpu.memory_space<vmem>> -> memref<128xi32, #tpu.memory_space<vmem>>
        %dma_start3A_268 = arith.constant 0 : i32
        %dma_start3A_269 = arith.constant 0 : i32
        %dma_start3A_270 = tpu.memref_slice %arg16[%dma_start3A_268, %dma_start3A_269] : memref<10240x40xf32, #tpu.memory_space<vmem_shared>> -> memref<10240x40xf32, #tpu.memory_space<vmem_shared>>
        tpu.enqueue_indirect_dma source(%dma_start3A_270 : memref<10240x40xf32, #tpu.memory_space<vmem_shared>>) target(%dma_start3A_264 : memref<128x40xf32, #tpu.memory_space<vmem>>) offsets(%dma_start3A_267 : memref<128xi32, #tpu.memory_space<vmem>>) semaphore(%arg18 : memref<!tpu.dma_semaphore, #tpu.memory_space<semaphore_mem>>)
        %mul3A_271 = arith.constant 2 : i32
        %mul3A_272 = arith.muli %add3A_257, %mul3A_271 : i32
        %add3A_273 = arith.constant 1 : i32
        %add3A_274 = arith.addi %mul3A_272, %add3A_273 : i32
        %dma_start3A_275 = arith.constant 128 : i32
        %dma_start3A_276 = arith.constant 0 : i32
        %dma_start3A_277 = tpu.memref_slice %arg10[%dma_start3A_275, %dma_start3A_276] : memref<512x40xf32, #tpu.memory_space<vmem>> -> memref<128x40xf32, #tpu.memory_space<vmem>>
        %dma_start3A_278 = arith.constant 0 : i32
        %dma_start3A_279 = tpu.memref_slice %arg8[%add3A_274, %dma_start3A_278] : memref<80x128xi32, #tpu.memory_space<vmem>> -> memref<1x128xi32, #tpu.memory_space<vmem>>
        %dma_start3A_280 = tpu.memref_squeeze %dma_start3A_279 : memref<1x128xi32, #tpu.memory_space<vmem>> -> memref<128xi32, #tpu.memory_space<vmem>>
        %dma_start3A_281 = arith.constant 0 : i32
        %dma_start3A_282 = arith.constant 0 : i32
        %dma_start3A_283 = tpu.memref_slice %arg16[%dma_start3A_281, %dma_start3A_282] : memref<10240x40xf32, #tpu.memory_space<vmem_shared>> -> memref<10240x40xf32, #tpu.memory_space<vmem_shared>>
        tpu.enqueue_indirect_dma source(%dma_start3A_283 : memref<10240x40xf32, #tpu.memory_space<vmem_shared>>) target(%dma_start3A_277 : memref<128x40xf32, #tpu.memory_space<vmem>>) offsets(%dma_start3A_280 : memref<128xi32, #tpu.memory_space<vmem>>) semaphore(%arg18 : memref<!tpu.dma_semaphore, #tpu.memory_space<semaphore_mem>>)
      } else {
      }
      %mul3A_176 = arith.constant 2 : i32
      %mul3A_177 = arith.muli %mul3A_176, %scan3A_68 : i32
      %add3A_178 = arith.constant 1 : i32
      %add3A_179 = arith.addi %mul3A_177, %add3A_178 : i32
      %mul3A_180 = arith.constant 2 : i32
      %mul3A_181 = arith.muli %add3A_179, %mul3A_180 : i32
      %add3A_182 = arith.constant 0 : i32
      %add3A_183 = arith.addi %mul3A_181, %add3A_182 : i32
      %dma_wait3A_184 = arith.constant 256 : i32
      %dma_wait3A_185 = arith.constant 0 : i32
      %dma_wait3A_186 = tpu.memref_slice %arg10[%dma_wait3A_184, %dma_wait3A_185] : memref<512x40xf32, #tpu.memory_space<vmem>> -> memref<128x40xf32, #tpu.memory_space<vmem>>
      %dma_wait3A_187 = arith.constant 0 : i32
      %dma_wait3A_188 = tpu.memref_slice %arg8[%add3A_183, %dma_wait3A_187] : memref<80x128xi32, #tpu.memory_space<vmem>> -> memref<1x128xi32, #tpu.memory_space<vmem>>
      %dma_wait3A_189 = tpu.memref_squeeze %dma_wait3A_188 : memref<1x128xi32, #tpu.memory_space<vmem>> -> memref<128xi32, #tpu.memory_space<vmem>>
      %dma_wait3A_190 = arith.constant 0 : i32
      %dma_wait3A_191 = arith.constant 0 : i32
      %dma_wait3A_192 = tpu.memref_slice %arg16[%dma_wait3A_190, %dma_wait3A_191] : memref<10240x40xf32, #tpu.memory_space<vmem_shared>> -> memref<10240x40xf32, #tpu.memory_space<vmem_shared>>
      tpu.wait_indirect_dma semaphore(%arg19 : memref<!tpu.dma_semaphore, #tpu.memory_space<semaphore_mem>>) src(%dma_wait3A_192 : memref<10240x40xf32, #tpu.memory_space<vmem_shared>>) dst(%dma_wait3A_186 : memref<128x40xf32, #tpu.memory_space<vmem>>)
      %mul3A_193 = arith.constant 2 : i32
      %mul3A_194 = arith.muli %add3A_179, %mul3A_193 : i32
      %add3A_195 = arith.constant 1 : i32
      %add3A_196 = arith.addi %mul3A_194, %add3A_195 : i32
      %dma_wait3A_197 = arith.constant 384 : i32
      %dma_wait3A_198 = arith.constant 0 : i32
      %dma_wait3A_199 = tpu.memref_slice %arg10[%dma_wait3A_197, %dma_wait3A_198] : memref<512x40xf32, #tpu.memory_space<vmem>> -> memref<128x40xf32, #tpu.memory_space<vmem>>
      %dma_wait3A_200 = arith.constant 0 : i32
      %dma_wait3A_201 = tpu.memref_slice %arg8[%add3A_196, %dma_wait3A_200] : memref<80x128xi32, #tpu.memory_space<vmem>> -> memref<1x128xi32, #tpu.memory_space<vmem>>
      %dma_wait3A_202 = tpu.memref_squeeze %dma_wait3A_201 : memref<1x128xi32, #tpu.memory_space<vmem>> -> memref<128xi32, #tpu.memory_space<vmem>>
      %dma_wait3A_203 = arith.constant 0 : i32
      %dma_wait3A_204 = arith.constant 0 : i32
      %dma_wait3A_205 = tpu.memref_slice %arg16[%dma_wait3A_203, %dma_wait3A_204] : memref<10240x40xf32, #tpu.memory_space<vmem_shared>> -> memref<10240x40xf32, #tpu.memory_space<vmem_shared>>
      tpu.wait_indirect_dma semaphore(%arg19 : memref<!tpu.dma_semaphore, #tpu.memory_space<semaphore_mem>>) src(%dma_wait3A_205 : memref<10240x40xf32, #tpu.memory_space<vmem_shared>>) dst(%dma_wait3A_199 : memref<128x40xf32, #tpu.memory_space<vmem>>)
      %mul3A_206 = arith.constant 2 : i32
      %mul3A_207 = arith.muli %mul3A_206, %scan3A_68 : i32
      %add3A_208 = arith.constant 1 : i32
      %add3A_209 = arith.addi %mul3A_207, %add3A_208 : i32
      %mul3A_210 = arith.constant 2 : i32
      %mul3A_211 = arith.muli %add3A_209, %mul3A_210 : i32
      %add3A_212 = arith.constant 0 : i32
      %add3A_213 = arith.addi %mul3A_211, %add3A_212 : i32
      %dma_start3A_214 = arith.constant 256 : i32
      %dma_start3A_215 = arith.constant 0 : i32
      %dma_start3A_216 = tpu.memref_slice %arg10[%dma_start3A_214, %dma_start3A_215] : memref<512x40xf32, #tpu.memory_space<vmem>> -> memref<128x40xf32, #tpu.memory_space<vmem>>
      %dma_start3A_217 = arith.constant 0 : i32
      %dma_start3A_218 = tpu.memref_slice %arg9[%add3A_213, %dma_start3A_217] : memref<80x128xi32, #tpu.memory_space<vmem>> -> memref<1x128xi32, #tpu.memory_space<vmem>>
      %dma_start3A_219 = tpu.memref_squeeze %dma_start3A_218 : memref<1x128xi32, #tpu.memory_space<vmem>> -> memref<128xi32, #tpu.memory_space<vmem>>
      %dma_start3A_220 = arith.constant 0 : i32
      %dma_start3A_221 = arith.constant 0 : i32
      %dma_start3A_222 = tpu.memref_slice %arg17[%dma_start3A_220, %dma_start3A_221] : memref<10240x40xf32, #tpu.memory_space<vmem_shared>> -> memref<10240x40xf32, #tpu.memory_space<vmem_shared>>
      tpu.enqueue_indirect_dma source(%dma_start3A_216 : memref<128x40xf32, #tpu.memory_space<vmem>>) target(%dma_start3A_222 : memref<10240x40xf32, #tpu.memory_space<vmem_shared>>) offsets(%dma_start3A_219 : memref<128xi32, #tpu.memory_space<vmem>>) semaphore(%arg20 : memref<!tpu.dma_semaphore, #tpu.memory_space<semaphore_mem>>) {add = true}
      %mul3A_223 = arith.constant 2 : i32
      %mul3A_224 = arith.muli %add3A_209, %mul3A_223 : i32
      %add3A_225 = arith.constant 1 : i32
      %add3A_226 = arith.addi %mul3A_224, %add3A_225 : i32
      %dma_start3A_227 = arith.constant 384 : i32
      %dma_start3A_228 = arith.constant 0 : i32
      %dma_start3A_229 = tpu.memref_slice %arg10[%dma_start3A_227, %dma_start3A_228] : memref<512x40xf32, #tpu.memory_space<vmem>> -> memref<128x40xf32, #tpu.memory_space<vmem>>
      %dma_start3A_230 = arith.constant 0 : i32
      %dma_start3A_231 = tpu.memref_slice %arg9[%add3A_226, %dma_start3A_230] : memref<80x128xi32, #tpu.memory_space<vmem>> -> memref<1x128xi32, #tpu.memory_space<vmem>>
      %dma_start3A_232 = tpu.memref_squeeze %dma_start3A_231 : memref<1x128xi32, #tpu.memory_space<vmem>> -> memref<128xi32, #tpu.memory_space<vmem>>
      %dma_start3A_233 = arith.constant 0 : i32
      %dma_start3A_234 = arith.constant 0 : i32
      %dma_start3A_235 = tpu.memref_slice %arg17[%dma_start3A_233, %dma_start3A_234] : memref<10240x40xf32, #tpu.memory_space<vmem_shared>> -> memref<10240x40xf32, #tpu.memory_space<vmem_shared>>
      tpu.enqueue_indirect_dma source(%dma_start3A_229 : memref<128x40xf32, #tpu.memory_space<vmem>>) target(%dma_start3A_235 : memref<10240x40xf32, #tpu.memory_space<vmem_shared>>) offsets(%dma_start3A_232 : memref<128xi32, #tpu.memory_space<vmem>>) semaphore(%arg20 : memref<!tpu.dma_semaphore, #tpu.memory_space<semaphore_mem>>) {add = true}
      %dma_wait3A_236 = arith.constant 256 : i32
      %dma_wait3A_237 = arith.constant 0 : i32
      %dma_wait3A_238 = tpu.memref_slice %arg10[%dma_wait3A_236, %dma_wait3A_237] : memref<512x40xf32, #tpu.memory_space<vmem>> -> memref<128x40xf32, #tpu.memory_space<vmem>>
      %dma_wait3A_239 = arith.constant 0 : i32
      %dma_wait3A_240 = tpu.memref_slice %arg9[%add3A_213, %dma_wait3A_239] : memref<80x128xi32, #tpu.memory_space<vmem>> -> memref<1x128xi32, #tpu.memory_space<vmem>>
      %dma_wait3A_241 = tpu.memref_squeeze %dma_wait3A_240 : memref<1x128xi32, #tpu.memory_space<vmem>> -> memref<128xi32, #tpu.memory_space<vmem>>
      %dma_wait3A_242 = arith.constant 0 : i32
      %dma_wait3A_243 = arith.constant 0 : i32
      %dma_wait3A_244 = tpu.memref_slice %arg17[%dma_wait3A_242, %dma_wait3A_243] : memref<10240x40xf32, #tpu.memory_space<vmem_shared>> -> memref<10240x40xf32, #tpu.memory_space<vmem_shared>>
      tpu.wait_indirect_dma semaphore(%arg20 : memref<!tpu.dma_semaphore, #tpu.memory_space<semaphore_mem>>) src(%dma_wait3A_238 : memref<128x40xf32, #tpu.memory_space<vmem>>) dst(%dma_wait3A_244 : memref<10240x40xf32, #tpu.memory_space<vmem_shared>>)
      %dma_wait3A_245 = arith.constant 384 : i32
      %dma_wait3A_246 = arith.constant 0 : i32
      %dma_wait3A_247 = tpu.memref_slice %arg10[%dma_wait3A_245, %dma_wait3A_246] : memref<512x40xf32, #tpu.memory_space<vmem>> -> memref<128x40xf32, #tpu.memory_space<vmem>>
      %dma_wait3A_248 = arith.constant 0 : i32
      %dma_wait3A_249 = tpu.memref_slice %arg9[%add3A_226, %dma_wait3A_248] : memref<80x128xi32, #tpu.memory_space<vmem>> -> memref<1x128xi32, #tpu.memory_space<vmem>>
      %dma_wait3A_250 = tpu.memref_squeeze %dma_wait3A_249 : memref<1x128xi32, #tpu.memory_space<vmem>> -> memref<128xi32, #tpu.memory_space<vmem>>
      %dma_wait3A_251 = arith.constant 0 : i32
      %dma_wait3A_252 = arith.constant 0 : i32
      %dma_wait3A_253 = tpu.memref_slice %arg17[%dma_wait3A_251, %dma_wait3A_252] : memref<10240x40xf32, #tpu.memory_space<vmem_shared>> -> memref<10240x40xf32, #tpu.memory_space<vmem_shared>>
      tpu.wait_indirect_dma semaphore(%arg20 : memref<!tpu.dma_semaphore, #tpu.memory_space<semaphore_mem>>) src(%dma_wait3A_247 : memref<128x40xf32, #tpu.memory_space<vmem>>) dst(%dma_wait3A_253 : memref<10240x40xf32, #tpu.memory_space<vmem_shared>>)
    }
    %scan3A_60 = arith.constant 20 : i32
    %barrier3A_61 = arith.constant 0 : index
    tpu.barrier barrier_id(%barrier3A_61)
    %scan3A_62 = arith.constant 0 : i32
    %scan3A_63 = arith.constant 0 : i32
    %scan3A_64 = arith.constant 5 : i32
    %scan3A_65 = arith.addi %scan3A_63, %scan3A_64 : i32
    %scan3A_66 = arith.constant 1 : i32
    scf.for %scan3A_68 = %scan3A_63 to %scan3A_65 step %scan3A_66  : i32 {
      %mul3A_69 = arith.constant 128 : i32
      %mul3A_70 = arith.muli %scan3A_68, %mul3A_69 : i32
      %add3A_71 = arith.addi %mul3A_2, %mul3A_70 : i32
      "tpu.region"() ({
        %run_scoped3A = tpu.sem_alloc : memref<!tpu.dma_semaphore, #tpu.memory_space<semaphore_mem>>
        %dma_start3A_86 = arith.constant 0 : i32
        %dma_start3A_87 = tpu.memref_slice %arg17[%add3A_71, %dma_start3A_86] : memref<10240x40xf32, #tpu.memory_space<vmem_shared>> -> memref<128x40xf32, #tpu.memory_space<vmem_shared>>
        %dma_start3A_88 = arith.constant 0 : i32
        %dma_start3A_89 = tpu.memref_slice %arg17[%add3A_71, %dma_start3A_88] : memref<10240x40xf32, #tpu.memory_space<vmem_shared>> -> memref<128x40xf32, #tpu.memory_space<vmem_shared>>
        tpu.enqueue_dma source(%dma_start3A_89 : memref<128x40xf32, #tpu.memory_space<vmem_shared>>) target(%arg11 : memref<128x40xf32, #tpu.memory_space<vmem>>) target_semaphore(%run_scoped3A : memref<!tpu.dma_semaphore, #tpu.memory_space<semaphore_mem>>)
        %dma_wait3A = arith.constant 0 : i32
        %dma_wait3A_90 = tpu.memref_slice %arg17[%add3A_71, %dma_wait3A] : memref<10240x40xf32, #tpu.memory_space<vmem_shared>> -> memref<128x40xf32, #tpu.memory_space<vmem_shared>>
        %dma_wait3A_91 = arith.constant 0 : i32
        %dma_wait3A_92 = tpu.memref_slice %arg17[%add3A_71, %dma_wait3A_91] : memref<10240x40xf32, #tpu.memory_space<vmem_shared>> -> memref<128x40xf32, #tpu.memory_space<vmem_shared>>
        tpu.wait_dma2 semaphore(%run_scoped3A : memref<!tpu.dma_semaphore, #tpu.memory_space<semaphore_mem>>) src(%dma_wait3A_92 : memref<128x40xf32, #tpu.memory_space<vmem_shared>>) dst(%arg11 : memref<128x40xf32, #tpu.memory_space<vmem>>)
        tpu.yield
      }) : () -> ()
      %add3A_72 = arith.addi %mul3A_2, %mul3A_70 : i32
      "tpu.region"() ({
        %run_scoped3A = tpu.sem_alloc : memref<!tpu.dma_semaphore, #tpu.memory_space<semaphore_mem>>
        %dma_start3A_86 = arith.constant 0 : i32
        %dma_start3A_87 = tpu.memref_slice %arg16[%add3A_72, %dma_start3A_86] : memref<10240x40xf32, #tpu.memory_space<vmem_shared>> -> memref<128x40xf32, #tpu.memory_space<vmem_shared>>
        %dma_start3A_88 = arith.constant 0 : i32
        %dma_start3A_89 = tpu.memref_slice %arg16[%add3A_72, %dma_start3A_88] : memref<10240x40xf32, #tpu.memory_space<vmem_shared>> -> memref<128x40xf32, #tpu.memory_space<vmem_shared>>
        tpu.enqueue_dma source(%dma_start3A_89 : memref<128x40xf32, #tpu.memory_space<vmem_shared>>) target(%arg12 : memref<128x40xf32, #tpu.memory_space<vmem>>) target_semaphore(%run_scoped3A : memref<!tpu.dma_semaphore, #tpu.memory_space<semaphore_mem>>)
        %dma_wait3A = arith.constant 0 : i32
        %dma_wait3A_90 = tpu.memref_slice %arg16[%add3A_72, %dma_wait3A] : memref<10240x40xf32, #tpu.memory_space<vmem_shared>> -> memref<128x40xf32, #tpu.memory_space<vmem_shared>>
        %dma_wait3A_91 = arith.constant 0 : i32
        %dma_wait3A_92 = tpu.memref_slice %arg16[%add3A_72, %dma_wait3A_91] : memref<10240x40xf32, #tpu.memory_space<vmem_shared>> -> memref<128x40xf32, #tpu.memory_space<vmem_shared>>
        tpu.wait_dma2 semaphore(%run_scoped3A : memref<!tpu.dma_semaphore, #tpu.memory_space<semaphore_mem>>) src(%dma_wait3A_92 : memref<128x40xf32, #tpu.memory_space<vmem_shared>>) dst(%arg12 : memref<128x40xf32, #tpu.memory_space<vmem>>)
        tpu.yield
      }) : () -> ()
      %scan3A_73 = arith.constant 0 : i32
      %scan3A_74 = arith.constant 0 : i32
      %scan3A_75 = arith.constant 128 : i32
      %scan3A_76 = arith.addi %scan3A_74, %scan3A_75 : i32
      %scan3A_77 = arith.constant 1 : i32
      scf.for %scan3A_86 = %scan3A_74 to %scan3A_76 step %scan3A_77  : i32 {
        %add3A_87 = arith.addi %mul3A_70, %scan3A_86 : i32
        %broadcast_in_dim3A = vector.broadcast %add3A_87 : i32 to vector<16xi32>
        %gather3A = tpu.vector_load_idx %arg13[%broadcast_in_dim3A] : memref<640xf32, #tpu.memory_space<vmem>>[vector<16xi32>], vector<16xf32>,
        %get3A = arith.index_cast %scan3A_86 : i32 to index
        %get3A_88 = arith.constant 0 : index
        %get3A_89 = tpu.vector_load %arg11[%get3A, %get3A_88] {strides = array<i32>} : memref<128x40xf32, #tpu.memory_space<vmem>>, vector<16xf32>,
        %get3A_90 = arith.index_cast %scan3A_86 : i32 to index
        %get3A_91 = arith.constant 0 : index
        %get3A_92 = tpu.vector_load %arg12[%get3A_90, %get3A_91] {strides = array<i32>} : memref<128x40xf32, #tpu.memory_space<vmem>>, vector<16xf32>,
        %eq3A_93 = arith.constant 0 : i32
        %eq3A_94 = arith.cmpi eq, %arg0, %eq3A_93 : i32
        %broadcast_in_dim3A_95 = arith.constant 0.000000e+00 : f32
        %broadcast_in_dim3A_96 = vector.broadcast %broadcast_in_dim3A_95 : f32 to vector<16xf32>
        %select_n3A = arith.select %eq3A_94, %get3A_92, %broadcast_in_dim3A_96 : vector<16xf32>
        %add3A_97 = arith.addf %get3A_89, %select_n3A : vector<16xf32>
        %mul3A_98 = arith.mulf %add3A_97, %gather3A : vector<16xf32>
        %swap3A = arith.index_cast %scan3A_86 : i32 to index
        %swap3A_99 = arith.constant 0 : index
        %swap3A_100 = tpu.vector_load %arg11[%swap3A, %swap3A_99] {strides = array<i32>} : memref<128x40xf32, #tpu.memory_space<vmem>>, vector<16xf32>,
        tpu.vector_store %arg11[%swap3A, %swap3A_99], %mul3A_98 {strides = array<i32>} : memref<128x40xf32, #tpu.memory_space<vmem>>, vector<16xf32>,
        %get3A_101 = arith.index_cast %scan3A_86 : i32 to index
        %get3A_102 = arith.constant 16 : index
        %get3A_103 = tpu.vector_load %arg11[%get3A_101, %get3A_102] {strides = array<i32>} : memref<128x40xf32, #tpu.memory_space<vmem>>, vector<16xf32>,
        %get3A_104 = arith.index_cast %scan3A_86 : i32 to index
        %get3A_105 = arith.constant 16 : index
        %get3A_106 = tpu.vector_load %arg12[%get3A_104, %get3A_105] {strides = array<i32>} : memref<128x40xf32, #tpu.memory_space<vmem>>, vector<16xf32>,
        %eq3A_107 = arith.constant 0 : i32
        %eq3A_108 = arith.cmpi eq, %arg0, %eq3A_107 : i32
        %broadcast_in_dim3A_109 = arith.constant 0.000000e+00 : f32
        %broadcast_in_dim3A_110 = vector.broadcast %broadcast_in_dim3A_109 : f32 to vector<16xf32>
        %select_n3A_111 = arith.select %eq3A_108, %get3A_106, %broadcast_in_dim3A_110 : vector<16xf32>
        %add3A_112 = arith.addf %get3A_103, %select_n3A_111 : vector<16xf32>
        %mul3A_113 = arith.mulf %add3A_112, %gather3A : vector<16xf32>
        %swap3A_114 = arith.index_cast %scan3A_86 : i32 to index
        %swap3A_115 = arith.constant 16 : index
        %swap3A_116 = tpu.vector_load %arg11[%swap3A_114, %swap3A_115] {strides = array<i32>} : memref<128x40xf32, #tpu.memory_space<vmem>>, vector<16xf32>,
        tpu.vector_store %arg11[%swap3A_114, %swap3A_115], %mul3A_113 {strides = array<i32>} : memref<128x40xf32, #tpu.memory_space<vmem>>, vector<16xf32>,
        %get3A_117 = arith.index_cast %scan3A_86 : i32 to index
        %get3A_118 = arith.constant 24 : index
        %get3A_119 = tpu.vector_load %arg11[%get3A_117, %get3A_118] {strides = array<i32>} : memref<128x40xf32, #tpu.memory_space<vmem>>, vector<16xf32>,
        %get3A_120 = arith.index_cast %scan3A_86 : i32 to index
        %get3A_121 = arith.constant 24 : index
        %get3A_122 = tpu.vector_load %arg12[%get3A_120, %get3A_121] {strides = array<i32>} : memref<128x40xf32, #tpu.memory_space<vmem>>, vector<16xf32>,
        %ge3A = arith.constant 8 : i32
        %ge3A_123 = vector.broadcast %ge3A : i32 to vector<16xi32>
        %ge3A_124 = arith.cmpi sge, %iota3A, %ge3A_123 : vector<16xi32>
        %jit3A = arith.constant 1.000000e+00 : f32
        %broadcast_in_dim3A_125 = vector.broadcast %jit3A : f32 to vector<16xf32>
        %select_n3A_126 = arith.select %ge3A_124, %gather3A, %broadcast_in_dim3A_125 : vector<16xi1>, vector<16xf32>
        %ge3A_127 = arith.constant 8 : i32
        %ge3A_128 = vector.broadcast %ge3A_127 : i32 to vector<16xi32>
        %ge3A_129 = arith.cmpi sge, %iota3A, %ge3A_128 : vector<16xi32>
        %jit3A_130 = arith.constant 0.000000e+00 : f32
        %broadcast_in_dim3A_131 = vector.broadcast %jit3A_130 : f32 to vector<16xf32>
        %select_n3A_132 = arith.select %ge3A_129, %get3A_122, %broadcast_in_dim3A_131 : vector<16xi1>, vector<16xf32>
        %eq3A_133 = arith.constant 0 : i32
        %eq3A_134 = arith.cmpi eq, %arg0, %eq3A_133 : i32
        %broadcast_in_dim3A_135 = arith.constant 0.000000e+00 : f32
        %broadcast_in_dim3A_136 = vector.broadcast %broadcast_in_dim3A_135 : f32 to vector<16xf32>
        %select_n3A_137 = arith.select %eq3A_134, %select_n3A_132, %broadcast_in_dim3A_136 : vector<16xf32>
        %add3A_138 = arith.addf %get3A_119, %select_n3A_137 : vector<16xf32>
        %mul3A_139 = arith.mulf %add3A_138, %select_n3A_126 : vector<16xf32>
        %swap3A_140 = arith.index_cast %scan3A_86 : i32 to index
        %swap3A_141 = arith.constant 24 : index
        %swap3A_142 = tpu.vector_load %arg11[%swap3A_140, %swap3A_141] {strides = array<i32>} : memref<128x40xf32, #tpu.memory_space<vmem>>, vector<16xf32>,
        tpu.vector_store %arg11[%swap3A_140, %swap3A_141], %mul3A_139 {strides = array<i32>} : memref<128x40xf32, #tpu.memory_space<vmem>>, vector<16xf32>,
      }
      %scan3A_78 = arith.constant 128 : i32
      %eq3A = arith.constant 0 : i32
      %eq3A_79 = arith.cmpi eq, %arg0, %eq3A : i32
      %convert_element_type3A = arith.extui %eq3A_79 : i1 to i32
      %cond3A = arith.constant 0 : i32
      %cond3A_80 = arith.cmpi ne, %convert_element_type3A, %cond3A : i32
      scf.if %cond3A_80 {
        %add3A_86 = arith.addi %mul3A_2, %mul3A_70 : i32
        "tpu.region"() ({
          %run_scoped3A = tpu.sem_alloc : memref<!tpu.dma_semaphore, #tpu.memory_space<semaphore_mem>>
          %dma_start3A_87 = arith.constant 0 : i32
          %dma_start3A_88 = tpu.memref_slice %arg6[%add3A_86, %dma_start3A_87] : memref<10240x40xf32, #tpu.memory_space<hbm>> -> memref<128x40xf32, #tpu.memory_space<hbm>>
          %dma_start3A_89 = arith.constant 0 : i32
          %dma_start3A_90 = tpu.memref_slice %arg6[%add3A_86, %dma_start3A_89] : memref<10240x40xf32, #tpu.memory_space<hbm>> -> memref<128x40xf32, #tpu.memory_space<hbm>>
          tpu.enqueue_dma source(%arg11 : memref<128x40xf32, #tpu.memory_space<vmem>>) target(%dma_start3A_90 : memref<128x40xf32, #tpu.memory_space<hbm>>) target_semaphore(%run_scoped3A : memref<!tpu.dma_semaphore, #tpu.memory_space<semaphore_mem>>)
          %dma_wait3A = arith.constant 0 : i32
          %dma_wait3A_91 = tpu.memref_slice %arg6[%add3A_86, %dma_wait3A] : memref<10240x40xf32, #tpu.memory_space<hbm>> -> memref<128x40xf32, #tpu.memory_space<hbm>>
          %dma_wait3A_92 = arith.constant 0 : i32
          %dma_wait3A_93 = tpu.memref_slice %arg6[%add3A_86, %dma_wait3A_92] : memref<10240x40xf32, #tpu.memory_space<hbm>> -> memref<128x40xf32, #tpu.memory_space<hbm>>
          tpu.wait_dma2 semaphore(%run_scoped3A : memref<!tpu.dma_semaphore, #tpu.memory_space<semaphore_mem>>) src(%arg11 : memref<128x40xf32, #tpu.memory_space<vmem>>) dst(%dma_wait3A_93 : memref<128x40xf32, #tpu.memory_space<hbm>>)
          tpu.yield
        }) : () -> ()
      } else {
      }
      %eq3A_81 = arith.constant 1 : i32
      %eq3A_82 = arith.cmpi eq, %arg0, %eq3A_81 : i32
      %convert_element_type3A_83 = arith.extui %eq3A_82 : i1 to i32
      %cond3A_84 = arith.constant 0 : i32
      %cond3A_85 = arith.cmpi ne, %convert_element_type3A_83, %cond3A_84 : i32
      scf.if %cond3A_85 {
        %add3A_86 = arith.addi %mul3A_2, %mul3A_70 : i32
        "tpu.region"() ({
          %run_scoped3A = tpu.sem_alloc : memref<!tpu.dma_semaphore, #tpu.memory_space<semaphore_mem>>
          %dma_start3A_87 = arith.constant 0 : i32
          %dma_start3A_88 = tpu.memref_slice %arg7[%add3A_86, %dma_start3A_87] : memref<10240x40xf32, #tpu.memory_space<hbm>> -> memref<128x40xf32, #tpu.memory_space<hbm>>
          %dma_start3A_89 = arith.constant 0 : i32
          %dma_start3A_90 = tpu.memref_slice %arg7[%add3A_86, %dma_start3A_89] : memref<10240x40xf32, #tpu.memory_space<hbm>> -> memref<128x40xf32, #tpu.memory_space<hbm>>
          tpu.enqueue_dma source(%arg11 : memref<128x40xf32, #tpu.memory_space<vmem>>) target(%dma_start3A_90 : memref<128x40xf32, #tpu.memory_space<hbm>>) target_semaphore(%run_scoped3A : memref<!tpu.dma_semaphore, #tpu.memory_space<semaphore_mem>>)
          %dma_wait3A = arith.constant 0 : i32
          %dma_wait3A_91 = tpu.memref_slice %arg7[%add3A_86, %dma_wait3A] : memref<10240x40xf32, #tpu.memory_space<hbm>> -> memref<128x40xf32, #tpu.memory_space<hbm>>
          %dma_wait3A_92 = arith.constant 0 : i32
          %dma_wait3A_93 = tpu.memref_slice %arg7[%add3A_86, %dma_wait3A_92] : memref<10240x40xf32, #tpu.memory_space<hbm>> -> memref<128x40xf32, #tpu.memory_space<hbm>>
          tpu.wait_dma2 semaphore(%run_scoped3A : memref<!tpu.dma_semaphore, #tpu.memory_space<semaphore_mem>>) src(%arg11 : memref<128x40xf32, #tpu.memory_space<vmem>>) dst(%dma_wait3A_93 : memref<128x40xf32, #tpu.memory_space<hbm>>)
          tpu.yield
        }) : () -> ()
      } else {
      }
    }
    %scan3A_67 = arith.constant 5 : i32
    return
  }
}

#map = affine_map<(d0, d1) -> (0, 0)>
#map1 = affine_map<(d0, d1) -> (0)>
module attributes {stable_mosaic.version = 14 : i64} {
  func.func @prop(%arg0: i32, %arg1: i32, %arg2: memref<10240x16xf32, #tpu.memory_space<hbm>>, %arg3: memref<10240xf32, #tpu.memory_space<hbm>>, %arg4: memref<10240xf32, #tpu.memory_space<hbm>>, %arg5: memref<5120x128xi32, #tpu.memory_space<hbm>>, %arg6: memref<10240x16xf32, #tpu.memory_space<hbm>>, %arg7: memref<10240x16xf32, #tpu.memory_space<hbm>>, %arg8: memref<80x128xi32, #tpu.memory_space<vmem>>, %arg9: memref<80x128xi32, #tpu.memory_space<vmem>>, %arg10: memref<2048x16xf32, #tpu.memory_space<vmem>>, %arg11: memref<128x16xf32, #tpu.memory_space<vmem>>, %arg12: memref<128x16xf32, #tpu.memory_space<vmem>>, %arg13: memref<640xf32, #tpu.memory_space<vmem>>, %arg14: memref<640xf32, #tpu.memory_space<vmem>>, %arg15: memref<640xf32, #tpu.memory_space<vmem>>, %arg16: memref<10240x16xf32, #tpu.memory_space<vmem_shared>>, %arg17: memref<10240x16xf32, #tpu.memory_space<vmem_shared>>, %arg18: memref<!tpu.dma_semaphore, #tpu.memory_space<semaphore_mem>>, %arg19: memref<!tpu.dma_semaphore, #tpu.memory_space<semaphore_mem>>, %arg20: memref<!tpu.dma_semaphore, #tpu.memory_space<semaphore_mem>>) attributes {dimension_semantics = [#tpu.dimension_semantics<core_parallel>, #tpu.dimension_semantics<subcore_parallel>], iteration_bounds = array<i64: 2, 16>, scalar_prefetch = 0 : i64, scratch_operands = 13 : i64, tpu.core_type = #tpu.core_type<sc_vector_subcore>, window_params = [{transform_indices = #map}, {transform_indices = #map1}, {transform_indices = #map1}, {transform_indices = #map}, {transform_indices = #map}, {transform_indices = #map}]} {
    %mul3A = arith.constant 16 : i32
    %mul3A_0 = arith.muli %arg0, %mul3A : i32
    %add3A = arith.addi %mul3A_0, %arg1 : i32
    %mul3A_1 = arith.constant 640 : i32
    %mul3A_2 = arith.muli %arg1, %mul3A_1 : i32
    %iota3A = tpu.iota {dimensions = array<i32: 0>} : vector<16xi32>
    "tpu.region"() ({
      %run_scoped3A = tpu.sem_alloc : memref<!tpu.dma_semaphore, #tpu.memory_space<semaphore_mem>>
      %dma_start3A_128 = tpu.memref_slice %arg3[%mul3A_2] : memref<10240xf32, #tpu.memory_space<hbm>> -> memref<640xf32, #tpu.memory_space<hbm>>
      %dma_start3A_129 = tpu.memref_slice %arg3[%mul3A_2] : memref<10240xf32, #tpu.memory_space<hbm>> -> memref<640xf32, #tpu.memory_space<hbm>>
      tpu.enqueue_dma source(%dma_start3A_129 : memref<640xf32, #tpu.memory_space<hbm>>) target(%arg14 : memref<640xf32, #tpu.memory_space<vmem>>) target_semaphore(%run_scoped3A : memref<!tpu.dma_semaphore, #tpu.memory_space<semaphore_mem>>)
      %dma_wait3A = tpu.memref_slice %arg3[%mul3A_2] : memref<10240xf32, #tpu.memory_space<hbm>> -> memref<640xf32, #tpu.memory_space<hbm>>
      %dma_wait3A_130 = tpu.memref_slice %arg3[%mul3A_2] : memref<10240xf32, #tpu.memory_space<hbm>> -> memref<640xf32, #tpu.memory_space<hbm>>
      tpu.wait_dma2 semaphore(%run_scoped3A : memref<!tpu.dma_semaphore, #tpu.memory_space<semaphore_mem>>) src(%dma_wait3A_130 : memref<640xf32, #tpu.memory_space<hbm>>) dst(%arg14 : memref<640xf32, #tpu.memory_space<vmem>>)
      tpu.yield
    }) : () -> ()
    "tpu.region"() ({
      %run_scoped3A = tpu.sem_alloc : memref<!tpu.dma_semaphore, #tpu.memory_space<semaphore_mem>>
      %dma_start3A_128 = tpu.memref_slice %arg4[%mul3A_2] : memref<10240xf32, #tpu.memory_space<hbm>> -> memref<640xf32, #tpu.memory_space<hbm>>
      %dma_start3A_129 = tpu.memref_slice %arg4[%mul3A_2] : memref<10240xf32, #tpu.memory_space<hbm>> -> memref<640xf32, #tpu.memory_space<hbm>>
      tpu.enqueue_dma source(%dma_start3A_129 : memref<640xf32, #tpu.memory_space<hbm>>) target(%arg15 : memref<640xf32, #tpu.memory_space<vmem>>) target_semaphore(%run_scoped3A : memref<!tpu.dma_semaphore, #tpu.memory_space<semaphore_mem>>)
      %dma_wait3A = tpu.memref_slice %arg4[%mul3A_2] : memref<10240xf32, #tpu.memory_space<hbm>> -> memref<640xf32, #tpu.memory_space<hbm>>
      %dma_wait3A_130 = tpu.memref_slice %arg4[%mul3A_2] : memref<10240xf32, #tpu.memory_space<hbm>> -> memref<640xf32, #tpu.memory_space<hbm>>
      tpu.wait_dma2 semaphore(%run_scoped3A : memref<!tpu.dma_semaphore, #tpu.memory_space<semaphore_mem>>) src(%dma_wait3A_130 : memref<640xf32, #tpu.memory_space<hbm>>) dst(%arg15 : memref<640xf32, #tpu.memory_space<vmem>>)
      tpu.yield
    }) : () -> ()
    %scan3A = arith.constant 0 : i32
    %scan3A_3 = arith.constant 0 : i32
    %scan3A_4 = arith.constant 40 : i32
    %scan3A_5 = arith.addi %scan3A_3, %scan3A_4 : i32
    %scan3A_6 = arith.constant 1 : i32
    scf.for %scan3A_128 = %scan3A_3 to %scan3A_5 step %scan3A_6  : i32 {
      %mul3A_129 = arith.constant 16 : i32
      %mul3A_130 = arith.muli %scan3A_128, %mul3A_129 : i32
      %get3A = arith.index_cast %mul3A_130 : i32 to index
      %get3A_131 = tpu.vector_load %arg14[%get3A] {strides = array<i32>} : memref<640xf32, #tpu.memory_space<vmem>>, vector<16xf32>,
      %mul3A_132 = arith.constant 16 : i32
      %mul3A_133 = arith.muli %scan3A_128, %mul3A_132 : i32
      %get3A_134 = arith.index_cast %mul3A_133 : i32 to index
      %get3A_135 = tpu.vector_load %arg15[%get3A_134] {strides = array<i32>} : memref<640xf32, #tpu.memory_space<vmem>>, vector<16xf32>,
      %add3A_136 = arith.addf %get3A_131, %get3A_135 : vector<16xf32>
      %add3A_137 = arith.constant 1.000000e+00 : f32
      %add3A_138 = vector.broadcast %add3A_137 : f32 to vector<16xf32>
      %add3A_139 = arith.addf %add3A_136, %add3A_138 : vector<16xf32>
      %bitcast3A = vector.bitcast %add3A_139 : vector<16xf32> to vector<16xi32>
      %shift_right_logical3A = arith.constant 1 : i32
      %shift_right_logical3A_140 = vector.broadcast %shift_right_logical3A : i32 to vector<16xi32>
      %shift_right_logical3A_141 = arith.shrui %bitcast3A, %shift_right_logical3A_140 : vector<16xi32>
      %sub3A = arith.constant 1597463007 : i32
      %sub3A_142 = vector.broadcast %sub3A : i32 to vector<16xi32>
      %sub3A_143 = arith.subi %sub3A_142, %shift_right_logical3A_141 : vector<16xi32>
      %bitcast3A_144 = vector.bitcast %sub3A_143 : vector<16xi32> to vector<16xf32>
      %mul3A_145 = arith.constant 5.000000e-01 : f32
      %mul3A_146 = vector.broadcast %mul3A_145 : f32 to vector<16xf32>
      %mul3A_147 = arith.mulf %mul3A_146, %add3A_139 : vector<16xf32>
      %mul3A_148 = arith.mulf %mul3A_147, %bitcast3A_144 : vector<16xf32>
      %mul3A_149 = arith.mulf %mul3A_148, %bitcast3A_144 : vector<16xf32>
      %sub3A_150 = arith.constant 1.500000e+00 : f32
      %sub3A_151 = vector.broadcast %sub3A_150 : f32 to vector<16xf32>
      %sub3A_152 = arith.subf %sub3A_151, %mul3A_149 : vector<16xf32>
      %mul3A_153 = arith.mulf %bitcast3A_144, %sub3A_152 : vector<16xf32>
      %mul3A_154 = arith.constant 5.000000e-01 : f32
      %mul3A_155 = vector.broadcast %mul3A_154 : f32 to vector<16xf32>
      %mul3A_156 = arith.mulf %mul3A_155, %add3A_139 : vector<16xf32>
      %mul3A_157 = arith.mulf %mul3A_156, %mul3A_153 : vector<16xf32>
      %mul3A_158 = arith.mulf %mul3A_157, %mul3A_153 : vector<16xf32>
      %sub3A_159 = arith.constant 1.500000e+00 : f32
      %sub3A_160 = vector.broadcast %sub3A_159 : f32 to vector<16xf32>
      %sub3A_161 = arith.subf %sub3A_160, %mul3A_158 : vector<16xf32>
      %mul3A_162 = arith.mulf %mul3A_153, %sub3A_161 : vector<16xf32>
      %mul3A_163 = arith.constant 5.000000e-01 : f32
      %mul3A_164 = vector.broadcast %mul3A_163 : f32 to vector<16xf32>
      %mul3A_165 = arith.mulf %mul3A_164, %add3A_139 : vector<16xf32>
      %mul3A_166 = arith.mulf %mul3A_165, %mul3A_162 : vector<16xf32>
      %mul3A_167 = arith.mulf %mul3A_166, %mul3A_162 : vector<16xf32>
      %sub3A_168 = arith.constant 1.500000e+00 : f32
      %sub3A_169 = vector.broadcast %sub3A_168 : f32 to vector<16xf32>
      %sub3A_170 = arith.subf %sub3A_169, %mul3A_167 : vector<16xf32>
      %mul3A_171 = arith.mulf %mul3A_162, %sub3A_170 : vector<16xf32>
      %mul3A_172 = arith.constant 16 : i32
      %mul3A_173 = arith.muli %scan3A_128, %mul3A_172 : i32
      %swap3A = arith.index_cast %mul3A_173 : i32 to index
      %swap3A_174 = tpu.vector_load %arg13[%swap3A] {strides = array<i32>} : memref<640xf32, #tpu.memory_space<vmem>>, vector<16xf32>,
      tpu.vector_store %arg13[%swap3A], %mul3A_171 {strides = array<i32>} : memref<640xf32, #tpu.memory_space<vmem>>, vector<16xf32>,
    }
    %scan3A_7 = arith.constant 40 : i32
    %scan3A_8 = arith.constant 0 : i32
    %scan3A_9 = arith.constant 0 : i32
    %scan3A_10 = arith.constant 5 : i32
    %scan3A_11 = arith.addi %scan3A_9, %scan3A_10 : i32
    %scan3A_12 = arith.constant 1 : i32
    scf.for %scan3A_128 = %scan3A_9 to %scan3A_11 step %scan3A_12  : i32 {
      %mul3A_129 = arith.constant 128 : i32
      %mul3A_130 = arith.muli %scan3A_128, %mul3A_129 : i32
      %add3A_131 = arith.addi %mul3A_2, %mul3A_130 : i32
      "tpu.region"() ({
        %run_scoped3A = tpu.sem_alloc : memref<!tpu.dma_semaphore, #tpu.memory_space<semaphore_mem>>
        %dma_start3A_139 = arith.constant 0 : i32
        %dma_start3A_140 = tpu.memref_slice %arg2[%add3A_131, %dma_start3A_139] : memref<10240x16xf32, #tpu.memory_space<hbm>> -> memref<128x16xf32, #tpu.memory_space<hbm>>
        %dma_start3A_141 = arith.constant 0 : i32
        %dma_start3A_142 = tpu.memref_slice %arg2[%add3A_131, %dma_start3A_141] : memref<10240x16xf32, #tpu.memory_space<hbm>> -> memref<128x16xf32, #tpu.memory_space<hbm>>
        tpu.enqueue_dma source(%dma_start3A_142 : memref<128x16xf32, #tpu.memory_space<hbm>>) target(%arg11 : memref<128x16xf32, #tpu.memory_space<vmem>>) target_semaphore(%run_scoped3A : memref<!tpu.dma_semaphore, #tpu.memory_space<semaphore_mem>>)
        %dma_wait3A = arith.constant 0 : i32
        %dma_wait3A_143 = tpu.memref_slice %arg2[%add3A_131, %dma_wait3A] : memref<10240x16xf32, #tpu.memory_space<hbm>> -> memref<128x16xf32, #tpu.memory_space<hbm>>
        %dma_wait3A_144 = arith.constant 0 : i32
        %dma_wait3A_145 = tpu.memref_slice %arg2[%add3A_131, %dma_wait3A_144] : memref<10240x16xf32, #tpu.memory_space<hbm>> -> memref<128x16xf32, #tpu.memory_space<hbm>>
        tpu.wait_dma2 semaphore(%run_scoped3A : memref<!tpu.dma_semaphore, #tpu.memory_space<semaphore_mem>>) src(%dma_wait3A_145 : memref<128x16xf32, #tpu.memory_space<hbm>>) dst(%arg11 : memref<128x16xf32, #tpu.memory_space<vmem>>)
        tpu.yield
      }) : () -> ()
      %scan3A_132 = arith.constant 0 : i32
      %scan3A_133 = arith.constant 0 : i32
      %scan3A_134 = arith.constant 128 : i32
      %scan3A_135 = arith.addi %scan3A_133, %scan3A_134 : i32
      %scan3A_136 = arith.constant 1 : i32
      scf.for %scan3A_139 = %scan3A_133 to %scan3A_135 step %scan3A_136  : i32 {
        %add3A_140 = arith.addi %mul3A_130, %scan3A_139 : i32
        %broadcast_in_dim3A = vector.broadcast %add3A_140 : i32 to vector<16xi32>
        %gather3A = tpu.vector_load_idx %arg13[%broadcast_in_dim3A] : memref<640xf32, #tpu.memory_space<vmem>>[vector<16xi32>], vector<16xf32>,
        %get3A = arith.index_cast %scan3A_139 : i32 to index
        %get3A_141 = arith.constant 0 : index
        %get3A_142 = tpu.vector_load %arg11[%get3A, %get3A_141] {strides = array<i32>} : memref<128x16xf32, #tpu.memory_space<vmem>>, vector<16xf32>,
        %mul3A_143 = arith.mulf %get3A_142, %gather3A : vector<16xf32>
        %swap3A = arith.index_cast %scan3A_139 : i32 to index
        %swap3A_144 = arith.constant 0 : index
        %swap3A_145 = tpu.vector_load %arg11[%swap3A, %swap3A_144] {strides = array<i32>} : memref<128x16xf32, #tpu.memory_space<vmem>>, vector<16xf32>,
        tpu.vector_store %arg11[%swap3A, %swap3A_144], %mul3A_143 {strides = array<i32>} : memref<128x16xf32, #tpu.memory_space<vmem>>, vector<16xf32>,
      }
      %scan3A_137 = arith.constant 128 : i32
      %add3A_138 = arith.addi %mul3A_2, %mul3A_130 : i32
      "tpu.region"() ({
        %run_scoped3A = tpu.sem_alloc : memref<!tpu.dma_semaphore, #tpu.memory_space<semaphore_mem>>
        %dma_start3A_139 = arith.constant 0 : i32
        %dma_start3A_140 = tpu.memref_slice %arg16[%add3A_138, %dma_start3A_139] : memref<10240x16xf32, #tpu.memory_space<vmem_shared>> -> memref<128x16xf32, #tpu.memory_space<vmem_shared>>
        %dma_start3A_141 = arith.constant 0 : i32
        %dma_start3A_142 = tpu.memref_slice %arg16[%add3A_138, %dma_start3A_141] : memref<10240x16xf32, #tpu.memory_space<vmem_shared>> -> memref<128x16xf32, #tpu.memory_space<vmem_shared>>
        tpu.enqueue_dma source(%arg11 : memref<128x16xf32, #tpu.memory_space<vmem>>) target(%dma_start3A_142 : memref<128x16xf32, #tpu.memory_space<vmem_shared>>) target_semaphore(%run_scoped3A : memref<!tpu.dma_semaphore, #tpu.memory_space<semaphore_mem>>)
        %dma_wait3A = arith.constant 0 : i32
        %dma_wait3A_143 = tpu.memref_slice %arg16[%add3A_138, %dma_wait3A] : memref<10240x16xf32, #tpu.memory_space<vmem_shared>> -> memref<128x16xf32, #tpu.memory_space<vmem_shared>>
        %dma_wait3A_144 = arith.constant 0 : i32
        %dma_wait3A_145 = tpu.memref_slice %arg16[%add3A_138, %dma_wait3A_144] : memref<10240x16xf32, #tpu.memory_space<vmem_shared>> -> memref<128x16xf32, #tpu.memory_space<vmem_shared>>
        tpu.wait_dma2 semaphore(%run_scoped3A : memref<!tpu.dma_semaphore, #tpu.memory_space<semaphore_mem>>) src(%arg11 : memref<128x16xf32, #tpu.memory_space<vmem>>) dst(%dma_wait3A_145 : memref<128x16xf32, #tpu.memory_space<vmem_shared>>)
        tpu.yield
      }) : () -> ()
    }
    %scan3A_13 = arith.constant 5 : i32
    %scan3A_14 = arith.constant 0 : i32
    %scan3A_15 = arith.constant 0 : i32
    %scan3A_16 = arith.constant 128 : i32
    %scan3A_17 = arith.addi %scan3A_15, %scan3A_16 : i32
    %scan3A_18 = arith.constant 1 : i32
    scf.for %scan3A_128 = %scan3A_15 to %scan3A_17 step %scan3A_18  : i32 {
      %broadcast_in_dim3A = arith.constant 0.000000e+00 : f32
      %broadcast_in_dim3A_129 = vector.broadcast %broadcast_in_dim3A : f32 to vector<16xf32>
      %swap3A = arith.index_cast %scan3A_128 : i32 to index
      %swap3A_130 = arith.constant 0 : index
      %swap3A_131 = tpu.vector_load %arg11[%swap3A, %swap3A_130] {strides = array<i32>} : memref<128x16xf32, #tpu.memory_space<vmem>>, vector<16xf32>,
      tpu.vector_store %arg11[%swap3A, %swap3A_130], %broadcast_in_dim3A_129 {strides = array<i32>} : memref<128x16xf32, #tpu.memory_space<vmem>>, vector<16xf32>,
    }
    %scan3A_19 = arith.constant 128 : i32
    %add3A_20 = arith.constant 0 : i32
    %add3A_21 = arith.addi %mul3A_2, %add3A_20 : i32
    "tpu.region"() ({
      %run_scoped3A = tpu.sem_alloc : memref<!tpu.dma_semaphore, #tpu.memory_space<semaphore_mem>>
      %dma_start3A_128 = arith.constant 0 : i32
      %dma_start3A_129 = tpu.memref_slice %arg17[%add3A_21, %dma_start3A_128] : memref<10240x16xf32, #tpu.memory_space<vmem_shared>> -> memref<128x16xf32, #tpu.memory_space<vmem_shared>>
      %dma_start3A_130 = arith.constant 0 : i32
      %dma_start3A_131 = tpu.memref_slice %arg17[%add3A_21, %dma_start3A_130] : memref<10240x16xf32, #tpu.memory_space<vmem_shared>> -> memref<128x16xf32, #tpu.memory_space<vmem_shared>>
      tpu.enqueue_dma source(%arg11 : memref<128x16xf32, #tpu.memory_space<vmem>>) target(%dma_start3A_131 : memref<128x16xf32, #tpu.memory_space<vmem_shared>>) target_semaphore(%run_scoped3A : memref<!tpu.dma_semaphore, #tpu.memory_space<semaphore_mem>>)
      %dma_wait3A = arith.constant 0 : i32
      %dma_wait3A_132 = tpu.memref_slice %arg17[%add3A_21, %dma_wait3A] : memref<10240x16xf32, #tpu.memory_space<vmem_shared>> -> memref<128x16xf32, #tpu.memory_space<vmem_shared>>
      %dma_wait3A_133 = arith.constant 0 : i32
      %dma_wait3A_134 = tpu.memref_slice %arg17[%add3A_21, %dma_wait3A_133] : memref<10240x16xf32, #tpu.memory_space<vmem_shared>> -> memref<128x16xf32, #tpu.memory_space<vmem_shared>>
      tpu.wait_dma2 semaphore(%run_scoped3A : memref<!tpu.dma_semaphore, #tpu.memory_space<semaphore_mem>>) src(%arg11 : memref<128x16xf32, #tpu.memory_space<vmem>>) dst(%dma_wait3A_134 : memref<128x16xf32, #tpu.memory_space<vmem_shared>>)
      tpu.yield
    }) : () -> ()
    %add3A_22 = arith.constant 128 : i32
    %add3A_23 = arith.addi %mul3A_2, %add3A_22 : i32
    "tpu.region"() ({
      %run_scoped3A = tpu.sem_alloc : memref<!tpu.dma_semaphore, #tpu.memory_space<semaphore_mem>>
      %dma_start3A_128 = arith.constant 0 : i32
      %dma_start3A_129 = tpu.memref_slice %arg17[%add3A_23, %dma_start3A_128] : memref<10240x16xf32, #tpu.memory_space<vmem_shared>> -> memref<128x16xf32, #tpu.memory_space<vmem_shared>>
      %dma_start3A_130 = arith.constant 0 : i32
      %dma_start3A_131 = tpu.memref_slice %arg17[%add3A_23, %dma_start3A_130] : memref<10240x16xf32, #tpu.memory_space<vmem_shared>> -> memref<128x16xf32, #tpu.memory_space<vmem_shared>>
      tpu.enqueue_dma source(%arg11 : memref<128x16xf32, #tpu.memory_space<vmem>>) target(%dma_start3A_131 : memref<128x16xf32, #tpu.memory_space<vmem_shared>>) target_semaphore(%run_scoped3A : memref<!tpu.dma_semaphore, #tpu.memory_space<semaphore_mem>>)
      %dma_wait3A = arith.constant 0 : i32
      %dma_wait3A_132 = tpu.memref_slice %arg17[%add3A_23, %dma_wait3A] : memref<10240x16xf32, #tpu.memory_space<vmem_shared>> -> memref<128x16xf32, #tpu.memory_space<vmem_shared>>
      %dma_wait3A_133 = arith.constant 0 : i32
      %dma_wait3A_134 = tpu.memref_slice %arg17[%add3A_23, %dma_wait3A_133] : memref<10240x16xf32, #tpu.memory_space<vmem_shared>> -> memref<128x16xf32, #tpu.memory_space<vmem_shared>>
      tpu.wait_dma2 semaphore(%run_scoped3A : memref<!tpu.dma_semaphore, #tpu.memory_space<semaphore_mem>>) src(%arg11 : memref<128x16xf32, #tpu.memory_space<vmem>>) dst(%dma_wait3A_134 : memref<128x16xf32, #tpu.memory_space<vmem_shared>>)
      tpu.yield
    }) : () -> ()
    %add3A_24 = arith.constant 256 : i32
    %add3A_25 = arith.addi %mul3A_2, %add3A_24 : i32
    "tpu.region"() ({
      %run_scoped3A = tpu.sem_alloc : memref<!tpu.dma_semaphore, #tpu.memory_space<semaphore_mem>>
      %dma_start3A_128 = arith.constant 0 : i32
      %dma_start3A_129 = tpu.memref_slice %arg17[%add3A_25, %dma_start3A_128] : memref<10240x16xf32, #tpu.memory_space<vmem_shared>> -> memref<128x16xf32, #tpu.memory_space<vmem_shared>>
      %dma_start3A_130 = arith.constant 0 : i32
      %dma_start3A_131 = tpu.memref_slice %arg17[%add3A_25, %dma_start3A_130] : memref<10240x16xf32, #tpu.memory_space<vmem_shared>> -> memref<128x16xf32, #tpu.memory_space<vmem_shared>>
      tpu.enqueue_dma source(%arg11 : memref<128x16xf32, #tpu.memory_space<vmem>>) target(%dma_start3A_131 : memref<128x16xf32, #tpu.memory_space<vmem_shared>>) target_semaphore(%run_scoped3A : memref<!tpu.dma_semaphore, #tpu.memory_space<semaphore_mem>>)
      %dma_wait3A = arith.constant 0 : i32
      %dma_wait3A_132 = tpu.memref_slice %arg17[%add3A_25, %dma_wait3A] : memref<10240x16xf32, #tpu.memory_space<vmem_shared>> -> memref<128x16xf32, #tpu.memory_space<vmem_shared>>
      %dma_wait3A_133 = arith.constant 0 : i32
      %dma_wait3A_134 = tpu.memref_slice %arg17[%add3A_25, %dma_wait3A_133] : memref<10240x16xf32, #tpu.memory_space<vmem_shared>> -> memref<128x16xf32, #tpu.memory_space<vmem_shared>>
      tpu.wait_dma2 semaphore(%run_scoped3A : memref<!tpu.dma_semaphore, #tpu.memory_space<semaphore_mem>>) src(%arg11 : memref<128x16xf32, #tpu.memory_space<vmem>>) dst(%dma_wait3A_134 : memref<128x16xf32, #tpu.memory_space<vmem_shared>>)
      tpu.yield
    }) : () -> ()
    %add3A_26 = arith.constant 384 : i32
    %add3A_27 = arith.addi %mul3A_2, %add3A_26 : i32
    "tpu.region"() ({
      %run_scoped3A = tpu.sem_alloc : memref<!tpu.dma_semaphore, #tpu.memory_space<semaphore_mem>>
      %dma_start3A_128 = arith.constant 0 : i32
      %dma_start3A_129 = tpu.memref_slice %arg17[%add3A_27, %dma_start3A_128] : memref<10240x16xf32, #tpu.memory_space<vmem_shared>> -> memref<128x16xf32, #tpu.memory_space<vmem_shared>>
      %dma_start3A_130 = arith.constant 0 : i32
      %dma_start3A_131 = tpu.memref_slice %arg17[%add3A_27, %dma_start3A_130] : memref<10240x16xf32, #tpu.memory_space<vmem_shared>> -> memref<128x16xf32, #tpu.memory_space<vmem_shared>>
      tpu.enqueue_dma source(%arg11 : memref<128x16xf32, #tpu.memory_space<vmem>>) target(%dma_start3A_131 : memref<128x16xf32, #tpu.memory_space<vmem_shared>>) target_semaphore(%run_scoped3A : memref<!tpu.dma_semaphore, #tpu.memory_space<semaphore_mem>>)
      %dma_wait3A = arith.constant 0 : i32
      %dma_wait3A_132 = tpu.memref_slice %arg17[%add3A_27, %dma_wait3A] : memref<10240x16xf32, #tpu.memory_space<vmem_shared>> -> memref<128x16xf32, #tpu.memory_space<vmem_shared>>
      %dma_wait3A_133 = arith.constant 0 : i32
      %dma_wait3A_134 = tpu.memref_slice %arg17[%add3A_27, %dma_wait3A_133] : memref<10240x16xf32, #tpu.memory_space<vmem_shared>> -> memref<128x16xf32, #tpu.memory_space<vmem_shared>>
      tpu.wait_dma2 semaphore(%run_scoped3A : memref<!tpu.dma_semaphore, #tpu.memory_space<semaphore_mem>>) src(%arg11 : memref<128x16xf32, #tpu.memory_space<vmem>>) dst(%dma_wait3A_134 : memref<128x16xf32, #tpu.memory_space<vmem_shared>>)
      tpu.yield
    }) : () -> ()
    %add3A_28 = arith.constant 512 : i32
    %add3A_29 = arith.addi %mul3A_2, %add3A_28 : i32
    "tpu.region"() ({
      %run_scoped3A = tpu.sem_alloc : memref<!tpu.dma_semaphore, #tpu.memory_space<semaphore_mem>>
      %dma_start3A_128 = arith.constant 0 : i32
      %dma_start3A_129 = tpu.memref_slice %arg17[%add3A_29, %dma_start3A_128] : memref<10240x16xf32, #tpu.memory_space<vmem_shared>> -> memref<128x16xf32, #tpu.memory_space<vmem_shared>>
      %dma_start3A_130 = arith.constant 0 : i32
      %dma_start3A_131 = tpu.memref_slice %arg17[%add3A_29, %dma_start3A_130] : memref<10240x16xf32, #tpu.memory_space<vmem_shared>> -> memref<128x16xf32, #tpu.memory_space<vmem_shared>>
      tpu.enqueue_dma source(%arg11 : memref<128x16xf32, #tpu.memory_space<vmem>>) target(%dma_start3A_131 : memref<128x16xf32, #tpu.memory_space<vmem_shared>>) target_semaphore(%run_scoped3A : memref<!tpu.dma_semaphore, #tpu.memory_space<semaphore_mem>>)
      %dma_wait3A = arith.constant 0 : i32
      %dma_wait3A_132 = tpu.memref_slice %arg17[%add3A_29, %dma_wait3A] : memref<10240x16xf32, #tpu.memory_space<vmem_shared>> -> memref<128x16xf32, #tpu.memory_space<vmem_shared>>
      %dma_wait3A_133 = arith.constant 0 : i32
      %dma_wait3A_134 = tpu.memref_slice %arg17[%add3A_29, %dma_wait3A_133] : memref<10240x16xf32, #tpu.memory_space<vmem_shared>> -> memref<128x16xf32, #tpu.memory_space<vmem_shared>>
      tpu.wait_dma2 semaphore(%run_scoped3A : memref<!tpu.dma_semaphore, #tpu.memory_space<semaphore_mem>>) src(%arg11 : memref<128x16xf32, #tpu.memory_space<vmem>>) dst(%dma_wait3A_134 : memref<128x16xf32, #tpu.memory_space<vmem_shared>>)
      tpu.yield
    }) : () -> ()
    %mul3A_30 = arith.constant 80 : i32
    %mul3A_31 = arith.muli %add3A, %mul3A_30 : i32
    "tpu.region"() ({
      %run_scoped3A = tpu.sem_alloc : memref<!tpu.dma_semaphore, #tpu.memory_space<semaphore_mem>>
      %dma_start3A_128 = arith.constant 0 : i32
      %dma_start3A_129 = tpu.memref_slice %arg5[%mul3A_31, %dma_start3A_128] : memref<5120x128xi32, #tpu.memory_space<hbm>> -> memref<80x128xi32, #tpu.memory_space<hbm>>
      %dma_start3A_130 = arith.constant 0 : i32
      %dma_start3A_131 = tpu.memref_slice %arg5[%mul3A_31, %dma_start3A_130] : memref<5120x128xi32, #tpu.memory_space<hbm>> -> memref<80x128xi32, #tpu.memory_space<hbm>>
      tpu.enqueue_dma source(%dma_start3A_131 : memref<80x128xi32, #tpu.memory_space<hbm>>) target(%arg8 : memref<80x128xi32, #tpu.memory_space<vmem>>) target_semaphore(%run_scoped3A : memref<!tpu.dma_semaphore, #tpu.memory_space<semaphore_mem>>)
      %dma_wait3A = arith.constant 0 : i32
      %dma_wait3A_132 = tpu.memref_slice %arg5[%mul3A_31, %dma_wait3A] : memref<5120x128xi32, #tpu.memory_space<hbm>> -> memref<80x128xi32, #tpu.memory_space<hbm>>
      %dma_wait3A_133 = arith.constant 0 : i32
      %dma_wait3A_134 = tpu.memref_slice %arg5[%mul3A_31, %dma_wait3A_133] : memref<5120x128xi32, #tpu.memory_space<hbm>> -> memref<80x128xi32, #tpu.memory_space<hbm>>
      tpu.wait_dma2 semaphore(%run_scoped3A : memref<!tpu.dma_semaphore, #tpu.memory_space<semaphore_mem>>) src(%dma_wait3A_134 : memref<80x128xi32, #tpu.memory_space<hbm>>) dst(%arg8 : memref<80x128xi32, #tpu.memory_space<vmem>>)
      tpu.yield
    }) : () -> ()
    %mul3A_32 = arith.constant 80 : i32
    %mul3A_33 = arith.muli %add3A, %mul3A_32 : i32
    %add3A_34 = arith.constant 2560 : i32
    %add3A_35 = arith.addi %add3A_34, %mul3A_33 : i32
    "tpu.region"() ({
      %run_scoped3A = tpu.sem_alloc : memref<!tpu.dma_semaphore, #tpu.memory_space<semaphore_mem>>
      %dma_start3A_128 = arith.constant 0 : i32
      %dma_start3A_129 = tpu.memref_slice %arg5[%add3A_35, %dma_start3A_128] : memref<5120x128xi32, #tpu.memory_space<hbm>> -> memref<80x128xi32, #tpu.memory_space<hbm>>
      %dma_start3A_130 = arith.constant 0 : i32
      %dma_start3A_131 = tpu.memref_slice %arg5[%add3A_35, %dma_start3A_130] : memref<5120x128xi32, #tpu.memory_space<hbm>> -> memref<80x128xi32, #tpu.memory_space<hbm>>
      tpu.enqueue_dma source(%dma_start3A_131 : memref<80x128xi32, #tpu.memory_space<hbm>>) target(%arg9 : memref<80x128xi32, #tpu.memory_space<vmem>>) target_semaphore(%run_scoped3A : memref<!tpu.dma_semaphore, #tpu.memory_space<semaphore_mem>>)
      %dma_wait3A = arith.constant 0 : i32
      %dma_wait3A_132 = tpu.memref_slice %arg5[%add3A_35, %dma_wait3A] : memref<5120x128xi32, #tpu.memory_space<hbm>> -> memref<80x128xi32, #tpu.memory_space<hbm>>
      %dma_wait3A_133 = arith.constant 0 : i32
      %dma_wait3A_134 = tpu.memref_slice %arg5[%add3A_35, %dma_wait3A_133] : memref<5120x128xi32, #tpu.memory_space<hbm>> -> memref<80x128xi32, #tpu.memory_space<hbm>>
      tpu.wait_dma2 semaphore(%run_scoped3A : memref<!tpu.dma_semaphore, #tpu.memory_space<semaphore_mem>>) src(%dma_wait3A_134 : memref<80x128xi32, #tpu.memory_space<hbm>>) dst(%arg9 : memref<80x128xi32, #tpu.memory_space<vmem>>)
      tpu.yield
    }) : () -> ()
    %barrier3A = arith.constant 0 : index
    tpu.barrier barrier_id(%barrier3A)
    %dma_start3A = arith.constant 0 : i32
    %dma_start3A_36 = arith.constant 0 : i32
    %dma_start3A_37 = arith.constant 0 : i32
    %dma_start3A_38 = tpu.memref_slice %arg10[%dma_start3A_36, %dma_start3A_37] : memref<2048x16xf32, #tpu.memory_space<vmem>> -> memref<128x16xf32, #tpu.memory_space<vmem>>
    %dma_start3A_39 = arith.constant 0 : i32
    %dma_start3A_40 = tpu.memref_slice %arg8[%dma_start3A, %dma_start3A_39] : memref<80x128xi32, #tpu.memory_space<vmem>> -> memref<1x128xi32, #tpu.memory_space<vmem>>
    %dma_start3A_41 = tpu.memref_squeeze %dma_start3A_40 : memref<1x128xi32, #tpu.memory_space<vmem>> -> memref<128xi32, #tpu.memory_space<vmem>>
    %dma_start3A_42 = arith.constant 0 : i32
    %dma_start3A_43 = arith.constant 0 : i32
    %dma_start3A_44 = tpu.memref_slice %arg16[%dma_start3A_42, %dma_start3A_43] : memref<10240x16xf32, #tpu.memory_space<vmem_shared>> -> memref<10240x16xf32, #tpu.memory_space<vmem_shared>>
    tpu.enqueue_indirect_dma source(%dma_start3A_44 : memref<10240x16xf32, #tpu.memory_space<vmem_shared>>) target(%dma_start3A_38 : memref<128x16xf32, #tpu.memory_space<vmem>>) offsets(%dma_start3A_41 : memref<128xi32, #tpu.memory_space<vmem>>) semaphore(%arg18 : memref<!tpu.dma_semaphore, #tpu.memory_space<semaphore_mem>>)
    %dma_start3A_45 = arith.constant 1 : i32
    %dma_start3A_46 = arith.constant 128 : i32
    %dma_start3A_47 = arith.constant 0 : i32
    %dma_start3A_48 = tpu.memref_slice %arg10[%dma_start3A_46, %dma_start3A_47] : memref<2048x16xf32, #tpu.memory_space<vmem>> -> memref<128x16xf32, #tpu.memory_space<vmem>>
    %dma_start3A_49 = arith.constant 0 : i32
    %dma_start3A_50 = tpu.memref_slice %arg8[%dma_start3A_45, %dma_start3A_49] : memref<80x128xi32, #tpu.memory_space<vmem>> -> memref<1x128xi32, #tpu.memory_space<vmem>>
    %dma_start3A_51 = tpu.memref_squeeze %dma_start3A_50 : memref<1x128xi32, #tpu.memory_space<vmem>> -> memref<128xi32, #tpu.memory_space<vmem>>
    %dma_start3A_52 = arith.constant 0 : i32
    %dma_start3A_53 = arith.constant 0 : i32
    %dma_start3A_54 = tpu.memref_slice %arg16[%dma_start3A_52, %dma_start3A_53] : memref<10240x16xf32, #tpu.memory_space<vmem_shared>> -> memref<10240x16xf32, #tpu.memory_space<vmem_shared>>
    tpu.enqueue_indirect_dma source(%dma_start3A_54 : memref<10240x16xf32, #tpu.memory_space<vmem_shared>>) target(%dma_start3A_48 : memref<128x16xf32, #tpu.memory_space<vmem>>) offsets(%dma_start3A_51 : memref<128xi32, #tpu.memory_space<vmem>>) semaphore(%arg18 : memref<!tpu.dma_semaphore, #tpu.memory_space<semaphore_mem>>)
    %dma_start3A_55 = arith.constant 2 : i32
    %dma_start3A_56 = arith.constant 256 : i32
    %dma_start3A_57 = arith.constant 0 : i32
    %dma_start3A_58 = tpu.memref_slice %arg10[%dma_start3A_56, %dma_start3A_57] : memref<2048x16xf32, #tpu.memory_space<vmem>> -> memref<128x16xf32, #tpu.memory_space<vmem>>
    %dma_start3A_59 = arith.constant 0 : i32
    %dma_start3A_60 = tpu.memref_slice %arg8[%dma_start3A_55, %dma_start3A_59] : memref<80x128xi32, #tpu.memory_space<vmem>> -> memref<1x128xi32, #tpu.memory_space<vmem>>
    %dma_start3A_61 = tpu.memref_squeeze %dma_start3A_60 : memref<1x128xi32, #tpu.memory_space<vmem>> -> memref<128xi32, #tpu.memory_space<vmem>>
    %dma_start3A_62 = arith.constant 0 : i32
    %dma_start3A_63 = arith.constant 0 : i32
    %dma_start3A_64 = tpu.memref_slice %arg16[%dma_start3A_62, %dma_start3A_63] : memref<10240x16xf32, #tpu.memory_space<vmem_shared>> -> memref<10240x16xf32, #tpu.memory_space<vmem_shared>>
    tpu.enqueue_indirect_dma source(%dma_start3A_64 : memref<10240x16xf32, #tpu.memory_space<vmem_shared>>) target(%dma_start3A_58 : memref<128x16xf32, #tpu.memory_space<vmem>>) offsets(%dma_start3A_61 : memref<128xi32, #tpu.memory_space<vmem>>) semaphore(%arg18 : memref<!tpu.dma_semaphore, #tpu.memory_space<semaphore_mem>>)
    %dma_start3A_65 = arith.constant 3 : i32
    %dma_start3A_66 = arith.constant 384 : i32
    %dma_start3A_67 = arith.constant 0 : i32
    %dma_start3A_68 = tpu.memref_slice %arg10[%dma_start3A_66, %dma_start3A_67] : memref<2048x16xf32, #tpu.memory_space<vmem>> -> memref<128x16xf32, #tpu.memory_space<vmem>>
    %dma_start3A_69 = arith.constant 0 : i32
    %dma_start3A_70 = tpu.memref_slice %arg8[%dma_start3A_65, %dma_start3A_69] : memref<80x128xi32, #tpu.memory_space<vmem>> -> memref<1x128xi32, #tpu.memory_space<vmem>>
    %dma_start3A_71 = tpu.memref_squeeze %dma_start3A_70 : memref<1x128xi32, #tpu.memory_space<vmem>> -> memref<128xi32, #tpu.memory_space<vmem>>
    %dma_start3A_72 = arith.constant 0 : i32
    %dma_start3A_73 = arith.constant 0 : i32
    %dma_start3A_74 = tpu.memref_slice %arg16[%dma_start3A_72, %dma_start3A_73] : memref<10240x16xf32, #tpu.memory_space<vmem_shared>> -> memref<10240x16xf32, #tpu.memory_space<vmem_shared>>
    tpu.enqueue_indirect_dma source(%dma_start3A_74 : memref<10240x16xf32, #tpu.memory_space<vmem_shared>>) target(%dma_start3A_68 : memref<128x16xf32, #tpu.memory_space<vmem>>) offsets(%dma_start3A_71 : memref<128xi32, #tpu.memory_space<vmem>>) semaphore(%arg18 : memref<!tpu.dma_semaphore, #tpu.memory_space<semaphore_mem>>)
    %dma_start3A_75 = arith.constant 4 : i32
    %dma_start3A_76 = arith.constant 512 : i32
    %dma_start3A_77 = arith.constant 0 : i32
    %dma_start3A_78 = tpu.memref_slice %arg10[%dma_start3A_76, %dma_start3A_77] : memref<2048x16xf32, #tpu.memory_space<vmem>> -> memref<128x16xf32, #tpu.memory_space<vmem>>
    %dma_start3A_79 = arith.constant 0 : i32
    %dma_start3A_80 = tpu.memref_slice %arg8[%dma_start3A_75, %dma_start3A_79] : memref<80x128xi32, #tpu.memory_space<vmem>> -> memref<1x128xi32, #tpu.memory_space<vmem>>
    %dma_start3A_81 = tpu.memref_squeeze %dma_start3A_80 : memref<1x128xi32, #tpu.memory_space<vmem>> -> memref<128xi32, #tpu.memory_space<vmem>>
    %dma_start3A_82 = arith.constant 0 : i32
    %dma_start3A_83 = arith.constant 0 : i32
    %dma_start3A_84 = tpu.memref_slice %arg16[%dma_start3A_82, %dma_start3A_83] : memref<10240x16xf32, #tpu.memory_space<vmem_shared>> -> memref<10240x16xf32, #tpu.memory_space<vmem_shared>>
    tpu.enqueue_indirect_dma source(%dma_start3A_84 : memref<10240x16xf32, #tpu.memory_space<vmem_shared>>) target(%dma_start3A_78 : memref<128x16xf32, #tpu.memory_space<vmem>>) offsets(%dma_start3A_81 : memref<128xi32, #tpu.memory_space<vmem>>) semaphore(%arg18 : memref<!tpu.dma_semaphore, #tpu.memory_space<semaphore_mem>>)
    %dma_start3A_85 = arith.constant 5 : i32
    %dma_start3A_86 = arith.constant 640 : i32
    %dma_start3A_87 = arith.constant 0 : i32
    %dma_start3A_88 = tpu.memref_slice %arg10[%dma_start3A_86, %dma_start3A_87] : memref<2048x16xf32, #tpu.memory_space<vmem>> -> memref<128x16xf32, #tpu.memory_space<vmem>>
    %dma_start3A_89 = arith.constant 0 : i32
    %dma_start3A_90 = tpu.memref_slice %arg8[%dma_start3A_85, %dma_start3A_89] : memref<80x128xi32, #tpu.memory_space<vmem>> -> memref<1x128xi32, #tpu.memory_space<vmem>>
    %dma_start3A_91 = tpu.memref_squeeze %dma_start3A_90 : memref<1x128xi32, #tpu.memory_space<vmem>> -> memref<128xi32, #tpu.memory_space<vmem>>
    %dma_start3A_92 = arith.constant 0 : i32
    %dma_start3A_93 = arith.constant 0 : i32
    %dma_start3A_94 = tpu.memref_slice %arg16[%dma_start3A_92, %dma_start3A_93] : memref<10240x16xf32, #tpu.memory_space<vmem_shared>> -> memref<10240x16xf32, #tpu.memory_space<vmem_shared>>
    tpu.enqueue_indirect_dma source(%dma_start3A_94 : memref<10240x16xf32, #tpu.memory_space<vmem_shared>>) target(%dma_start3A_88 : memref<128x16xf32, #tpu.memory_space<vmem>>) offsets(%dma_start3A_91 : memref<128xi32, #tpu.memory_space<vmem>>) semaphore(%arg18 : memref<!tpu.dma_semaphore, #tpu.memory_space<semaphore_mem>>)
    %dma_start3A_95 = arith.constant 6 : i32
    %dma_start3A_96 = arith.constant 768 : i32
    %dma_start3A_97 = arith.constant 0 : i32
    %dma_start3A_98 = tpu.memref_slice %arg10[%dma_start3A_96, %dma_start3A_97] : memref<2048x16xf32, #tpu.memory_space<vmem>> -> memref<128x16xf32, #tpu.memory_space<vmem>>
    %dma_start3A_99 = arith.constant 0 : i32
    %dma_start3A_100 = tpu.memref_slice %arg8[%dma_start3A_95, %dma_start3A_99] : memref<80x128xi32, #tpu.memory_space<vmem>> -> memref<1x128xi32, #tpu.memory_space<vmem>>
    %dma_start3A_101 = tpu.memref_squeeze %dma_start3A_100 : memref<1x128xi32, #tpu.memory_space<vmem>> -> memref<128xi32, #tpu.memory_space<vmem>>
    %dma_start3A_102 = arith.constant 0 : i32
    %dma_start3A_103 = arith.constant 0 : i32
    %dma_start3A_104 = tpu.memref_slice %arg16[%dma_start3A_102, %dma_start3A_103] : memref<10240x16xf32, #tpu.memory_space<vmem_shared>> -> memref<10240x16xf32, #tpu.memory_space<vmem_shared>>
    tpu.enqueue_indirect_dma source(%dma_start3A_104 : memref<10240x16xf32, #tpu.memory_space<vmem_shared>>) target(%dma_start3A_98 : memref<128x16xf32, #tpu.memory_space<vmem>>) offsets(%dma_start3A_101 : memref<128xi32, #tpu.memory_space<vmem>>) semaphore(%arg18 : memref<!tpu.dma_semaphore, #tpu.memory_space<semaphore_mem>>)
    %dma_start3A_105 = arith.constant 7 : i32
    %dma_start3A_106 = arith.constant 896 : i32
    %dma_start3A_107 = arith.constant 0 : i32
    %dma_start3A_108 = tpu.memref_slice %arg10[%dma_start3A_106, %dma_start3A_107] : memref<2048x16xf32, #tpu.memory_space<vmem>> -> memref<128x16xf32, #tpu.memory_space<vmem>>
    %dma_start3A_109 = arith.constant 0 : i32
    %dma_start3A_110 = tpu.memref_slice %arg8[%dma_start3A_105, %dma_start3A_109] : memref<80x128xi32, #tpu.memory_space<vmem>> -> memref<1x128xi32, #tpu.memory_space<vmem>>
    %dma_start3A_111 = tpu.memref_squeeze %dma_start3A_110 : memref<1x128xi32, #tpu.memory_space<vmem>> -> memref<128xi32, #tpu.memory_space<vmem>>
    %dma_start3A_112 = arith.constant 0 : i32
    %dma_start3A_113 = arith.constant 0 : i32
    %dma_start3A_114 = tpu.memref_slice %arg16[%dma_start3A_112, %dma_start3A_113] : memref<10240x16xf32, #tpu.memory_space<vmem_shared>> -> memref<10240x16xf32, #tpu.memory_space<vmem_shared>>
    tpu.enqueue_indirect_dma source(%dma_start3A_114 : memref<10240x16xf32, #tpu.memory_space<vmem_shared>>) target(%dma_start3A_108 : memref<128x16xf32, #tpu.memory_space<vmem>>) offsets(%dma_start3A_111 : memref<128xi32, #tpu.memory_space<vmem>>) semaphore(%arg18 : memref<!tpu.dma_semaphore, #tpu.memory_space<semaphore_mem>>)
    %scan3A_115 = arith.constant 0 : i32
    %scan3A_116 = arith.constant 0 : i32
    %scan3A_117 = arith.constant 5 : i32
    %scan3A_118 = arith.addi %scan3A_116, %scan3A_117 : i32
    %scan3A_119 = arith.constant 1 : i32
    scf.for %scan3A_128 = %scan3A_116 to %scan3A_118 step %scan3A_119  : i32 {
      %mul3A_129 = arith.constant 2 : i32
      %mul3A_130 = arith.muli %mul3A_129, %scan3A_128 : i32
      %add3A_131 = arith.constant 1 : i32
      %add3A_132 = arith.addi %mul3A_130, %add3A_131 : i32
      %mul3A_133 = arith.constant 8 : i32
      %mul3A_134 = arith.muli %add3A_132, %mul3A_133 : i32
      %add3A_135 = arith.constant 0 : i32
      %add3A_136 = arith.addi %mul3A_134, %add3A_135 : i32
      %dma_start3A_137 = arith.constant 1024 : i32
      %dma_start3A_138 = arith.constant 0 : i32
      %dma_start3A_139 = tpu.memref_slice %arg10[%dma_start3A_137, %dma_start3A_138] : memref<2048x16xf32, #tpu.memory_space<vmem>> -> memref<128x16xf32, #tpu.memory_space<vmem>>
      %dma_start3A_140 = arith.constant 0 : i32
      %dma_start3A_141 = tpu.memref_slice %arg8[%add3A_136, %dma_start3A_140] : memref<80x128xi32, #tpu.memory_space<vmem>> -> memref<1x128xi32, #tpu.memory_space<vmem>>
      %dma_start3A_142 = tpu.memref_squeeze %dma_start3A_141 : memref<1x128xi32, #tpu.memory_space<vmem>> -> memref<128xi32, #tpu.memory_space<vmem>>
      %dma_start3A_143 = arith.constant 0 : i32
      %dma_start3A_144 = arith.constant 0 : i32
      %dma_start3A_145 = tpu.memref_slice %arg16[%dma_start3A_143, %dma_start3A_144] : memref<10240x16xf32, #tpu.memory_space<vmem_shared>> -> memref<10240x16xf32, #tpu.memory_space<vmem_shared>>
      tpu.enqueue_indirect_dma source(%dma_start3A_145 : memref<10240x16xf32, #tpu.memory_space<vmem_shared>>) target(%dma_start3A_139 : memref<128x16xf32, #tpu.memory_space<vmem>>) offsets(%dma_start3A_142 : memref<128xi32, #tpu.memory_space<vmem>>) semaphore(%arg19 : memref<!tpu.dma_semaphore, #tpu.memory_space<semaphore_mem>>)
      %mul3A_146 = arith.constant 8 : i32
      %mul3A_147 = arith.muli %add3A_132, %mul3A_146 : i32
      %add3A_148 = arith.constant 1 : i32
      %add3A_149 = arith.addi %mul3A_147, %add3A_148 : i32
      %dma_start3A_150 = arith.constant 1152 : i32
      %dma_start3A_151 = arith.constant 0 : i32
      %dma_start3A_152 = tpu.memref_slice %arg10[%dma_start3A_150, %dma_start3A_151] : memref<2048x16xf32, #tpu.memory_space<vmem>> -> memref<128x16xf32, #tpu.memory_space<vmem>>
      %dma_start3A_153 = arith.constant 0 : i32
      %dma_start3A_154 = tpu.memref_slice %arg8[%add3A_149, %dma_start3A_153] : memref<80x128xi32, #tpu.memory_space<vmem>> -> memref<1x128xi32, #tpu.memory_space<vmem>>
      %dma_start3A_155 = tpu.memref_squeeze %dma_start3A_154 : memref<1x128xi32, #tpu.memory_space<vmem>> -> memref<128xi32, #tpu.memory_space<vmem>>
      %dma_start3A_156 = arith.constant 0 : i32
      %dma_start3A_157 = arith.constant 0 : i32
      %dma_start3A_158 = tpu.memref_slice %arg16[%dma_start3A_156, %dma_start3A_157] : memref<10240x16xf32, #tpu.memory_space<vmem_shared>> -> memref<10240x16xf32, #tpu.memory_space<vmem_shared>>
      tpu.enqueue_indirect_dma source(%dma_start3A_158 : memref<10240x16xf32, #tpu.memory_space<vmem_shared>>) target(%dma_start3A_152 : memref<128x16xf32, #tpu.memory_space<vmem>>) offsets(%dma_start3A_155 : memref<128xi32, #tpu.memory_space<vmem>>) semaphore(%arg19 : memref<!tpu.dma_semaphore, #tpu.memory_space<semaphore_mem>>)
      %mul3A_159 = arith.constant 8 : i32
      %mul3A_160 = arith.muli %add3A_132, %mul3A_159 : i32
      %add3A_161 = arith.constant 2 : i32
      %add3A_162 = arith.addi %mul3A_160, %add3A_161 : i32
      %dma_start3A_163 = arith.constant 1280 : i32
      %dma_start3A_164 = arith.constant 0 : i32
      %dma_start3A_165 = tpu.memref_slice %arg10[%dma_start3A_163, %dma_start3A_164] : memref<2048x16xf32, #tpu.memory_space<vmem>> -> memref<128x16xf32, #tpu.memory_space<vmem>>
      %dma_start3A_166 = arith.constant 0 : i32
      %dma_start3A_167 = tpu.memref_slice %arg8[%add3A_162, %dma_start3A_166] : memref<80x128xi32, #tpu.memory_space<vmem>> -> memref<1x128xi32, #tpu.memory_space<vmem>>
      %dma_start3A_168 = tpu.memref_squeeze %dma_start3A_167 : memref<1x128xi32, #tpu.memory_space<vmem>> -> memref<128xi32, #tpu.memory_space<vmem>>
      %dma_start3A_169 = arith.constant 0 : i32
      %dma_start3A_170 = arith.constant 0 : i32
      %dma_start3A_171 = tpu.memref_slice %arg16[%dma_start3A_169, %dma_start3A_170] : memref<10240x16xf32, #tpu.memory_space<vmem_shared>> -> memref<10240x16xf32, #tpu.memory_space<vmem_shared>>
      tpu.enqueue_indirect_dma source(%dma_start3A_171 : memref<10240x16xf32, #tpu.memory_space<vmem_shared>>) target(%dma_start3A_165 : memref<128x16xf32, #tpu.memory_space<vmem>>) offsets(%dma_start3A_168 : memref<128xi32, #tpu.memory_space<vmem>>) semaphore(%arg19 : memref<!tpu.dma_semaphore, #tpu.memory_space<semaphore_mem>>)
      %mul3A_172 = arith.constant 8 : i32
      %mul3A_173 = arith.muli %add3A_132, %mul3A_172 : i32
      %add3A_174 = arith.constant 3 : i32
      %add3A_175 = arith.addi %mul3A_173, %add3A_174 : i32
      %dma_start3A_176 = arith.constant 1408 : i32
      %dma_start3A_177 = arith.constant 0 : i32
      %dma_start3A_178 = tpu.memref_slice %arg10[%dma_start3A_176, %dma_start3A_177] : memref<2048x16xf32, #tpu.memory_space<vmem>> -> memref<128x16xf32, #tpu.memory_space<vmem>>
      %dma_start3A_179 = arith.constant 0 : i32
      %dma_start3A_180 = tpu.memref_slice %arg8[%add3A_175, %dma_start3A_179] : memref<80x128xi32, #tpu.memory_space<vmem>> -> memref<1x128xi32, #tpu.memory_space<vmem>>
      %dma_start3A_181 = tpu.memref_squeeze %dma_start3A_180 : memref<1x128xi32, #tpu.memory_space<vmem>> -> memref<128xi32, #tpu.memory_space<vmem>>
      %dma_start3A_182 = arith.constant 0 : i32
      %dma_start3A_183 = arith.constant 0 : i32
      %dma_start3A_184 = tpu.memref_slice %arg16[%dma_start3A_182, %dma_start3A_183] : memref<10240x16xf32, #tpu.memory_space<vmem_shared>> -> memref<10240x16xf32, #tpu.memory_space<vmem_shared>>
      tpu.enqueue_indirect_dma source(%dma_start3A_184 : memref<10240x16xf32, #tpu.memory_space<vmem_shared>>) target(%dma_start3A_178 : memref<128x16xf32, #tpu.memory_space<vmem>>) offsets(%dma_start3A_181 : memref<128xi32, #tpu.memory_space<vmem>>) semaphore(%arg19 : memref<!tpu.dma_semaphore, #tpu.memory_space<semaphore_mem>>)
      %mul3A_185 = arith.constant 8 : i32
      %mul3A_186 = arith.muli %add3A_132, %mul3A_185 : i32
      %add3A_187 = arith.constant 4 : i32
      %add3A_188 = arith.addi %mul3A_186, %add3A_187 : i32
      %dma_start3A_189 = arith.constant 1536 : i32
      %dma_start3A_190 = arith.constant 0 : i32
      %dma_start3A_191 = tpu.memref_slice %arg10[%dma_start3A_189, %dma_start3A_190] : memref<2048x16xf32, #tpu.memory_space<vmem>> -> memref<128x16xf32, #tpu.memory_space<vmem>>
      %dma_start3A_192 = arith.constant 0 : i32
      %dma_start3A_193 = tpu.memref_slice %arg8[%add3A_188, %dma_start3A_192] : memref<80x128xi32, #tpu.memory_space<vmem>> -> memref<1x128xi32, #tpu.memory_space<vmem>>
      %dma_start3A_194 = tpu.memref_squeeze %dma_start3A_193 : memref<1x128xi32, #tpu.memory_space<vmem>> -> memref<128xi32, #tpu.memory_space<vmem>>
      %dma_start3A_195 = arith.constant 0 : i32
      %dma_start3A_196 = arith.constant 0 : i32
      %dma_start3A_197 = tpu.memref_slice %arg16[%dma_start3A_195, %dma_start3A_196] : memref<10240x16xf32, #tpu.memory_space<vmem_shared>> -> memref<10240x16xf32, #tpu.memory_space<vmem_shared>>
      tpu.enqueue_indirect_dma source(%dma_start3A_197 : memref<10240x16xf32, #tpu.memory_space<vmem_shared>>) target(%dma_start3A_191 : memref<128x16xf32, #tpu.memory_space<vmem>>) offsets(%dma_start3A_194 : memref<128xi32, #tpu.memory_space<vmem>>) semaphore(%arg19 : memref<!tpu.dma_semaphore, #tpu.memory_space<semaphore_mem>>)
      %mul3A_198 = arith.constant 8 : i32
      %mul3A_199 = arith.muli %add3A_132, %mul3A_198 : i32
      %add3A_200 = arith.constant 5 : i32
      %add3A_201 = arith.addi %mul3A_199, %add3A_200 : i32
      %dma_start3A_202 = arith.constant 1664 : i32
      %dma_start3A_203 = arith.constant 0 : i32
      %dma_start3A_204 = tpu.memref_slice %arg10[%dma_start3A_202, %dma_start3A_203] : memref<2048x16xf32, #tpu.memory_space<vmem>> -> memref<128x16xf32, #tpu.memory_space<vmem>>
      %dma_start3A_205 = arith.constant 0 : i32
      %dma_start3A_206 = tpu.memref_slice %arg8[%add3A_201, %dma_start3A_205] : memref<80x128xi32, #tpu.memory_space<vmem>> -> memref<1x128xi32, #tpu.memory_space<vmem>>
      %dma_start3A_207 = tpu.memref_squeeze %dma_start3A_206 : memref<1x128xi32, #tpu.memory_space<vmem>> -> memref<128xi32, #tpu.memory_space<vmem>>
      %dma_start3A_208 = arith.constant 0 : i32
      %dma_start3A_209 = arith.constant 0 : i32
      %dma_start3A_210 = tpu.memref_slice %arg16[%dma_start3A_208, %dma_start3A_209] : memref<10240x16xf32, #tpu.memory_space<vmem_shared>> -> memref<10240x16xf32, #tpu.memory_space<vmem_shared>>
      tpu.enqueue_indirect_dma source(%dma_start3A_210 : memref<10240x16xf32, #tpu.memory_space<vmem_shared>>) target(%dma_start3A_204 : memref<128x16xf32, #tpu.memory_space<vmem>>) offsets(%dma_start3A_207 : memref<128xi32, #tpu.memory_space<vmem>>) semaphore(%arg19 : memref<!tpu.dma_semaphore, #tpu.memory_space<semaphore_mem>>)
      %mul3A_211 = arith.constant 8 : i32
      %mul3A_212 = arith.muli %add3A_132, %mul3A_211 : i32
      %add3A_213 = arith.constant 6 : i32
      %add3A_214 = arith.addi %mul3A_212, %add3A_213 : i32
      %dma_start3A_215 = arith.constant 1792 : i32
      %dma_start3A_216 = arith.constant 0 : i32
      %dma_start3A_217 = tpu.memref_slice %arg10[%dma_start3A_215, %dma_start3A_216] : memref<2048x16xf32, #tpu.memory_space<vmem>> -> memref<128x16xf32, #tpu.memory_space<vmem>>
      %dma_start3A_218 = arith.constant 0 : i32
      %dma_start3A_219 = tpu.memref_slice %arg8[%add3A_214, %dma_start3A_218] : memref<80x128xi32, #tpu.memory_space<vmem>> -> memref<1x128xi32, #tpu.memory_space<vmem>>
      %dma_start3A_220 = tpu.memref_squeeze %dma_start3A_219 : memref<1x128xi32, #tpu.memory_space<vmem>> -> memref<128xi32, #tpu.memory_space<vmem>>
      %dma_start3A_221 = arith.constant 0 : i32
      %dma_start3A_222 = arith.constant 0 : i32
      %dma_start3A_223 = tpu.memref_slice %arg16[%dma_start3A_221, %dma_start3A_222] : memref<10240x16xf32, #tpu.memory_space<vmem_shared>> -> memref<10240x16xf32, #tpu.memory_space<vmem_shared>>
      tpu.enqueue_indirect_dma source(%dma_start3A_223 : memref<10240x16xf32, #tpu.memory_space<vmem_shared>>) target(%dma_start3A_217 : memref<128x16xf32, #tpu.memory_space<vmem>>) offsets(%dma_start3A_220 : memref<128xi32, #tpu.memory_space<vmem>>) semaphore(%arg19 : memref<!tpu.dma_semaphore, #tpu.memory_space<semaphore_mem>>)
      %mul3A_224 = arith.constant 8 : i32
      %mul3A_225 = arith.muli %add3A_132, %mul3A_224 : i32
      %add3A_226 = arith.constant 7 : i32
      %add3A_227 = arith.addi %mul3A_225, %add3A_226 : i32
      %dma_start3A_228 = arith.constant 1920 : i32
      %dma_start3A_229 = arith.constant 0 : i32
      %dma_start3A_230 = tpu.memref_slice %arg10[%dma_start3A_228, %dma_start3A_229] : memref<2048x16xf32, #tpu.memory_space<vmem>> -> memref<128x16xf32, #tpu.memory_space<vmem>>
      %dma_start3A_231 = arith.constant 0 : i32
      %dma_start3A_232 = tpu.memref_slice %arg8[%add3A_227, %dma_start3A_231] : memref<80x128xi32, #tpu.memory_space<vmem>> -> memref<1x128xi32, #tpu.memory_space<vmem>>
      %dma_start3A_233 = tpu.memref_squeeze %dma_start3A_232 : memref<1x128xi32, #tpu.memory_space<vmem>> -> memref<128xi32, #tpu.memory_space<vmem>>
      %dma_start3A_234 = arith.constant 0 : i32
      %dma_start3A_235 = arith.constant 0 : i32
      %dma_start3A_236 = tpu.memref_slice %arg16[%dma_start3A_234, %dma_start3A_235] : memref<10240x16xf32, #tpu.memory_space<vmem_shared>> -> memref<10240x16xf32, #tpu.memory_space<vmem_shared>>
      tpu.enqueue_indirect_dma source(%dma_start3A_236 : memref<10240x16xf32, #tpu.memory_space<vmem_shared>>) target(%dma_start3A_230 : memref<128x16xf32, #tpu.memory_space<vmem>>) offsets(%dma_start3A_233 : memref<128xi32, #tpu.memory_space<vmem>>) semaphore(%arg19 : memref<!tpu.dma_semaphore, #tpu.memory_space<semaphore_mem>>)
      %mul3A_237 = arith.constant 2 : i32
      %mul3A_238 = arith.muli %mul3A_237, %scan3A_128 : i32
      %mul3A_239 = arith.constant 8 : i32
      %mul3A_240 = arith.muli %mul3A_238, %mul3A_239 : i32
      %add3A_241 = arith.constant 0 : i32
      %add3A_242 = arith.addi %mul3A_240, %add3A_241 : i32
      %dma_wait3A = arith.constant 0 : i32
      %dma_wait3A_243 = arith.constant 0 : i32
      %dma_wait3A_244 = tpu.memref_slice %arg10[%dma_wait3A, %dma_wait3A_243] : memref<2048x16xf32, #tpu.memory_space<vmem>> -> memref<128x16xf32, #tpu.memory_space<vmem>>
      %dma_wait3A_245 = arith.constant 0 : i32
      %dma_wait3A_246 = tpu.memref_slice %arg8[%add3A_242, %dma_wait3A_245] : memref<80x128xi32, #tpu.memory_space<vmem>> -> memref<1x128xi32, #tpu.memory_space<vmem>>
      %dma_wait3A_247 = tpu.memref_squeeze %dma_wait3A_246 : memref<1x128xi32, #tpu.memory_space<vmem>> -> memref<128xi32, #tpu.memory_space<vmem>>
      %dma_wait3A_248 = arith.constant 0 : i32
      %dma_wait3A_249 = arith.constant 0 : i32
      %dma_wait3A_250 = tpu.memref_slice %arg16[%dma_wait3A_248, %dma_wait3A_249] : memref<10240x16xf32, #tpu.memory_space<vmem_shared>> -> memref<10240x16xf32, #tpu.memory_space<vmem_shared>>
      tpu.wait_indirect_dma semaphore(%arg18 : memref<!tpu.dma_semaphore, #tpu.memory_space<semaphore_mem>>) src(%dma_wait3A_250 : memref<10240x16xf32, #tpu.memory_space<vmem_shared>>) dst(%dma_wait3A_244 : memref<128x16xf32, #tpu.memory_space<vmem>>)
      %mul3A_251 = arith.constant 8 : i32
      %mul3A_252 = arith.muli %mul3A_238, %mul3A_251 : i32
      %add3A_253 = arith.constant 1 : i32
      %add3A_254 = arith.addi %mul3A_252, %add3A_253 : i32
      %dma_wait3A_255 = arith.constant 128 : i32
      %dma_wait3A_256 = arith.constant 0 : i32
      %dma_wait3A_257 = tpu.memref_slice %arg10[%dma_wait3A_255, %dma_wait3A_256] : memref<2048x16xf32, #tpu.memory_space<vmem>> -> memref<128x16xf32, #tpu.memory_space<vmem>>
      %dma_wait3A_258 = arith.constant 0 : i32
      %dma_wait3A_259 = tpu.memref_slice %arg8[%add3A_254, %dma_wait3A_258] : memref<80x128xi32, #tpu.memory_space<vmem>> -> memref<1x128xi32, #tpu.memory_space<vmem>>
      %dma_wait3A_260 = tpu.memref_squeeze %dma_wait3A_259 : memref<1x128xi32, #tpu.memory_space<vmem>> -> memref<128xi32, #tpu.memory_space<vmem>>
      %dma_wait3A_261 = arith.constant 0 : i32
      %dma_wait3A_262 = arith.constant 0 : i32
      %dma_wait3A_263 = tpu.memref_slice %arg16[%dma_wait3A_261, %dma_wait3A_262] : memref<10240x16xf32, #tpu.memory_space<vmem_shared>> -> memref<10240x16xf32, #tpu.memory_space<vmem_shared>>
      tpu.wait_indirect_dma semaphore(%arg18 : memref<!tpu.dma_semaphore, #tpu.memory_space<semaphore_mem>>) src(%dma_wait3A_263 : memref<10240x16xf32, #tpu.memory_space<vmem_shared>>) dst(%dma_wait3A_257 : memref<128x16xf32, #tpu.memory_space<vmem>>)
      %mul3A_264 = arith.constant 8 : i32
      %mul3A_265 = arith.muli %mul3A_238, %mul3A_264 : i32
      %add3A_266 = arith.constant 2 : i32
      %add3A_267 = arith.addi %mul3A_265, %add3A_266 : i32
      %dma_wait3A_268 = arith.constant 256 : i32
      %dma_wait3A_269 = arith.constant 0 : i32
      %dma_wait3A_270 = tpu.memref_slice %arg10[%dma_wait3A_268, %dma_wait3A_269] : memref<2048x16xf32, #tpu.memory_space<vmem>> -> memref<128x16xf32, #tpu.memory_space<vmem>>
      %dma_wait3A_271 = arith.constant 0 : i32
      %dma_wait3A_272 = tpu.memref_slice %arg8[%add3A_267, %dma_wait3A_271] : memref<80x128xi32, #tpu.memory_space<vmem>> -> memref<1x128xi32, #tpu.memory_space<vmem>>
      %dma_wait3A_273 = tpu.memref_squeeze %dma_wait3A_272 : memref<1x128xi32, #tpu.memory_space<vmem>> -> memref<128xi32, #tpu.memory_space<vmem>>
      %dma_wait3A_274 = arith.constant 0 : i32
      %dma_wait3A_275 = arith.constant 0 : i32
      %dma_wait3A_276 = tpu.memref_slice %arg16[%dma_wait3A_274, %dma_wait3A_275] : memref<10240x16xf32, #tpu.memory_space<vmem_shared>> -> memref<10240x16xf32, #tpu.memory_space<vmem_shared>>
      tpu.wait_indirect_dma semaphore(%arg18 : memref<!tpu.dma_semaphore, #tpu.memory_space<semaphore_mem>>) src(%dma_wait3A_276 : memref<10240x16xf32, #tpu.memory_space<vmem_shared>>) dst(%dma_wait3A_270 : memref<128x16xf32, #tpu.memory_space<vmem>>)
      %mul3A_277 = arith.constant 8 : i32
      %mul3A_278 = arith.muli %mul3A_238, %mul3A_277 : i32
      %add3A_279 = arith.constant 3 : i32
      %add3A_280 = arith.addi %mul3A_278, %add3A_279 : i32
      %dma_wait3A_281 = arith.constant 384 : i32
      %dma_wait3A_282 = arith.constant 0 : i32
      %dma_wait3A_283 = tpu.memref_slice %arg10[%dma_wait3A_281, %dma_wait3A_282] : memref<2048x16xf32, #tpu.memory_space<vmem>> -> memref<128x16xf32, #tpu.memory_space<vmem>>
      %dma_wait3A_284 = arith.constant 0 : i32
      %dma_wait3A_285 = tpu.memref_slice %arg8[%add3A_280, %dma_wait3A_284] : memref<80x128xi32, #tpu.memory_space<vmem>> -> memref<1x128xi32, #tpu.memory_space<vmem>>
      %dma_wait3A_286 = tpu.memref_squeeze %dma_wait3A_285 : memref<1x128xi32, #tpu.memory_space<vmem>> -> memref<128xi32, #tpu.memory_space<vmem>>
      %dma_wait3A_287 = arith.constant 0 : i32
      %dma_wait3A_288 = arith.constant 0 : i32
      %dma_wait3A_289 = tpu.memref_slice %arg16[%dma_wait3A_287, %dma_wait3A_288] : memref<10240x16xf32, #tpu.memory_space<vmem_shared>> -> memref<10240x16xf32, #tpu.memory_space<vmem_shared>>
      tpu.wait_indirect_dma semaphore(%arg18 : memref<!tpu.dma_semaphore, #tpu.memory_space<semaphore_mem>>) src(%dma_wait3A_289 : memref<10240x16xf32, #tpu.memory_space<vmem_shared>>) dst(%dma_wait3A_283 : memref<128x16xf32, #tpu.memory_space<vmem>>)
      %mul3A_290 = arith.constant 8 : i32
      %mul3A_291 = arith.muli %mul3A_238, %mul3A_290 : i32
      %add3A_292 = arith.constant 4 : i32
      %add3A_293 = arith.addi %mul3A_291, %add3A_292 : i32
      %dma_wait3A_294 = arith.constant 512 : i32
      %dma_wait3A_295 = arith.constant 0 : i32
      %dma_wait3A_296 = tpu.memref_slice %arg10[%dma_wait3A_294, %dma_wait3A_295] : memref<2048x16xf32, #tpu.memory_space<vmem>> -> memref<128x16xf32, #tpu.memory_space<vmem>>
      %dma_wait3A_297 = arith.constant 0 : i32
      %dma_wait3A_298 = tpu.memref_slice %arg8[%add3A_293, %dma_wait3A_297] : memref<80x128xi32, #tpu.memory_space<vmem>> -> memref<1x128xi32, #tpu.memory_space<vmem>>
      %dma_wait3A_299 = tpu.memref_squeeze %dma_wait3A_298 : memref<1x128xi32, #tpu.memory_space<vmem>> -> memref<128xi32, #tpu.memory_space<vmem>>
      %dma_wait3A_300 = arith.constant 0 : i32
      %dma_wait3A_301 = arith.constant 0 : i32
      %dma_wait3A_302 = tpu.memref_slice %arg16[%dma_wait3A_300, %dma_wait3A_301] : memref<10240x16xf32, #tpu.memory_space<vmem_shared>> -> memref<10240x16xf32, #tpu.memory_space<vmem_shared>>
      tpu.wait_indirect_dma semaphore(%arg18 : memref<!tpu.dma_semaphore, #tpu.memory_space<semaphore_mem>>) src(%dma_wait3A_302 : memref<10240x16xf32, #tpu.memory_space<vmem_shared>>) dst(%dma_wait3A_296 : memref<128x16xf32, #tpu.memory_space<vmem>>)
      %mul3A_303 = arith.constant 8 : i32
      %mul3A_304 = arith.muli %mul3A_238, %mul3A_303 : i32
      %add3A_305 = arith.constant 5 : i32
      %add3A_306 = arith.addi %mul3A_304, %add3A_305 : i32
      %dma_wait3A_307 = arith.constant 640 : i32
      %dma_wait3A_308 = arith.constant 0 : i32
      %dma_wait3A_309 = tpu.memref_slice %arg10[%dma_wait3A_307, %dma_wait3A_308] : memref<2048x16xf32, #tpu.memory_space<vmem>> -> memref<128x16xf32, #tpu.memory_space<vmem>>
      %dma_wait3A_310 = arith.constant 0 : i32
      %dma_wait3A_311 = tpu.memref_slice %arg8[%add3A_306, %dma_wait3A_310] : memref<80x128xi32, #tpu.memory_space<vmem>> -> memref<1x128xi32, #tpu.memory_space<vmem>>
      %dma_wait3A_312 = tpu.memref_squeeze %dma_wait3A_311 : memref<1x128xi32, #tpu.memory_space<vmem>> -> memref<128xi32, #tpu.memory_space<vmem>>
      %dma_wait3A_313 = arith.constant 0 : i32
      %dma_wait3A_314 = arith.constant 0 : i32
      %dma_wait3A_315 = tpu.memref_slice %arg16[%dma_wait3A_313, %dma_wait3A_314] : memref<10240x16xf32, #tpu.memory_space<vmem_shared>> -> memref<10240x16xf32, #tpu.memory_space<vmem_shared>>
      tpu.wait_indirect_dma semaphore(%arg18 : memref<!tpu.dma_semaphore, #tpu.memory_space<semaphore_mem>>) src(%dma_wait3A_315 : memref<10240x16xf32, #tpu.memory_space<vmem_shared>>) dst(%dma_wait3A_309 : memref<128x16xf32, #tpu.memory_space<vmem>>)
      %mul3A_316 = arith.constant 8 : i32
      %mul3A_317 = arith.muli %mul3A_238, %mul3A_316 : i32
      %add3A_318 = arith.constant 6 : i32
      %add3A_319 = arith.addi %mul3A_317, %add3A_318 : i32
      %dma_wait3A_320 = arith.constant 768 : i32
      %dma_wait3A_321 = arith.constant 0 : i32
      %dma_wait3A_322 = tpu.memref_slice %arg10[%dma_wait3A_320, %dma_wait3A_321] : memref<2048x16xf32, #tpu.memory_space<vmem>> -> memref<128x16xf32, #tpu.memory_space<vmem>>
      %dma_wait3A_323 = arith.constant 0 : i32
      %dma_wait3A_324 = tpu.memref_slice %arg8[%add3A_319, %dma_wait3A_323] : memref<80x128xi32, #tpu.memory_space<vmem>> -> memref<1x128xi32, #tpu.memory_space<vmem>>
      %dma_wait3A_325 = tpu.memref_squeeze %dma_wait3A_324 : memref<1x128xi32, #tpu.memory_space<vmem>> -> memref<128xi32, #tpu.memory_space<vmem>>
      %dma_wait3A_326 = arith.constant 0 : i32
      %dma_wait3A_327 = arith.constant 0 : i32
      %dma_wait3A_328 = tpu.memref_slice %arg16[%dma_wait3A_326, %dma_wait3A_327] : memref<10240x16xf32, #tpu.memory_space<vmem_shared>> -> memref<10240x16xf32, #tpu.memory_space<vmem_shared>>
      tpu.wait_indirect_dma semaphore(%arg18 : memref<!tpu.dma_semaphore, #tpu.memory_space<semaphore_mem>>) src(%dma_wait3A_328 : memref<10240x16xf32, #tpu.memory_space<vmem_shared>>) dst(%dma_wait3A_322 : memref<128x16xf32, #tpu.memory_space<vmem>>)
      %mul3A_329 = arith.constant 8 : i32
      %mul3A_330 = arith.muli %mul3A_238, %mul3A_329 : i32
      %add3A_331 = arith.constant 7 : i32
      %add3A_332 = arith.addi %mul3A_330, %add3A_331 : i32
      %dma_wait3A_333 = arith.constant 896 : i32
      %dma_wait3A_334 = arith.constant 0 : i32
      %dma_wait3A_335 = tpu.memref_slice %arg10[%dma_wait3A_333, %dma_wait3A_334] : memref<2048x16xf32, #tpu.memory_space<vmem>> -> memref<128x16xf32, #tpu.memory_space<vmem>>
      %dma_wait3A_336 = arith.constant 0 : i32
      %dma_wait3A_337 = tpu.memref_slice %arg8[%add3A_332, %dma_wait3A_336] : memref<80x128xi32, #tpu.memory_space<vmem>> -> memref<1x128xi32, #tpu.memory_space<vmem>>
      %dma_wait3A_338 = tpu.memref_squeeze %dma_wait3A_337 : memref<1x128xi32, #tpu.memory_space<vmem>> -> memref<128xi32, #tpu.memory_space<vmem>>
      %dma_wait3A_339 = arith.constant 0 : i32
      %dma_wait3A_340 = arith.constant 0 : i32
      %dma_wait3A_341 = tpu.memref_slice %arg16[%dma_wait3A_339, %dma_wait3A_340] : memref<10240x16xf32, #tpu.memory_space<vmem_shared>> -> memref<10240x16xf32, #tpu.memory_space<vmem_shared>>
      tpu.wait_indirect_dma semaphore(%arg18 : memref<!tpu.dma_semaphore, #tpu.memory_space<semaphore_mem>>) src(%dma_wait3A_341 : memref<10240x16xf32, #tpu.memory_space<vmem_shared>>) dst(%dma_wait3A_335 : memref<128x16xf32, #tpu.memory_space<vmem>>)
      %mul3A_342 = arith.constant 2 : i32
      %mul3A_343 = arith.muli %mul3A_342, %scan3A_128 : i32
      %mul3A_344 = arith.constant 8 : i32
      %mul3A_345 = arith.muli %mul3A_343, %mul3A_344 : i32
      %add3A_346 = arith.constant 0 : i32
      %add3A_347 = arith.addi %mul3A_345, %add3A_346 : i32
      %dma_start3A_348 = arith.constant 0 : i32
      %dma_start3A_349 = arith.constant 0 : i32
      %dma_start3A_350 = tpu.memref_slice %arg10[%dma_start3A_348, %dma_start3A_349] : memref<2048x16xf32, #tpu.memory_space<vmem>> -> memref<128x16xf32, #tpu.memory_space<vmem>>
      %dma_start3A_351 = arith.constant 0 : i32
      %dma_start3A_352 = tpu.memref_slice %arg9[%add3A_347, %dma_start3A_351] : memref<80x128xi32, #tpu.memory_space<vmem>> -> memref<1x128xi32, #tpu.memory_space<vmem>>
      %dma_start3A_353 = tpu.memref_squeeze %dma_start3A_352 : memref<1x128xi32, #tpu.memory_space<vmem>> -> memref<128xi32, #tpu.memory_space<vmem>>
      %dma_start3A_354 = arith.constant 0 : i32
      %dma_start3A_355 = arith.constant 0 : i32
      %dma_start3A_356 = tpu.memref_slice %arg17[%dma_start3A_354, %dma_start3A_355] : memref<10240x16xf32, #tpu.memory_space<vmem_shared>> -> memref<10240x16xf32, #tpu.memory_space<vmem_shared>>
      tpu.enqueue_indirect_dma source(%dma_start3A_350 : memref<128x16xf32, #tpu.memory_space<vmem>>) target(%dma_start3A_356 : memref<10240x16xf32, #tpu.memory_space<vmem_shared>>) offsets(%dma_start3A_353 : memref<128xi32, #tpu.memory_space<vmem>>) semaphore(%arg20 : memref<!tpu.dma_semaphore, #tpu.memory_space<semaphore_mem>>) {add = true}
      %mul3A_357 = arith.constant 8 : i32
      %mul3A_358 = arith.muli %mul3A_343, %mul3A_357 : i32
      %add3A_359 = arith.constant 1 : i32
      %add3A_360 = arith.addi %mul3A_358, %add3A_359 : i32
      %dma_start3A_361 = arith.constant 128 : i32
      %dma_start3A_362 = arith.constant 0 : i32
      %dma_start3A_363 = tpu.memref_slice %arg10[%dma_start3A_361, %dma_start3A_362] : memref<2048x16xf32, #tpu.memory_space<vmem>> -> memref<128x16xf32, #tpu.memory_space<vmem>>
      %dma_start3A_364 = arith.constant 0 : i32
      %dma_start3A_365 = tpu.memref_slice %arg9[%add3A_360, %dma_start3A_364] : memref<80x128xi32, #tpu.memory_space<vmem>> -> memref<1x128xi32, #tpu.memory_space<vmem>>
      %dma_start3A_366 = tpu.memref_squeeze %dma_start3A_365 : memref<1x128xi32, #tpu.memory_space<vmem>> -> memref<128xi32, #tpu.memory_space<vmem>>
      %dma_start3A_367 = arith.constant 0 : i32
      %dma_start3A_368 = arith.constant 0 : i32
      %dma_start3A_369 = tpu.memref_slice %arg17[%dma_start3A_367, %dma_start3A_368] : memref<10240x16xf32, #tpu.memory_space<vmem_shared>> -> memref<10240x16xf32, #tpu.memory_space<vmem_shared>>
      tpu.enqueue_indirect_dma source(%dma_start3A_363 : memref<128x16xf32, #tpu.memory_space<vmem>>) target(%dma_start3A_369 : memref<10240x16xf32, #tpu.memory_space<vmem_shared>>) offsets(%dma_start3A_366 : memref<128xi32, #tpu.memory_space<vmem>>) semaphore(%arg20 : memref<!tpu.dma_semaphore, #tpu.memory_space<semaphore_mem>>) {add = true}
      %mul3A_370 = arith.constant 8 : i32
      %mul3A_371 = arith.muli %mul3A_343, %mul3A_370 : i32
      %add3A_372 = arith.constant 2 : i32
      %add3A_373 = arith.addi %mul3A_371, %add3A_372 : i32
      %dma_start3A_374 = arith.constant 256 : i32
      %dma_start3A_375 = arith.constant 0 : i32
      %dma_start3A_376 = tpu.memref_slice %arg10[%dma_start3A_374, %dma_start3A_375] : memref<2048x16xf32, #tpu.memory_space<vmem>> -> memref<128x16xf32, #tpu.memory_space<vmem>>
      %dma_start3A_377 = arith.constant 0 : i32
      %dma_start3A_378 = tpu.memref_slice %arg9[%add3A_373, %dma_start3A_377] : memref<80x128xi32, #tpu.memory_space<vmem>> -> memref<1x128xi32, #tpu.memory_space<vmem>>
      %dma_start3A_379 = tpu.memref_squeeze %dma_start3A_378 : memref<1x128xi32, #tpu.memory_space<vmem>> -> memref<128xi32, #tpu.memory_space<vmem>>
      %dma_start3A_380 = arith.constant 0 : i32
      %dma_start3A_381 = arith.constant 0 : i32
      %dma_start3A_382 = tpu.memref_slice %arg17[%dma_start3A_380, %dma_start3A_381] : memref<10240x16xf32, #tpu.memory_space<vmem_shared>> -> memref<10240x16xf32, #tpu.memory_space<vmem_shared>>
      tpu.enqueue_indirect_dma source(%dma_start3A_376 : memref<128x16xf32, #tpu.memory_space<vmem>>) target(%dma_start3A_382 : memref<10240x16xf32, #tpu.memory_space<vmem_shared>>) offsets(%dma_start3A_379 : memref<128xi32, #tpu.memory_space<vmem>>) semaphore(%arg20 : memref<!tpu.dma_semaphore, #tpu.memory_space<semaphore_mem>>) {add = true}
      %mul3A_383 = arith.constant 8 : i32
      %mul3A_384 = arith.muli %mul3A_343, %mul3A_383 : i32
      %add3A_385 = arith.constant 3 : i32
      %add3A_386 = arith.addi %mul3A_384, %add3A_385 : i32
      %dma_start3A_387 = arith.constant 384 : i32
      %dma_start3A_388 = arith.constant 0 : i32
      %dma_start3A_389 = tpu.memref_slice %arg10[%dma_start3A_387, %dma_start3A_388] : memref<2048x16xf32, #tpu.memory_space<vmem>> -> memref<128x16xf32, #tpu.memory_space<vmem>>
      %dma_start3A_390 = arith.constant 0 : i32
      %dma_start3A_391 = tpu.memref_slice %arg9[%add3A_386, %dma_start3A_390] : memref<80x128xi32, #tpu.memory_space<vmem>> -> memref<1x128xi32, #tpu.memory_space<vmem>>
      %dma_start3A_392 = tpu.memref_squeeze %dma_start3A_391 : memref<1x128xi32, #tpu.memory_space<vmem>> -> memref<128xi32, #tpu.memory_space<vmem>>
      %dma_start3A_393 = arith.constant 0 : i32
      %dma_start3A_394 = arith.constant 0 : i32
      %dma_start3A_395 = tpu.memref_slice %arg17[%dma_start3A_393, %dma_start3A_394] : memref<10240x16xf32, #tpu.memory_space<vmem_shared>> -> memref<10240x16xf32, #tpu.memory_space<vmem_shared>>
      tpu.enqueue_indirect_dma source(%dma_start3A_389 : memref<128x16xf32, #tpu.memory_space<vmem>>) target(%dma_start3A_395 : memref<10240x16xf32, #tpu.memory_space<vmem_shared>>) offsets(%dma_start3A_392 : memref<128xi32, #tpu.memory_space<vmem>>) semaphore(%arg20 : memref<!tpu.dma_semaphore, #tpu.memory_space<semaphore_mem>>) {add = true}
      %mul3A_396 = arith.constant 8 : i32
      %mul3A_397 = arith.muli %mul3A_343, %mul3A_396 : i32
      %add3A_398 = arith.constant 4 : i32
      %add3A_399 = arith.addi %mul3A_397, %add3A_398 : i32
      %dma_start3A_400 = arith.constant 512 : i32
      %dma_start3A_401 = arith.constant 0 : i32
      %dma_start3A_402 = tpu.memref_slice %arg10[%dma_start3A_400, %dma_start3A_401] : memref<2048x16xf32, #tpu.memory_space<vmem>> -> memref<128x16xf32, #tpu.memory_space<vmem>>
      %dma_start3A_403 = arith.constant 0 : i32
      %dma_start3A_404 = tpu.memref_slice %arg9[%add3A_399, %dma_start3A_403] : memref<80x128xi32, #tpu.memory_space<vmem>> -> memref<1x128xi32, #tpu.memory_space<vmem>>
      %dma_start3A_405 = tpu.memref_squeeze %dma_start3A_404 : memref<1x128xi32, #tpu.memory_space<vmem>> -> memref<128xi32, #tpu.memory_space<vmem>>
      %dma_start3A_406 = arith.constant 0 : i32
      %dma_start3A_407 = arith.constant 0 : i32
      %dma_start3A_408 = tpu.memref_slice %arg17[%dma_start3A_406, %dma_start3A_407] : memref<10240x16xf32, #tpu.memory_space<vmem_shared>> -> memref<10240x16xf32, #tpu.memory_space<vmem_shared>>
      tpu.enqueue_indirect_dma source(%dma_start3A_402 : memref<128x16xf32, #tpu.memory_space<vmem>>) target(%dma_start3A_408 : memref<10240x16xf32, #tpu.memory_space<vmem_shared>>) offsets(%dma_start3A_405 : memref<128xi32, #tpu.memory_space<vmem>>) semaphore(%arg20 : memref<!tpu.dma_semaphore, #tpu.memory_space<semaphore_mem>>) {add = true}
      %mul3A_409 = arith.constant 8 : i32
      %mul3A_410 = arith.muli %mul3A_343, %mul3A_409 : i32
      %add3A_411 = arith.constant 5 : i32
      %add3A_412 = arith.addi %mul3A_410, %add3A_411 : i32
      %dma_start3A_413 = arith.constant 640 : i32
      %dma_start3A_414 = arith.constant 0 : i32
      %dma_start3A_415 = tpu.memref_slice %arg10[%dma_start3A_413, %dma_start3A_414] : memref<2048x16xf32, #tpu.memory_space<vmem>> -> memref<128x16xf32, #tpu.memory_space<vmem>>
      %dma_start3A_416 = arith.constant 0 : i32
      %dma_start3A_417 = tpu.memref_slice %arg9[%add3A_412, %dma_start3A_416] : memref<80x128xi32, #tpu.memory_space<vmem>> -> memref<1x128xi32, #tpu.memory_space<vmem>>
      %dma_start3A_418 = tpu.memref_squeeze %dma_start3A_417 : memref<1x128xi32, #tpu.memory_space<vmem>> -> memref<128xi32, #tpu.memory_space<vmem>>
      %dma_start3A_419 = arith.constant 0 : i32
      %dma_start3A_420 = arith.constant 0 : i32
      %dma_start3A_421 = tpu.memref_slice %arg17[%dma_start3A_419, %dma_start3A_420] : memref<10240x16xf32, #tpu.memory_space<vmem_shared>> -> memref<10240x16xf32, #tpu.memory_space<vmem_shared>>
      tpu.enqueue_indirect_dma source(%dma_start3A_415 : memref<128x16xf32, #tpu.memory_space<vmem>>) target(%dma_start3A_421 : memref<10240x16xf32, #tpu.memory_space<vmem_shared>>) offsets(%dma_start3A_418 : memref<128xi32, #tpu.memory_space<vmem>>) semaphore(%arg20 : memref<!tpu.dma_semaphore, #tpu.memory_space<semaphore_mem>>) {add = true}
      %mul3A_422 = arith.constant 8 : i32
      %mul3A_423 = arith.muli %mul3A_343, %mul3A_422 : i32
      %add3A_424 = arith.constant 6 : i32
      %add3A_425 = arith.addi %mul3A_423, %add3A_424 : i32
      %dma_start3A_426 = arith.constant 768 : i32
      %dma_start3A_427 = arith.constant 0 : i32
      %dma_start3A_428 = tpu.memref_slice %arg10[%dma_start3A_426, %dma_start3A_427] : memref<2048x16xf32, #tpu.memory_space<vmem>> -> memref<128x16xf32, #tpu.memory_space<vmem>>
      %dma_start3A_429 = arith.constant 0 : i32
      %dma_start3A_430 = tpu.memref_slice %arg9[%add3A_425, %dma_start3A_429] : memref<80x128xi32, #tpu.memory_space<vmem>> -> memref<1x128xi32, #tpu.memory_space<vmem>>
      %dma_start3A_431 = tpu.memref_squeeze %dma_start3A_430 : memref<1x128xi32, #tpu.memory_space<vmem>> -> memref<128xi32, #tpu.memory_space<vmem>>
      %dma_start3A_432 = arith.constant 0 : i32
      %dma_start3A_433 = arith.constant 0 : i32
      %dma_start3A_434 = tpu.memref_slice %arg17[%dma_start3A_432, %dma_start3A_433] : memref<10240x16xf32, #tpu.memory_space<vmem_shared>> -> memref<10240x16xf32, #tpu.memory_space<vmem_shared>>
      tpu.enqueue_indirect_dma source(%dma_start3A_428 : memref<128x16xf32, #tpu.memory_space<vmem>>) target(%dma_start3A_434 : memref<10240x16xf32, #tpu.memory_space<vmem_shared>>) offsets(%dma_start3A_431 : memref<128xi32, #tpu.memory_space<vmem>>) semaphore(%arg20 : memref<!tpu.dma_semaphore, #tpu.memory_space<semaphore_mem>>) {add = true}
      %mul3A_435 = arith.constant 8 : i32
      %mul3A_436 = arith.muli %mul3A_343, %mul3A_435 : i32
      %add3A_437 = arith.constant 7 : i32
      %add3A_438 = arith.addi %mul3A_436, %add3A_437 : i32
      %dma_start3A_439 = arith.constant 896 : i32
      %dma_start3A_440 = arith.constant 0 : i32
      %dma_start3A_441 = tpu.memref_slice %arg10[%dma_start3A_439, %dma_start3A_440] : memref<2048x16xf32, #tpu.memory_space<vmem>> -> memref<128x16xf32, #tpu.memory_space<vmem>>
      %dma_start3A_442 = arith.constant 0 : i32
      %dma_start3A_443 = tpu.memref_slice %arg9[%add3A_438, %dma_start3A_442] : memref<80x128xi32, #tpu.memory_space<vmem>> -> memref<1x128xi32, #tpu.memory_space<vmem>>
      %dma_start3A_444 = tpu.memref_squeeze %dma_start3A_443 : memref<1x128xi32, #tpu.memory_space<vmem>> -> memref<128xi32, #tpu.memory_space<vmem>>
      %dma_start3A_445 = arith.constant 0 : i32
      %dma_start3A_446 = arith.constant 0 : i32
      %dma_start3A_447 = tpu.memref_slice %arg17[%dma_start3A_445, %dma_start3A_446] : memref<10240x16xf32, #tpu.memory_space<vmem_shared>> -> memref<10240x16xf32, #tpu.memory_space<vmem_shared>>
      tpu.enqueue_indirect_dma source(%dma_start3A_441 : memref<128x16xf32, #tpu.memory_space<vmem>>) target(%dma_start3A_447 : memref<10240x16xf32, #tpu.memory_space<vmem_shared>>) offsets(%dma_start3A_444 : memref<128xi32, #tpu.memory_space<vmem>>) semaphore(%arg20 : memref<!tpu.dma_semaphore, #tpu.memory_space<semaphore_mem>>) {add = true}
      %dma_wait3A_448 = arith.constant 0 : i32
      %dma_wait3A_449 = arith.constant 0 : i32
      %dma_wait3A_450 = tpu.memref_slice %arg10[%dma_wait3A_448, %dma_wait3A_449] : memref<2048x16xf32, #tpu.memory_space<vmem>> -> memref<128x16xf32, #tpu.memory_space<vmem>>
      %dma_wait3A_451 = arith.constant 0 : i32
      %dma_wait3A_452 = tpu.memref_slice %arg9[%add3A_347, %dma_wait3A_451] : memref<80x128xi32, #tpu.memory_space<vmem>> -> memref<1x128xi32, #tpu.memory_space<vmem>>
      %dma_wait3A_453 = tpu.memref_squeeze %dma_wait3A_452 : memref<1x128xi32, #tpu.memory_space<vmem>> -> memref<128xi32, #tpu.memory_space<vmem>>
      %dma_wait3A_454 = arith.constant 0 : i32
      %dma_wait3A_455 = arith.constant 0 : i32
      %dma_wait3A_456 = tpu.memref_slice %arg17[%dma_wait3A_454, %dma_wait3A_455] : memref<10240x16xf32, #tpu.memory_space<vmem_shared>> -> memref<10240x16xf32, #tpu.memory_space<vmem_shared>>
      tpu.wait_indirect_dma semaphore(%arg20 : memref<!tpu.dma_semaphore, #tpu.memory_space<semaphore_mem>>) src(%dma_wait3A_450 : memref<128x16xf32, #tpu.memory_space<vmem>>) dst(%dma_wait3A_456 : memref<10240x16xf32, #tpu.memory_space<vmem_shared>>)
      %dma_wait3A_457 = arith.constant 128 : i32
      %dma_wait3A_458 = arith.constant 0 : i32
      %dma_wait3A_459 = tpu.memref_slice %arg10[%dma_wait3A_457, %dma_wait3A_458] : memref<2048x16xf32, #tpu.memory_space<vmem>> -> memref<128x16xf32, #tpu.memory_space<vmem>>
      %dma_wait3A_460 = arith.constant 0 : i32
      %dma_wait3A_461 = tpu.memref_slice %arg9[%add3A_360, %dma_wait3A_460] : memref<80x128xi32, #tpu.memory_space<vmem>> -> memref<1x128xi32, #tpu.memory_space<vmem>>
      %dma_wait3A_462 = tpu.memref_squeeze %dma_wait3A_461 : memref<1x128xi32, #tpu.memory_space<vmem>> -> memref<128xi32, #tpu.memory_space<vmem>>
      %dma_wait3A_463 = arith.constant 0 : i32
      %dma_wait3A_464 = arith.constant 0 : i32
      %dma_wait3A_465 = tpu.memref_slice %arg17[%dma_wait3A_463, %dma_wait3A_464] : memref<10240x16xf32, #tpu.memory_space<vmem_shared>> -> memref<10240x16xf32, #tpu.memory_space<vmem_shared>>
      tpu.wait_indirect_dma semaphore(%arg20 : memref<!tpu.dma_semaphore, #tpu.memory_space<semaphore_mem>>) src(%dma_wait3A_459 : memref<128x16xf32, #tpu.memory_space<vmem>>) dst(%dma_wait3A_465 : memref<10240x16xf32, #tpu.memory_space<vmem_shared>>)
      %dma_wait3A_466 = arith.constant 256 : i32
      %dma_wait3A_467 = arith.constant 0 : i32
      %dma_wait3A_468 = tpu.memref_slice %arg10[%dma_wait3A_466, %dma_wait3A_467] : memref<2048x16xf32, #tpu.memory_space<vmem>> -> memref<128x16xf32, #tpu.memory_space<vmem>>
      %dma_wait3A_469 = arith.constant 0 : i32
      %dma_wait3A_470 = tpu.memref_slice %arg9[%add3A_373, %dma_wait3A_469] : memref<80x128xi32, #tpu.memory_space<vmem>> -> memref<1x128xi32, #tpu.memory_space<vmem>>
      %dma_wait3A_471 = tpu.memref_squeeze %dma_wait3A_470 : memref<1x128xi32, #tpu.memory_space<vmem>> -> memref<128xi32, #tpu.memory_space<vmem>>
      %dma_wait3A_472 = arith.constant 0 : i32
      %dma_wait3A_473 = arith.constant 0 : i32
      %dma_wait3A_474 = tpu.memref_slice %arg17[%dma_wait3A_472, %dma_wait3A_473] : memref<10240x16xf32, #tpu.memory_space<vmem_shared>> -> memref<10240x16xf32, #tpu.memory_space<vmem_shared>>
      tpu.wait_indirect_dma semaphore(%arg20 : memref<!tpu.dma_semaphore, #tpu.memory_space<semaphore_mem>>) src(%dma_wait3A_468 : memref<128x16xf32, #tpu.memory_space<vmem>>) dst(%dma_wait3A_474 : memref<10240x16xf32, #tpu.memory_space<vmem_shared>>)
      %dma_wait3A_475 = arith.constant 384 : i32
      %dma_wait3A_476 = arith.constant 0 : i32
      %dma_wait3A_477 = tpu.memref_slice %arg10[%dma_wait3A_475, %dma_wait3A_476] : memref<2048x16xf32, #tpu.memory_space<vmem>> -> memref<128x16xf32, #tpu.memory_space<vmem>>
      %dma_wait3A_478 = arith.constant 0 : i32
      %dma_wait3A_479 = tpu.memref_slice %arg9[%add3A_386, %dma_wait3A_478] : memref<80x128xi32, #tpu.memory_space<vmem>> -> memref<1x128xi32, #tpu.memory_space<vmem>>
      %dma_wait3A_480 = tpu.memref_squeeze %dma_wait3A_479 : memref<1x128xi32, #tpu.memory_space<vmem>> -> memref<128xi32, #tpu.memory_space<vmem>>
      %dma_wait3A_481 = arith.constant 0 : i32
      %dma_wait3A_482 = arith.constant 0 : i32
      %dma_wait3A_483 = tpu.memref_slice %arg17[%dma_wait3A_481, %dma_wait3A_482] : memref<10240x16xf32, #tpu.memory_space<vmem_shared>> -> memref<10240x16xf32, #tpu.memory_space<vmem_shared>>
      tpu.wait_indirect_dma semaphore(%arg20 : memref<!tpu.dma_semaphore, #tpu.memory_space<semaphore_mem>>) src(%dma_wait3A_477 : memref<128x16xf32, #tpu.memory_space<vmem>>) dst(%dma_wait3A_483 : memref<10240x16xf32, #tpu.memory_space<vmem_shared>>)
      %dma_wait3A_484 = arith.constant 512 : i32
      %dma_wait3A_485 = arith.constant 0 : i32
      %dma_wait3A_486 = tpu.memref_slice %arg10[%dma_wait3A_484, %dma_wait3A_485] : memref<2048x16xf32, #tpu.memory_space<vmem>> -> memref<128x16xf32, #tpu.memory_space<vmem>>
      %dma_wait3A_487 = arith.constant 0 : i32
      %dma_wait3A_488 = tpu.memref_slice %arg9[%add3A_399, %dma_wait3A_487] : memref<80x128xi32, #tpu.memory_space<vmem>> -> memref<1x128xi32, #tpu.memory_space<vmem>>
      %dma_wait3A_489 = tpu.memref_squeeze %dma_wait3A_488 : memref<1x128xi32, #tpu.memory_space<vmem>> -> memref<128xi32, #tpu.memory_space<vmem>>
      %dma_wait3A_490 = arith.constant 0 : i32
      %dma_wait3A_491 = arith.constant 0 : i32
      %dma_wait3A_492 = tpu.memref_slice %arg17[%dma_wait3A_490, %dma_wait3A_491] : memref<10240x16xf32, #tpu.memory_space<vmem_shared>> -> memref<10240x16xf32, #tpu.memory_space<vmem_shared>>
      tpu.wait_indirect_dma semaphore(%arg20 : memref<!tpu.dma_semaphore, #tpu.memory_space<semaphore_mem>>) src(%dma_wait3A_486 : memref<128x16xf32, #tpu.memory_space<vmem>>) dst(%dma_wait3A_492 : memref<10240x16xf32, #tpu.memory_space<vmem_shared>>)
      %dma_wait3A_493 = arith.constant 640 : i32
      %dma_wait3A_494 = arith.constant 0 : i32
      %dma_wait3A_495 = tpu.memref_slice %arg10[%dma_wait3A_493, %dma_wait3A_494] : memref<2048x16xf32, #tpu.memory_space<vmem>> -> memref<128x16xf32, #tpu.memory_space<vmem>>
      %dma_wait3A_496 = arith.constant 0 : i32
      %dma_wait3A_497 = tpu.memref_slice %arg9[%add3A_412, %dma_wait3A_496] : memref<80x128xi32, #tpu.memory_space<vmem>> -> memref<1x128xi32, #tpu.memory_space<vmem>>
      %dma_wait3A_498 = tpu.memref_squeeze %dma_wait3A_497 : memref<1x128xi32, #tpu.memory_space<vmem>> -> memref<128xi32, #tpu.memory_space<vmem>>
      %dma_wait3A_499 = arith.constant 0 : i32
      %dma_wait3A_500 = arith.constant 0 : i32
      %dma_wait3A_501 = tpu.memref_slice %arg17[%dma_wait3A_499, %dma_wait3A_500] : memref<10240x16xf32, #tpu.memory_space<vmem_shared>> -> memref<10240x16xf32, #tpu.memory_space<vmem_shared>>
      tpu.wait_indirect_dma semaphore(%arg20 : memref<!tpu.dma_semaphore, #tpu.memory_space<semaphore_mem>>) src(%dma_wait3A_495 : memref<128x16xf32, #tpu.memory_space<vmem>>) dst(%dma_wait3A_501 : memref<10240x16xf32, #tpu.memory_space<vmem_shared>>)
      %dma_wait3A_502 = arith.constant 768 : i32
      %dma_wait3A_503 = arith.constant 0 : i32
      %dma_wait3A_504 = tpu.memref_slice %arg10[%dma_wait3A_502, %dma_wait3A_503] : memref<2048x16xf32, #tpu.memory_space<vmem>> -> memref<128x16xf32, #tpu.memory_space<vmem>>
      %dma_wait3A_505 = arith.constant 0 : i32
      %dma_wait3A_506 = tpu.memref_slice %arg9[%add3A_425, %dma_wait3A_505] : memref<80x128xi32, #tpu.memory_space<vmem>> -> memref<1x128xi32, #tpu.memory_space<vmem>>
      %dma_wait3A_507 = tpu.memref_squeeze %dma_wait3A_506 : memref<1x128xi32, #tpu.memory_space<vmem>> -> memref<128xi32, #tpu.memory_space<vmem>>
      %dma_wait3A_508 = arith.constant 0 : i32
      %dma_wait3A_509 = arith.constant 0 : i32
      %dma_wait3A_510 = tpu.memref_slice %arg17[%dma_wait3A_508, %dma_wait3A_509] : memref<10240x16xf32, #tpu.memory_space<vmem_shared>> -> memref<10240x16xf32, #tpu.memory_space<vmem_shared>>
      tpu.wait_indirect_dma semaphore(%arg20 : memref<!tpu.dma_semaphore, #tpu.memory_space<semaphore_mem>>) src(%dma_wait3A_504 : memref<128x16xf32, #tpu.memory_space<vmem>>) dst(%dma_wait3A_510 : memref<10240x16xf32, #tpu.memory_space<vmem_shared>>)
      %dma_wait3A_511 = arith.constant 896 : i32
      %dma_wait3A_512 = arith.constant 0 : i32
      %dma_wait3A_513 = tpu.memref_slice %arg10[%dma_wait3A_511, %dma_wait3A_512] : memref<2048x16xf32, #tpu.memory_space<vmem>> -> memref<128x16xf32, #tpu.memory_space<vmem>>
      %dma_wait3A_514 = arith.constant 0 : i32
      %dma_wait3A_515 = tpu.memref_slice %arg9[%add3A_438, %dma_wait3A_514] : memref<80x128xi32, #tpu.memory_space<vmem>> -> memref<1x128xi32, #tpu.memory_space<vmem>>
      %dma_wait3A_516 = tpu.memref_squeeze %dma_wait3A_515 : memref<1x128xi32, #tpu.memory_space<vmem>> -> memref<128xi32, #tpu.memory_space<vmem>>
      %dma_wait3A_517 = arith.constant 0 : i32
      %dma_wait3A_518 = arith.constant 0 : i32
      %dma_wait3A_519 = tpu.memref_slice %arg17[%dma_wait3A_517, %dma_wait3A_518] : memref<10240x16xf32, #tpu.memory_space<vmem_shared>> -> memref<10240x16xf32, #tpu.memory_space<vmem_shared>>
      tpu.wait_indirect_dma semaphore(%arg20 : memref<!tpu.dma_semaphore, #tpu.memory_space<semaphore_mem>>) src(%dma_wait3A_513 : memref<128x16xf32, #tpu.memory_space<vmem>>) dst(%dma_wait3A_519 : memref<10240x16xf32, #tpu.memory_space<vmem_shared>>)
      %add3A_520 = arith.constant 1 : i32
      %add3A_521 = arith.addi %scan3A_128, %add3A_520 : i32
      %lt3A = arith.constant 5 : i32
      %lt3A_522 = arith.cmpi slt, %add3A_521, %lt3A : i32
      %convert_element_type3A = arith.extui %lt3A_522 : i1 to i32
      %cond3A = arith.constant 0 : i32
      %cond3A_523 = arith.cmpi ne, %convert_element_type3A, %cond3A : i32
      scf.if %cond3A_523 {
        %mul3A_812 = arith.constant 2 : i32
        %mul3A_813 = arith.muli %mul3A_812, %scan3A_128 : i32
        %add3A_814 = arith.constant 2 : i32
        %add3A_815 = arith.addi %mul3A_813, %add3A_814 : i32
        %mul3A_816 = arith.constant 8 : i32
        %mul3A_817 = arith.muli %add3A_815, %mul3A_816 : i32
        %add3A_818 = arith.constant 0 : i32
        %add3A_819 = arith.addi %mul3A_817, %add3A_818 : i32
        %dma_start3A_820 = arith.constant 0 : i32
        %dma_start3A_821 = arith.constant 0 : i32
        %dma_start3A_822 = tpu.memref_slice %arg10[%dma_start3A_820, %dma_start3A_821] : memref<2048x16xf32, #tpu.memory_space<vmem>> -> memref<128x16xf32, #tpu.memory_space<vmem>>
        %dma_start3A_823 = arith.constant 0 : i32
        %dma_start3A_824 = tpu.memref_slice %arg8[%add3A_819, %dma_start3A_823] : memref<80x128xi32, #tpu.memory_space<vmem>> -> memref<1x128xi32, #tpu.memory_space<vmem>>
        %dma_start3A_825 = tpu.memref_squeeze %dma_start3A_824 : memref<1x128xi32, #tpu.memory_space<vmem>> -> memref<128xi32, #tpu.memory_space<vmem>>
        %dma_start3A_826 = arith.constant 0 : i32
        %dma_start3A_827 = arith.constant 0 : i32
        %dma_start3A_828 = tpu.memref_slice %arg16[%dma_start3A_826, %dma_start3A_827] : memref<10240x16xf32, #tpu.memory_space<vmem_shared>> -> memref<10240x16xf32, #tpu.memory_space<vmem_shared>>
        tpu.enqueue_indirect_dma source(%dma_start3A_828 : memref<10240x16xf32, #tpu.memory_space<vmem_shared>>) target(%dma_start3A_822 : memref<128x16xf32, #tpu.memory_space<vmem>>) offsets(%dma_start3A_825 : memref<128xi32, #tpu.memory_space<vmem>>) semaphore(%arg18 : memref<!tpu.dma_semaphore, #tpu.memory_space<semaphore_mem>>)
        %mul3A_829 = arith.constant 8 : i32
        %mul3A_830 = arith.muli %add3A_815, %mul3A_829 : i32
        %add3A_831 = arith.constant 1 : i32
        %add3A_832 = arith.addi %mul3A_830, %add3A_831 : i32
        %dma_start3A_833 = arith.constant 128 : i32
        %dma_start3A_834 = arith.constant 0 : i32
        %dma_start3A_835 = tpu.memref_slice %arg10[%dma_start3A_833, %dma_start3A_834] : memref<2048x16xf32, #tpu.memory_space<vmem>> -> memref<128x16xf32, #tpu.memory_space<vmem>>
        %dma_start3A_836 = arith.constant 0 : i32
        %dma_start3A_837 = tpu.memref_slice %arg8[%add3A_832, %dma_start3A_836] : memref<80x128xi32, #tpu.memory_space<vmem>> -> memref<1x128xi32, #tpu.memory_space<vmem>>
        %dma_start3A_838 = tpu.memref_squeeze %dma_start3A_837 : memref<1x128xi32, #tpu.memory_space<vmem>> -> memref<128xi32, #tpu.memory_space<vmem>>
        %dma_start3A_839 = arith.constant 0 : i32
        %dma_start3A_840 = arith.constant 0 : i32
        %dma_start3A_841 = tpu.memref_slice %arg16[%dma_start3A_839, %dma_start3A_840] : memref<10240x16xf32, #tpu.memory_space<vmem_shared>> -> memref<10240x16xf32, #tpu.memory_space<vmem_shared>>
        tpu.enqueue_indirect_dma source(%dma_start3A_841 : memref<10240x16xf32, #tpu.memory_space<vmem_shared>>) target(%dma_start3A_835 : memref<128x16xf32, #tpu.memory_space<vmem>>) offsets(%dma_start3A_838 : memref<128xi32, #tpu.memory_space<vmem>>) semaphore(%arg18 : memref<!tpu.dma_semaphore, #tpu.memory_space<semaphore_mem>>)
        %mul3A_842 = arith.constant 8 : i32
        %mul3A_843 = arith.muli %add3A_815, %mul3A_842 : i32
        %add3A_844 = arith.constant 2 : i32
        %add3A_845 = arith.addi %mul3A_843, %add3A_844 : i32
        %dma_start3A_846 = arith.constant 256 : i32
        %dma_start3A_847 = arith.constant 0 : i32
        %dma_start3A_848 = tpu.memref_slice %arg10[%dma_start3A_846, %dma_start3A_847] : memref<2048x16xf32, #tpu.memory_space<vmem>> -> memref<128x16xf32, #tpu.memory_space<vmem>>
        %dma_start3A_849 = arith.constant 0 : i32
        %dma_start3A_850 = tpu.memref_slice %arg8[%add3A_845, %dma_start3A_849] : memref<80x128xi32, #tpu.memory_space<vmem>> -> memref<1x128xi32, #tpu.memory_space<vmem>>
        %dma_start3A_851 = tpu.memref_squeeze %dma_start3A_850 : memref<1x128xi32, #tpu.memory_space<vmem>> -> memref<128xi32, #tpu.memory_space<vmem>>
        %dma_start3A_852 = arith.constant 0 : i32
        %dma_start3A_853 = arith.constant 0 : i32
        %dma_start3A_854 = tpu.memref_slice %arg16[%dma_start3A_852, %dma_start3A_853] : memref<10240x16xf32, #tpu.memory_space<vmem_shared>> -> memref<10240x16xf32, #tpu.memory_space<vmem_shared>>
        tpu.enqueue_indirect_dma source(%dma_start3A_854 : memref<10240x16xf32, #tpu.memory_space<vmem_shared>>) target(%dma_start3A_848 : memref<128x16xf32, #tpu.memory_space<vmem>>) offsets(%dma_start3A_851 : memref<128xi32, #tpu.memory_space<vmem>>) semaphore(%arg18 : memref<!tpu.dma_semaphore, #tpu.memory_space<semaphore_mem>>)
        %mul3A_855 = arith.constant 8 : i32
        %mul3A_856 = arith.muli %add3A_815, %mul3A_855 : i32
        %add3A_857 = arith.constant 3 : i32
        %add3A_858 = arith.addi %mul3A_856, %add3A_857 : i32
        %dma_start3A_859 = arith.constant 384 : i32
        %dma_start3A_860 = arith.constant 0 : i32
        %dma_start3A_861 = tpu.memref_slice %arg10[%dma_start3A_859, %dma_start3A_860] : memref<2048x16xf32, #tpu.memory_space<vmem>> -> memref<128x16xf32, #tpu.memory_space<vmem>>
        %dma_start3A_862 = arith.constant 0 : i32
        %dma_start3A_863 = tpu.memref_slice %arg8[%add3A_858, %dma_start3A_862] : memref<80x128xi32, #tpu.memory_space<vmem>> -> memref<1x128xi32, #tpu.memory_space<vmem>>
        %dma_start3A_864 = tpu.memref_squeeze %dma_start3A_863 : memref<1x128xi32, #tpu.memory_space<vmem>> -> memref<128xi32, #tpu.memory_space<vmem>>
        %dma_start3A_865 = arith.constant 0 : i32
        %dma_start3A_866 = arith.constant 0 : i32
        %dma_start3A_867 = tpu.memref_slice %arg16[%dma_start3A_865, %dma_start3A_866] : memref<10240x16xf32, #tpu.memory_space<vmem_shared>> -> memref<10240x16xf32, #tpu.memory_space<vmem_shared>>
        tpu.enqueue_indirect_dma source(%dma_start3A_867 : memref<10240x16xf32, #tpu.memory_space<vmem_shared>>) target(%dma_start3A_861 : memref<128x16xf32, #tpu.memory_space<vmem>>) offsets(%dma_start3A_864 : memref<128xi32, #tpu.memory_space<vmem>>) semaphore(%arg18 : memref<!tpu.dma_semaphore, #tpu.memory_space<semaphore_mem>>)
        %mul3A_868 = arith.constant 8 : i32
        %mul3A_869 = arith.muli %add3A_815, %mul3A_868 : i32
        %add3A_870 = arith.constant 4 : i32
        %add3A_871 = arith.addi %mul3A_869, %add3A_870 : i32
        %dma_start3A_872 = arith.constant 512 : i32
        %dma_start3A_873 = arith.constant 0 : i32
        %dma_start3A_874 = tpu.memref_slice %arg10[%dma_start3A_872, %dma_start3A_873] : memref<2048x16xf32, #tpu.memory_space<vmem>> -> memref<128x16xf32, #tpu.memory_space<vmem>>
        %dma_start3A_875 = arith.constant 0 : i32
        %dma_start3A_876 = tpu.memref_slice %arg8[%add3A_871, %dma_start3A_875] : memref<80x128xi32, #tpu.memory_space<vmem>> -> memref<1x128xi32, #tpu.memory_space<vmem>>
        %dma_start3A_877 = tpu.memref_squeeze %dma_start3A_876 : memref<1x128xi32, #tpu.memory_space<vmem>> -> memref<128xi32, #tpu.memory_space<vmem>>
        %dma_start3A_878 = arith.constant 0 : i32
        %dma_start3A_879 = arith.constant 0 : i32
        %dma_start3A_880 = tpu.memref_slice %arg16[%dma_start3A_878, %dma_start3A_879] : memref<10240x16xf32, #tpu.memory_space<vmem_shared>> -> memref<10240x16xf32, #tpu.memory_space<vmem_shared>>
        tpu.enqueue_indirect_dma source(%dma_start3A_880 : memref<10240x16xf32, #tpu.memory_space<vmem_shared>>) target(%dma_start3A_874 : memref<128x16xf32, #tpu.memory_space<vmem>>) offsets(%dma_start3A_877 : memref<128xi32, #tpu.memory_space<vmem>>) semaphore(%arg18 : memref<!tpu.dma_semaphore, #tpu.memory_space<semaphore_mem>>)
        %mul3A_881 = arith.constant 8 : i32
        %mul3A_882 = arith.muli %add3A_815, %mul3A_881 : i32
        %add3A_883 = arith.constant 5 : i32
        %add3A_884 = arith.addi %mul3A_882, %add3A_883 : i32
        %dma_start3A_885 = arith.constant 640 : i32
        %dma_start3A_886 = arith.constant 0 : i32
        %dma_start3A_887 = tpu.memref_slice %arg10[%dma_start3A_885, %dma_start3A_886] : memref<2048x16xf32, #tpu.memory_space<vmem>> -> memref<128x16xf32, #tpu.memory_space<vmem>>
        %dma_start3A_888 = arith.constant 0 : i32
        %dma_start3A_889 = tpu.memref_slice %arg8[%add3A_884, %dma_start3A_888] : memref<80x128xi32, #tpu.memory_space<vmem>> -> memref<1x128xi32, #tpu.memory_space<vmem>>
        %dma_start3A_890 = tpu.memref_squeeze %dma_start3A_889 : memref<1x128xi32, #tpu.memory_space<vmem>> -> memref<128xi32, #tpu.memory_space<vmem>>
        %dma_start3A_891 = arith.constant 0 : i32
        %dma_start3A_892 = arith.constant 0 : i32
        %dma_start3A_893 = tpu.memref_slice %arg16[%dma_start3A_891, %dma_start3A_892] : memref<10240x16xf32, #tpu.memory_space<vmem_shared>> -> memref<10240x16xf32, #tpu.memory_space<vmem_shared>>
        tpu.enqueue_indirect_dma source(%dma_start3A_893 : memref<10240x16xf32, #tpu.memory_space<vmem_shared>>) target(%dma_start3A_887 : memref<128x16xf32, #tpu.memory_space<vmem>>) offsets(%dma_start3A_890 : memref<128xi32, #tpu.memory_space<vmem>>) semaphore(%arg18 : memref<!tpu.dma_semaphore, #tpu.memory_space<semaphore_mem>>)
        %mul3A_894 = arith.constant 8 : i32
        %mul3A_895 = arith.muli %add3A_815, %mul3A_894 : i32
        %add3A_896 = arith.constant 6 : i32
        %add3A_897 = arith.addi %mul3A_895, %add3A_896 : i32
        %dma_start3A_898 = arith.constant 768 : i32
        %dma_start3A_899 = arith.constant 0 : i32
        %dma_start3A_900 = tpu.memref_slice %arg10[%dma_start3A_898, %dma_start3A_899] : memref<2048x16xf32, #tpu.memory_space<vmem>> -> memref<128x16xf32, #tpu.memory_space<vmem>>
        %dma_start3A_901 = arith.constant 0 : i32
        %dma_start3A_902 = tpu.memref_slice %arg8[%add3A_897, %dma_start3A_901] : memref<80x128xi32, #tpu.memory_space<vmem>> -> memref<1x128xi32, #tpu.memory_space<vmem>>
        %dma_start3A_903 = tpu.memref_squeeze %dma_start3A_902 : memref<1x128xi32, #tpu.memory_space<vmem>> -> memref<128xi32, #tpu.memory_space<vmem>>
        %dma_start3A_904 = arith.constant 0 : i32
        %dma_start3A_905 = arith.constant 0 : i32
        %dma_start3A_906 = tpu.memref_slice %arg16[%dma_start3A_904, %dma_start3A_905] : memref<10240x16xf32, #tpu.memory_space<vmem_shared>> -> memref<10240x16xf32, #tpu.memory_space<vmem_shared>>
        tpu.enqueue_indirect_dma source(%dma_start3A_906 : memref<10240x16xf32, #tpu.memory_space<vmem_shared>>) target(%dma_start3A_900 : memref<128x16xf32, #tpu.memory_space<vmem>>) offsets(%dma_start3A_903 : memref<128xi32, #tpu.memory_space<vmem>>) semaphore(%arg18 : memref<!tpu.dma_semaphore, #tpu.memory_space<semaphore_mem>>)
        %mul3A_907 = arith.constant 8 : i32
        %mul3A_908 = arith.muli %add3A_815, %mul3A_907 : i32
        %add3A_909 = arith.constant 7 : i32
        %add3A_910 = arith.addi %mul3A_908, %add3A_909 : i32
        %dma_start3A_911 = arith.constant 896 : i32
        %dma_start3A_912 = arith.constant 0 : i32
        %dma_start3A_913 = tpu.memref_slice %arg10[%dma_start3A_911, %dma_start3A_912] : memref<2048x16xf32, #tpu.memory_space<vmem>> -> memref<128x16xf32, #tpu.memory_space<vmem>>
        %dma_start3A_914 = arith.constant 0 : i32
        %dma_start3A_915 = tpu.memref_slice %arg8[%add3A_910, %dma_start3A_914] : memref<80x128xi32, #tpu.memory_space<vmem>> -> memref<1x128xi32, #tpu.memory_space<vmem>>
        %dma_start3A_916 = tpu.memref_squeeze %dma_start3A_915 : memref<1x128xi32, #tpu.memory_space<vmem>> -> memref<128xi32, #tpu.memory_space<vmem>>
        %dma_start3A_917 = arith.constant 0 : i32
        %dma_start3A_918 = arith.constant 0 : i32
        %dma_start3A_919 = tpu.memref_slice %arg16[%dma_start3A_917, %dma_start3A_918] : memref<10240x16xf32, #tpu.memory_space<vmem_shared>> -> memref<10240x16xf32, #tpu.memory_space<vmem_shared>>
        tpu.enqueue_indirect_dma source(%dma_start3A_919 : memref<10240x16xf32, #tpu.memory_space<vmem_shared>>) target(%dma_start3A_913 : memref<128x16xf32, #tpu.memory_space<vmem>>) offsets(%dma_start3A_916 : memref<128xi32, #tpu.memory_space<vmem>>) semaphore(%arg18 : memref<!tpu.dma_semaphore, #tpu.memory_space<semaphore_mem>>)
      } else {
      }
      %mul3A_524 = arith.constant 2 : i32
      %mul3A_525 = arith.muli %mul3A_524, %scan3A_128 : i32
      %add3A_526 = arith.constant 1 : i32
      %add3A_527 = arith.addi %mul3A_525, %add3A_526 : i32
      %mul3A_528 = arith.constant 8 : i32
      %mul3A_529 = arith.muli %add3A_527, %mul3A_528 : i32
      %add3A_530 = arith.constant 0 : i32
      %add3A_531 = arith.addi %mul3A_529, %add3A_530 : i32
      %dma_wait3A_532 = arith.constant 1024 : i32
      %dma_wait3A_533 = arith.constant 0 : i32
      %dma_wait3A_534 = tpu.memref_slice %arg10[%dma_wait3A_532, %dma_wait3A_533] : memref<2048x16xf32, #tpu.memory_space<vmem>> -> memref<128x16xf32, #tpu.memory_space<vmem>>
      %dma_wait3A_535 = arith.constant 0 : i32
      %dma_wait3A_536 = tpu.memref_slice %arg8[%add3A_531, %dma_wait3A_535] : memref<80x128xi32, #tpu.memory_space<vmem>> -> memref<1x128xi32, #tpu.memory_space<vmem>>
      %dma_wait3A_537 = tpu.memref_squeeze %dma_wait3A_536 : memref<1x128xi32, #tpu.memory_space<vmem>> -> memref<128xi32, #tpu.memory_space<vmem>>
      %dma_wait3A_538 = arith.constant 0 : i32
      %dma_wait3A_539 = arith.constant 0 : i32
      %dma_wait3A_540 = tpu.memref_slice %arg16[%dma_wait3A_538, %dma_wait3A_539] : memref<10240x16xf32, #tpu.memory_space<vmem_shared>> -> memref<10240x16xf32, #tpu.memory_space<vmem_shared>>
      tpu.wait_indirect_dma semaphore(%arg19 : memref<!tpu.dma_semaphore, #tpu.memory_space<semaphore_mem>>) src(%dma_wait3A_540 : memref<10240x16xf32, #tpu.memory_space<vmem_shared>>) dst(%dma_wait3A_534 : memref<128x16xf32, #tpu.memory_space<vmem>>)
      %mul3A_541 = arith.constant 8 : i32
      %mul3A_542 = arith.muli %add3A_527, %mul3A_541 : i32
      %add3A_543 = arith.constant 1 : i32
      %add3A_544 = arith.addi %mul3A_542, %add3A_543 : i32
      %dma_wait3A_545 = arith.constant 1152 : i32
      %dma_wait3A_546 = arith.constant 0 : i32
      %dma_wait3A_547 = tpu.memref_slice %arg10[%dma_wait3A_545, %dma_wait3A_546] : memref<2048x16xf32, #tpu.memory_space<vmem>> -> memref<128x16xf32, #tpu.memory_space<vmem>>
      %dma_wait3A_548 = arith.constant 0 : i32
      %dma_wait3A_549 = tpu.memref_slice %arg8[%add3A_544, %dma_wait3A_548] : memref<80x128xi32, #tpu.memory_space<vmem>> -> memref<1x128xi32, #tpu.memory_space<vmem>>
      %dma_wait3A_550 = tpu.memref_squeeze %dma_wait3A_549 : memref<1x128xi32, #tpu.memory_space<vmem>> -> memref<128xi32, #tpu.memory_space<vmem>>
      %dma_wait3A_551 = arith.constant 0 : i32
      %dma_wait3A_552 = arith.constant 0 : i32
      %dma_wait3A_553 = tpu.memref_slice %arg16[%dma_wait3A_551, %dma_wait3A_552] : memref<10240x16xf32, #tpu.memory_space<vmem_shared>> -> memref<10240x16xf32, #tpu.memory_space<vmem_shared>>
      tpu.wait_indirect_dma semaphore(%arg19 : memref<!tpu.dma_semaphore, #tpu.memory_space<semaphore_mem>>) src(%dma_wait3A_553 : memref<10240x16xf32, #tpu.memory_space<vmem_shared>>) dst(%dma_wait3A_547 : memref<128x16xf32, #tpu.memory_space<vmem>>)
      %mul3A_554 = arith.constant 8 : i32
      %mul3A_555 = arith.muli %add3A_527, %mul3A_554 : i32
      %add3A_556 = arith.constant 2 : i32
      %add3A_557 = arith.addi %mul3A_555, %add3A_556 : i32
      %dma_wait3A_558 = arith.constant 1280 : i32
      %dma_wait3A_559 = arith.constant 0 : i32
      %dma_wait3A_560 = tpu.memref_slice %arg10[%dma_wait3A_558, %dma_wait3A_559] : memref<2048x16xf32, #tpu.memory_space<vmem>> -> memref<128x16xf32, #tpu.memory_space<vmem>>
      %dma_wait3A_561 = arith.constant 0 : i32
      %dma_wait3A_562 = tpu.memref_slice %arg8[%add3A_557, %dma_wait3A_561] : memref<80x128xi32, #tpu.memory_space<vmem>> -> memref<1x128xi32, #tpu.memory_space<vmem>>
      %dma_wait3A_563 = tpu.memref_squeeze %dma_wait3A_562 : memref<1x128xi32, #tpu.memory_space<vmem>> -> memref<128xi32, #tpu.memory_space<vmem>>
      %dma_wait3A_564 = arith.constant 0 : i32
      %dma_wait3A_565 = arith.constant 0 : i32
      %dma_wait3A_566 = tpu.memref_slice %arg16[%dma_wait3A_564, %dma_wait3A_565] : memref<10240x16xf32, #tpu.memory_space<vmem_shared>> -> memref<10240x16xf32, #tpu.memory_space<vmem_shared>>
      tpu.wait_indirect_dma semaphore(%arg19 : memref<!tpu.dma_semaphore, #tpu.memory_space<semaphore_mem>>) src(%dma_wait3A_566 : memref<10240x16xf32, #tpu.memory_space<vmem_shared>>) dst(%dma_wait3A_560 : memref<128x16xf32, #tpu.memory_space<vmem>>)
      %mul3A_567 = arith.constant 8 : i32
      %mul3A_568 = arith.muli %add3A_527, %mul3A_567 : i32
      %add3A_569 = arith.constant 3 : i32
      %add3A_570 = arith.addi %mul3A_568, %add3A_569 : i32
      %dma_wait3A_571 = arith.constant 1408 : i32
      %dma_wait3A_572 = arith.constant 0 : i32
      %dma_wait3A_573 = tpu.memref_slice %arg10[%dma_wait3A_571, %dma_wait3A_572] : memref<2048x16xf32, #tpu.memory_space<vmem>> -> memref<128x16xf32, #tpu.memory_space<vmem>>
      %dma_wait3A_574 = arith.constant 0 : i32
      %dma_wait3A_575 = tpu.memref_slice %arg8[%add3A_570, %dma_wait3A_574] : memref<80x128xi32, #tpu.memory_space<vmem>> -> memref<1x128xi32, #tpu.memory_space<vmem>>
      %dma_wait3A_576 = tpu.memref_squeeze %dma_wait3A_575 : memref<1x128xi32, #tpu.memory_space<vmem>> -> memref<128xi32, #tpu.memory_space<vmem>>
      %dma_wait3A_577 = arith.constant 0 : i32
      %dma_wait3A_578 = arith.constant 0 : i32
      %dma_wait3A_579 = tpu.memref_slice %arg16[%dma_wait3A_577, %dma_wait3A_578] : memref<10240x16xf32, #tpu.memory_space<vmem_shared>> -> memref<10240x16xf32, #tpu.memory_space<vmem_shared>>
      tpu.wait_indirect_dma semaphore(%arg19 : memref<!tpu.dma_semaphore, #tpu.memory_space<semaphore_mem>>) src(%dma_wait3A_579 : memref<10240x16xf32, #tpu.memory_space<vmem_shared>>) dst(%dma_wait3A_573 : memref<128x16xf32, #tpu.memory_space<vmem>>)
      %mul3A_580 = arith.constant 8 : i32
      %mul3A_581 = arith.muli %add3A_527, %mul3A_580 : i32
      %add3A_582 = arith.constant 4 : i32
      %add3A_583 = arith.addi %mul3A_581, %add3A_582 : i32
      %dma_wait3A_584 = arith.constant 1536 : i32
      %dma_wait3A_585 = arith.constant 0 : i32
      %dma_wait3A_586 = tpu.memref_slice %arg10[%dma_wait3A_584, %dma_wait3A_585] : memref<2048x16xf32, #tpu.memory_space<vmem>> -> memref<128x16xf32, #tpu.memory_space<vmem>>
      %dma_wait3A_587 = arith.constant 0 : i32
      %dma_wait3A_588 = tpu.memref_slice %arg8[%add3A_583, %dma_wait3A_587] : memref<80x128xi32, #tpu.memory_space<vmem>> -> memref<1x128xi32, #tpu.memory_space<vmem>>
      %dma_wait3A_589 = tpu.memref_squeeze %dma_wait3A_588 : memref<1x128xi32, #tpu.memory_space<vmem>> -> memref<128xi32, #tpu.memory_space<vmem>>
      %dma_wait3A_590 = arith.constant 0 : i32
      %dma_wait3A_591 = arith.constant 0 : i32
      %dma_wait3A_592 = tpu.memref_slice %arg16[%dma_wait3A_590, %dma_wait3A_591] : memref<10240x16xf32, #tpu.memory_space<vmem_shared>> -> memref<10240x16xf32, #tpu.memory_space<vmem_shared>>
      tpu.wait_indirect_dma semaphore(%arg19 : memref<!tpu.dma_semaphore, #tpu.memory_space<semaphore_mem>>) src(%dma_wait3A_592 : memref<10240x16xf32, #tpu.memory_space<vmem_shared>>) dst(%dma_wait3A_586 : memref<128x16xf32, #tpu.memory_space<vmem>>)
      %mul3A_593 = arith.constant 8 : i32
      %mul3A_594 = arith.muli %add3A_527, %mul3A_593 : i32
      %add3A_595 = arith.constant 5 : i32
      %add3A_596 = arith.addi %mul3A_594, %add3A_595 : i32
      %dma_wait3A_597 = arith.constant 1664 : i32
      %dma_wait3A_598 = arith.constant 0 : i32
      %dma_wait3A_599 = tpu.memref_slice %arg10[%dma_wait3A_597, %dma_wait3A_598] : memref<2048x16xf32, #tpu.memory_space<vmem>> -> memref<128x16xf32, #tpu.memory_space<vmem>>
      %dma_wait3A_600 = arith.constant 0 : i32
      %dma_wait3A_601 = tpu.memref_slice %arg8[%add3A_596, %dma_wait3A_600] : memref<80x128xi32, #tpu.memory_space<vmem>> -> memref<1x128xi32, #tpu.memory_space<vmem>>
      %dma_wait3A_602 = tpu.memref_squeeze %dma_wait3A_601 : memref<1x128xi32, #tpu.memory_space<vmem>> -> memref<128xi32, #tpu.memory_space<vmem>>
      %dma_wait3A_603 = arith.constant 0 : i32
      %dma_wait3A_604 = arith.constant 0 : i32
      %dma_wait3A_605 = tpu.memref_slice %arg16[%dma_wait3A_603, %dma_wait3A_604] : memref<10240x16xf32, #tpu.memory_space<vmem_shared>> -> memref<10240x16xf32, #tpu.memory_space<vmem_shared>>
      tpu.wait_indirect_dma semaphore(%arg19 : memref<!tpu.dma_semaphore, #tpu.memory_space<semaphore_mem>>) src(%dma_wait3A_605 : memref<10240x16xf32, #tpu.memory_space<vmem_shared>>) dst(%dma_wait3A_599 : memref<128x16xf32, #tpu.memory_space<vmem>>)
      %mul3A_606 = arith.constant 8 : i32
      %mul3A_607 = arith.muli %add3A_527, %mul3A_606 : i32
      %add3A_608 = arith.constant 6 : i32
      %add3A_609 = arith.addi %mul3A_607, %add3A_608 : i32
      %dma_wait3A_610 = arith.constant 1792 : i32
      %dma_wait3A_611 = arith.constant 0 : i32
      %dma_wait3A_612 = tpu.memref_slice %arg10[%dma_wait3A_610, %dma_wait3A_611] : memref<2048x16xf32, #tpu.memory_space<vmem>> -> memref<128x16xf32, #tpu.memory_space<vmem>>
      %dma_wait3A_613 = arith.constant 0 : i32
      %dma_wait3A_614 = tpu.memref_slice %arg8[%add3A_609, %dma_wait3A_613] : memref<80x128xi32, #tpu.memory_space<vmem>> -> memref<1x128xi32, #tpu.memory_space<vmem>>
      %dma_wait3A_615 = tpu.memref_squeeze %dma_wait3A_614 : memref<1x128xi32, #tpu.memory_space<vmem>> -> memref<128xi32, #tpu.memory_space<vmem>>
      %dma_wait3A_616 = arith.constant 0 : i32
      %dma_wait3A_617 = arith.constant 0 : i32
      %dma_wait3A_618 = tpu.memref_slice %arg16[%dma_wait3A_616, %dma_wait3A_617] : memref<10240x16xf32, #tpu.memory_space<vmem_shared>> -> memref<10240x16xf32, #tpu.memory_space<vmem_shared>>
      tpu.wait_indirect_dma semaphore(%arg19 : memref<!tpu.dma_semaphore, #tpu.memory_space<semaphore_mem>>) src(%dma_wait3A_618 : memref<10240x16xf32, #tpu.memory_space<vmem_shared>>) dst(%dma_wait3A_612 : memref<128x16xf32, #tpu.memory_space<vmem>>)
      %mul3A_619 = arith.constant 8 : i32
      %mul3A_620 = arith.muli %add3A_527, %mul3A_619 : i32
      %add3A_621 = arith.constant 7 : i32
      %add3A_622 = arith.addi %mul3A_620, %add3A_621 : i32
      %dma_wait3A_623 = arith.constant 1920 : i32
      %dma_wait3A_624 = arith.constant 0 : i32
      %dma_wait3A_625 = tpu.memref_slice %arg10[%dma_wait3A_623, %dma_wait3A_624] : memref<2048x16xf32, #tpu.memory_space<vmem>> -> memref<128x16xf32, #tpu.memory_space<vmem>>
      %dma_wait3A_626 = arith.constant 0 : i32
      %dma_wait3A_627 = tpu.memref_slice %arg8[%add3A_622, %dma_wait3A_626] : memref<80x128xi32, #tpu.memory_space<vmem>> -> memref<1x128xi32, #tpu.memory_space<vmem>>
      %dma_wait3A_628 = tpu.memref_squeeze %dma_wait3A_627 : memref<1x128xi32, #tpu.memory_space<vmem>> -> memref<128xi32, #tpu.memory_space<vmem>>
      %dma_wait3A_629 = arith.constant 0 : i32
      %dma_wait3A_630 = arith.constant 0 : i32
      %dma_wait3A_631 = tpu.memref_slice %arg16[%dma_wait3A_629, %dma_wait3A_630] : memref<10240x16xf32, #tpu.memory_space<vmem_shared>> -> memref<10240x16xf32, #tpu.memory_space<vmem_shared>>
      tpu.wait_indirect_dma semaphore(%arg19 : memref<!tpu.dma_semaphore, #tpu.memory_space<semaphore_mem>>) src(%dma_wait3A_631 : memref<10240x16xf32, #tpu.memory_space<vmem_shared>>) dst(%dma_wait3A_625 : memref<128x16xf32, #tpu.memory_space<vmem>>)
      %mul3A_632 = arith.constant 2 : i32
      %mul3A_633 = arith.muli %mul3A_632, %scan3A_128 : i32
      %add3A_634 = arith.constant 1 : i32
      %add3A_635 = arith.addi %mul3A_633, %add3A_634 : i32
      %mul3A_636 = arith.constant 8 : i32
      %mul3A_637 = arith.muli %add3A_635, %mul3A_636 : i32
      %add3A_638 = arith.constant 0 : i32
      %add3A_639 = arith.addi %mul3A_637, %add3A_638 : i32
      %dma_start3A_640 = arith.constant 1024 : i32
      %dma_start3A_641 = arith.constant 0 : i32
      %dma_start3A_642 = tpu.memref_slice %arg10[%dma_start3A_640, %dma_start3A_641] : memref<2048x16xf32, #tpu.memory_space<vmem>> -> memref<128x16xf32, #tpu.memory_space<vmem>>
      %dma_start3A_643 = arith.constant 0 : i32
      %dma_start3A_644 = tpu.memref_slice %arg9[%add3A_639, %dma_start3A_643] : memref<80x128xi32, #tpu.memory_space<vmem>> -> memref<1x128xi32, #tpu.memory_space<vmem>>
      %dma_start3A_645 = tpu.memref_squeeze %dma_start3A_644 : memref<1x128xi32, #tpu.memory_space<vmem>> -> memref<128xi32, #tpu.memory_space<vmem>>
      %dma_start3A_646 = arith.constant 0 : i32
      %dma_start3A_647 = arith.constant 0 : i32
      %dma_start3A_648 = tpu.memref_slice %arg17[%dma_start3A_646, %dma_start3A_647] : memref<10240x16xf32, #tpu.memory_space<vmem_shared>> -> memref<10240x16xf32, #tpu.memory_space<vmem_shared>>
      tpu.enqueue_indirect_dma source(%dma_start3A_642 : memref<128x16xf32, #tpu.memory_space<vmem>>) target(%dma_start3A_648 : memref<10240x16xf32, #tpu.memory_space<vmem_shared>>) offsets(%dma_start3A_645 : memref<128xi32, #tpu.memory_space<vmem>>) semaphore(%arg20 : memref<!tpu.dma_semaphore, #tpu.memory_space<semaphore_mem>>) {add = true}
      %mul3A_649 = arith.constant 8 : i32
      %mul3A_650 = arith.muli %add3A_635, %mul3A_649 : i32
      %add3A_651 = arith.constant 1 : i32
      %add3A_652 = arith.addi %mul3A_650, %add3A_651 : i32
      %dma_start3A_653 = arith.constant 1152 : i32
      %dma_start3A_654 = arith.constant 0 : i32
      %dma_start3A_655 = tpu.memref_slice %arg10[%dma_start3A_653, %dma_start3A_654] : memref<2048x16xf32, #tpu.memory_space<vmem>> -> memref<128x16xf32, #tpu.memory_space<vmem>>
      %dma_start3A_656 = arith.constant 0 : i32
      %dma_start3A_657 = tpu.memref_slice %arg9[%add3A_652, %dma_start3A_656] : memref<80x128xi32, #tpu.memory_space<vmem>> -> memref<1x128xi32, #tpu.memory_space<vmem>>
      %dma_start3A_658 = tpu.memref_squeeze %dma_start3A_657 : memref<1x128xi32, #tpu.memory_space<vmem>> -> memref<128xi32, #tpu.memory_space<vmem>>
      %dma_start3A_659 = arith.constant 0 : i32
      %dma_start3A_660 = arith.constant 0 : i32
      %dma_start3A_661 = tpu.memref_slice %arg17[%dma_start3A_659, %dma_start3A_660] : memref<10240x16xf32, #tpu.memory_space<vmem_shared>> -> memref<10240x16xf32, #tpu.memory_space<vmem_shared>>
      tpu.enqueue_indirect_dma source(%dma_start3A_655 : memref<128x16xf32, #tpu.memory_space<vmem>>) target(%dma_start3A_661 : memref<10240x16xf32, #tpu.memory_space<vmem_shared>>) offsets(%dma_start3A_658 : memref<128xi32, #tpu.memory_space<vmem>>) semaphore(%arg20 : memref<!tpu.dma_semaphore, #tpu.memory_space<semaphore_mem>>) {add = true}
      %mul3A_662 = arith.constant 8 : i32
      %mul3A_663 = arith.muli %add3A_635, %mul3A_662 : i32
      %add3A_664 = arith.constant 2 : i32
      %add3A_665 = arith.addi %mul3A_663, %add3A_664 : i32
      %dma_start3A_666 = arith.constant 1280 : i32
      %dma_start3A_667 = arith.constant 0 : i32
      %dma_start3A_668 = tpu.memref_slice %arg10[%dma_start3A_666, %dma_start3A_667] : memref<2048x16xf32, #tpu.memory_space<vmem>> -> memref<128x16xf32, #tpu.memory_space<vmem>>
      %dma_start3A_669 = arith.constant 0 : i32
      %dma_start3A_670 = tpu.memref_slice %arg9[%add3A_665, %dma_start3A_669] : memref<80x128xi32, #tpu.memory_space<vmem>> -> memref<1x128xi32, #tpu.memory_space<vmem>>
      %dma_start3A_671 = tpu.memref_squeeze %dma_start3A_670 : memref<1x128xi32, #tpu.memory_space<vmem>> -> memref<128xi32, #tpu.memory_space<vmem>>
      %dma_start3A_672 = arith.constant 0 : i32
      %dma_start3A_673 = arith.constant 0 : i32
      %dma_start3A_674 = tpu.memref_slice %arg17[%dma_start3A_672, %dma_start3A_673] : memref<10240x16xf32, #tpu.memory_space<vmem_shared>> -> memref<10240x16xf32, #tpu.memory_space<vmem_shared>>
      tpu.enqueue_indirect_dma source(%dma_start3A_668 : memref<128x16xf32, #tpu.memory_space<vmem>>) target(%dma_start3A_674 : memref<10240x16xf32, #tpu.memory_space<vmem_shared>>) offsets(%dma_start3A_671 : memref<128xi32, #tpu.memory_space<vmem>>) semaphore(%arg20 : memref<!tpu.dma_semaphore, #tpu.memory_space<semaphore_mem>>) {add = true}
      %mul3A_675 = arith.constant 8 : i32
      %mul3A_676 = arith.muli %add3A_635, %mul3A_675 : i32
      %add3A_677 = arith.constant 3 : i32
      %add3A_678 = arith.addi %mul3A_676, %add3A_677 : i32
      %dma_start3A_679 = arith.constant 1408 : i32
      %dma_start3A_680 = arith.constant 0 : i32
      %dma_start3A_681 = tpu.memref_slice %arg10[%dma_start3A_679, %dma_start3A_680] : memref<2048x16xf32, #tpu.memory_space<vmem>> -> memref<128x16xf32, #tpu.memory_space<vmem>>
      %dma_start3A_682 = arith.constant 0 : i32
      %dma_start3A_683 = tpu.memref_slice %arg9[%add3A_678, %dma_start3A_682] : memref<80x128xi32, #tpu.memory_space<vmem>> -> memref<1x128xi32, #tpu.memory_space<vmem>>
      %dma_start3A_684 = tpu.memref_squeeze %dma_start3A_683 : memref<1x128xi32, #tpu.memory_space<vmem>> -> memref<128xi32, #tpu.memory_space<vmem>>
      %dma_start3A_685 = arith.constant 0 : i32
      %dma_start3A_686 = arith.constant 0 : i32
      %dma_start3A_687 = tpu.memref_slice %arg17[%dma_start3A_685, %dma_start3A_686] : memref<10240x16xf32, #tpu.memory_space<vmem_shared>> -> memref<10240x16xf32, #tpu.memory_space<vmem_shared>>
      tpu.enqueue_indirect_dma source(%dma_start3A_681 : memref<128x16xf32, #tpu.memory_space<vmem>>) target(%dma_start3A_687 : memref<10240x16xf32, #tpu.memory_space<vmem_shared>>) offsets(%dma_start3A_684 : memref<128xi32, #tpu.memory_space<vmem>>) semaphore(%arg20 : memref<!tpu.dma_semaphore, #tpu.memory_space<semaphore_mem>>) {add = true}
      %mul3A_688 = arith.constant 8 : i32
      %mul3A_689 = arith.muli %add3A_635, %mul3A_688 : i32
      %add3A_690 = arith.constant 4 : i32
      %add3A_691 = arith.addi %mul3A_689, %add3A_690 : i32
      %dma_start3A_692 = arith.constant 1536 : i32
      %dma_start3A_693 = arith.constant 0 : i32
      %dma_start3A_694 = tpu.memref_slice %arg10[%dma_start3A_692, %dma_start3A_693] : memref<2048x16xf32, #tpu.memory_space<vmem>> -> memref<128x16xf32, #tpu.memory_space<vmem>>
      %dma_start3A_695 = arith.constant 0 : i32
      %dma_start3A_696 = tpu.memref_slice %arg9[%add3A_691, %dma_start3A_695] : memref<80x128xi32, #tpu.memory_space<vmem>> -> memref<1x128xi32, #tpu.memory_space<vmem>>
      %dma_start3A_697 = tpu.memref_squeeze %dma_start3A_696 : memref<1x128xi32, #tpu.memory_space<vmem>> -> memref<128xi32, #tpu.memory_space<vmem>>
      %dma_start3A_698 = arith.constant 0 : i32
      %dma_start3A_699 = arith.constant 0 : i32
      %dma_start3A_700 = tpu.memref_slice %arg17[%dma_start3A_698, %dma_start3A_699] : memref<10240x16xf32, #tpu.memory_space<vmem_shared>> -> memref<10240x16xf32, #tpu.memory_space<vmem_shared>>
      tpu.enqueue_indirect_dma source(%dma_start3A_694 : memref<128x16xf32, #tpu.memory_space<vmem>>) target(%dma_start3A_700 : memref<10240x16xf32, #tpu.memory_space<vmem_shared>>) offsets(%dma_start3A_697 : memref<128xi32, #tpu.memory_space<vmem>>) semaphore(%arg20 : memref<!tpu.dma_semaphore, #tpu.memory_space<semaphore_mem>>) {add = true}
      %mul3A_701 = arith.constant 8 : i32
      %mul3A_702 = arith.muli %add3A_635, %mul3A_701 : i32
      %add3A_703 = arith.constant 5 : i32
      %add3A_704 = arith.addi %mul3A_702, %add3A_703 : i32
      %dma_start3A_705 = arith.constant 1664 : i32
      %dma_start3A_706 = arith.constant 0 : i32
      %dma_start3A_707 = tpu.memref_slice %arg10[%dma_start3A_705, %dma_start3A_706] : memref<2048x16xf32, #tpu.memory_space<vmem>> -> memref<128x16xf32, #tpu.memory_space<vmem>>
      %dma_start3A_708 = arith.constant 0 : i32
      %dma_start3A_709 = tpu.memref_slice %arg9[%add3A_704, %dma_start3A_708] : memref<80x128xi32, #tpu.memory_space<vmem>> -> memref<1x128xi32, #tpu.memory_space<vmem>>
      %dma_start3A_710 = tpu.memref_squeeze %dma_start3A_709 : memref<1x128xi32, #tpu.memory_space<vmem>> -> memref<128xi32, #tpu.memory_space<vmem>>
      %dma_start3A_711 = arith.constant 0 : i32
      %dma_start3A_712 = arith.constant 0 : i32
      %dma_start3A_713 = tpu.memref_slice %arg17[%dma_start3A_711, %dma_start3A_712] : memref<10240x16xf32, #tpu.memory_space<vmem_shared>> -> memref<10240x16xf32, #tpu.memory_space<vmem_shared>>
      tpu.enqueue_indirect_dma source(%dma_start3A_707 : memref<128x16xf32, #tpu.memory_space<vmem>>) target(%dma_start3A_713 : memref<10240x16xf32, #tpu.memory_space<vmem_shared>>) offsets(%dma_start3A_710 : memref<128xi32, #tpu.memory_space<vmem>>) semaphore(%arg20 : memref<!tpu.dma_semaphore, #tpu.memory_space<semaphore_mem>>) {add = true}
      %mul3A_714 = arith.constant 8 : i32
      %mul3A_715 = arith.muli %add3A_635, %mul3A_714 : i32
      %add3A_716 = arith.constant 6 : i32
      %add3A_717 = arith.addi %mul3A_715, %add3A_716 : i32
      %dma_start3A_718 = arith.constant 1792 : i32
      %dma_start3A_719 = arith.constant 0 : i32
      %dma_start3A_720 = tpu.memref_slice %arg10[%dma_start3A_718, %dma_start3A_719] : memref<2048x16xf32, #tpu.memory_space<vmem>> -> memref<128x16xf32, #tpu.memory_space<vmem>>
      %dma_start3A_721 = arith.constant 0 : i32
      %dma_start3A_722 = tpu.memref_slice %arg9[%add3A_717, %dma_start3A_721] : memref<80x128xi32, #tpu.memory_space<vmem>> -> memref<1x128xi32, #tpu.memory_space<vmem>>
      %dma_start3A_723 = tpu.memref_squeeze %dma_start3A_722 : memref<1x128xi32, #tpu.memory_space<vmem>> -> memref<128xi32, #tpu.memory_space<vmem>>
      %dma_start3A_724 = arith.constant 0 : i32
      %dma_start3A_725 = arith.constant 0 : i32
      %dma_start3A_726 = tpu.memref_slice %arg17[%dma_start3A_724, %dma_start3A_725] : memref<10240x16xf32, #tpu.memory_space<vmem_shared>> -> memref<10240x16xf32, #tpu.memory_space<vmem_shared>>
      tpu.enqueue_indirect_dma source(%dma_start3A_720 : memref<128x16xf32, #tpu.memory_space<vmem>>) target(%dma_start3A_726 : memref<10240x16xf32, #tpu.memory_space<vmem_shared>>) offsets(%dma_start3A_723 : memref<128xi32, #tpu.memory_space<vmem>>) semaphore(%arg20 : memref<!tpu.dma_semaphore, #tpu.memory_space<semaphore_mem>>) {add = true}
      %mul3A_727 = arith.constant 8 : i32
      %mul3A_728 = arith.muli %add3A_635, %mul3A_727 : i32
      %add3A_729 = arith.constant 7 : i32
      %add3A_730 = arith.addi %mul3A_728, %add3A_729 : i32
      %dma_start3A_731 = arith.constant 1920 : i32
      %dma_start3A_732 = arith.constant 0 : i32
      %dma_start3A_733 = tpu.memref_slice %arg10[%dma_start3A_731, %dma_start3A_732] : memref<2048x16xf32, #tpu.memory_space<vmem>> -> memref<128x16xf32, #tpu.memory_space<vmem>>
      %dma_start3A_734 = arith.constant 0 : i32
      %dma_start3A_735 = tpu.memref_slice %arg9[%add3A_730, %dma_start3A_734] : memref<80x128xi32, #tpu.memory_space<vmem>> -> memref<1x128xi32, #tpu.memory_space<vmem>>
      %dma_start3A_736 = tpu.memref_squeeze %dma_start3A_735 : memref<1x128xi32, #tpu.memory_space<vmem>> -> memref<128xi32, #tpu.memory_space<vmem>>
      %dma_start3A_737 = arith.constant 0 : i32
      %dma_start3A_738 = arith.constant 0 : i32
      %dma_start3A_739 = tpu.memref_slice %arg17[%dma_start3A_737, %dma_start3A_738] : memref<10240x16xf32, #tpu.memory_space<vmem_shared>> -> memref<10240x16xf32, #tpu.memory_space<vmem_shared>>
      tpu.enqueue_indirect_dma source(%dma_start3A_733 : memref<128x16xf32, #tpu.memory_space<vmem>>) target(%dma_start3A_739 : memref<10240x16xf32, #tpu.memory_space<vmem_shared>>) offsets(%dma_start3A_736 : memref<128xi32, #tpu.memory_space<vmem>>) semaphore(%arg20 : memref<!tpu.dma_semaphore, #tpu.memory_space<semaphore_mem>>) {add = true}
      %dma_wait3A_740 = arith.constant 1024 : i32
      %dma_wait3A_741 = arith.constant 0 : i32
      %dma_wait3A_742 = tpu.memref_slice %arg10[%dma_wait3A_740, %dma_wait3A_741] : memref<2048x16xf32, #tpu.memory_space<vmem>> -> memref<128x16xf32, #tpu.memory_space<vmem>>
      %dma_wait3A_743 = arith.constant 0 : i32
      %dma_wait3A_744 = tpu.memref_slice %arg9[%add3A_639, %dma_wait3A_743] : memref<80x128xi32, #tpu.memory_space<vmem>> -> memref<1x128xi32, #tpu.memory_space<vmem>>
      %dma_wait3A_745 = tpu.memref_squeeze %dma_wait3A_744 : memref<1x128xi32, #tpu.memory_space<vmem>> -> memref<128xi32, #tpu.memory_space<vmem>>
      %dma_wait3A_746 = arith.constant 0 : i32
      %dma_wait3A_747 = arith.constant 0 : i32
      %dma_wait3A_748 = tpu.memref_slice %arg17[%dma_wait3A_746, %dma_wait3A_747] : memref<10240x16xf32, #tpu.memory_space<vmem_shared>> -> memref<10240x16xf32, #tpu.memory_space<vmem_shared>>
      tpu.wait_indirect_dma semaphore(%arg20 : memref<!tpu.dma_semaphore, #tpu.memory_space<semaphore_mem>>) src(%dma_wait3A_742 : memref<128x16xf32, #tpu.memory_space<vmem>>) dst(%dma_wait3A_748 : memref<10240x16xf32, #tpu.memory_space<vmem_shared>>)
      %dma_wait3A_749 = arith.constant 1152 : i32
      %dma_wait3A_750 = arith.constant 0 : i32
      %dma_wait3A_751 = tpu.memref_slice %arg10[%dma_wait3A_749, %dma_wait3A_750] : memref<2048x16xf32, #tpu.memory_space<vmem>> -> memref<128x16xf32, #tpu.memory_space<vmem>>
      %dma_wait3A_752 = arith.constant 0 : i32
      %dma_wait3A_753 = tpu.memref_slice %arg9[%add3A_652, %dma_wait3A_752] : memref<80x128xi32, #tpu.memory_space<vmem>> -> memref<1x128xi32, #tpu.memory_space<vmem>>
      %dma_wait3A_754 = tpu.memref_squeeze %dma_wait3A_753 : memref<1x128xi32, #tpu.memory_space<vmem>> -> memref<128xi32, #tpu.memory_space<vmem>>
      %dma_wait3A_755 = arith.constant 0 : i32
      %dma_wait3A_756 = arith.constant 0 : i32
      %dma_wait3A_757 = tpu.memref_slice %arg17[%dma_wait3A_755, %dma_wait3A_756] : memref<10240x16xf32, #tpu.memory_space<vmem_shared>> -> memref<10240x16xf32, #tpu.memory_space<vmem_shared>>
      tpu.wait_indirect_dma semaphore(%arg20 : memref<!tpu.dma_semaphore, #tpu.memory_space<semaphore_mem>>) src(%dma_wait3A_751 : memref<128x16xf32, #tpu.memory_space<vmem>>) dst(%dma_wait3A_757 : memref<10240x16xf32, #tpu.memory_space<vmem_shared>>)
      %dma_wait3A_758 = arith.constant 1280 : i32
      %dma_wait3A_759 = arith.constant 0 : i32
      %dma_wait3A_760 = tpu.memref_slice %arg10[%dma_wait3A_758, %dma_wait3A_759] : memref<2048x16xf32, #tpu.memory_space<vmem>> -> memref<128x16xf32, #tpu.memory_space<vmem>>
      %dma_wait3A_761 = arith.constant 0 : i32
      %dma_wait3A_762 = tpu.memref_slice %arg9[%add3A_665, %dma_wait3A_761] : memref<80x128xi32, #tpu.memory_space<vmem>> -> memref<1x128xi32, #tpu.memory_space<vmem>>
      %dma_wait3A_763 = tpu.memref_squeeze %dma_wait3A_762 : memref<1x128xi32, #tpu.memory_space<vmem>> -> memref<128xi32, #tpu.memory_space<vmem>>
      %dma_wait3A_764 = arith.constant 0 : i32
      %dma_wait3A_765 = arith.constant 0 : i32
      %dma_wait3A_766 = tpu.memref_slice %arg17[%dma_wait3A_764, %dma_wait3A_765] : memref<10240x16xf32, #tpu.memory_space<vmem_shared>> -> memref<10240x16xf32, #tpu.memory_space<vmem_shared>>
      tpu.wait_indirect_dma semaphore(%arg20 : memref<!tpu.dma_semaphore, #tpu.memory_space<semaphore_mem>>) src(%dma_wait3A_760 : memref<128x16xf32, #tpu.memory_space<vmem>>) dst(%dma_wait3A_766 : memref<10240x16xf32, #tpu.memory_space<vmem_shared>>)
      %dma_wait3A_767 = arith.constant 1408 : i32
      %dma_wait3A_768 = arith.constant 0 : i32
      %dma_wait3A_769 = tpu.memref_slice %arg10[%dma_wait3A_767, %dma_wait3A_768] : memref<2048x16xf32, #tpu.memory_space<vmem>> -> memref<128x16xf32, #tpu.memory_space<vmem>>
      %dma_wait3A_770 = arith.constant 0 : i32
      %dma_wait3A_771 = tpu.memref_slice %arg9[%add3A_678, %dma_wait3A_770] : memref<80x128xi32, #tpu.memory_space<vmem>> -> memref<1x128xi32, #tpu.memory_space<vmem>>
      %dma_wait3A_772 = tpu.memref_squeeze %dma_wait3A_771 : memref<1x128xi32, #tpu.memory_space<vmem>> -> memref<128xi32, #tpu.memory_space<vmem>>
      %dma_wait3A_773 = arith.constant 0 : i32
      %dma_wait3A_774 = arith.constant 0 : i32
      %dma_wait3A_775 = tpu.memref_slice %arg17[%dma_wait3A_773, %dma_wait3A_774] : memref<10240x16xf32, #tpu.memory_space<vmem_shared>> -> memref<10240x16xf32, #tpu.memory_space<vmem_shared>>
      tpu.wait_indirect_dma semaphore(%arg20 : memref<!tpu.dma_semaphore, #tpu.memory_space<semaphore_mem>>) src(%dma_wait3A_769 : memref<128x16xf32, #tpu.memory_space<vmem>>) dst(%dma_wait3A_775 : memref<10240x16xf32, #tpu.memory_space<vmem_shared>>)
      %dma_wait3A_776 = arith.constant 1536 : i32
      %dma_wait3A_777 = arith.constant 0 : i32
      %dma_wait3A_778 = tpu.memref_slice %arg10[%dma_wait3A_776, %dma_wait3A_777] : memref<2048x16xf32, #tpu.memory_space<vmem>> -> memref<128x16xf32, #tpu.memory_space<vmem>>
      %dma_wait3A_779 = arith.constant 0 : i32
      %dma_wait3A_780 = tpu.memref_slice %arg9[%add3A_691, %dma_wait3A_779] : memref<80x128xi32, #tpu.memory_space<vmem>> -> memref<1x128xi32, #tpu.memory_space<vmem>>
      %dma_wait3A_781 = tpu.memref_squeeze %dma_wait3A_780 : memref<1x128xi32, #tpu.memory_space<vmem>> -> memref<128xi32, #tpu.memory_space<vmem>>
      %dma_wait3A_782 = arith.constant 0 : i32
      %dma_wait3A_783 = arith.constant 0 : i32
      %dma_wait3A_784 = tpu.memref_slice %arg17[%dma_wait3A_782, %dma_wait3A_783] : memref<10240x16xf32, #tpu.memory_space<vmem_shared>> -> memref<10240x16xf32, #tpu.memory_space<vmem_shared>>
      tpu.wait_indirect_dma semaphore(%arg20 : memref<!tpu.dma_semaphore, #tpu.memory_space<semaphore_mem>>) src(%dma_wait3A_778 : memref<128x16xf32, #tpu.memory_space<vmem>>) dst(%dma_wait3A_784 : memref<10240x16xf32, #tpu.memory_space<vmem_shared>>)
      %dma_wait3A_785 = arith.constant 1664 : i32
      %dma_wait3A_786 = arith.constant 0 : i32
      %dma_wait3A_787 = tpu.memref_slice %arg10[%dma_wait3A_785, %dma_wait3A_786] : memref<2048x16xf32, #tpu.memory_space<vmem>> -> memref<128x16xf32, #tpu.memory_space<vmem>>
      %dma_wait3A_788 = arith.constant 0 : i32
      %dma_wait3A_789 = tpu.memref_slice %arg9[%add3A_704, %dma_wait3A_788] : memref<80x128xi32, #tpu.memory_space<vmem>> -> memref<1x128xi32, #tpu.memory_space<vmem>>
      %dma_wait3A_790 = tpu.memref_squeeze %dma_wait3A_789 : memref<1x128xi32, #tpu.memory_space<vmem>> -> memref<128xi32, #tpu.memory_space<vmem>>
      %dma_wait3A_791 = arith.constant 0 : i32
      %dma_wait3A_792 = arith.constant 0 : i32
      %dma_wait3A_793 = tpu.memref_slice %arg17[%dma_wait3A_791, %dma_wait3A_792] : memref<10240x16xf32, #tpu.memory_space<vmem_shared>> -> memref<10240x16xf32, #tpu.memory_space<vmem_shared>>
      tpu.wait_indirect_dma semaphore(%arg20 : memref<!tpu.dma_semaphore, #tpu.memory_space<semaphore_mem>>) src(%dma_wait3A_787 : memref<128x16xf32, #tpu.memory_space<vmem>>) dst(%dma_wait3A_793 : memref<10240x16xf32, #tpu.memory_space<vmem_shared>>)
      %dma_wait3A_794 = arith.constant 1792 : i32
      %dma_wait3A_795 = arith.constant 0 : i32
      %dma_wait3A_796 = tpu.memref_slice %arg10[%dma_wait3A_794, %dma_wait3A_795] : memref<2048x16xf32, #tpu.memory_space<vmem>> -> memref<128x16xf32, #tpu.memory_space<vmem>>
      %dma_wait3A_797 = arith.constant 0 : i32
      %dma_wait3A_798 = tpu.memref_slice %arg9[%add3A_717, %dma_wait3A_797] : memref<80x128xi32, #tpu.memory_space<vmem>> -> memref<1x128xi32, #tpu.memory_space<vmem>>
      %dma_wait3A_799 = tpu.memref_squeeze %dma_wait3A_798 : memref<1x128xi32, #tpu.memory_space<vmem>> -> memref<128xi32, #tpu.memory_space<vmem>>
      %dma_wait3A_800 = arith.constant 0 : i32
      %dma_wait3A_801 = arith.constant 0 : i32
      %dma_wait3A_802 = tpu.memref_slice %arg17[%dma_wait3A_800, %dma_wait3A_801] : memref<10240x16xf32, #tpu.memory_space<vmem_shared>> -> memref<10240x16xf32, #tpu.memory_space<vmem_shared>>
      tpu.wait_indirect_dma semaphore(%arg20 : memref<!tpu.dma_semaphore, #tpu.memory_space<semaphore_mem>>) src(%dma_wait3A_796 : memref<128x16xf32, #tpu.memory_space<vmem>>) dst(%dma_wait3A_802 : memref<10240x16xf32, #tpu.memory_space<vmem_shared>>)
      %dma_wait3A_803 = arith.constant 1920 : i32
      %dma_wait3A_804 = arith.constant 0 : i32
      %dma_wait3A_805 = tpu.memref_slice %arg10[%dma_wait3A_803, %dma_wait3A_804] : memref<2048x16xf32, #tpu.memory_space<vmem>> -> memref<128x16xf32, #tpu.memory_space<vmem>>
      %dma_wait3A_806 = arith.constant 0 : i32
      %dma_wait3A_807 = tpu.memref_slice %arg9[%add3A_730, %dma_wait3A_806] : memref<80x128xi32, #tpu.memory_space<vmem>> -> memref<1x128xi32, #tpu.memory_space<vmem>>
      %dma_wait3A_808 = tpu.memref_squeeze %dma_wait3A_807 : memref<1x128xi32, #tpu.memory_space<vmem>> -> memref<128xi32, #tpu.memory_space<vmem>>
      %dma_wait3A_809 = arith.constant 0 : i32
      %dma_wait3A_810 = arith.constant 0 : i32
      %dma_wait3A_811 = tpu.memref_slice %arg17[%dma_wait3A_809, %dma_wait3A_810] : memref<10240x16xf32, #tpu.memory_space<vmem_shared>> -> memref<10240x16xf32, #tpu.memory_space<vmem_shared>>
      tpu.wait_indirect_dma semaphore(%arg20 : memref<!tpu.dma_semaphore, #tpu.memory_space<semaphore_mem>>) src(%dma_wait3A_805 : memref<128x16xf32, #tpu.memory_space<vmem>>) dst(%dma_wait3A_811 : memref<10240x16xf32, #tpu.memory_space<vmem_shared>>)
    }
    %scan3A_120 = arith.constant 5 : i32
    %barrier3A_121 = arith.constant 0 : index
    tpu.barrier barrier_id(%barrier3A_121)
    %scan3A_122 = arith.constant 0 : i32
    %scan3A_123 = arith.constant 0 : i32
    %scan3A_124 = arith.constant 5 : i32
    %scan3A_125 = arith.addi %scan3A_123, %scan3A_124 : i32
    %scan3A_126 = arith.constant 1 : i32
    scf.for %scan3A_128 = %scan3A_123 to %scan3A_125 step %scan3A_126  : i32 {
      %mul3A_129 = arith.constant 128 : i32
      %mul3A_130 = arith.muli %scan3A_128, %mul3A_129 : i32
      %add3A_131 = arith.addi %mul3A_2, %mul3A_130 : i32
      "tpu.region"() ({
        %run_scoped3A = tpu.sem_alloc : memref<!tpu.dma_semaphore, #tpu.memory_space<semaphore_mem>>
        %dma_start3A_146 = arith.constant 0 : i32
        %dma_start3A_147 = tpu.memref_slice %arg17[%add3A_131, %dma_start3A_146] : memref<10240x16xf32, #tpu.memory_space<vmem_shared>> -> memref<128x16xf32, #tpu.memory_space<vmem_shared>>
        %dma_start3A_148 = arith.constant 0 : i32
        %dma_start3A_149 = tpu.memref_slice %arg17[%add3A_131, %dma_start3A_148] : memref<10240x16xf32, #tpu.memory_space<vmem_shared>> -> memref<128x16xf32, #tpu.memory_space<vmem_shared>>
        tpu.enqueue_dma source(%dma_start3A_149 : memref<128x16xf32, #tpu.memory_space<vmem_shared>>) target(%arg11 : memref<128x16xf32, #tpu.memory_space<vmem>>) target_semaphore(%run_scoped3A : memref<!tpu.dma_semaphore, #tpu.memory_space<semaphore_mem>>)
        %dma_wait3A = arith.constant 0 : i32
        %dma_wait3A_150 = tpu.memref_slice %arg17[%add3A_131, %dma_wait3A] : memref<10240x16xf32, #tpu.memory_space<vmem_shared>> -> memref<128x16xf32, #tpu.memory_space<vmem_shared>>
        %dma_wait3A_151 = arith.constant 0 : i32
        %dma_wait3A_152 = tpu.memref_slice %arg17[%add3A_131, %dma_wait3A_151] : memref<10240x16xf32, #tpu.memory_space<vmem_shared>> -> memref<128x16xf32, #tpu.memory_space<vmem_shared>>
        tpu.wait_dma2 semaphore(%run_scoped3A : memref<!tpu.dma_semaphore, #tpu.memory_space<semaphore_mem>>) src(%dma_wait3A_152 : memref<128x16xf32, #tpu.memory_space<vmem_shared>>) dst(%arg11 : memref<128x16xf32, #tpu.memory_space<vmem>>)
        tpu.yield
      }) : () -> ()
      %add3A_132 = arith.addi %mul3A_2, %mul3A_130 : i32
      "tpu.region"() ({
        %run_scoped3A = tpu.sem_alloc : memref<!tpu.dma_semaphore, #tpu.memory_space<semaphore_mem>>
        %dma_start3A_146 = arith.constant 0 : i32
        %dma_start3A_147 = tpu.memref_slice %arg16[%add3A_132, %dma_start3A_146] : memref<10240x16xf32, #tpu.memory_space<vmem_shared>> -> memref<128x16xf32, #tpu.memory_space<vmem_shared>>
        %dma_start3A_148 = arith.constant 0 : i32
        %dma_start3A_149 = tpu.memref_slice %arg16[%add3A_132, %dma_start3A_148] : memref<10240x16xf32, #tpu.memory_space<vmem_shared>> -> memref<128x16xf32, #tpu.memory_space<vmem_shared>>
        tpu.enqueue_dma source(%dma_start3A_149 : memref<128x16xf32, #tpu.memory_space<vmem_shared>>) target(%arg12 : memref<128x16xf32, #tpu.memory_space<vmem>>) target_semaphore(%run_scoped3A : memref<!tpu.dma_semaphore, #tpu.memory_space<semaphore_mem>>)
        %dma_wait3A = arith.constant 0 : i32
        %dma_wait3A_150 = tpu.memref_slice %arg16[%add3A_132, %dma_wait3A] : memref<10240x16xf32, #tpu.memory_space<vmem_shared>> -> memref<128x16xf32, #tpu.memory_space<vmem_shared>>
        %dma_wait3A_151 = arith.constant 0 : i32
        %dma_wait3A_152 = tpu.memref_slice %arg16[%add3A_132, %dma_wait3A_151] : memref<10240x16xf32, #tpu.memory_space<vmem_shared>> -> memref<128x16xf32, #tpu.memory_space<vmem_shared>>
        tpu.wait_dma2 semaphore(%run_scoped3A : memref<!tpu.dma_semaphore, #tpu.memory_space<semaphore_mem>>) src(%dma_wait3A_152 : memref<128x16xf32, #tpu.memory_space<vmem_shared>>) dst(%arg12 : memref<128x16xf32, #tpu.memory_space<vmem>>)
        tpu.yield
      }) : () -> ()
      %scan3A_133 = arith.constant 0 : i32
      %scan3A_134 = arith.constant 0 : i32
      %scan3A_135 = arith.constant 128 : i32
      %scan3A_136 = arith.addi %scan3A_134, %scan3A_135 : i32
      %scan3A_137 = arith.constant 1 : i32
      scf.for %scan3A_146 = %scan3A_134 to %scan3A_136 step %scan3A_137  : i32 {
        %add3A_147 = arith.addi %mul3A_130, %scan3A_146 : i32
        %broadcast_in_dim3A = vector.broadcast %add3A_147 : i32 to vector<16xi32>
        %gather3A = tpu.vector_load_idx %arg13[%broadcast_in_dim3A] : memref<640xf32, #tpu.memory_space<vmem>>[vector<16xi32>], vector<16xf32>,
        %get3A = arith.index_cast %scan3A_146 : i32 to index
        %get3A_148 = arith.constant 0 : index
        %get3A_149 = tpu.vector_load %arg11[%get3A, %get3A_148] {strides = array<i32>} : memref<128x16xf32, #tpu.memory_space<vmem>>, vector<16xf32>,
        %get3A_150 = arith.index_cast %scan3A_146 : i32 to index
        %get3A_151 = arith.constant 0 : index
        %get3A_152 = tpu.vector_load %arg12[%get3A_150, %get3A_151] {strides = array<i32>} : memref<128x16xf32, #tpu.memory_space<vmem>>, vector<16xf32>,
        %eq3A_153 = arith.constant 0 : i32
        %eq3A_154 = arith.cmpi eq, %arg0, %eq3A_153 : i32
        %broadcast_in_dim3A_155 = arith.constant 0.000000e+00 : f32
        %broadcast_in_dim3A_156 = vector.broadcast %broadcast_in_dim3A_155 : f32 to vector<16xf32>
        %select_n3A = arith.select %eq3A_154, %get3A_152, %broadcast_in_dim3A_156 : vector<16xf32>
        %add3A_157 = arith.addf %get3A_149, %select_n3A : vector<16xf32>
        %mul3A_158 = arith.mulf %add3A_157, %gather3A : vector<16xf32>
        %swap3A = arith.index_cast %scan3A_146 : i32 to index
        %swap3A_159 = arith.constant 0 : index
        %swap3A_160 = tpu.vector_load %arg11[%swap3A, %swap3A_159] {strides = array<i32>} : memref<128x16xf32, #tpu.memory_space<vmem>>, vector<16xf32>,
        tpu.vector_store %arg11[%swap3A, %swap3A_159], %mul3A_158 {strides = array<i32>} : memref<128x16xf32, #tpu.memory_space<vmem>>, vector<16xf32>,
      }
      %scan3A_138 = arith.constant 128 : i32
      %eq3A = arith.constant 0 : i32
      %eq3A_139 = arith.cmpi eq, %arg0, %eq3A : i32
      %convert_element_type3A = arith.extui %eq3A_139 : i1 to i32
      %cond3A = arith.constant 0 : i32
      %cond3A_140 = arith.cmpi ne, %convert_element_type3A, %cond3A : i32
      scf.if %cond3A_140 {
        %add3A_146 = arith.addi %mul3A_2, %mul3A_130 : i32
        "tpu.region"() ({
          %run_scoped3A = tpu.sem_alloc : memref<!tpu.dma_semaphore, #tpu.memory_space<semaphore_mem>>
          %dma_start3A_147 = arith.constant 0 : i32
          %dma_start3A_148 = tpu.memref_slice %arg6[%add3A_146, %dma_start3A_147] : memref<10240x16xf32, #tpu.memory_space<hbm>> -> memref<128x16xf32, #tpu.memory_space<hbm>>
          %dma_start3A_149 = arith.constant 0 : i32
          %dma_start3A_150 = tpu.memref_slice %arg6[%add3A_146, %dma_start3A_149] : memref<10240x16xf32, #tpu.memory_space<hbm>> -> memref<128x16xf32, #tpu.memory_space<hbm>>
          tpu.enqueue_dma source(%arg11 : memref<128x16xf32, #tpu.memory_space<vmem>>) target(%dma_start3A_150 : memref<128x16xf32, #tpu.memory_space<hbm>>) target_semaphore(%run_scoped3A : memref<!tpu.dma_semaphore, #tpu.memory_space<semaphore_mem>>)
          %dma_wait3A = arith.constant 0 : i32
          %dma_wait3A_151 = tpu.memref_slice %arg6[%add3A_146, %dma_wait3A] : memref<10240x16xf32, #tpu.memory_space<hbm>> -> memref<128x16xf32, #tpu.memory_space<hbm>>
          %dma_wait3A_152 = arith.constant 0 : i32
          %dma_wait3A_153 = tpu.memref_slice %arg6[%add3A_146, %dma_wait3A_152] : memref<10240x16xf32, #tpu.memory_space<hbm>> -> memref<128x16xf32, #tpu.memory_space<hbm>>
          tpu.wait_dma2 semaphore(%run_scoped3A : memref<!tpu.dma_semaphore, #tpu.memory_space<semaphore_mem>>) src(%arg11 : memref<128x16xf32, #tpu.memory_space<vmem>>) dst(%dma_wait3A_153 : memref<128x16xf32, #tpu.memory_space<hbm>>)
          tpu.yield
        }) : () -> ()
      } else {
      }
      %eq3A_141 = arith.constant 1 : i32
      %eq3A_142 = arith.cmpi eq, %arg0, %eq3A_141 : i32
      %convert_element_type3A_143 = arith.extui %eq3A_142 : i1 to i32
      %cond3A_144 = arith.constant 0 : i32
      %cond3A_145 = arith.cmpi ne, %convert_element_type3A_143, %cond3A_144 : i32
      scf.if %cond3A_145 {
        %add3A_146 = arith.addi %mul3A_2, %mul3A_130 : i32
        "tpu.region"() ({
          %run_scoped3A = tpu.sem_alloc : memref<!tpu.dma_semaphore, #tpu.memory_space<semaphore_mem>>
          %dma_start3A_147 = arith.constant 0 : i32
          %dma_start3A_148 = tpu.memref_slice %arg7[%add3A_146, %dma_start3A_147] : memref<10240x16xf32, #tpu.memory_space<hbm>> -> memref<128x16xf32, #tpu.memory_space<hbm>>
          %dma_start3A_149 = arith.constant 0 : i32
          %dma_start3A_150 = tpu.memref_slice %arg7[%add3A_146, %dma_start3A_149] : memref<10240x16xf32, #tpu.memory_space<hbm>> -> memref<128x16xf32, #tpu.memory_space<hbm>>
          tpu.enqueue_dma source(%arg11 : memref<128x16xf32, #tpu.memory_space<vmem>>) target(%dma_start3A_150 : memref<128x16xf32, #tpu.memory_space<hbm>>) target_semaphore(%run_scoped3A : memref<!tpu.dma_semaphore, #tpu.memory_space<semaphore_mem>>)
          %dma_wait3A = arith.constant 0 : i32
          %dma_wait3A_151 = tpu.memref_slice %arg7[%add3A_146, %dma_wait3A] : memref<10240x16xf32, #tpu.memory_space<hbm>> -> memref<128x16xf32, #tpu.memory_space<hbm>>
          %dma_wait3A_152 = arith.constant 0 : i32
          %dma_wait3A_153 = tpu.memref_slice %arg7[%add3A_146, %dma_wait3A_152] : memref<10240x16xf32, #tpu.memory_space<hbm>> -> memref<128x16xf32, #tpu.memory_space<hbm>>
          tpu.wait_dma2 semaphore(%run_scoped3A : memref<!tpu.dma_semaphore, #tpu.memory_space<semaphore_mem>>) src(%arg11 : memref<128x16xf32, #tpu.memory_space<vmem>>) dst(%dma_wait3A_153 : memref<128x16xf32, #tpu.memory_space<hbm>>)
          tpu.yield
        }) : () -> ()
      } else {
      }
    }
    %scan3A_127 = arith.constant 5 : i32
    return
  }
}

module attributes {stable_mosaic.version = 14 : i64} {
  func.func @_mm1_body(%arg0: i32, %arg1: memref<10000x128xf32, #tpu.memory_space<vmem>>, %arg2: memref<128x16xf32, #tpu.memory_space<vmem>>, %arg3: memref<10000x16xf32, #tpu.memory_space<vmem>>) attributes {dimension_semantics = [#tpu.dimension_semantics<arbitrary>], iteration_bounds = array<i64: 1>, scalar_prefetch = 0 : i64, scratch_operands = 0 : i64, tpu.core_type = #tpu.core_type<tc>, window_params = [{pipeline_mode = #tpu.pipeline_mode<synchronous>, transform_indices = @transform_0, window_bounds = array<i64: 10000, 128>}, {pipeline_mode = #tpu.pipeline_mode<synchronous>, transform_indices = @transform_1, window_bounds = array<i64: 128, 16>}, {transform_indices = @transform_2, window_bounds = array<i64: 10000, 16>}]} {
    %get3A = arith.constant 0 : index
    %get3A_0 = arith.constant 0 : index
    %get3A_1 = vector.load %arg1[%get3A, %get3A_0] : memref<10000x128xf32, #tpu.memory_space<vmem>>, vector<10000x128xf32>
    %get3A_2 = arith.constant 0 : index
    %get3A_3 = arith.constant 0 : index
    %get3A_4 = vector.load %arg2[%get3A_2, %get3A_3] : memref<128x16xf32, #tpu.memory_space<vmem>>, vector<128x16xf32>
    %dot_general3A = arith.constant dense<0.000000e+00> : vector<10000x16xf32>
    %dot_general3A_5 = tpu.matmul %get3A_1, %get3A_4, %dot_general3A {dimension_numbers = #tpu.dot_dimension_numbers<[1], [0], [0], [1], [0, 0, 1, 1], [], []>, transpose_lhs_hint = false} : vector<10000x128xf32>, vector<128x16xf32>, vector<10000x16xf32> -> vector<10000x16xf32>
    %swap3A = arith.constant 0 : index
    %swap3A_6 = arith.constant 0 : index
    %swap3A_7 = vector.load %arg3[%swap3A, %swap3A_6] : memref<10000x16xf32, #tpu.memory_space<vmem>>, vector<10000x16xf32>
    tpu.vector_store %arg3[%swap3A, %swap3A_6], %dot_general3A_5 {strides = array<i32>} : memref<10000x16xf32, #tpu.memory_space<vmem>>, vector<10000x16xf32>,
    return
  }
  func.func @transform_0(%arg0: i32) -> (i32, i32) {
    %c0_i32 = arith.constant 0 : i32
    %c0_i32_0 = arith.constant 0 : i32
    %c0_i32_1 = arith.constant 0 : i32
    return %c0_i32, %c0_i32_0 : i32, i32
  }
  func.func @transform_1(%arg0: i32) -> (i32, i32) {
    %c0_i32 = arith.constant 0 : i32
    %c0_i32_0 = arith.constant 0 : i32
    %c0_i32_1 = arith.constant 0 : i32
    return %c0_i32, %c0_i32_0 : i32, i32
  }
  func.func @transform_2(%arg0: i32) -> (i32, i32) {
    %c0_i32 = arith.constant 0 : i32
    %c0_i32_0 = arith.constant 0 : i32
    %c0_i32_1 = arith.constant 0 : i32
    return %c0_i32, %c0_i32_0 : i32, i32
  }
}

module attributes {stable_mosaic.version = 14 : i64} {
  func.func @_tc2_body(%arg0: i32, %arg1: memref<10000x16xf32, #tpu.memory_space<vmem>>, %arg2: memref<10000x16xf32, #tpu.memory_space<vmem>>, %arg3: memref<16x40xf32, #tpu.memory_space<vmem>>, %arg4: memref<1x16xf32, #tpu.memory_space<vmem>>, %arg5: memref<10000x40xf32, #tpu.memory_space<vmem>>) attributes {dimension_semantics = [#tpu.dimension_semantics<arbitrary>], iteration_bounds = array<i64: 1>, scalar_prefetch = 0 : i64, scratch_operands = 0 : i64, tpu.core_type = #tpu.core_type<tc>, window_params = [{transform_indices = @transform_0, window_bounds = array<i64: 10000, 16>}, {transform_indices = @transform_1, window_bounds = array<i64: 10000, 16>}, {pipeline_mode = #tpu.pipeline_mode<synchronous>, transform_indices = @transform_2, window_bounds = array<i64: 16, 40>}, {pipeline_mode = #tpu.pipeline_mode<synchronous>, transform_indices = @transform_3, window_bounds = array<i64: 1, 16>}, {transform_indices = @transform_4, window_bounds = array<i64: 10000, 40>}]} {
    %get3A = arith.constant 0 : index
    %get3A_0 = arith.constant 0 : index
    %get3A_1 = vector.load %arg1[%get3A, %get3A_0] : memref<10000x16xf32, #tpu.memory_space<vmem>>, vector<10000x16xf32>
    %get3A_2 = arith.constant 0 : index
    %get3A_3 = arith.constant 0 : index
    %get3A_4 = vector.load %arg2[%get3A_2, %get3A_3] : memref<10000x16xf32, #tpu.memory_space<vmem>>, vector<10000x16xf32>
    %add3A = arith.addf %get3A_1, %get3A_4 : vector<10000x16xf32>
    %get3A_5 = arith.constant 0 : index
    %get3A_6 = arith.constant 0 : index
    %get3A_7 = vector.load %arg4[%get3A_5, %get3A_6] : memref<1x16xf32, #tpu.memory_space<vmem>>, vector<1x16xf32>
    %add3A_8 = vector.broadcast %get3A_7 : vector<1x16xf32> to vector<10000x16xf32>
    %add3A_9 = arith.addf %add3A, %add3A_8 : vector<10000x16xf32>
    %max3A = arith.constant 0.000000e+00 : f32
    %max3A_10 = vector.broadcast %max3A : f32 to vector<10000x16xf32>
    %max3A_11 = arith.maximumf %add3A_9, %max3A_10 : vector<10000x16xf32>
    %get3A_12 = arith.constant 0 : index
    %get3A_13 = arith.constant 0 : index
    %get3A_14 = vector.load %arg3[%get3A_12, %get3A_13] : memref<16x40xf32, #tpu.memory_space<vmem>>, vector<16x40xf32>
    %dot_general3A = arith.constant dense<0.000000e+00> : vector<10000x40xf32>
    %dot_general3A_15 = tpu.matmul %max3A_11, %get3A_14, %dot_general3A {dimension_numbers = #tpu.dot_dimension_numbers<[1], [0], [0], [1], [0, 0, 1, 1], [], []>, transpose_lhs_hint = false} : vector<10000x16xf32>, vector<16x40xf32>, vector<10000x40xf32> -> vector<10000x40xf32>
    %swap3A = arith.constant 0 : index
    %swap3A_16 = arith.constant 0 : index
    %swap3A_17 = vector.load %arg5[%swap3A, %swap3A_16] : memref<10000x40xf32, #tpu.memory_space<vmem>>, vector<10000x40xf32>
    tpu.vector_store %arg5[%swap3A, %swap3A_16], %dot_general3A_15 {strides = array<i32>} : memref<10000x40xf32, #tpu.memory_space<vmem>>, vector<10000x40xf32>,
    return
  }
  func.func @transform_0(%arg0: i32) -> (i32, i32) {
    %c0_i32 = arith.constant 0 : i32
    %c0_i32_0 = arith.constant 0 : i32
    %c0_i32_1 = arith.constant 0 : i32
    return %c0_i32, %c0_i32_0 : i32, i32
  }
  func.func @transform_1(%arg0: i32) -> (i32, i32) {
    %c0_i32 = arith.constant 0 : i32
    %c0_i32_0 = arith.constant 0 : i32
    %c0_i32_1 = arith.constant 0 : i32
    return %c0_i32, %c0_i32_0 : i32, i32
  }
  func.func @transform_2(%arg0: i32) -> (i32, i32) {
    %c0_i32 = arith.constant 0 : i32
    %c0_i32_0 = arith.constant 0 : i32
    %c0_i32_1 = arith.constant 0 : i32
    return %c0_i32, %c0_i32_0 : i32, i32
  }
  func.func @transform_3(%arg0: i32) -> (i32, i32) {
    %c0_i32 = arith.constant 0 : i32
    %c0_i32_0 = arith.constant 0 : i32
    %c0_i32_1 = arith.constant 0 : i32
    return %c0_i32, %c0_i32_0 : i32, i32
  }
  func.func @transform_4(%arg0: i32) -> (i32, i32) {
    %c0_i32 = arith.constant 0 : i32
    %c0_i32_0 = arith.constant 0 : i32
    %c0_i32_1 = arith.constant 0 : i32
    return %c0_i32, %c0_i32_0 : i32, i32
  }
}

module attributes {stable_mosaic.version = 14 : i64} {
  func.func @_tc3_body(%arg0: i32, %arg1: memref<10000x40xf32, #tpu.memory_space<vmem>>, %arg2: memref<10000x40xf32, #tpu.memory_space<vmem>>, %arg3: memref<1x40xf32, #tpu.memory_space<vmem>>, %arg4: memref<10000x40xf32, #tpu.memory_space<vmem>>) attributes {dimension_semantics = [#tpu.dimension_semantics<arbitrary>], iteration_bounds = array<i64: 1>, scalar_prefetch = 0 : i64, scratch_operands = 0 : i64, tpu.core_type = #tpu.core_type<tc>, window_params = [{transform_indices = @transform_0, window_bounds = array<i64: 10000, 40>}, {transform_indices = @transform_1, window_bounds = array<i64: 10000, 40>}, {pipeline_mode = #tpu.pipeline_mode<synchronous>, transform_indices = @transform_2, window_bounds = array<i64: 1, 40>}, {pipeline_mode = #tpu.pipeline_mode<synchronous>, transform_indices = @transform_3, window_bounds = array<i64: 10000, 40>}]} {
    %get3A = arith.constant 0 : index
    %get3A_0 = arith.constant 0 : index
    %get3A_1 = vector.load %arg1[%get3A, %get3A_0] : memref<10000x40xf32, #tpu.memory_space<vmem>>, vector<10000x40xf32>
    %get3A_2 = arith.constant 0 : index
    %get3A_3 = arith.constant 0 : index
    %get3A_4 = vector.load %arg2[%get3A_2, %get3A_3] : memref<10000x40xf32, #tpu.memory_space<vmem>>, vector<10000x40xf32>
    %add3A = arith.addf %get3A_1, %get3A_4 : vector<10000x40xf32>
    %get3A_5 = arith.constant 0 : index
    %get3A_6 = arith.constant 0 : index
    %get3A_7 = vector.load %arg3[%get3A_5, %get3A_6] : memref<1x40xf32, #tpu.memory_space<vmem>>, vector<1x40xf32>
    %add3A_8 = vector.broadcast %get3A_7 : vector<1x40xf32> to vector<10000x40xf32>
    %add3A_9 = arith.addf %add3A, %add3A_8 : vector<10000x40xf32>
    %reduce_max3A = arith.constant dense<0xFF800000> : vector<10000xf32>
    %reduce_max3A_10 = vector.multi_reduction <maximumf>, %add3A_9, %reduce_max3A [1] : vector<10000x40xf32> to vector<10000xf32>
    %broadcast_in_dim3A = vector.shape_cast %reduce_max3A_10 : vector<10000xf32> to vector<10000x1xf32>
    %sub3A = vector.broadcast %broadcast_in_dim3A : vector<10000x1xf32> to vector<10000x40xf32>
    %sub3A_11 = arith.subf %add3A_9, %sub3A : vector<10000x40xf32>
    %exp3A = math.exp %sub3A_11 : vector<10000x40xf32>
    %reduce_sum3A = arith.constant dense<0.000000e+00> : vector<10000xf32>
    %reduce_sum3A_12 = vector.multi_reduction <add>, %exp3A, %reduce_sum3A [1] : vector<10000x40xf32> to vector<10000xf32>
    %broadcast_in_dim3A_13 = vector.shape_cast %reduce_sum3A_12 : vector<10000xf32> to vector<10000x1xf32>
    %log3A = math.log %broadcast_in_dim3A_13 : vector<10000x1xf32>
    %sub3A_14 = vector.broadcast %log3A : vector<10000x1xf32> to vector<10000x40xf32>
    %sub3A_15 = arith.subf %sub3A_11, %sub3A_14 : vector<10000x40xf32>
    %swap3A = arith.constant 0 : index
    %swap3A_16 = arith.constant 0 : index
    %swap3A_17 = vector.load %arg4[%swap3A, %swap3A_16] : memref<10000x40xf32, #tpu.memory_space<vmem>>, vector<10000x40xf32>
    tpu.vector_store %arg4[%swap3A, %swap3A_16], %sub3A_15 {strides = array<i32>} : memref<10000x40xf32, #tpu.memory_space<vmem>>, vector<10000x40xf32>,
    return
  }
  func.func @transform_0(%arg0: i32) -> (i32, i32) {
    %c0_i32 = arith.constant 0 : i32
    %c0_i32_0 = arith.constant 0 : i32
    %c0_i32_1 = arith.constant 0 : i32
    return %c0_i32, %c0_i32_0 : i32, i32
  }
  func.func @transform_1(%arg0: i32) -> (i32, i32) {
    %c0_i32 = arith.constant 0 : i32
    %c0_i32_0 = arith.constant 0 : i32
    %c0_i32_1 = arith.constant 0 : i32
    return %c0_i32, %c0_i32_0 : i32, i32
  }
  func.func @transform_2(%arg0: i32) -> (i32, i32) {
    %c0_i32 = arith.constant 0 : i32
    %c0_i32_0 = arith.constant 0 : i32
    %c0_i32_1 = arith.constant 0 : i32
    return %c0_i32, %c0_i32_0 : i32, i32
  }
  func.func @transform_3(%arg0: i32) -> (i32, i32) {
    %c0_i32 = arith.constant 0 : i32
    %c0_i32_0 = arith.constant 0 : i32
    %c0_i32_1 = arith.constant 0 : i32
    return %c0_i32, %c0_i32_0 : i32, i32
  }
}

</mosaic_0001>

<sc_bundles>
// kernel: kernel.11.cloned.1.call-start
scs
__scs_entry_jumppad:
0x0: {  	(pc) =	sbr.rel $0x88, $3  }
0x1: {  	(tag) =	ssettag $0x0;
	lr =	simm.s32 $0x1  }
0x2: {  	[smem:$0x3F9B] =	sst lr;
	_ =	strace $0xD0000000  }
0x3: {  	_ = 	snop  }
0x4: {  	_ = 	snop  }
0x5: {  	_ = 	snop  }
0x6: {  	_ = 	snop  }
0x7: {  	_ = 	snop  }
__scs_overlays_trampoline_lowered:
0x8: {  	[smem:$0x3FAA] =	sst s0  }
0x9: {  	[smem:$0x3FAB] =	sst s1  }
0xa: {  	[smem:$0x3FAC] =	sst s2  }
0xb: {  	[smem:$0x3FAD] =	sst s3  }
0xc: {  	[smem:$0x3FAE] =	sst s4  }
0xd: {  	[smem:$0x3FAF] =	sst s5  }
0xe: {  	[smem:$0x3FB0] =	sst s6  }
0xf: {  	[smem:$0x3FB1] =	sst s7  }
0x10: {  	[smem:$0x3FB2] =	sst s8  }
0x11: {  	[smem:$0x3FB3] =	sst s9;
	s0 =	simm.s32 @!p0 $0x0  }
0x12: {  	s1 =	sld [smem:$0x3F99];
	s0 =	simm.s32 @p0 $0x1  }
0x13: {  	[smem:$0x3FB4] =	sst s0;
	s0 =	simm.s32 @!p1 $0x0  }
0x14: {  	s2 =	sld [smem:$0x3F98];
	s0 =	simm.s32 @p1 $0x1  }
0x15: {  	[smem:$0x3FB5] =	sst s0;
	s0 =	simm.s32 @!p2 $0x0  }
0x16: {  	s3 =	sld [smem:$0x3FDB];
	s0 =	simm.s32 @p2 $0x1  }
0x17: {  	s4 =	simm.s32 $0x1BF5;
	[smem:$0x3FB7] =	sst s0  }
0x18: {  	s0 =	sld [smem:$0x3F9A];
	_ =	swait.ge [sflag:s4], $0x0  }
0x19: {  	s7 =	sld [smem:$0x3F9B]  }
0x1a: {  	s8 =	sadd.s32 $0xFFFFE003, lr  }
0x1b: {  	s9 =	sadd.s32 $0xFFFFFEF7, lr;
	s5 =	simm.s32 $0xFFFFFFFF;
	p2 =	slt.u32 s8, $0xFFFFF086  }
0x1c: {  	p1 =	slt.u32 s9, $0xF7A;
	s5 =	simm.s32 @!p2 $0x0  }
0x1d: {  	s5 =	simm.s32 @p1 $0x1;
	p0 =	seq.s32 s7, s2  }
0x1e: {  	s7 =	smul.u32 @!p0 $0xF7A, s2;
	p2 =	seq.s32 @!p0 s5, $0x0  }
0x1f: {  	s9 =	smul.u32 $0xF7A, s1;
	s8 =	simm.s32 @!p0 $0x1BF5;
	p2 =	por !p2, p0  }
0x20: {  	[sflag:s8] =	ssyncset.s32 @!p0 $0xFFFFF086;
	s6 =	sadd.s32 @!p0 s3, s7;
	s7 =	simm.s32 @!p0 $0x108  }
0x21: {  	s3 =	sadd.s32 s3, s9;
	s6 =	sadd.s32 @!p0 $0x88, s6;
	s7 =	simm.s32 @p2 $0x1082  }
0x22: {  	[simem:s7], [sflag:s8] =	dma.local @!p0 [hbm:s6], $0xF7A  }
0x23: {  	s9 =	sor.u32 $0xD0000000, s2;
	s6 =	simm.s32 $0x108;
	_ =	swait.ge @!p0 [sflag:s8], $0x0  }
0x24: {  	s3 =	sadd.s32 $0x88, s3;
	s6 =	simm.s32 @!p1 $0x1082;
	[sflag:s4] =	ssyncset.s32 $0xFFFFF086  }
0x25: {  	[simem:s6], [sflag:s4] =	dma.local [hbm:s3], $0xF7A  }
0x26: {  	[smem:$0x3F9B] =	sst s1;
	(tag) =	ssettag s2;
	_ =	strace s9  }
0x27: {  	s1 =	sld [smem:$0x3FAB]  }
0x28: {  	s2 =	sld [smem:$0x3FAC]  }
0x29: {  	s4 =	sld [smem:$0x3FAE]  }
0x2a: {  	p0 =	seq.s32 s5, $0x0;
	s5 =	sld [smem:$0x3FAF]  }
0x2b: {  	s6 =	sld [smem:$0x3FB0]  }
0x2c: {  	s7 =	sld [smem:$0x3FB1]  }
0x2d: {  	s3 =	simm.s32 $0x108;
	s8 =	sld [smem:$0x3FB2]  }
0x2e: {  	s3 =	simm.s32 @!p0 $0x1082;
	s9 =	sld [smem:$0x3FB3]  }
0x2f: {  	lr =	sadd.s32 s0, s3;
	s0 =	sld [smem:$0x3FAA]  }
0x30: {  	s3 =	sld [smem:$0x3FAD]  }
0x31: {  	[smem:$0x3FB6] =	sst s10  }
0x32: {  	s10 =	sld [smem:$0x3FB4];
	_ =	sdelay $0x3  }
0x33: {  	p0 =	seq.s32 s10, $0x1;
	s10 =	sld [smem:$0x3FB6];
	_ =	sdelay $0x3  }
0x34: {  	[smem:$0x3FB6] =	sst s10  }
0x35: {  	s10 =	sld [smem:$0x3FB5];
	_ =	sdelay $0x3  }
0x36: {  	p1 =	seq.s32 s10, $0x1;
	s10 =	sld [smem:$0x3FB6];
	_ =	sdelay $0x3  }
0x37: {  	[smem:$0x3FB6] =	sst s10  }
0x38: {  	s10 =	sld [smem:$0x3FB7]  }
0x39: {  	_ = 	snop;
	(pc) =	sbr.ind lr, $3  }
0x3a: {  	_ = 	snop  }
0x3b: {  	_ = 	snop  }
0x3c: {  	p2 =	seq.s32 s10, $0x1;
	s10 =	sld [smem:$0x3FB6]  }
0x3d: {  	_ =	shalt  }
0x3e: {  	_ =	shalt  }
0x3f: {  	_ =	shalt  }
0x40: {  	_ =	shalt  }
0x41: {  	_ =	shalt  }
0x42: {  	_ =	shalt  }
0x43: {  	_ =	shalt  }
0x44: {  	_ =	shalt  }
0x45: {  	_ =	shalt  }
0x46: {  	_ =	shalt  }
0x47: {  	_ =	shalt  }
0x48: {  	_ =	shalt  }
0x49: {  	_ =	shalt  }
0x4a: {  	_ =	shalt  }
0x4b: {  	_ =	shalt  }
0x4c: {  	_ =	shalt  }
0x4d: {  	_ =	shalt  }
0x4e: {  	_ =	shalt  }
0x4f: {  	_ =	shalt  }
0x50: {  	_ =	shalt  }
0x51: {  	_ =	shalt  }
0x52: {  	_ =	shalt  }
0x53: {  	_ =	shalt  }
0x54: {  	_ =	shalt  }
0x55: {  	_ =	shalt  }
0x56: {  	_ =	shalt  }
0x57: {  	_ =	shalt  }
0x58: {  	_ =	shalt  }
0x59: {  	_ =	shalt  }
0x5a: {  	_ =	shalt  }
0x5b: {  	_ =	shalt  }
0x5c: {  	_ =	shalt  }
0x5d: {  	_ =	shalt  }
0x5e: {  	_ =	shalt  }
0x5f: {  	_ =	shalt  }
0x60: {  	_ =	shalt  }
0x61: {  	_ =	shalt  }
0x62: {  	_ =	shalt  }
0x63: {  	_ =	shalt  }
0x64: {  	_ =	shalt  }
0x65: {  	_ =	shalt  }
0x66: {  	_ =	shalt  }
0x67: {  	_ =	shalt  }
0x68: {  	_ =	shalt  }
0x69: {  	_ =	shalt  }
0x6a: {  	_ =	shalt  }
0x6b: {  	_ =	shalt  }
0x6c: {  	_ =	shalt  }
0x6d: {  	_ =	shalt  }
0x6e: {  	_ =	shalt  }
0x6f: {  	_ =	shalt  }
0x70: {  	_ =	shalt  }
0x71: {  	_ =	shalt  }
0x72: {  	_ =	shalt  }
0x73: {  	_ =	shalt  }
0x74: {  	_ =	shalt  }
0x75: {  	_ =	shalt  }
0x76: {  	_ =	shalt  }
0x77: {  	_ =	shalt  }
0x78: {  	_ =	shalt  }
0x79: {  	_ =	shalt  }
0x7a: {  	_ =	shalt  }
0x7b: {  	_ =	shalt  }
0x7c: {  	_ =	shalt  }
0x7d: {  	_ =	shalt  }
0x7e: {  	_ =	shalt  }
0x7f: {  	_ =	shalt  }
0x80: {  	_ =	shalt  }
0x81: {  	_ =	shalt  }
0x82: {  	_ =	shalt  }
0x83: {  	_ =	shalt  }
0x84: {  	_ =	shalt  }
0x85: {  	_ =	shalt  }
0x86: {  	_ =	shalt  }
0x87: {  	_ =	shalt  }
.Lfunc_end0:
.L_simem_size_0:
called_computation.1_lowered:
.L_overlay_start_0:
0x88: {  	s2 =	sld [smem:$0x3FD9]  }
0x89: {  	s3 =	sld [smem:$0x3FFE];
	_ =	sdelay $0x1  }
0x8a: {  	s1 =	srdreg.scid  }
0x8b: {  	s0 =	sand.u32 $0x1, s1  }
0x8c: {  	s17 =	sshll.u32 s0, $0xA;
	s2 =	sadd.s32 s3, s2  }
0x8d: {  	s2 =	sadd.s32 s2, s17  }
0x8e: {  	[smem:$0x3FC2] =	sst s2  }
0x8f: {  	_ = 	snop  }
0x90: {  	s2 =	sld [smem:$0x3FD0];
	(tm) =	ssettm $0x1  }
0x91: {  	s18 =	sld [smem:$0x3FFB];
	_ =	sdelay $0x3  }
0x92: {  	_ =	strace s18  }
0x93: {  	s3 =	sld [smem:$0x3FFC];
	_ =	sdelay $0x3  }
0x94: {  	_ =	strace s3  }
0x95: {  	s3 =	sld [smem:$0x3FFD];
	_ =	sdelay $0x3  }
0x96: {  	_ =	strace s3  }
0x97: {  	_ =	strace $0x8FFFFFFF  }
0x98: {  	s19 =	sld [smem:$0x3FDB];
	_ =	sdelay $0x1  }
0x99: {  	s4 =	simm.s32 $_scs_section_size  }
0x9a: {  	s5 =	simm.s32 $_size__tile_overlayer_lowered;
	s6 =	simm.s32 $_tile_overlayer_lowered  }
0x9b: {  	s22 =	simm.s32 $0x1BFF;
	s21 =	sshll.u32 s6, $0x1;
	s3 =	sadd.s32 s4, s19  }
0x9c: {  	s7 =	simm.s32 $0x0;
	s20 =	sshll.u32 s5, $0x1;
	s5 =	sadd.s32 s21, s3  }
0x9d: {  	[timem:s7], [sflag:s22] =	dma.local [hbm:s5], s20  }
0x9e: {  	_ =	swait.ge [sflag:s22], s20  }
0x9f: {  	s4 =	ssub.s32 $0x0, s20;
	[sflag:s22] =	ssyncset.done $0x0  }
0xa0: {  	[sflag:s22] =	ssyncadd.s32 s4;
	_ =	sdelay $0x1  }
0xa1: {  	s23 =	simm.s32 $0x1B8B  }
0xa2: {  	_ =	swait.ge [sflag:s23], $0x1  }
0xa3: {  	[sflag:s23] =	ssyncset.done $0x0  }
0xa4: {  	s25 =	simm.s32 $0x1B8E;
	s24 =	sld [smem:$0x3FFE];
	[sflag:s23] =	ssyncadd.s32 $0xFFFFFFFF  }
0xa5: {  	s26 =	simm.s32 $execute0_lowered;
	[smem:$0x3FD2] =	sst s25  }
0xa6: {  	s5 =	sshll.u32 s26, $0x1;
	_ =	strace $0x80000049;
	[dreg:$0x1] =	wrdreg $0xFFFFFFFF  }
0xa7: {  	s28 =	simm.s32 $_size_execute0_lowered;
	s3 =	sadd.s32 s3, s5;
	[dreg:$0x0] =	wrdreg $0x0  }
0xa8: {  	s5 =	sshll.u32 s28, $0x1;
	[dreg:$0x2] =	wrdreg s3  }
0xa9: {  	[dreg:$0x3] =	wrdreg s5  }
0xaa: {  	[dreg:$0x4] =	wrdreg $0xC0  }
0xab: {  	_ =	task [dreg:s7], $0x5FFFF  }
0xac: {  	[dreg:$0x1] =	wrdreg $0xFFFFFFFF  }
0xad: {  	[dreg:$0x0] =	wrdreg $0x60  }
0xae: {  	[dreg:$0x2] =	wrdreg s2  }
0xaf: {  	[dreg:$0x3] =	wrdreg s24  }
0xb0: {  	[dreg:$0x4] =	wrdreg $0xE7800  }
0xb1: {  	[dreg:$0x5] =	wrdreg $0x10F800  }
0xb2: {  	[dreg:$0x6] =	wrdreg $0x9  }
0xb3: {  	_ =	task.clear_ibuf [dreg:s7], $0x7FFFF;
	_ =	strace $0x90000049  }
0xb4: {  	s29 =	simm.s32 $0x9;
	_ =	strace $0x8000004B  }
0xb5: {  	_ =	swait.ge [sflag:s29], $0x1  }
0xb6: {  	[sflag:s29] =	ssyncadd.s32 $0xFFFFFFFF  }
0xb7: {  	_ =	strace $0x9000004B  }
0xb8: {  	_ =	sfence  }
0xb9: {  	s30 =	sld [smem:$0x0];
	_ =	sdelay $0x2  }
0xba: {  	s31 =	sshll.u32 s1, $0xD;
	s1 =	sshrl.u32 s1, $0x2  }
0xbb: {  	s3 =	sand.u32 $0x4000, s31;
	s1 =	sadd.s32 s1, s30  }
0xbc: {  	s0 =	sor.u32 s3, s0;
	s1 =	sshll.u32 s1, $0x11  }
0xbd: {  	s0 =	sor.u32 s1, s0  }
0xbe: {  	s0 =	sadd.s32 $0x8F2B, s0  }
0xbf: {  	[sflag:s0] =	ssyncadd.remote.s32 $0x1  }
0xc0: {  	_ =	sfence.sel $0xFFFF  }
0xc1: {  	[dreg:$0x0] =	wrdreg $0xFFFFFFFF;
	(pc) =	sbr.abs _section_cstart, $3  }
0xc2: {  	[dreg:$0x1] =	wrdreg $0xFFFFFFFF  }
0xc3: {  	_ =	task.clear_ibuf [dreg:s7], $0x2FFFF;
	_ =	strace $0x9FFFFFFF  }
0xc4: {  	(tm) =	ssettm $0x7FFFFFFF  }
0xc5: {  	_ =	shalt  }
tec
execute0_lowered:
.L_overlay_start_1:
0x0: {  	(tag) =	ssettag $0x1  }
0x1: {  	s28 =	rddreg [dreg:$0x0]  }
0x2: {  	s0 =	rddreg [dreg:$0x1]  }
0x3: {  	s3 =	rddreg [dreg:$0x2]  }
0x4: {  	s4 =	rddreg [dreg:$0x3];
	s9 =	stileid.u32  }
0x5: {  	s26 =	simm.s32 $0x0;
	s1 =	srdreg.scid;
	s30 =	simm.s32 $0x6000  }
0x6: {  	s18 =	simm.s32 $0x7000;
	s31 =	simm.s32 $0x8000;
	s29 =	simm.s32 $0x9000  }
0x7: {  	s10 =	simm.s32 $0xB000;
	s11 =	simm.s32 $0xB800;
	s12 =	simm.s32 $0xC000  }
0x8: {  	s13 =	simm.s32 $0xC800;
	s14 =	simm.s32 $0x1;
	s15 =	simm.s32 $0x3  }
0x9: {  	s2 =	smul.u32 $0x280, s9;
	[smem:$0x7FF] =	sst s26;
	s1 =	sand.u32 $0x1, s1  }
0xa: {  	s7 =	smul.u32 $0xA000, s9;
	s8 =	sadd.s32 $0x2C00, s0;
	_ =	strace $0x8000004A  }
0xb: {  	s5 =	ssub.s32 $0x2, s1;
	s19 =	sshll.u32 s1, $0x4;
	p0 =	seq.s32 s1, $0x0  }
0xc: {  	s1 =	simm.s32 $0x1C800;
	[dreg:$0x5] =	wrdreg s2;
	s7 =	sshrl.u32 s7, $0x2  }
0xd: {  	s2 =	sshrl.u32 s2, $0x3;
	s1 =	simm.s32 @!p0 $0x17800;
	s7 =	sadd.s32 s7, s4  }
0xe: {  	s2 =	sadd.s32 s2, s0;
	s0 =	sadd.s32 s1, s0;
	[dreg:$0x8] =	wrdreg s7  }
0xf: {  	s16 =	simm.s32 $0x2;
	s20 =	sadd.s32 $0x16C00, s2;
	[dreg:$0x10] =	wrdreg s0  }
0x10: {  	s6 =	sshrl.u32 s5, $0x1;
	s2 =	sadd.s32 $0x17200, s2;
	[dreg:$0x6] =	wrdreg s20  }
0x11: {  	s5 =	ssub.s32 s5, s6;
	s22 =	sadd.s32 $0x800, s7;
	[dreg:$0x7] =	wrdreg s2  }
0x12: {  	s6 =	sor.u32 s9, s19;
	s23 =	sadd.s32 $0x1000, s7;
	[dreg:$0x9] =	wrdreg s22  }
0x13: {  	s21 =	smul.u32 $0x2800, s6;
	s24 =	sadd.s32 $0x1800, s7;
	[dreg:$0xa] =	wrdreg s23  }
0x14: {  	s7 =	sadd.s32 $0x2000, s7;
	s6 =	smul.u32 $0x500, s6;
	[dreg:$0xb] =	wrdreg s24  }
0x15: {  	s25 =	smax.u32 s5, $0x1;
	s0 =	simm.s32 $0x5;
	[dreg:$0xc] =	wrdreg s7  }
0x16: {  	s5 =	simm.s32 $0x0;
	[dreg:$0xf] =	wrdreg s25;
	s22 =	simm.s32 $0xE000  }
0x17: {  	s25 =	simm.s32 $0x80;
	s0 =	simm.s32 @!p0 $0x4;
	s23 =	simm.s32 $0x7800  }
0x18: {  	s20 =	simm.s32 $0x8800;
	s7 =	simm.s32 $0xA000;
	s2 =	sshrl.u32 s21, $0x3  }
0x19: {  	s6 =	sadd.s32 s8, s6;
	[dreg:$0x11] =	wrdreg s0;
	s2 =	sadd.s32 s8, s2  }
0x1a: {  	s0 =	simm.s32 $0x6800;
	[dreg:$0xd] =	wrdreg s6;
	s2 =	sadd.s32 $0xA000, s2  }
0x1b: {  	v0 =	vimm.f32 $0.0e+00;
	s8 =	simm.s32 $0xA800;
	[dreg:$0xe] =	wrdreg s2;
	s2 =	simm.s32 $0x9800  }
.LBB2_1:
0x1c: {  	[dreg:$0x12] =	wrdreg s5  }
0x1d: {  	s1 =	rddreg [dreg:$0x6];
	s19 =	simm.s32 $0xE280;
	s21 =	simm.s32 $0x4  }
0x1e: {  	[tilespmem:s19], [sflag:$0x4] =	stream.linear.gather [hbm4b:s1+s26], $0x280, $0x38;
	[tilespmem:$0x13780] =	vst v63  }
0x1f: {  	_ =	swait.ge [sflag:s21], $0x280  }
0x20: {  	[sflag:s21] =	ssyncset.done $0x0  }
0x21: {  	s6 =	simm.s32 $0xE500;
	s24 =	rddreg [dreg:$0x7];
	[sflag:s21] =	ssyncadd.s32 $0xFFFFFD80  }
0x22: {  	[tilespmem:s6], [sflag:$0x4] =	stream.linear.gather [hbm4b:s24+s26], $0x280, $0x38;
	[tilespmem:$0x13780] =	vst v63  }
0x23: {  	_ =	swait.ge [sflag:s21], $0x280  }
0x24: {  	[sflag:s21] =	ssyncset.done $0x0  }
0x25: {  	s5 =	simm.s32 $0x0;
	[sflag:s21] =	ssyncadd.s32 $0xFFFFFD80  }
0x26: {  	v1 =	vld [tilespmem:s5+$0xE500]  }
0x27: {  	v2 =	vld [tilespmem:s5+$0xE280];
	_ =	sdelay $0x2  }
0x28: {  	s1 =	simm.s32 $0x10  }
0x29: {  	v3 =	vld [tilespmem:s1+$0xE500]  }
0x2a: {  	v1 =	vadd.f32 v1, v2;
	v2 =	vld [tilespmem:s1+$0xE280];
	_ =	sdelay $0x1  }
0x2b: {  	v1 =	vadd.f32 $1.000000000e+00, v1;
	_ =	sdelay $0x1  }
0x2c: {  	s6 =	simm.s32 $0x20;
	v4 =	vshrl.u32 v1, $0x1;
	v5 =	vmul.f32 $5.000000000e-01, v1  }
0x2d: {  	v6 =	vld [tilespmem:s6+$0xE280];
	v1 =	vsub.s32 $0x5F3759DF, v4;
	v2 =	vadd.f32 v3, v2  }
0x2e: {  	v4 =	vld [tilespmem:s6+$0xE500];
	v3 =	vmul.f32 v1, v5  }
0x2f: {  	v2 =	vadd.f32 $1.000000000e+00, v2  }
0x30: {  	v3 =	vmul.f32 v1, v3  }
0x31: {  	s17 =	simm.s32 $0x30;
	v7 =	vshrl.u32 v2, $0x1;
	v9 =	vmul.f32 $5.000000000e-01, v2  }
0x32: {  	v8 =	vld [tilespmem:s17+$0xE280];
	v2 =	vsub.f32 $1.500000000e+00, v3;
	v3 =	vsub.s32 $0x5F3759DF, v7  }
0x33: {  	v7 =	vld [tilespmem:s17+$0xE500];
	v4 =	vadd.f32 v4, v6;
	v6 =	vmul.f32 v3, v9  }
0x34: {  	s21 =	simm.s32 $0x40;
	v2 =	vmul.f32 v1, v2  }
0x35: {  	v11 =	vld [tilespmem:s21+$0xE500];
	v1 =	vadd.f32 $1.000000000e+00, v4;
	v4 =	vmul.f32 v3, v6  }
0x36: {  	v12 =	vld [tilespmem:s21+$0xE280];
	v6 =	vmul.f32 v2, v5  }
0x37: {  	v10 =	vshrl.u32 v1, $0x1;
	v1 =	vmul.f32 $5.000000000e-01, v1;
	v4 =	vsub.f32 $1.500000000e+00, v4  }
0x38: {  	v10 =	vsub.s32 $0x5F3759DF, v10;
	v7 =	vadd.f32 v7, v8;
	v6 =	vmul.f32 v6, v2  }
0x39: {  	v8 =	vmul.f32 v10, v1;
	v3 =	vmul.f32 v3, v4  }
0x3a: {  	v4 =	vsub.f32 $1.500000000e+00, v6;
	v6 =	vadd.f32 $1.000000000e+00, v7  }
0x3b: {  	v11 =	vadd.f32 v11, v12;
	v7 =	vmul.f32 v10, v8;
	v8 =	vmul.f32 v3, v9  }
0x3c: {  	v4 =	vmul.f32 v4, v2;
	v13 =	vshrl.u32 v6, $0x1;
	v2 =	vmul.f32 $5.000000000e-01, v6  }
0x3d: {  	s9 =	simm.s32 $0x50;
	v7 =	vsub.f32 $1.500000000e+00, v7;
	v6 =	vsub.s32 $0x5F3759DF, v13;
	v8 =	vmul.f32 v8, v3  }
0x3e: {  	v14 =	vld [tilespmem:s9+$0xE280];
	v13 =	vmul.f32 v4, v5;
	v12 =	vmul.f32 v6, v2  }
0x3f: {  	v11 =	vadd.f32 $1.000000000e+00, v11;
	v5 =	vmul.f32 v10, v7;
	v10 =	vld [tilespmem:s9+$0xE500];
	v7 =	vsub.f32 $1.500000000e+00, v8  }
0x40: {  	v8 =	vmul.f32 v13, v4;
	v12 =	vmul.f32 v6, v12  }
0x41: {  	v16 =	vshrl.u32 v11, $0x1;
	v15 =	vmul.f32 v5, v1;
	v3 =	vmul.f32 v7, v3  }
0x42: {  	v7 =	vmul.f32 $5.000000000e-01, v11;
	v8 =	vsub.f32 $1.500000000e+00, v8;
	v13 =	vsub.f32 $1.500000000e+00, v12  }
0x43: {  	s19 =	simm.s32 $0x60;
	s24 =	simm.s32 $0x1C0;
	v12 =	vsub.s32 $0x5F3759DF, v16;
	v11 =	vmul.f32 v15, v5;
	v9 =	vmul.f32 v3, v9  }
.LBB2_2:
0x44: {  	s26 =	sshra.s32 s24, $0x2;
	p1 =	sne.s32 s24, $0x9C0;
	s24 =	sadd.s32 $0x40, s24;
	v15 =	vadd.f32 v10, v14;
	v10 =	vld [tilespmem:s19+$0xE500];
	v16 =	vmul.f32 v12, v7;
	v13 =	vmul.f32 v6, v13;
	v17 =	vmovc v7  }
.Ltmp0:
0x45: {  	v6 =	vmovc v12;
	v14 =	vld [tilespmem:s19+$0xE280];
	v7 =	vsub.f32 $1.500000000e+00, v11;
	v9 =	vmul.f32 v9, v3;
	v11 =	vmul.f32 v8, v4;
	v4 =	vmovc v3;
	(pc) =	sbr.rel @p1 .LBB2_2-.Ltmp0, $4  }
0x46: {  	v12 =	vadd.f32 $1.000000000e+00, v15;
	v15 =	vmul.f32 v6, v16;
	v16 =	vmul.f32 v13, v2  }
0x47: {  	v3 =	vmul.f32 v7, v5;
	v8 =	vsub.f32 $1.500000000e+00, v9;
	[tilespmem:s5+$0xE000] =	vst v11;
	v5 =	vmov v13;
	s5 =	smov.u32 s1;
	s1 =	smov.u32 s6;
	s6 =	smov.u32 s17  }
0x48: {  	s17 =	smov.u32 s21;
	s21 =	smov.u32 s9;
	s9 =	smov.u32 s19;
	v9 =	vshrl.u32 v12, $0x1;
	v7 =	vmul.f32 $5.000000000e-01, v12;
	v13 =	vsub.f32 $1.500000000e+00, v15  }
0x49: {  	s19 =	smov.u32 s26;
	v11 =	vmul.f32 v16, v5;
	v12 =	vsub.s32 $0x5F3759DF, v9;
	v9 =	vmul.f32 v3, v1;
	v1 =	vmovc v2;
	v2 =	vmovc v17  }
0x4a: {  	v15 =	vld [tilespmem:s19+$0xE500]  }
0x4b: {  	v16 =	vld [tilespmem:s19+$0xE280];
	_ =	sdelay $0x3  }
0x4c: {  	v10 =	vadd.f32 v10, v14  }
0x4d: {  	v47 =	vadd.f32 v15, v16  }
0x4e: {  	v10 =	vadd.f32 $1.000000000e+00, v10  }
0x4f: {  	v14 =	vadd.f32 $1.000000000e+00, v47  }
0x50: {  	v48 =	vmul.f32 v12, v7;
	v49 =	vshrl.u32 v10, $0x1;
	v10 =	vmul.f32 $5.000000000e-01, v10  }
0x51: {  	v16 =	vsub.s32 $0x5F3759DF, v49;
	v17 =	vshrl.u32 v14, $0x1;
	v14 =	vmul.f32 $5.000000000e-01, v14  }
0x52: {  	v18 =	vmul.f32 v16, v10;
	v17 =	vsub.s32 $0x5F3759DF, v17  }
0x53: {  	v15 =	vmul.f32 v12, v48;
	v19 =	vmul.f32 v17, v14  }
0x54: {  	v18 =	vmul.f32 v16, v18  }
0x55: {  	v6 =	vmul.f32 v6, v13;
	v15 =	vsub.f32 $1.500000000e+00, v15;
	v50 =	vmul.f32 v17, v19  }
0x56: {  	v4 =	vmul.f32 v8, v4;
	v11 =	vsub.f32 $1.500000000e+00, v11;
	v52 =	vsub.f32 $1.500000000e+00, v18  }
0x57: {  	v53 =	vmul.f32 v6, v2;
	v51 =	vmul.f32 v12, v15;
	v13 =	vsub.f32 $1.500000000e+00, v50  }
0x58: {  	v5 =	vmul.f32 v11, v5;
	v15 =	vmul.f32 v16, v52  }
0x59: {  	v54 =	vmul.f32 v51, v7;
	v13 =	vmul.f32 v17, v13  }
0x5a: {  	v8 =	vmul.f32 v53, v6;
	v55 =	vmul.f32 v15, v10  }
0x5b: {  	v16 =	vmul.f32 v54, v51;
	v56 =	vmul.f32 v13, v14  }
0x5c: {  	v8 =	vsub.f32 $1.500000000e+00, v8;
	v17 =	vmul.f32 v55, v15  }
0x5d: {  	v1 =	vmul.f32 v5, v1;
	v16 =	vsub.f32 $1.500000000e+00, v16;
	v11 =	vmul.f32 v56, v13  }
0x5e: {  	v9 =	vmul.f32 v9, v3;
	v6 =	vmul.f32 v8, v6;
	v58 =	vsub.f32 $1.500000000e+00, v17  }
0x5f: {  	v1 =	vmul.f32 v1, v5;
	v57 =	vmul.f32 v16, v51;
	v11 =	vsub.f32 $1.500000000e+00, v11  }
0x60: {  	v2 =	vmul.f32 v6, v2;
	v12 =	vmul.f32 v58, v15  }
0x61: {  	v59 =	vmul.f32 v57, v7;
	v11 =	vmul.f32 v11, v13  }
0x62: {  	v9 =	vsub.f32 $1.500000000e+00, v9;
	v2 =	vmul.f32 v2, v6;
	v10 =	vmul.f32 v12, v10  }
0x63: {  	v1 =	vsub.f32 $1.500000000e+00, v1;
	v7 =	vmul.f32 v59, v57;
	v13 =	vmul.f32 v11, v14  }
0x64: {  	v3 =	vmul.f32 v9, v3;
	v2 =	vsub.f32 $1.500000000e+00, v2;
	v60 =	vmul.f32 v10, v12  }
0x65: {  	[tilespmem:s5+$0xE000] =	vst v4;
	v1 =	vmul.f32 v1, v5;
	v61 =	vsub.f32 $1.500000000e+00, v7;
	v62 =	vmul.f32 v13, v11  }
0x66: {  	[tilespmem:s1+$0xE000] =	vst v3;
	v2 =	vmul.f32 v2, v6;
	v3 =	vsub.f32 $1.500000000e+00, v60  }
0x67: {  	[tilespmem:s6+$0xE000] =	vst v1;
	v1 =	vmul.f32 v61, v57;
	v63 =	vsub.f32 $1.500000000e+00, v62  }
0x68: {  	[tilespmem:s17+$0xE000] =	vst v2;
	v2 =	vmul.f32 v3, v12  }
0x69: {  	[tilespmem:s21+$0xE000] =	vst v1;
	v1 =	vmul.f32 v63, v11  }
0x6a: {  	s26 =	simm.s32 $0x4;
	s5 =	simm.s32 $0x0;
	[tilespmem:s9+$0xE000] =	vst v2  }
0x6b: {  	s1 =	simm.s32 $0x0;
	s6 =	simm.s32 $0x0;
	s21 =	simm.s32 $0xD000;
	[tilespmem:s19+$0xE000] =	vst v1  }
.LBB2_4:
0x6c: {  	s9 =	sshll.u32 s6, $0x7;
	s17 =	rddreg [dreg:$0x5]  }
0x6d: {  	s9 =	sadd.s32 s17, s9  }
0x6e: {  	p2 =	por $0x1, $0x1;
	s17 =	sshll.u32 s9, $0x1  }
.Ltmp1:
0x6f: {  	s17 =	sadd.s32 s28, s17;
	(pc) =	sbr.rel @!p2 .LBB2_5-.Ltmp1, $4  }
0x70: {  	[tilespmem:s21], [sflag:$0x4] =	stream.linear.gather [hbm4b:s17+s1], $0x800, $0x38;
	[tilespmem:$0x13780] =	vst v63  }
0x71: {  	_ =	swait.ge [sflag:s26], $0x800  }
0x72: {  	[sflag:s26] =	ssyncset.done $0x0  }
0x73: {  	v1 =	vmov s5;
	p1 =	por $0x0, $0x0;
	s17 =	simm.s32 $0x40;
	[sflag:s26] =	ssyncadd.s32 $0xFFFFF800  }
0x74: {  	_ =	sdelay $0x2  }
0x75: {  	p2 =	por $0x1, $0x1  }
.Ltmp2:
0x76: {  	v2 =	vld.idx.msk [tilespmem:v1+s22+$0x0], $0xffff;
	s19 =	simm.s32 $0x0;
	(pc) =	sbr.rel @!p2 .LBB2_7-.Ltmp2, $3  }
0x77: {  	v3 =	vld [tilespmem:s19+$0xD000];
	_ =	sdelay $0x1  }
0x78: {  	s21 =	sadd.s32 $0x1, s5  }
0x79: {  	s24 =	simm.s32 $0x80;
	p1 =	por $0x1, $0x1;
	v1 =	vmov s21  }
.LBB2_8:
0x7a: {  	p2 =	sne.s32 s24, $0x1FC0  }
0x7b: {  	v2 =	vmul.f32 v3, v2;
	_ =	sdelay $0x1  }
0x7c: {  	[tilespmem:s19+$0xD000] =	vst v2  }
.Ltmp3:
0x7d: {  	s19 =	sshra.s32 s17, $0x2;
	s17 =	smov.u32 s24;
	v2 =	vld.idx.msk [tilespmem:v1+s22+$0x0], $0xffff;
	(pc) =	sbr.rel @p2 .LBB2_8-.Ltmp3, $3  }
0x7e: {  	v3 =	vld [tilespmem:s19+$0xD000];
	_ =	sdelay $0x1  }
0x7f: {  	s21 =	sadd.s32 $0x1, s21  }
0x80: {  	s24 =	sadd.s32 $0x40, s24;
	v1 =	vmov s21  }
0x81: {  	s21 =	simm.s32 $0xD000  }
.LBB2_10:
0x82: {  	_ = 	snop  }
0x83: {  	v2 =	vmul.f32 @p1 v3, v2;
	_ =	sdelay $0x1  }
0x84: {  	[tilespmem:s19+$0xD000] =	vst @p1 v2  }
0x85: {  	s17 =	sshra.s32 s17, $0x2;
	v1 =	vld.idx.msk [tilespmem:v1+s22+$0x0], $0xffff  }
0x86: {  	v2 =	vld [tilespmem:s17+$0xD000];
	_ =	sdelay $0x4  }
0x87: {  	s9 =	sshll.u32 s9, $0x4;
	v1 =	vmul.f32 v2, v1  }
0x88: {  	s6 =	sadd.s32 $0x1, s6;
	s9 =	sand.u32 $0x3FFFFFF0, s9  }
0x89: {  	s9 =	sadd.s32 s9, s3;
	p1 =	sne.s32 s6, $0x5;
	[tilespmem:s17+$0xD000] =	vst v1  }
0x8a: {  	[spmem:s9] =	stream.linear.scatter [tilespmem:s21], [sflag:$0x4], $0x800, $0x38;
	[tilespmem:$0x13780] =	vst v63  }
.Ltmp4:
0x8b: {  	_ = 	snop;
	(pc) =	sbr.rel @p1 .LBB2_4-.Ltmp4, $4  }
.Ltmp5:
0x8c: {  	_ = 	snop;
	(pc) =	sbr.rel @!p1 .LBB2_11-.Ltmp5, $4  }
0x8d: {  	_ =	swait.ge [sflag:s26], $0x800  }
0x8e: {  	[sflag:s26] =	ssyncset.done $0x0  }
0x8f: {  	s5 =	sadd.s32 $0x80, s5;
	[sflag:s26] =	ssyncadd.s32 $0xFFFFF800  }
0x90: {  	_ = 	snop  }
.LBB2_5:
.Ltmp6:
0x91: {  	(pc) =	sbr.rel .LBB2_10-.Ltmp6, $2  }
0x92: {  	_ =	sdelay $0x2  }
0x93: {  	s17 =	simm.s32 $0x0  }
.LBB2_7:
.Ltmp7:
0x94: {  	(pc) =	sbr.rel .LBB2_10-.Ltmp7, $2  }
0x95: {  	_ =	sdelay $0x2  }
0x96: {  	s21 =	simm.s32 $0xD000  }
.LBB2_11:
0x97: {  	s1 =	simm.s32 $0x40;
	s5 =	simm.s32 $0x0;
	s19 =	simm.s32 $0x5000  }
.LBB2_12:
0x98: {  	p1 =	sne.s32 s1, $0x1FC0;
	[tilespmem:s5+$0xD000] =	vst v0;
	s5 =	smov.u32 s1;
	s1 =	sadd.s32 $0x40, s1  }
.Ltmp8:
0x99: {  	(pc) =	sbr.rel @p1 .LBB2_12-.Ltmp8, $2  }
0x9a: {  	_ =	sdelay $0x2  }
0x9b: {  	s5 =	sshra.s32 s5, $0x2  }
0x9c: {  	[tilespmem:s5+$0xD000] =	vst v0;
	s1 =	rddreg [dreg:$0x8]  }
0x9d: {  	[spmem:s1] =	stream.linear.scatter [tilespmem:s21], [sflag:$0x4], $0x800, $0x38;
	[tilespmem:$0x13780] =	vst v63  }
0x9e: {  	_ =	swait.ge [sflag:s26], $0x800  }
0x9f: {  	[sflag:s26] =	ssyncset.done $0x0  }
0xa0: {  	s28 =	rddreg [dreg:$0x9];
	[sflag:s26] =	ssyncadd.s32 $0xFFFFF800  }
0xa1: {  	[spmem:s28] =	stream.linear.scatter [tilespmem:s21], [sflag:$0x4], $0x800, $0x38;
	[tilespmem:$0x13780] =	vst v63  }
0xa2: {  	_ =	swait.ge [sflag:s26], $0x800  }
0xa3: {  	[sflag:s26] =	ssyncset.done $0x0  }
0xa4: {  	s5 =	rddreg [dreg:$0xa];
	[sflag:s26] =	ssyncadd.s32 $0xFFFFF800  }
0xa5: {  	[spmem:s5] =	stream.linear.scatter [tilespmem:s21], [sflag:$0x4], $0x800, $0x38;
	[tilespmem:$0x13780] =	vst v63  }
0xa6: {  	_ =	swait.ge [sflag:s26], $0x800  }
0xa7: {  	[sflag:s26] =	ssyncset.done $0x0  }
0xa8: {  	s6 =	rddreg [dreg:$0xb];
	[sflag:s26] =	ssyncadd.s32 $0xFFFFF800  }
0xa9: {  	[spmem:s6] =	stream.linear.scatter [tilespmem:s21], [sflag:$0x4], $0x800, $0x38;
	[tilespmem:$0x13780] =	vst v63  }
0xaa: {  	_ =	swait.ge [sflag:s26], $0x800  }
0xab: {  	[sflag:s26] =	ssyncset.done $0x0  }
0xac: {  	s9 =	rddreg [dreg:$0xc];
	[sflag:s26] =	ssyncadd.s32 $0xFFFFF800  }
0xad: {  	[spmem:s9] =	stream.linear.scatter [tilespmem:s21], [sflag:$0x4], $0x800, $0x38;
	[tilespmem:$0x13780] =	vst v63  }
0xae: {  	_ =	swait.ge [sflag:s26], $0x800  }
0xaf: {  	[sflag:s26] =	ssyncset.done $0x0  }
0xb0: {  	s17 =	simm.s32 $0x0;
	s21 =	rddreg [dreg:$0xd];
	[sflag:s26] =	ssyncadd.s32 $0xFFFFF800  }
0xb1: {  	[tilespmem:s17], [sflag:$0x4] =	stream.linear.gather [hbm4b:s21+s17], $0x2800, $0x38;
	[tilespmem:$0x13780] =	vst v63  }
0xb2: {  	_ =	swait.ge [sflag:s26], $0x2800  }
0xb3: {  	[sflag:s26] =	ssyncset.done $0x0  }
0xb4: {  	s6 =	simm.s32 $0x2800;
	s24 =	rddreg [dreg:$0xe];
	[sflag:s26] =	ssyncadd.s32 $0xFFFFD800  }
0xb5: {  	[tilespmem:s6], [sflag:$0x4] =	stream.linear.gather [hbm4b:s24+s17], $0x2800, $0x38;
	[tilespmem:$0x13780] =	vst v63  }
0xb6: {  	_ =	swait.ge [sflag:s26], $0x2800  }
0xb7: {  	[sflag:s26] =	ssyncset.done $0x0  }
0xb8: {  	[sflag:s26] =	ssyncadd.s32 $0xFFFFD800  }
0xb9: {  	[bflag:$0x0] =	sbarrier.arrive $0xFFFF  }
0xba: {  	[tilespmem:s19], [sflag:$0x1] =	stream.indirect.gather [spmem:s3], $0x10, s17, s25, $0xb8;
	[tilespmem:$0x13780] =	vst v63  }
0xbb: {  	s21 =	simm.s32 $0x5800  }
0xbc: {  	[tilespmem:s21], [sflag:$0x1] =	stream.indirect.gather [spmem:s3], $0x10, s25, s25, $0xb8;
	[tilespmem:$0x13780] =	vst v63  }
0xbd: {  	s26 =	simm.s32 $0x100  }
0xbe: {  	[tilespmem:s30], [sflag:$0x1] =	stream.indirect.gather [spmem:s3], $0x10, s26, s25, $0xb8;
	[tilespmem:$0x13780] =	vst v63  }
0xbf: {  	s28 =	simm.s32 $0x180  }
0xc0: {  	[tilespmem:s0], [sflag:$0x1] =	stream.indirect.gather [spmem:s3], $0x10, s28, s25, $0xb8;
	[tilespmem:$0x13780] =	vst v63  }
0xc1: {  	s5 =	simm.s32 $0x200  }
0xc2: {  	[tilespmem:s18], [sflag:$0x1] =	stream.indirect.gather [spmem:s3], $0x10, s5, s25, $0xb8;
	[tilespmem:$0x13780] =	vst v63  }
0xc3: {  	s6 =	simm.s32 $0x280  }
0xc4: {  	[tilespmem:s23], [sflag:$0x1] =	stream.indirect.gather [spmem:s3], $0x10, s6, s25, $0xb8;
	[tilespmem:$0x13780] =	vst v63  }
0xc5: {  	s9 =	simm.s32 $0x300  }
0xc6: {  	[tilespmem:s31], [sflag:$0x1] =	stream.indirect.gather [spmem:s3], $0x10, s9, s25, $0xb8;
	[tilespmem:$0x13780] =	vst v63  }
0xc7: {  	s17 =	simm.s32 $0x380  }
0xc8: {  	[tilespmem:s20], [sflag:$0x1] =	stream.indirect.gather [spmem:s3], $0x10, s17, s25, $0xb8;
	[tilespmem:$0x13780] =	vst v63  }
0xc9: {  	s24 =	simm.s32 $0x400  }
0xca: {  	[tilespmem:s29], [sflag:$0x2] =	stream.indirect.gather [spmem:s3], $0x10, s24, s25, $0xb8;
	[tilespmem:$0x13780] =	vst v63  }
0xcb: {  	s26 =	simm.s32 $0x480  }
0xcc: {  	[tilespmem:s2], [sflag:$0x2] =	stream.indirect.gather [spmem:s3], $0x10, s26, s25, $0xb8;
	[tilespmem:$0x13780] =	vst v63  }
0xcd: {  	s28 =	simm.s32 $0x500  }
0xce: {  	[tilespmem:s7], [sflag:$0x2] =	stream.indirect.gather [spmem:s3], $0x10, s28, s25, $0xb8;
	[tilespmem:$0x13780] =	vst v63  }
0xcf: {  	s5 =	simm.s32 $0x580  }
0xd0: {  	[tilespmem:s8], [sflag:$0x2] =	stream.indirect.gather [spmem:s3], $0x10, s5, s25, $0xb8;
	[tilespmem:$0x13780] =	vst v63  }
0xd1: {  	s6 =	simm.s32 $0x600  }
0xd2: {  	[tilespmem:s10], [sflag:$0x2] =	stream.indirect.gather [spmem:s3], $0x10, s6, s25, $0xb8;
	[tilespmem:$0x13780] =	vst v63  }
0xd3: {  	s9 =	simm.s32 $0x680  }
0xd4: {  	[tilespmem:s11], [sflag:$0x2] =	stream.indirect.gather [spmem:s3], $0x10, s9, s25, $0xb8;
	[tilespmem:$0x13780] =	vst v63  }
0xd5: {  	s17 =	simm.s32 $0x700  }
0xd6: {  	[tilespmem:s12], [sflag:$0x2] =	stream.indirect.gather [spmem:s3], $0x10, s17, s25, $0xb8;
	[tilespmem:$0x13780] =	vst v63  }
0xd7: {  	s24 =	simm.s32 $0x780  }
0xd8: {  	[tilespmem:s13], [sflag:$0x2] =	stream.indirect.gather [spmem:s3], $0x10, s24, s25, $0xb8;
	[tilespmem:$0x13780] =	vst v63  }
0xd9: {  	_ =	swait.ge [sflag:s14], $0x800  }
0xda: {  	[sflag:s14] =	ssyncset.done $0x0  }
0xdb: {  	[sflag:s14] =	ssyncadd.s32 $0xFFFFF800  }
0xdc: {  	_ =	swait.ge [sflag:s14], $0x800  }
0xdd: {  	[sflag:s14] =	ssyncset.done $0x0  }
0xde: {  	[sflag:s14] =	ssyncadd.s32 $0xFFFFF800  }
0xdf: {  	_ =	swait.ge [sflag:s14], $0x800  }
0xe0: {  	[sflag:s14] =	ssyncset.done $0x0  }
0xe1: {  	[sflag:s14] =	ssyncadd.s32 $0xFFFFF800  }
0xe2: {  	_ =	swait.ge [sflag:s14], $0x800  }
0xe3: {  	[sflag:s14] =	ssyncset.done $0x0  }
0xe4: {  	[sflag:s14] =	ssyncadd.s32 $0xFFFFF800  }
0xe5: {  	_ =	swait.ge [sflag:s14], $0x800  }
0xe6: {  	[sflag:s14] =	ssyncset.done $0x0  }
0xe7: {  	[sflag:s14] =	ssyncadd.s32 $0xFFFFF800  }
0xe8: {  	_ =	swait.ge [sflag:s14], $0x800  }
0xe9: {  	[sflag:s14] =	ssyncset.done $0x0  }
0xea: {  	[sflag:s14] =	ssyncadd.s32 $0xFFFFF800  }
0xeb: {  	_ =	swait.ge [sflag:s14], $0x800  }
0xec: {  	[sflag:s14] =	ssyncset.done $0x0  }
0xed: {  	[sflag:s14] =	ssyncadd.s32 $0xFFFFF800  }
0xee: {  	_ =	swait.ge [sflag:s14], $0x800  }
0xef: {  	[sflag:s14] =	ssyncset.done $0x0  }
0xf0: {  	s26 =	simm.s32 $0x2800;
	[sflag:s14] =	ssyncadd.s32 $0xFFFFF800  }
0xf1: {  	[spmem:s4] =	stream.indirect.scatter.add.f32 [tilespmem:s19], [sflag:$0x3], $0x10, s26, s25, $0xb8;
	[tilespmem:$0x13780] =	vst v63  }
0xf2: {  	s28 =	simm.s32 $0x2880  }
0xf3: {  	[spmem:s4] =	stream.indirect.scatter.add.f32 [tilespmem:s21], [sflag:$0x3], $0x10, s28, s25, $0xb8;
	[tilespmem:$0x13780] =	vst v63  }
0xf4: {  	s5 =	simm.s32 $0x2900  }
0xf5: {  	[spmem:s4] =	stream.indirect.scatter.add.f32 [tilespmem:s30], [sflag:$0x3], $0x10, s5, s25, $0xb8;
	[tilespmem:$0x13780] =	vst v63  }
0xf6: {  	s6 =	simm.s32 $0x2980  }
0xf7: {  	[spmem:s4] =	stream.indirect.scatter.add.f32 [tilespmem:s0], [sflag:$0x3], $0x10, s6, s25, $0xb8;
	[tilespmem:$0x13780] =	vst v63  }
0xf8: {  	s9 =	simm.s32 $0x2A00  }
0xf9: {  	[spmem:s4] =	stream.indirect.scatter.add.f32 [tilespmem:s18], [sflag:$0x3], $0x10, s9, s25, $0xb8;
	[tilespmem:$0x13780] =	vst v63  }
0xfa: {  	s17 =	simm.s32 $0x2A80  }
0xfb: {  	[spmem:s4] =	stream.indirect.scatter.add.f32 [tilespmem:s23], [sflag:$0x3], $0x10, s17, s25, $0xb8;
	[tilespmem:$0x13780] =	vst v63  }
0xfc: {  	s24 =	simm.s32 $0x2B00  }
0xfd: {  	[spmem:s4] =	stream.indirect.scatter.add.f32 [tilespmem:s31], [sflag:$0x3], $0x10, s24, s25, $0xb8;
	[tilespmem:$0x13780] =	vst v63  }
0xfe: {  	s26 =	simm.s32 $0x2B80  }
0xff: {  	[spmem:s4] =	stream.indirect.scatter.add.f32 [tilespmem:s20], [sflag:$0x3], $0x10, s26, s25, $0xb8;
	[tilespmem:$0x13780] =	vst v63  }
0x100: {  	_ =	swait.ge [sflag:s15], $0x800  }
0x101: {  	[sflag:s15] =	ssyncset.done $0x0  }
0x102: {  	[sflag:s15] =	ssyncadd.s32 $0xFFFFF800  }
0x103: {  	_ =	swait.ge [sflag:s15], $0x800  }
0x104: {  	[sflag:s15] =	ssyncset.done $0x0  }
0x105: {  	[sflag:s15] =	ssyncadd.s32 $0xFFFFF800  }
0x106: {  	_ =	swait.ge [sflag:s15], $0x800  }
0x107: {  	[sflag:s15] =	ssyncset.done $0x0  }
0x108: {  	[sflag:s15] =	ssyncadd.s32 $0xFFFFF800  }
0x109: {  	_ =	swait.ge [sflag:s15], $0x800  }
0x10a: {  	[sflag:s15] =	ssyncset.done $0x0  }
0x10b: {  	[sflag:s15] =	ssyncadd.s32 $0xFFFFF800  }
0x10c: {  	_ =	swait.ge [sflag:s15], $0x800  }
0x10d: {  	[sflag:s15] =	ssyncset.done $0x0  }
0x10e: {  	[sflag:s15] =	ssyncadd.s32 $0xFFFFF800  }
0x10f: {  	_ =	swait.ge [sflag:s15], $0x800  }
0x110: {  	[sflag:s15] =	ssyncset.done $0x0  }
0x111: {  	[sflag:s15] =	ssyncadd.s32 $0xFFFFF800  }
0x112: {  	_ =	swait.ge [sflag:s15], $0x800  }
0x113: {  	[sflag:s15] =	ssyncset.done $0x0  }
0x114: {  	[sflag:s15] =	ssyncadd.s32 $0xFFFFF800  }
0x115: {  	p1 =	por $0x0, $0x0;
	_ =	swait.ge [sflag:s15], $0x800  }
0x116: {  	s1 =	simm.s32 @!p1 $0x5000;
	[sflag:s15] =	ssyncset.done $0x0  }
0x117: {  	s5 =	simm.s32 @!p1 $0x800;
	s6 =	simm.s32 @!p1 $0x80;
	[sflag:s15] =	ssyncadd.s32 $0xFFFFF800  }
0x118: {  	[tilespmem:s1], [sflag:$0x1] =	stream.indirect.gather @!p1 [spmem:s3], $0x10, s5, s6, $0xb8;
	[tilespmem:$0x13780] =	vst v63  }
0x119: {  	s1 =	simm.s32 @!p1 $0x880;
	s5 =	simm.s32 @!p1 $0x5800  }
0x11a: {  	[tilespmem:s5], [sflag:$0x1] =	stream.indirect.gather @!p1 [spmem:s3], $0x10, s1, s6, $0xb8;
	[tilespmem:$0x13780] =	vst v63  }
0x11b: {  	s1 =	simm.s32 @!p1 $0x900;
	s5 =	simm.s32 @!p1 $0x6000  }
0x11c: {  	[tilespmem:s5], [sflag:$0x1] =	stream.indirect.gather @!p1 [spmem:s3], $0x10, s1, s6, $0xb8;
	[tilespmem:$0x13780] =	vst v63  }
0x11d: {  	s1 =	simm.s32 @!p1 $0x980;
	s5 =	simm.s32 @!p1 $0x6800  }
0x11e: {  	[tilespmem:s5], [sflag:$0x1] =	stream.indirect.gather @!p1 [spmem:s3], $0x10, s1, s6, $0xb8;
	[tilespmem:$0x13780] =	vst v63  }
0x11f: {  	s1 =	simm.s32 @!p1 $0xA00;
	s5 =	simm.s32 @!p1 $0x7000  }
0x120: {  	[tilespmem:s5], [sflag:$0x1] =	stream.indirect.gather @!p1 [spmem:s3], $0x10, s1, s6, $0xb8;
	[tilespmem:$0x13780] =	vst v63  }
0x121: {  	s1 =	simm.s32 @!p1 $0xA80;
	s5 =	simm.s32 @!p1 $0x7800  }
0x122: {  	[tilespmem:s5], [sflag:$0x1] =	stream.indirect.gather @!p1 [spmem:s3], $0x10, s1, s6, $0xb8;
	[tilespmem:$0x13780] =	vst v63  }
0x123: {  	s1 =	simm.s32 @!p1 $0xB00;
	s5 =	simm.s32 @!p1 $0x8000  }
0x124: {  	[tilespmem:s5], [sflag:$0x1] =	stream.indirect.gather @!p1 [spmem:s3], $0x10, s1, s6, $0xb8;
	[tilespmem:$0x13780] =	vst v63  }
0x125: {  	s1 =	simm.s32 @!p1 $0xB80;
	s5 =	simm.s32 @!p1 $0x8800  }
0x126: {  	[tilespmem:s5], [sflag:$0x1] =	stream.indirect.gather @!p1 [spmem:s3], $0x10, s1, s6, $0xb8;
	[tilespmem:$0x13780] =	vst v63  }
0x127: {  	_ =	swait.ge [sflag:s16], $0x800  }
0x128: {  	[sflag:s16] =	ssyncset.done $0x0  }
0x129: {  	[sflag:s16] =	ssyncadd.s32 $0xFFFFF800  }
0x12a: {  	_ =	swait.ge [sflag:s16], $0x800  }
0x12b: {  	[sflag:s16] =	ssyncset.done $0x0  }
0x12c: {  	[sflag:s16] =	ssyncadd.s32 $0xFFFFF800  }
0x12d: {  	_ =	swait.ge [sflag:s16], $0x800  }
0x12e: {  	[sflag:s16] =	ssyncset.done $0x0  }
0x12f: {  	[sflag:s16] =	ssyncadd.s32 $0xFFFFF800  }
0x130: {  	_ =	swait.ge [sflag:s16], $0x800  }
0x131: {  	[sflag:s16] =	ssyncset.done $0x0  }
0x132: {  	[sflag:s16] =	ssyncadd.s32 $0xFFFFF800  }
0x133: {  	_ =	swait.ge [sflag:s16], $0x800  }
0x134: {  	[sflag:s16] =	ssyncset.done $0x0  }
0x135: {  	[sflag:s16] =	ssyncadd.s32 $0xFFFFF800  }
0x136: {  	_ =	swait.ge [sflag:s16], $0x800  }
0x137: {  	[sflag:s16] =	ssyncset.done $0x0  }
0x138: {  	[sflag:s16] =	ssyncadd.s32 $0xFFFFF800  }
0x139: {  	_ =	swait.ge [sflag:s16], $0x800  }
0x13a: {  	[sflag:s16] =	ssyncset.done $0x0  }
0x13b: {  	[sflag:s16] =	ssyncadd.s32 $0xFFFFF800  }
0x13c: {  	_ =	swait.ge [sflag:s16], $0x800  }
0x13d: {  	[sflag:s16] =	ssyncset.done $0x0  }
0x13e: {  	s28 =	simm.s32 $0x2C00;
	[sflag:s16] =	ssyncadd.s32 $0xFFFFF800  }
0x13f: {  	[spmem:s4] =	stream.indirect.scatter.add.f32 [tilespmem:s29], [sflag:$0x3], $0x10, s28, s25, $0xb8;
	[tilespmem:$0x13780] =	vst v63  }
0x140: {  	s5 =	simm.s32 $0x2C80  }
0x141: {  	[spmem:s4] =	stream.indirect.scatter.add.f32 [tilespmem:s2], [sflag:$0x3], $0x10, s5, s25, $0xb8;
	[tilespmem:$0x13780] =	vst v63  }
0x142: {  	s6 =	simm.s32 $0x2D00  }
0x143: {  	[spmem:s4] =	stream.indirect.scatter.add.f32 [tilespmem:s7], [sflag:$0x3], $0x10, s6, s25, $0xb8;
	[tilespmem:$0x13780] =	vst v63  }
0x144: {  	s9 =	simm.s32 $0x2D80  }
0x145: {  	[spmem:s4] =	stream.indirect.scatter.add.f32 [tilespmem:s8], [sflag:$0x3], $0x10, s9, s25, $0xb8;
	[tilespmem:$0x13780] =	vst v63  }
0x146: {  	s17 =	simm.s32 $0x2E00  }
0x147: {  	[spmem:s4] =	stream.indirect.scatter.add.f32 [tilespmem:s10], [sflag:$0x3], $0x10, s17, s25, $0xb8;
	[tilespmem:$0x13780] =	vst v63  }
0x148: {  	s24 =	simm.s32 $0x2E80  }
0x149: {  	[spmem:s4] =	stream.indirect.scatter.add.f32 [tilespmem:s11], [sflag:$0x3], $0x10, s24, s25, $0xb8;
	[tilespmem:$0x13780] =	vst v63  }
0x14a: {  	s26 =	simm.s32 $0x2F00  }
0x14b: {  	[spmem:s4] =	stream.indirect.scatter.add.f32 [tilespmem:s12], [sflag:$0x3], $0x10, s26, s25, $0xb8;
	[tilespmem:$0x13780] =	vst v63  }
0x14c: {  	s28 =	simm.s32 $0x2F80  }
0x14d: {  	[spmem:s4] =	stream.indirect.scatter.add.f32 [tilespmem:s13], [sflag:$0x3], $0x10, s28, s25, $0xb8;
	[tilespmem:$0x13780] =	vst v63  }
0x14e: {  	_ =	swait.ge [sflag:s15], $0x800  }
0x14f: {  	[sflag:s15] =	ssyncset.done $0x0  }
0x150: {  	[sflag:s15] =	ssyncadd.s32 $0xFFFFF800  }
0x151: {  	_ =	swait.ge [sflag:s15], $0x800  }
0x152: {  	[sflag:s15] =	ssyncset.done $0x0  }
0x153: {  	[sflag:s15] =	ssyncadd.s32 $0xFFFFF800  }
0x154: {  	_ =	swait.ge [sflag:s15], $0x800  }
0x155: {  	[sflag:s15] =	ssyncset.done $0x0  }
0x156: {  	[sflag:s15] =	ssyncadd.s32 $0xFFFFF800  }
0x157: {  	_ =	swait.ge [sflag:s15], $0x800  }
0x158: {  	[sflag:s15] =	ssyncset.done $0x0  }
0x159: {  	[sflag:s15] =	ssyncadd.s32 $0xFFFFF800  }
0x15a: {  	_ =	swait.ge [sflag:s15], $0x800  }
0x15b: {  	[sflag:s15] =	ssyncset.done $0x0  }
0x15c: {  	[sflag:s15] =	ssyncadd.s32 $0xFFFFF800  }
0x15d: {  	_ =	swait.ge [sflag:s15], $0x800  }
0x15e: {  	[sflag:s15] =	ssyncset.done $0x0  }
0x15f: {  	[sflag:s15] =	ssyncadd.s32 $0xFFFFF800  }
0x160: {  	_ =	swait.ge [sflag:s15], $0x800  }
0x161: {  	[sflag:s15] =	ssyncset.done $0x0  }
0x162: {  	[sflag:s15] =	ssyncadd.s32 $0xFFFFF800  }
0x163: {  	s1 =	simm.s32 $0x800;
	_ =	swait.ge [sflag:s15], $0x800  }
0x164: {  	s5 =	simm.s32 $0x2000;
	s17 =	simm.s32 $0x4000;
	[sflag:s15] =	ssyncset.done $0x0  }
.LBB2_14:
0x165: {  	s9 =	sadd.s32 $0x400, s1  }
0x166: {  	[sflag:s15] =	ssyncadd.s32 $0xFFFFF800;
	s6 =	smov.u32 s17;
	s17 =	sadd.s32 $0x2000, s17  }
0x167: {  	[tilespmem:s29], [sflag:$0x2] =	stream.indirect.gather [spmem:s3], $0x10, s9, s25, $0xb8;
	[tilespmem:$0x13780] =	vst v63  }
0x168: {  	p1 =	sne.s32 s17, $0xA000;
	s9 =	sadd.s32 $0x480, s1  }
0x169: {  	[tilespmem:s2], [sflag:$0x2] =	stream.indirect.gather [spmem:s3], $0x10, s9, s25, $0xb8;
	[tilespmem:$0x13780] =	vst v63  }
0x16a: {  	s9 =	sadd.s32 $0x500, s1  }
0x16b: {  	[tilespmem:s7], [sflag:$0x2] =	stream.indirect.gather [spmem:s3], $0x10, s9, s25, $0xb8;
	[tilespmem:$0x13780] =	vst v63  }
0x16c: {  	s9 =	sadd.s32 $0x580, s1  }
0x16d: {  	[tilespmem:s8], [sflag:$0x2] =	stream.indirect.gather [spmem:s3], $0x10, s9, s25, $0xb8;
	[tilespmem:$0x13780] =	vst v63  }
0x16e: {  	s9 =	sadd.s32 $0x600, s1  }
0x16f: {  	[tilespmem:s10], [sflag:$0x2] =	stream.indirect.gather [spmem:s3], $0x10, s9, s25, $0xb8;
	[tilespmem:$0x13780] =	vst v63  }
0x170: {  	s9 =	sadd.s32 $0x680, s1  }
0x171: {  	[tilespmem:s11], [sflag:$0x2] =	stream.indirect.gather [spmem:s3], $0x10, s9, s25, $0xb8;
	[tilespmem:$0x13780] =	vst v63  }
0x172: {  	s9 =	sadd.s32 $0x700, s1  }
0x173: {  	[tilespmem:s12], [sflag:$0x2] =	stream.indirect.gather [spmem:s3], $0x10, s9, s25, $0xb8;
	[tilespmem:$0x13780] =	vst v63  }
0x174: {  	s9 =	sadd.s32 $0x780, s1  }
0x175: {  	[tilespmem:s13], [sflag:$0x2] =	stream.indirect.gather [spmem:s3], $0x10, s9, s25, $0xb8;
	[tilespmem:$0x13780] =	vst v63  }
0x176: {  	_ =	swait.ge [sflag:s14], $0x800  }
0x177: {  	[sflag:s14] =	ssyncset.done $0x0  }
0x178: {  	[sflag:s14] =	ssyncadd.s32 $0xFFFFF800  }
0x179: {  	_ =	swait.ge [sflag:s14], $0x800  }
0x17a: {  	[sflag:s14] =	ssyncset.done $0x0  }
0x17b: {  	[sflag:s14] =	ssyncadd.s32 $0xFFFFF800  }
0x17c: {  	_ =	swait.ge [sflag:s14], $0x800  }
0x17d: {  	[sflag:s14] =	ssyncset.done $0x0  }
0x17e: {  	[sflag:s14] =	ssyncadd.s32 $0xFFFFF800  }
0x17f: {  	_ =	swait.ge [sflag:s14], $0x800  }
0x180: {  	[sflag:s14] =	ssyncset.done $0x0  }
0x181: {  	[sflag:s14] =	ssyncadd.s32 $0xFFFFF800  }
0x182: {  	_ =	swait.ge [sflag:s14], $0x800  }
0x183: {  	[sflag:s14] =	ssyncset.done $0x0  }
0x184: {  	[sflag:s14] =	ssyncadd.s32 $0xFFFFF800  }
0x185: {  	_ =	swait.ge [sflag:s14], $0x800  }
0x186: {  	[sflag:s14] =	ssyncset.done $0x0  }
0x187: {  	[sflag:s14] =	ssyncadd.s32 $0xFFFFF800  }
0x188: {  	_ =	swait.ge [sflag:s14], $0x800  }
0x189: {  	[sflag:s14] =	ssyncset.done $0x0  }
0x18a: {  	[sflag:s14] =	ssyncadd.s32 $0xFFFFF800  }
0x18b: {  	_ =	swait.ge [sflag:s14], $0x800  }
0x18c: {  	[sflag:s14] =	ssyncset.done $0x0  }
0x18d: {  	s9 =	sadd.s32 $0x2800, s1;
	[sflag:s14] =	ssyncadd.s32 $0xFFFFF800  }
0x18e: {  	[spmem:s4] =	stream.indirect.scatter.add.f32 [tilespmem:s19], [sflag:$0x3], $0x10, s9, s25, $0xb8;
	[tilespmem:$0x13780] =	vst v63  }
0x18f: {  	s9 =	sadd.s32 $0x2880, s1  }
0x190: {  	[spmem:s4] =	stream.indirect.scatter.add.f32 [tilespmem:s21], [sflag:$0x3], $0x10, s9, s25, $0xb8;
	[tilespmem:$0x13780] =	vst v63  }
0x191: {  	s9 =	sadd.s32 $0x2900, s1  }
0x192: {  	[spmem:s4] =	stream.indirect.scatter.add.f32 [tilespmem:s30], [sflag:$0x3], $0x10, s9, s25, $0xb8;
	[tilespmem:$0x13780] =	vst v63  }
0x193: {  	s9 =	sadd.s32 $0x2980, s1  }
0x194: {  	[spmem:s4] =	stream.indirect.scatter.add.f32 [tilespmem:s0], [sflag:$0x3], $0x10, s9, s25, $0xb8;
	[tilespmem:$0x13780] =	vst v63  }
0x195: {  	s9 =	sadd.s32 $0x2A00, s1  }
0x196: {  	[spmem:s4] =	stream.indirect.scatter.add.f32 [tilespmem:s18], [sflag:$0x3], $0x10, s9, s25, $0xb8;
	[tilespmem:$0x13780] =	vst v63  }
0x197: {  	s9 =	sadd.s32 $0x2A80, s1  }
0x198: {  	[spmem:s4] =	stream.indirect.scatter.add.f32 [tilespmem:s23], [sflag:$0x3], $0x10, s9, s25, $0xb8;
	[tilespmem:$0x13780] =	vst v63  }
0x199: {  	s9 =	sadd.s32 $0x2B00, s1  }
0x19a: {  	[spmem:s4] =	stream.indirect.scatter.add.f32 [tilespmem:s31], [sflag:$0x3], $0x10, s9, s25, $0xb8;
	[tilespmem:$0x13780] =	vst v63  }
0x19b: {  	s9 =	sadd.s32 $0x2B80, s1  }
0x19c: {  	[spmem:s4] =	stream.indirect.scatter.add.f32 [tilespmem:s20], [sflag:$0x3], $0x10, s9, s25, $0xb8;
	[tilespmem:$0x13780] =	vst v63  }
0x19d: {  	_ =	swait.ge [sflag:s15], $0x800  }
0x19e: {  	[sflag:s15] =	ssyncset.done $0x0  }
0x19f: {  	[sflag:s15] =	ssyncadd.s32 $0xFFFFF800  }
0x1a0: {  	_ =	swait.ge [sflag:s15], $0x800  }
0x1a1: {  	[sflag:s15] =	ssyncset.done $0x0  }
0x1a2: {  	[sflag:s15] =	ssyncadd.s32 $0xFFFFF800  }
0x1a3: {  	_ =	swait.ge [sflag:s15], $0x800  }
0x1a4: {  	[sflag:s15] =	ssyncset.done $0x0  }
0x1a5: {  	[sflag:s15] =	ssyncadd.s32 $0xFFFFF800  }
0x1a6: {  	_ =	swait.ge [sflag:s15], $0x800  }
0x1a7: {  	[sflag:s15] =	ssyncset.done $0x0  }
0x1a8: {  	[sflag:s15] =	ssyncadd.s32 $0xFFFFF800  }
0x1a9: {  	_ =	swait.ge [sflag:s15], $0x800  }
0x1aa: {  	[sflag:s15] =	ssyncset.done $0x0  }
0x1ab: {  	[sflag:s15] =	ssyncadd.s32 $0xFFFFF800  }
0x1ac: {  	_ =	swait.ge [sflag:s15], $0x800  }
0x1ad: {  	[sflag:s15] =	ssyncset.done $0x0  }
0x1ae: {  	[sflag:s15] =	ssyncadd.s32 $0xFFFFF800  }
0x1af: {  	_ =	swait.ge [sflag:s15], $0x800  }
0x1b0: {  	[sflag:s15] =	ssyncset.done $0x0  }
0x1b1: {  	[sflag:s15] =	ssyncadd.s32 $0xFFFFF800  }
0x1b2: {  	p2 =	seq.s32 s5, $0x8000;
	_ =	swait.ge [sflag:s15], $0x800  }
0x1b3: {  	s5 =	sshra.s32 @!p2 s5, $0x2;
	s9 =	simm.s32 @!p2 $0x5000;
	[sflag:s15] =	ssyncset.done $0x0  }
0x1b4: {  	s19 =	sadd.s32 @!p2 $0x800, s5;
	s21 =	simm.s32 @!p2 $0x80;
	[sflag:s15] =	ssyncadd.s32 $0xFFFFF800  }
0x1b5: {  	[tilespmem:s9], [sflag:$0x1] =	stream.indirect.gather @!p2 [spmem:s3], $0x10, s19, s21, $0xb8;
	[tilespmem:$0x13780] =	vst v63  }
0x1b6: {  	s24 =	sadd.s32 @!p2 $0x900, s5;
	s9 =	sadd.s32 @!p2 $0x880, s5;
	s19 =	simm.s32 @!p2 $0x5800  }
0x1b7: {  	[tilespmem:s19], [sflag:$0x1] =	stream.indirect.gather @!p2 [spmem:s3], $0x10, s9, s21, $0xb8;
	[tilespmem:$0x13780] =	vst v63  }
0x1b8: {  	s26 =	sadd.s32 @!p2 $0xA00, s5;
	s9 =	simm.s32 @!p2 $0x6000;
	s19 =	sadd.s32 @!p2 $0x980, s5  }
0x1b9: {  	[tilespmem:s9], [sflag:$0x1] =	stream.indirect.gather @!p2 [spmem:s3], $0x10, s24, s21, $0xb8;
	[tilespmem:$0x13780] =	vst v63  }
0x1ba: {  	s28 =	sadd.s32 @!p2 $0xB00, s5;
	s9 =	simm.s32 @!p2 $0x6800;
	s24 =	sadd.s32 @!p2 $0xA80, s5  }
0x1bb: {  	[tilespmem:s9], [sflag:$0x1] =	stream.indirect.gather @!p2 [spmem:s3], $0x10, s19, s21, $0xb8;
	[tilespmem:$0x13780] =	vst v63  }
0x1bc: {  	s9 =	simm.s32 @!p2 $0x7000;
	s19 =	sadd.s32 @!p2 $0xB80, s5;
	s5 =	smov.u32 s6  }
0x1bd: {  	[tilespmem:s9], [sflag:$0x1] =	stream.indirect.gather @!p2 [spmem:s3], $0x10, s26, s21, $0xb8;
	[tilespmem:$0x13780] =	vst v63  }
0x1be: {  	s6 =	simm.s32 @!p2 $0x7800  }
0x1bf: {  	[tilespmem:s6], [sflag:$0x1] =	stream.indirect.gather @!p2 [spmem:s3], $0x10, s24, s21, $0xb8;
	[tilespmem:$0x13780] =	vst v63  }
0x1c0: {  	s6 =	simm.s32 @!p2 $0x8000  }
0x1c1: {  	[tilespmem:s6], [sflag:$0x1] =	stream.indirect.gather @!p2 [spmem:s3], $0x10, s28, s21, $0xb8;
	[tilespmem:$0x13780] =	vst v63  }
0x1c2: {  	s6 =	simm.s32 @!p2 $0x8800  }
0x1c3: {  	[tilespmem:s6], [sflag:$0x1] =	stream.indirect.gather @!p2 [spmem:s3], $0x10, s19, s21, $0xb8;
	[tilespmem:$0x13780] =	vst v63  }
0x1c4: {  	s21 =	simm.s32 $0x5800;
	s19 =	simm.s32 $0x5000  }
0x1c5: {  	_ =	swait.ge [sflag:s16], $0x800  }
0x1c6: {  	[sflag:s16] =	ssyncset.done $0x0  }
0x1c7: {  	[sflag:s16] =	ssyncadd.s32 $0xFFFFF800  }
0x1c8: {  	_ =	swait.ge [sflag:s16], $0x800  }
0x1c9: {  	[sflag:s16] =	ssyncset.done $0x0  }
0x1ca: {  	[sflag:s16] =	ssyncadd.s32 $0xFFFFF800  }
0x1cb: {  	_ =	swait.ge [sflag:s16], $0x800  }
0x1cc: {  	[sflag:s16] =	ssyncset.done $0x0  }
0x1cd: {  	[sflag:s16] =	ssyncadd.s32 $0xFFFFF800  }
0x1ce: {  	_ =	swait.ge [sflag:s16], $0x800  }
0x1cf: {  	[sflag:s16] =	ssyncset.done $0x0  }
0x1d0: {  	[sflag:s16] =	ssyncadd.s32 $0xFFFFF800  }
0x1d1: {  	_ =	swait.ge [sflag:s16], $0x800  }
0x1d2: {  	[sflag:s16] =	ssyncset.done $0x0  }
0x1d3: {  	[sflag:s16] =	ssyncadd.s32 $0xFFFFF800  }
0x1d4: {  	_ =	swait.ge [sflag:s16], $0x800  }
0x1d5: {  	[sflag:s16] =	ssyncset.done $0x0  }
0x1d6: {  	[sflag:s16] =	ssyncadd.s32 $0xFFFFF800  }
0x1d7: {  	_ =	swait.ge [sflag:s16], $0x800  }
0x1d8: {  	[sflag:s16] =	ssyncset.done $0x0  }
0x1d9: {  	[sflag:s16] =	ssyncadd.s32 $0xFFFFF800  }
0x1da: {  	_ =	swait.ge [sflag:s16], $0x800  }
0x1db: {  	[sflag:s16] =	ssyncset.done $0x0  }
0x1dc: {  	s6 =	sadd.s32 $0x2C00, s1;
	[sflag:s16] =	ssyncadd.s32 $0xFFFFF800  }
0x1dd: {  	[spmem:s4] =	stream.indirect.scatter.add.f32 [tilespmem:s29], [sflag:$0x3], $0x10, s6, s25, $0xb8;
	[tilespmem:$0x13780] =	vst v63  }
0x1de: {  	s6 =	sadd.s32 $0x2C80, s1  }
0x1df: {  	[spmem:s4] =	stream.indirect.scatter.add.f32 [tilespmem:s2], [sflag:$0x3], $0x10, s6, s25, $0xb8;
	[tilespmem:$0x13780] =	vst v63  }
0x1e0: {  	s6 =	sadd.s32 $0x2D00, s1  }
0x1e1: {  	[spmem:s4] =	stream.indirect.scatter.add.f32 [tilespmem:s7], [sflag:$0x3], $0x10, s6, s25, $0xb8;
	[tilespmem:$0x13780] =	vst v63  }
0x1e2: {  	s6 =	sadd.s32 $0x2D80, s1  }
0x1e3: {  	[spmem:s4] =	stream.indirect.scatter.add.f32 [tilespmem:s8], [sflag:$0x3], $0x10, s6, s25, $0xb8;
	[tilespmem:$0x13780] =	vst v63  }
0x1e4: {  	s6 =	sadd.s32 $0x2E00, s1  }
0x1e5: {  	[spmem:s4] =	stream.indirect.scatter.add.f32 [tilespmem:s10], [sflag:$0x3], $0x10, s6, s25, $0xb8;
	[tilespmem:$0x13780] =	vst v63  }
0x1e6: {  	s6 =	sadd.s32 $0x2E80, s1  }
0x1e7: {  	[spmem:s4] =	stream.indirect.scatter.add.f32 [tilespmem:s11], [sflag:$0x3], $0x10, s6, s25, $0xb8;
	[tilespmem:$0x13780] =	vst v63  }
0x1e8: {  	s6 =	sadd.s32 $0x2F00, s1  }
0x1e9: {  	[spmem:s4] =	stream.indirect.scatter.add.f32 [tilespmem:s12], [sflag:$0x3], $0x10, s6, s25, $0xb8;
	[tilespmem:$0x13780] =	vst v63  }
0x1ea: {  	s1 =	sadd.s32 $0x2F80, s1  }
0x1eb: {  	[spmem:s4] =	stream.indirect.scatter.add.f32 [tilespmem:s13], [sflag:$0x3], $0x10, s1, s25, $0xb8;
	[tilespmem:$0x13780] =	vst v63  }
0x1ec: {  	_ =	swait.ge [sflag:s15], $0x800  }
0x1ed: {  	[sflag:s15] =	ssyncset.done $0x0  }
0x1ee: {  	[sflag:s15] =	ssyncadd.s32 $0xFFFFF800  }
0x1ef: {  	_ =	swait.ge [sflag:s15], $0x800  }
0x1f0: {  	[sflag:s15] =	ssyncset.done $0x0  }
0x1f1: {  	[sflag:s15] =	ssyncadd.s32 $0xFFFFF800  }
0x1f2: {  	_ =	swait.ge [sflag:s15], $0x800  }
0x1f3: {  	[sflag:s15] =	ssyncset.done $0x0  }
0x1f4: {  	[sflag:s15] =	ssyncadd.s32 $0xFFFFF800  }
0x1f5: {  	_ =	swait.ge [sflag:s15], $0x800  }
0x1f6: {  	[sflag:s15] =	ssyncset.done $0x0  }
0x1f7: {  	[sflag:s15] =	ssyncadd.s32 $0xFFFFF800  }
0x1f8: {  	_ =	swait.ge [sflag:s15], $0x800  }
0x1f9: {  	[sflag:s15] =	ssyncset.done $0x0  }
0x1fa: {  	[sflag:s15] =	ssyncadd.s32 $0xFFFFF800  }
0x1fb: {  	_ =	swait.ge [sflag:s15], $0x800  }
0x1fc: {  	[sflag:s15] =	ssyncset.done $0x0  }
0x1fd: {  	[sflag:s15] =	ssyncadd.s32 $0xFFFFF800  }
.Ltmp9:
0x1fe: {  	_ =	swait.ge [sflag:s15], $0x800;
	(pc) =	sbr.rel @p1 .LBB2_14-.Ltmp9, $4  }
0x1ff: {  	[sflag:s15] =	ssyncset.done $0x0  }
0x200: {  	[sflag:s15] =	ssyncadd.s32 $0xFFFFF800  }
0x201: {  	_ =	swait.ge [sflag:s15], $0x800  }
0x202: {  	s1 =	sshra.s32 s5, $0x2;
	[sflag:s15] =	ssyncset.done $0x0  }
0x203: {  	s6 =	sadd.s32 $0x400, s1;
	[sflag:s15] =	ssyncadd.s32 $0xFFFFF800  }
0x204: {  	[tilespmem:s29], [sflag:$0x2] =	stream.indirect.gather [spmem:s3], $0x10, s6, s25, $0xb8;
	[tilespmem:$0x13780] =	vst v63  }
0x205: {  	s24 =	sadd.s32 $0x480, s1  }
0x206: {  	[tilespmem:s2], [sflag:$0x2] =	stream.indirect.gather [spmem:s3], $0x10, s24, s25, $0xb8;
	[tilespmem:$0x13780] =	vst v63  }
0x207: {  	s26 =	sadd.s32 $0x500, s1  }
0x208: {  	[tilespmem:s7], [sflag:$0x2] =	stream.indirect.gather [spmem:s3], $0x10, s26, s25, $0xb8;
	[tilespmem:$0x13780] =	vst v63  }
0x209: {  	s9 =	sadd.s32 $0x580, s1  }
0x20a: {  	[tilespmem:s8], [sflag:$0x2] =	stream.indirect.gather [spmem:s3], $0x10, s9, s25, $0xb8;
	[tilespmem:$0x13780] =	vst v63  }
0x20b: {  	s17 =	sadd.s32 $0x600, s1  }
0x20c: {  	[tilespmem:s10], [sflag:$0x2] =	stream.indirect.gather [spmem:s3], $0x10, s17, s25, $0xb8;
	[tilespmem:$0x13780] =	vst v63  }
0x20d: {  	s24 =	sadd.s32 $0x680, s1  }
0x20e: {  	[tilespmem:s11], [sflag:$0x2] =	stream.indirect.gather [spmem:s3], $0x10, s24, s25, $0xb8;
	[tilespmem:$0x13780] =	vst v63  }
0x20f: {  	s26 =	sadd.s32 $0x700, s1  }
0x210: {  	[tilespmem:s12], [sflag:$0x2] =	stream.indirect.gather [spmem:s3], $0x10, s26, s25, $0xb8;
	[tilespmem:$0x13780] =	vst v63  }
0x211: {  	s9 =	sadd.s32 $0x780, s1  }
0x212: {  	[tilespmem:s13], [sflag:$0x2] =	stream.indirect.gather [spmem:s3], $0x10, s9, s25, $0xb8;
	[tilespmem:$0x13780] =	vst v63  }
0x213: {  	_ =	swait.ge [sflag:s14], $0x800  }
0x214: {  	[sflag:s14] =	ssyncset.done $0x0  }
0x215: {  	[sflag:s14] =	ssyncadd.s32 $0xFFFFF800  }
0x216: {  	_ =	swait.ge [sflag:s14], $0x800  }
0x217: {  	[sflag:s14] =	ssyncset.done $0x0  }
0x218: {  	[sflag:s14] =	ssyncadd.s32 $0xFFFFF800  }
0x219: {  	_ =	swait.ge [sflag:s14], $0x800  }
0x21a: {  	[sflag:s14] =	ssyncset.done $0x0  }
0x21b: {  	[sflag:s14] =	ssyncadd.s32 $0xFFFFF800  }
0x21c: {  	_ =	swait.ge [sflag:s14], $0x800  }
0x21d: {  	[sflag:s14] =	ssyncset.done $0x0  }
0x21e: {  	[sflag:s14] =	ssyncadd.s32 $0xFFFFF800  }
0x21f: {  	_ =	swait.ge [sflag:s14], $0x800  }
0x220: {  	[sflag:s14] =	ssyncset.done $0x0  }
0x221: {  	[sflag:s14] =	ssyncadd.s32 $0xFFFFF800  }
0x222: {  	_ =	swait.ge [sflag:s14], $0x800  }
0x223: {  	[sflag:s14] =	ssyncset.done $0x0  }
0x224: {  	[sflag:s14] =	ssyncadd.s32 $0xFFFFF800  }
0x225: {  	_ =	swait.ge [sflag:s14], $0x800  }
0x226: {  	[sflag:s14] =	ssyncset.done $0x0  }
0x227: {  	[sflag:s14] =	ssyncadd.s32 $0xFFFFF800  }
0x228: {  	_ =	swait.ge [sflag:s14], $0x800  }
0x229: {  	[sflag:s14] =	ssyncset.done $0x0  }
0x22a: {  	s17 =	sadd.s32 $0x2800, s1;
	[sflag:s14] =	ssyncadd.s32 $0xFFFFF800  }
0x22b: {  	[spmem:s4] =	stream.indirect.scatter.add.f32 [tilespmem:s19], [sflag:$0x3], $0x10, s17, s25, $0xb8;
	[tilespmem:$0x13780] =	vst v63  }
0x22c: {  	s24 =	sadd.s32 $0x2880, s1  }
0x22d: {  	[spmem:s4] =	stream.indirect.scatter.add.f32 [tilespmem:s21], [sflag:$0x3], $0x10, s24, s25, $0xb8;
	[tilespmem:$0x13780] =	vst v63  }
0x22e: {  	s26 =	sadd.s32 $0x2900, s1  }
0x22f: {  	[spmem:s4] =	stream.indirect.scatter.add.f32 [tilespmem:s30], [sflag:$0x3], $0x10, s26, s25, $0xb8;
	[tilespmem:$0x13780] =	vst v63  }
0x230: {  	s9 =	sadd.s32 $0x2980, s1  }
0x231: {  	[spmem:s4] =	stream.indirect.scatter.add.f32 [tilespmem:s0], [sflag:$0x3], $0x10, s9, s25, $0xb8;
	[tilespmem:$0x13780] =	vst v63  }
0x232: {  	s17 =	sadd.s32 $0x2A00, s1  }
0x233: {  	[spmem:s4] =	stream.indirect.scatter.add.f32 [tilespmem:s18], [sflag:$0x3], $0x10, s17, s25, $0xb8;
	[tilespmem:$0x13780] =	vst v63  }
0x234: {  	s19 =	sadd.s32 $0x2A80, s1  }
0x235: {  	[spmem:s4] =	stream.indirect.scatter.add.f32 [tilespmem:s23], [sflag:$0x3], $0x10, s19, s25, $0xb8;
	[tilespmem:$0x13780] =	vst v63  }
0x236: {  	s21 =	sadd.s32 $0x2B00, s1  }
0x237: {  	[spmem:s4] =	stream.indirect.scatter.add.f32 [tilespmem:s31], [sflag:$0x3], $0x10, s21, s25, $0xb8;
	[tilespmem:$0x13780] =	vst v63  }
0x238: {  	s24 =	sadd.s32 $0x2B80, s1  }
0x239: {  	[spmem:s4] =	stream.indirect.scatter.add.f32 [tilespmem:s20], [sflag:$0x3], $0x10, s24, s25, $0xb8;
	[tilespmem:$0x13780] =	vst v63  }
0x23a: {  	_ =	swait.ge [sflag:s15], $0x800  }
0x23b: {  	[sflag:s15] =	ssyncset.done $0x0  }
0x23c: {  	[sflag:s15] =	ssyncadd.s32 $0xFFFFF800  }
0x23d: {  	_ =	swait.ge [sflag:s15], $0x800  }
0x23e: {  	[sflag:s15] =	ssyncset.done $0x0  }
0x23f: {  	[sflag:s15] =	ssyncadd.s32 $0xFFFFF800  }
0x240: {  	_ =	swait.ge [sflag:s15], $0x800  }
0x241: {  	[sflag:s15] =	ssyncset.done $0x0  }
0x242: {  	[sflag:s15] =	ssyncadd.s32 $0xFFFFF800  }
0x243: {  	_ =	swait.ge [sflag:s15], $0x800  }
0x244: {  	[sflag:s15] =	ssyncset.done $0x0  }
0x245: {  	[sflag:s15] =	ssyncadd.s32 $0xFFFFF800  }
0x246: {  	_ =	swait.ge [sflag:s15], $0x800  }
0x247: {  	[sflag:s15] =	ssyncset.done $0x0  }
0x248: {  	[sflag:s15] =	ssyncadd.s32 $0xFFFFF800  }
0x249: {  	_ =	swait.ge [sflag:s15], $0x800  }
0x24a: {  	[sflag:s15] =	ssyncset.done $0x0  }
0x24b: {  	[sflag:s15] =	ssyncadd.s32 $0xFFFFF800  }
0x24c: {  	_ =	swait.ge [sflag:s15], $0x800  }
0x24d: {  	[sflag:s15] =	ssyncset.done $0x0  }
0x24e: {  	[sflag:s15] =	ssyncadd.s32 $0xFFFFF800  }
0x24f: {  	p1 =	seq.s32 s5, $0x8000;
	_ =	swait.ge [sflag:s15], $0x800  }
0x250: {  	s5 =	sshra.s32 @!p1 s5, $0x2;
	s6 =	simm.s32 @!p1 $0x5000;
	[sflag:s15] =	ssyncset.done $0x0  }
0x251: {  	s9 =	sadd.s32 @!p1 $0x800, s5;
	s17 =	simm.s32 @!p1 $0x80;
	[sflag:s15] =	ssyncadd.s32 $0xFFFFF800  }
0x252: {  	[tilespmem:s6], [sflag:$0x1] =	stream.indirect.gather @!p1 [spmem:s3], $0x10, s9, s17, $0xb8;
	[tilespmem:$0x13780] =	vst v63  }
0x253: {  	s6 =	sadd.s32 @!p1 $0x880, s5;
	s9 =	simm.s32 @!p1 $0x5800  }
0x254: {  	[tilespmem:s9], [sflag:$0x1] =	stream.indirect.gather @!p1 [spmem:s3], $0x10, s6, s17, $0xb8;
	[tilespmem:$0x13780] =	vst v63  }
0x255: {  	s6 =	sadd.s32 @!p1 $0x900, s5;
	s9 =	simm.s32 @!p1 $0x6000  }
0x256: {  	[tilespmem:s9], [sflag:$0x1] =	stream.indirect.gather @!p1 [spmem:s3], $0x10, s6, s17, $0xb8;
	[tilespmem:$0x13780] =	vst v63  }
0x257: {  	s6 =	sadd.s32 @!p1 $0x980, s5;
	s9 =	simm.s32 @!p1 $0x6800  }
0x258: {  	[tilespmem:s9], [sflag:$0x1] =	stream.indirect.gather @!p1 [spmem:s3], $0x10, s6, s17, $0xb8;
	[tilespmem:$0x13780] =	vst v63  }
0x259: {  	s6 =	sadd.s32 @!p1 $0xA00, s5;
	s9 =	simm.s32 @!p1 $0x7000  }
0x25a: {  	[tilespmem:s9], [sflag:$0x1] =	stream.indirect.gather @!p1 [spmem:s3], $0x10, s6, s17, $0xb8;
	[tilespmem:$0x13780] =	vst v63  }
0x25b: {  	s6 =	sadd.s32 @!p1 $0xA80, s5;
	s9 =	simm.s32 @!p1 $0x7800  }
0x25c: {  	[tilespmem:s9], [sflag:$0x1] =	stream.indirect.gather @!p1 [spmem:s3], $0x10, s6, s17, $0xb8;
	[tilespmem:$0x13780] =	vst v63  }
0x25d: {  	s6 =	sadd.s32 @!p1 $0xB00, s5;
	s9 =	simm.s32 @!p1 $0x8000  }
0x25e: {  	[tilespmem:s9], [sflag:$0x1] =	stream.indirect.gather @!p1 [spmem:s3], $0x10, s6, s17, $0xb8;
	[tilespmem:$0x13780] =	vst v63  }
0x25f: {  	s5 =	sadd.s32 @!p1 $0xB80, s5;
	s6 =	simm.s32 @!p1 $0x8800  }
0x260: {  	[tilespmem:s6], [sflag:$0x1] =	stream.indirect.gather @!p1 [spmem:s3], $0x10, s5, s17, $0xb8;
	[tilespmem:$0x13780] =	vst v63  }
0x261: {  	_ =	swait.ge [sflag:s16], $0x800  }
0x262: {  	[sflag:s16] =	ssyncset.done $0x0  }
0x263: {  	[sflag:s16] =	ssyncadd.s32 $0xFFFFF800  }
0x264: {  	_ =	swait.ge [sflag:s16], $0x800  }
0x265: {  	[sflag:s16] =	ssyncset.done $0x0  }
0x266: {  	[sflag:s16] =	ssyncadd.s32 $0xFFFFF800  }
0x267: {  	_ =	swait.ge [sflag:s16], $0x800  }
0x268: {  	[sflag:s16] =	ssyncset.done $0x0  }
0x269: {  	[sflag:s16] =	ssyncadd.s32 $0xFFFFF800  }
0x26a: {  	_ =	swait.ge [sflag:s16], $0x800  }
0x26b: {  	[sflag:s16] =	ssyncset.done $0x0  }
0x26c: {  	[sflag:s16] =	ssyncadd.s32 $0xFFFFF800  }
0x26d: {  	_ =	swait.ge [sflag:s16], $0x800  }
0x26e: {  	[sflag:s16] =	ssyncset.done $0x0  }
0x26f: {  	[sflag:s16] =	ssyncadd.s32 $0xFFFFF800  }
0x270: {  	_ =	swait.ge [sflag:s16], $0x800  }
0x271: {  	[sflag:s16] =	ssyncset.done $0x0  }
0x272: {  	[sflag:s16] =	ssyncadd.s32 $0xFFFFF800  }
0x273: {  	_ =	swait.ge [sflag:s16], $0x800  }
0x274: {  	[sflag:s16] =	ssyncset.done $0x0  }
0x275: {  	[sflag:s16] =	ssyncadd.s32 $0xFFFFF800  }
0x276: {  	_ =	swait.ge [sflag:s16], $0x800  }
0x277: {  	[sflag:s16] =	ssyncset.done $0x0  }
0x278: {  	s26 =	sadd.s32 $0x2C00, s1;
	[sflag:s16] =	ssyncadd.s32 $0xFFFFF800  }
0x279: {  	[spmem:s4] =	stream.indirect.scatter.add.f32 [tilespmem:s29], [sflag:$0x3], $0x10, s26, s25, $0xb8;
	[tilespmem:$0x13780] =	vst v63  }
0x27a: {  	s6 =	sadd.s32 $0x2C80, s1  }
0x27b: {  	[spmem:s4] =	stream.indirect.scatter.add.f32 [tilespmem:s2], [sflag:$0x3], $0x10, s6, s25, $0xb8;
	[tilespmem:$0x13780] =	vst v63  }
0x27c: {  	s9 =	sadd.s32 $0x2D00, s1  }
0x27d: {  	[spmem:s4] =	stream.indirect.scatter.add.f32 [tilespmem:s7], [sflag:$0x3], $0x10, s9, s25, $0xb8;
	[tilespmem:$0x13780] =	vst v63  }
0x27e: {  	s17 =	sadd.s32 $0x2D80, s1  }
0x27f: {  	[spmem:s4] =	stream.indirect.scatter.add.f32 [tilespmem:s8], [sflag:$0x3], $0x10, s17, s25, $0xb8;
	[tilespmem:$0x13780] =	vst v63  }
0x280: {  	s19 =	sadd.s32 $0x2E00, s1  }
0x281: {  	[spmem:s4] =	stream.indirect.scatter.add.f32 [tilespmem:s10], [sflag:$0x3], $0x10, s19, s25, $0xb8;
	[tilespmem:$0x13780] =	vst v63  }
0x282: {  	s21 =	sadd.s32 $0x2E80, s1  }
0x283: {  	[spmem:s4] =	stream.indirect.scatter.add.f32 [tilespmem:s11], [sflag:$0x3], $0x10, s21, s25, $0xb8;
	[tilespmem:$0x13780] =	vst v63  }
0x284: {  	s24 =	sadd.s32 $0x2F00, s1  }
0x285: {  	[spmem:s4] =	stream.indirect.scatter.add.f32 [tilespmem:s12], [sflag:$0x3], $0x10, s24, s25, $0xb8;
	[tilespmem:$0x13780] =	vst v63  }
0x286: {  	s26 =	sadd.s32 $0x2F80, s1  }
0x287: {  	[spmem:s4] =	stream.indirect.scatter.add.f32 [tilespmem:s13], [sflag:$0x3], $0x10, s26, s25, $0xb8;
	[tilespmem:$0x13780] =	vst v63  }
0x288: {  	_ =	swait.ge [sflag:s15], $0x800  }
0x289: {  	[sflag:s15] =	ssyncset.done $0x0  }
0x28a: {  	[sflag:s15] =	ssyncadd.s32 $0xFFFFF800  }
0x28b: {  	_ =	swait.ge [sflag:s15], $0x800  }
0x28c: {  	[sflag:s15] =	ssyncset.done $0x0  }
0x28d: {  	[sflag:s15] =	ssyncadd.s32 $0xFFFFF800  }
0x28e: {  	_ =	swait.ge [sflag:s15], $0x800  }
0x28f: {  	[sflag:s15] =	ssyncset.done $0x0  }
0x290: {  	[sflag:s15] =	ssyncadd.s32 $0xFFFFF800  }
0x291: {  	_ =	swait.ge [sflag:s15], $0x800  }
0x292: {  	[sflag:s15] =	ssyncset.done $0x0  }
0x293: {  	[sflag:s15] =	ssyncadd.s32 $0xFFFFF800  }
0x294: {  	_ =	swait.ge [sflag:s15], $0x800  }
0x295: {  	[sflag:s15] =	ssyncset.done $0x0  }
0x296: {  	[sflag:s15] =	ssyncadd.s32 $0xFFFFF800  }
0x297: {  	_ =	swait.ge [sflag:s15], $0x800  }
0x298: {  	[sflag:s15] =	ssyncset.done $0x0  }
0x299: {  	[sflag:s15] =	ssyncadd.s32 $0xFFFFF800  }
0x29a: {  	_ =	swait.ge [sflag:s15], $0x800  }
0x29b: {  	[sflag:s15] =	ssyncset.done $0x0  }
0x29c: {  	[sflag:s15] =	ssyncadd.s32 $0xFFFFF800  }
0x29d: {  	_ =	swait.ge [sflag:s15], $0x800  }
0x29e: {  	[sflag:s15] =	ssyncset.done $0x0  }
0x29f: {  	[sflag:s15] =	ssyncadd.s32 $0xFFFFF800  }
0x2a0: {  	s5 =	simm.s32 $0x0;
	s1 =	simm.s32 $0x0;
	[bflag:$0x0] =	sbarrier.arrive $0xFFFF  }
0x2a1: {  	s19 =	simm.s32 $0xD000;
	s26 =	simm.s32 $0x0;
	s28 =	rddreg [dreg:$0x0]  }
.LBB2_16:
0x2a2: {  	s6 =	sshll.u32 s5, $0x7;
	s9 =	rddreg [dreg:$0x5]  }
0x2a3: {  	s6 =	sadd.s32 s9, s6  }
0x2a4: {  	s9 =	sshll.u32 s6, $0x4  }
0x2a5: {  	s21 =	simm.s32 $0x5;
	s17 =	sadd.s32 s9, s4  }
0x2a6: {  	[tilespmem:s19], [sflag:$0x5] =	stream.linear.gather [spmem:s17], $0x800, $0x38;
	[tilespmem:$0x13780] =	vst v63  }
0x2a7: {  	_ =	swait.ge [sflag:s21], $0x800  }
0x2a8: {  	[sflag:s21] =	ssyncset.done $0x0  }
0x2a9: {  	s24 =	simm.s32 $0xD800;
	s9 =	sadd.s32 s9, s3;
	[sflag:s21] =	ssyncadd.s32 $0xFFFFF800  }
0x2aa: {  	[tilespmem:s24], [sflag:$0x5] =	stream.linear.gather [spmem:s9], $0x800, $0x38;
	[tilespmem:$0x13780] =	vst v63  }
0x2ab: {  	_ =	swait.ge [sflag:s21], $0x800  }
0x2ac: {  	v2 =	vmov s1;
	[sflag:s21] =	ssyncset.done $0x0  }
0x2ad: {  	s9 =	simm.s32 $0x0;
	[sflag:s21] =	ssyncadd.s32 $0xFFFFF800  }
0x2ae: {  	v1 =	vld [tilespmem:s9+$0xD800]  }
0x2af: {  	v3 =	vld [tilespmem:s9+$0xD000];
	_ =	sdelay $0x1  }
0x2b0: {  	v2 =	vld.idx.msk [tilespmem:v2+s22+$0x0], $0xffff;
	_ =	sdelay $0x1  }
0x2b1: {  	v1 =	vpsel !p0, $0x0, v1  }
0x2b2: {  	s19 =	sadd.s32 $0x1, s1;
	v3 =	vadd.f32 v1, v3  }
0x2b3: {  	s17 =	simm.s32 $0x40;
	s21 =	simm.s32 $0x80;
	v1 =	vmov s19  }
.LBB2_17:
0x2b4: {  	p1 =	sne.s32 s21, $0x1FC0;
	v2 =	vmul.f32 v3, v2  }
0x2b5: {  	s24 =	sshra.s32 s17, $0x2;
	s17 =	smov.u32 s21  }
0x2b6: {  	v3 =	vld [tilespmem:s24+$0xD800];
	[tilespmem:s9+$0xD000] =	vst v2;
	s9 =	smov.u32 s24  }
0x2b7: {  	v4 =	vld [tilespmem:s9+$0xD000]  }
0x2b8: {  	v2 =	vld.idx.msk [tilespmem:v1+s22+$0x0], $0xffff  }
.Ltmp10:
0x2b9: {  	(pc) =	sbr.rel @p1 .LBB2_17-.Ltmp10, $4  }
0x2ba: {  	_ = 	snop  }
0x2bb: {  	v1 =	vpsel !p0, $0x0, v3  }
0x2bc: {  	s19 =	sadd.s32 $0x1, s19;
	v3 =	vadd.f32 v1, v4  }
0x2bd: {  	s21 =	sadd.s32 $0x40, s21;
	v1 =	vmov s19  }
0x2be: {  	v2 =	vmul.f32 v3, v2  }
0x2bf: {  	s17 =	sshra.s32 s17, $0x2  }
0x2c0: {  	v3 =	vld [tilespmem:s17+$0xD800];
	[tilespmem:s9+$0xD000] =	vst v2  }
0x2c1: {  	v2 =	vld [tilespmem:s17+$0xD000];
	_ =	sdelay $0x1  }
0x2c2: {  	v1 =	vld.idx.msk [tilespmem:v1+s22+$0x0], $0xffff;
	_ =	sdelay $0x1  }
0x2c3: {  	v3 =	vpsel !p0, $0x0, v3  }
0x2c4: {  	v2 =	vadd.f32 v3, v2;
	_ =	sdelay $0x1  }
0x2c5: {  	s6 =	sshll.u32 s6, $0x1;
	s5 =	sadd.s32 $0x1, s5;
	v1 =	vmul.f32 v2, v1  }
0x2c6: {  	s21 =	rddreg [dreg:$0x10];
	s19 =	simm.s32 $0xD000;
	p1 =	sne.s32 s5, $0x5  }
.Ltmp11:
0x2c7: {  	s24 =	rddreg [dreg:$0x11];
	s6 =	sadd.s32 s21, s6;
	[tilespmem:s17+$0xD000] =	vst v1;
	(pc) =	sbr.rel @p1 .LBB2_16-.Ltmp11, $4  }
0x2c8: {  	[hbm4b:s6+s26] =	stream.linear.scatter [tilespmem:s19], [sflag:s24], $0x800, $0x38;
	[tilespmem:$0x13780] =	vst v63  }
0x2c9: {  	_ =	swait.ge [sflag:s24], $0x800  }
0x2ca: {  	[sflag:s24] =	ssyncset.done $0x0  }
0x2cb: {  	s1 =	sadd.s32 $0x80, s1;
	[sflag:s24] =	ssyncadd.s32 $0xFFFFF800  }
0x2cc: {  	s5 =	rddreg [dreg:$0x12]  }
0x2cd: {  	s1 =	rddreg [dreg:$0xf];
	s5 =	sadd.s32 $0x1, s5  }
0x2ce: {  	p1 =	sne.s32 s5, s1  }
.Ltmp12:
0x2cf: {  	_ = 	snop;
	(pc) =	sbr.rel @p1 .LBB2_1-.Ltmp12, $1  }
0x2d0: {  	_ =	sdelay $0x3  }
0x2d1: {  	_ =	sfence.sel $0x180000  }
0x2d2: {  	[bflag:$0x0] =	sbarrier.arrive $0xFFFF  }
0x2d3: {  	_ =	strace $0x9000004A  }
0x2d4: {  	s0 =	stileid.u32;
	[bflag:$0x2] =	sbarrier.arrive $0xFFFF  }
0x2d5: {  	p0 =	sne.s32 s0, $0x0;
	s0 =	rddreg [dreg:$0x4]  }
0x2d6: {  	s0 =	sadd.s32 @!p0 $0x100000, s0  }
0x2d7: {  	[sflag:s0] =	ssyncadd.tile.s32 @!p0 $0x1;
	_ =	shalt  }
.Lfunc_end2:
_tile_overlayer_lowered:
.L_overlay_start_2:
0x2d8: {  	(tag) =	ssettag $0x2  }
0x2d9: {  	s0 =	rddreg [dreg:$0x0];
	s2 =	stileid.u32  }
0x2da: {  	s1 =	rddreg [dreg:$0x1];
	p0 =	sne.s32 s2, $0x0  }
0x2db: {  	s3 =	rddreg [dreg:$0x2];
	[bflag:$0x3] =	sbarrier.arrive $0xFFFF;
	s2 =	simm.s32 @!p0 $0x1C04  }
0x2dc: {  	[timem:s3], [sflag:s2] =	dma.local @!p0 [hbm:s0], s1  }
0x2dd: {  	s0 =	simm.s32 @!p0 $0x4  }
0x2de: {  	_ =	swait.ge @!p0 [sflag:s0], s1  }
0x2df: {  	s1 =	ssub.s32 @!p0 $0x0, s1;
	[sflag:s0] =	ssyncset.done @!p0 $0x0  }
0x2e0: {  	[sflag:s0] =	ssyncadd.s32 @!p0 s1  }
0x2e1: {  	[bflag:$0x3] =	sbarrier.arrive $0xFFFF  }
0x2e2: {  	_ =	shalt  }

// kernel: kernel.14.cloned.1.call-start
scs
__scs_entry_jumppad:
0x0: {  	(pc) =	sbr.rel $0x88, $3  }
0x1: {  	(tag) =	ssettag $0x0;
	lr =	simm.s32 $0x1  }
0x2: {  	[smem:$0x3F9B] =	sst lr;
	_ =	strace $0xD0000000  }
0x3: {  	_ = 	snop  }
0x4: {  	_ = 	snop  }
0x5: {  	_ = 	snop  }
0x6: {  	_ = 	snop  }
0x7: {  	_ = 	snop  }
__scs_overlays_trampoline_lowered:
0x8: {  	[smem:$0x3FAA] =	sst s0  }
0x9: {  	[smem:$0x3FAB] =	sst s1  }
0xa: {  	[smem:$0x3FAC] =	sst s2  }
0xb: {  	[smem:$0x3FAD] =	sst s3  }
0xc: {  	[smem:$0x3FAE] =	sst s4  }
0xd: {  	[smem:$0x3FAF] =	sst s5  }
0xe: {  	[smem:$0x3FB0] =	sst s6  }
0xf: {  	[smem:$0x3FB1] =	sst s7  }
0x10: {  	[smem:$0x3FB2] =	sst s8  }
0x11: {  	[smem:$0x3FB3] =	sst s9;
	s0 =	simm.s32 @!p0 $0x0  }
0x12: {  	s1 =	sld [smem:$0x3F99];
	s0 =	simm.s32 @p0 $0x1  }
0x13: {  	[smem:$0x3FB4] =	sst s0;
	s0 =	simm.s32 @!p1 $0x0  }
0x14: {  	s2 =	sld [smem:$0x3F98];
	s0 =	simm.s32 @p1 $0x1  }
0x15: {  	[smem:$0x3FB5] =	sst s0;
	s0 =	simm.s32 @!p2 $0x0  }
0x16: {  	s3 =	sld [smem:$0x3FDB];
	s0 =	simm.s32 @p2 $0x1  }
0x17: {  	s4 =	simm.s32 $0x1BF5;
	[smem:$0x3FB7] =	sst s0  }
0x18: {  	s0 =	sld [smem:$0x3F9A];
	_ =	swait.ge [sflag:s4], $0x0  }
0x19: {  	s7 =	sld [smem:$0x3F9B]  }
0x1a: {  	s8 =	sadd.s32 $0xFFFFE003, lr  }
0x1b: {  	s9 =	sadd.s32 $0xFFFFFEF7, lr;
	s5 =	simm.s32 $0xFFFFFFFF;
	p2 =	slt.u32 s8, $0xFFFFF086  }
0x1c: {  	p1 =	slt.u32 s9, $0xF7A;
	s5 =	simm.s32 @!p2 $0x0  }
0x1d: {  	s5 =	simm.s32 @p1 $0x1;
	p0 =	seq.s32 s7, s2  }
0x1e: {  	s7 =	smul.u32 @!p0 $0xF7A, s2;
	p2 =	seq.s32 @!p0 s5, $0x0  }
0x1f: {  	s9 =	smul.u32 $0xF7A, s1;
	s8 =	simm.s32 @!p0 $0x1BF5;
	p2 =	por !p2, p0  }
0x20: {  	[sflag:s8] =	ssyncset.s32 @!p0 $0xFFFFF086;
	s6 =	sadd.s32 @!p0 s3, s7;
	s7 =	simm.s32 @!p0 $0x108  }
0x21: {  	s3 =	sadd.s32 s3, s9;
	s6 =	sadd.s32 @!p0 $0x88, s6;
	s7 =	simm.s32 @p2 $0x1082  }
0x22: {  	[simem:s7], [sflag:s8] =	dma.local @!p0 [hbm:s6], $0xF7A  }
0x23: {  	s9 =	sor.u32 $0xD0000000, s2;
	s6 =	simm.s32 $0x108;
	_ =	swait.ge @!p0 [sflag:s8], $0x0  }
0x24: {  	s3 =	sadd.s32 $0x88, s3;
	s6 =	simm.s32 @!p1 $0x1082;
	[sflag:s4] =	ssyncset.s32 $0xFFFFF086  }
0x25: {  	[simem:s6], [sflag:s4] =	dma.local [hbm:s3], $0xF7A  }
0x26: {  	[smem:$0x3F9B] =	sst s1;
	(tag) =	ssettag s2;
	_ =	strace s9  }
0x27: {  	s1 =	sld [smem:$0x3FAB]  }
0x28: {  	s2 =	sld [smem:$0x3FAC]  }
0x29: {  	s4 =	sld [smem:$0x3FAE]  }
0x2a: {  	p0 =	seq.s32 s5, $0x0;
	s5 =	sld [smem:$0x3FAF]  }
0x2b: {  	s6 =	sld [smem:$0x3FB0]  }
0x2c: {  	s7 =	sld [smem:$0x3FB1]  }
0x2d: {  	s3 =	simm.s32 $0x108;
	s8 =	sld [smem:$0x3FB2]  }
0x2e: {  	s3 =	simm.s32 @!p0 $0x1082;
	s9 =	sld [smem:$0x3FB3]  }
0x2f: {  	lr =	sadd.s32 s0, s3;
	s0 =	sld [smem:$0x3FAA]  }
0x30: {  	s3 =	sld [smem:$0x3FAD]  }
0x31: {  	[smem:$0x3FB6] =	sst s10  }
0x32: {  	s10 =	sld [smem:$0x3FB4];
	_ =	sdelay $0x3  }
0x33: {  	p0 =	seq.s32 s10, $0x1;
	s10 =	sld [smem:$0x3FB6];
	_ =	sdelay $0x3  }
0x34: {  	[smem:$0x3FB6] =	sst s10  }
0x35: {  	s10 =	sld [smem:$0x3FB5];
	_ =	sdelay $0x3  }
0x36: {  	p1 =	seq.s32 s10, $0x1;
	s10 =	sld [smem:$0x3FB6];
	_ =	sdelay $0x3  }
0x37: {  	[smem:$0x3FB6] =	sst s10  }
0x38: {  	s10 =	sld [smem:$0x3FB7]  }
0x39: {  	_ = 	snop;
	(pc) =	sbr.ind lr, $3  }
0x3a: {  	_ = 	snop  }
0x3b: {  	_ = 	snop  }
0x3c: {  	p2 =	seq.s32 s10, $0x1;
	s10 =	sld [smem:$0x3FB6]  }
0x3d: {  	_ =	shalt  }
0x3e: {  	_ =	shalt  }
0x3f: {  	_ =	shalt  }
0x40: {  	_ =	shalt  }
0x41: {  	_ =	shalt  }
0x42: {  	_ =	shalt  }
0x43: {  	_ =	shalt  }
0x44: {  	_ =	shalt  }
0x45: {  	_ =	shalt  }
0x46: {  	_ =	shalt  }
0x47: {  	_ =	shalt  }
0x48: {  	_ =	shalt  }
0x49: {  	_ =	shalt  }
0x4a: {  	_ =	shalt  }
0x4b: {  	_ =	shalt  }
0x4c: {  	_ =	shalt  }
0x4d: {  	_ =	shalt  }
0x4e: {  	_ =	shalt  }
0x4f: {  	_ =	shalt  }
0x50: {  	_ =	shalt  }
0x51: {  	_ =	shalt  }
0x52: {  	_ =	shalt  }
0x53: {  	_ =	shalt  }
0x54: {  	_ =	shalt  }
0x55: {  	_ =	shalt  }
0x56: {  	_ =	shalt  }
0x57: {  	_ =	shalt  }
0x58: {  	_ =	shalt  }
0x59: {  	_ =	shalt  }
0x5a: {  	_ =	shalt  }
0x5b: {  	_ =	shalt  }
0x5c: {  	_ =	shalt  }
0x5d: {  	_ =	shalt  }
0x5e: {  	_ =	shalt  }
0x5f: {  	_ =	shalt  }
0x60: {  	_ =	shalt  }
0x61: {  	_ =	shalt  }
0x62: {  	_ =	shalt  }
0x63: {  	_ =	shalt  }
0x64: {  	_ =	shalt  }
0x65: {  	_ =	shalt  }
0x66: {  	_ =	shalt  }
0x67: {  	_ =	shalt  }
0x68: {  	_ =	shalt  }
0x69: {  	_ =	shalt  }
0x6a: {  	_ =	shalt  }
0x6b: {  	_ =	shalt  }
0x6c: {  	_ =	shalt  }
0x6d: {  	_ =	shalt  }
0x6e: {  	_ =	shalt  }
0x6f: {  	_ =	shalt  }
0x70: {  	_ =	shalt  }
0x71: {  	_ =	shalt  }
0x72: {  	_ =	shalt  }
0x73: {  	_ =	shalt  }
0x74: {  	_ =	shalt  }
0x75: {  	_ =	shalt  }
0x76: {  	_ =	shalt  }
0x77: {  	_ =	shalt  }
0x78: {  	_ =	shalt  }
0x79: {  	_ =	shalt  }
0x7a: {  	_ =	shalt  }
0x7b: {  	_ =	shalt  }
0x7c: {  	_ =	shalt  }
0x7d: {  	_ =	shalt  }
0x7e: {  	_ =	shalt  }
0x7f: {  	_ =	shalt  }
0x80: {  	_ =	shalt  }
0x81: {  	_ =	shalt  }
0x82: {  	_ =	shalt  }
0x83: {  	_ =	shalt  }
0x84: {  	_ =	shalt  }
0x85: {  	_ =	shalt  }
0x86: {  	_ =	shalt  }
0x87: {  	_ =	shalt  }
.Lfunc_end0:
.L_simem_size_0:
called_computation.2_lowered:
.L_overlay_start_0:
0x88: {  	s2 =	sld [smem:$0x3FD9]  }
0x89: {  	s3 =	sld [smem:$0x3FFE];
	_ =	sdelay $0x1  }
0x8a: {  	s1 =	srdreg.scid  }
0x8b: {  	s0 =	sand.u32 $0x1, s1  }
0x8c: {  	s16 =	sshll.u32 s0, $0xA;
	s2 =	sadd.s32 s3, s2  }
0x8d: {  	s2 =	sadd.s32 s2, s16  }
0x8e: {  	[smem:$0x3FC2] =	sst s2  }
0x8f: {  	_ = 	snop  }
0x90: {  	(tm) =	ssettm $0x1  }
0x91: {  	s17 =	sld [smem:$0x3FFB];
	_ =	sdelay $0x3  }
0x92: {  	_ =	strace s17  }
0x93: {  	s2 =	sld [smem:$0x3FFC];
	_ =	sdelay $0x3  }
0x94: {  	_ =	strace s2  }
0x95: {  	s2 =	sld [smem:$0x3FFD];
	_ =	sdelay $0x3  }
0x96: {  	_ =	strace s2  }
0x97: {  	_ =	strace $0x8FFFFFFF  }
0x98: {  	s18 =	sld [smem:$0x3FDB];
	_ =	sdelay $0x1  }
0x99: {  	s19 =	simm.s32 $_scs_section_size  }
0x9a: {  	s4 =	simm.s32 $_size__tile_overlayer_lowered;
	s5 =	simm.s32 $_tile_overlayer_lowered  }
0x9b: {  	s22 =	simm.s32 $0x1BFF;
	s21 =	sshll.u32 s5, $0x1;
	s2 =	sadd.s32 s19, s18  }
0x9c: {  	s6 =	simm.s32 $0x0;
	s20 =	sshll.u32 s4, $0x1;
	s4 =	sadd.s32 s21, s2  }
0x9d: {  	[timem:s6], [sflag:s22] =	dma.local [hbm:s4], s20  }
0x9e: {  	_ =	swait.ge [sflag:s22], s20  }
0x9f: {  	s3 =	ssub.s32 $0x0, s20;
	[sflag:s22] =	ssyncset.done $0x0  }
0xa0: {  	[sflag:s22] =	ssyncadd.s32 s3;
	_ =	sdelay $0x1  }
0xa1: {  	s23 =	simm.s32 $0x1B8B  }
0xa2: {  	_ =	swait.ge [sflag:s23], $0x1  }
0xa3: {  	[sflag:s23] =	ssyncset.done $0x0  }
0xa4: {  	s25 =	simm.s32 $0x1B8E;
	s24 =	sld [smem:$0x3FFE];
	[sflag:s23] =	ssyncadd.s32 $0xFFFFFFFF  }
0xa5: {  	s26 =	simm.s32 $execute0_lowered;
	[smem:$0x3FD2] =	sst s25  }
0xa6: {  	s4 =	sshll.u32 s26, $0x1;
	_ =	strace $0x8000004C;
	[dreg:$0x1] =	wrdreg $0xFFFFFFFF  }
0xa7: {  	s28 =	simm.s32 $_size_execute0_lowered;
	s2 =	sadd.s32 s2, s4;
	[dreg:$0x0] =	wrdreg $0x0  }
0xa8: {  	s4 =	sshll.u32 s28, $0x1;
	[dreg:$0x2] =	wrdreg s2  }
0xa9: {  	[dreg:$0x3] =	wrdreg s4  }
0xaa: {  	[dreg:$0x4] =	wrdreg $0xC0  }
0xab: {  	_ =	task [dreg:s6], $0x5FFFF  }
0xac: {  	[dreg:$0x1] =	wrdreg $0xFFFFFFFF  }
0xad: {  	[dreg:$0x0] =	wrdreg $0x60  }
0xae: {  	[dreg:$0x2] =	wrdreg s24  }
0xaf: {  	[dreg:$0x3] =	wrdreg $0xCF800  }
0xb0: {  	[dreg:$0x4] =	wrdreg $0x133800  }
0xb1: {  	[dreg:$0x5] =	wrdreg $0x9  }
0xb2: {  	_ =	task.clear_ibuf [dreg:s6], $0x6FFFF;
	_ =	strace $0x9000004C  }
0xb3: {  	s29 =	simm.s32 $0x9;
	_ =	strace $0x8000004E  }
0xb4: {  	_ =	swait.ge [sflag:s29], $0x1  }
0xb5: {  	[sflag:s29] =	ssyncadd.s32 $0xFFFFFFFF  }
0xb6: {  	_ =	strace $0x9000004E  }
0xb7: {  	_ =	sfence  }
0xb8: {  	s30 =	sld [smem:$0x0];
	_ =	sdelay $0x2  }
0xb9: {  	s31 =	sshll.u32 s1, $0xD;
	s1 =	sshrl.u32 s1, $0x2  }
0xba: {  	s3 =	sand.u32 $0x4000, s31;
	s1 =	sadd.s32 s1, s30  }
0xbb: {  	s0 =	sor.u32 s3, s0;
	s1 =	sshll.u32 s1, $0x11  }
0xbc: {  	s0 =	sor.u32 s1, s0  }
0xbd: {  	s0 =	sadd.s32 $0x8F2B, s0  }
0xbe: {  	[sflag:s0] =	ssyncadd.remote.s32 $0x1  }
0xbf: {  	_ =	sfence.sel $0xFFFF  }
0xc0: {  	[dreg:$0x0] =	wrdreg $0xFFFFFFFF;
	(pc) =	sbr.abs _section_cstart, $3  }
0xc1: {  	[dreg:$0x1] =	wrdreg $0xFFFFFFFF  }
0xc2: {  	_ =	task.clear_ibuf [dreg:s6], $0x2FFFF;
	_ =	strace $0x9FFFFFFF  }
0xc3: {  	(tm) =	ssettm $0x7FFFFFFF  }
tec
execute0_lowered:
.L_overlay_start_1:
0x0: {  	(tag) =	ssettag $0x1  }
0x1: {  	s0 =	rddreg [dreg:$0x0]  }
0x2: {  	s1 =	rddreg [dreg:$0x1]  }
0x3: {  	s3 =	rddreg [dreg:$0x2];
	s4 =	simm.s32 $0x0  }
0x4: {  	s12 =	stileid.u32;
	s2 =	srdreg.scid;
	s28 =	simm.s32 $0x6400  }
0x5: {  	s29 =	simm.s32 $0x7800;
	s30 =	simm.s32 $0x8C00;
	s31 =	simm.s32 $0x1  }
0x6: {  	[smem:$0x7FF] =	sst s4;
	s5 =	smul.u32 $0x280, s12;
	s2 =	sand.u32 $0x1, s2  }
0x7: {  	s6 =	sadd.s32 $0x17800, s0;
	s10 =	smul.u32 $0x19000, s12;
	s11 =	sadd.s32 $0x2C00, s0  }
0x8: {  	_ =	strace $0x8000004D;
	s8 =	ssub.s32 $0x2, s2;
	s17 =	sshll.u32 s2, $0x4  }
0x9: {  	p0 =	seq.s32 s2, $0x0;
	s2 =	simm.s32 $0x30800;
	s7 =	sshrl.u32 s5, $0x3  }
0xa: {  	s9 =	sshrl.u32 s8, $0x1;
	s12 =	sor.u32 s12, s17;
	s19 =	sshrl.u32 s10, $0x2  }
0xb: {  	s2 =	simm.s32 @!p0 $0x24000;
	s7 =	sadd.s32 s7, s0;
	s8 =	ssub.s32 s8, s9  }
0xc: {  	s9 =	sadd.s32 s19, s3;
	s20 =	smul.u32 $0x2800, s12;
	s18 =	sadd.s32 $0x16C00, s7  }
0xd: {  	s25 =	smul.u32 $0x500, s12;
	s7 =	sadd.s32 $0x17200, s7;
	[dreg:$0x4] =	wrdreg s18  }
0xe: {  	s17 =	sadd.s32 s2, s0;
	s21 =	sadd.s32 $0x1400, s9;
	[dreg:$0x5] =	wrdreg s7  }
0xf: {  	s19 =	simm.s32 $0x4;
	s22 =	sadd.s32 $0x2800, s9;
	[dreg:$0x6] =	wrdreg s21  }
0x10: {  	s0 =	simm.s32 $0x3;
	s23 =	sadd.s32 $0x3C00, s9;
	[dreg:$0x7] =	wrdreg s22  }
0x11: {  	s2 =	simm.s32 $0x2;
	s24 =	sadd.s32 $0x5000, s9;
	[dreg:$0x8] =	wrdreg s23  }
0x12: {  	s26 =	smax.u32 s8, $0x1;
	[dreg:$0x9] =	wrdreg s24;
	s7 =	sshrl.u32 s20, $0x3  }
0x13: {  	s10 =	sadd.s32 s11, s25;
	[dreg:$0xc] =	wrdreg s26;
	s21 =	simm.s32 $0xA000  }
0x14: {  	s22 =	simm.s32 $0xC800;
	s24 =	simm.s32 $0x5;
	s25 =	simm.s32 $0x80  }
0x15: {  	s26 =	simm.s32 $0x5000;
	s18 =	simm.s32 $0x5;
	s7 =	sadd.s32 s11, s7  }
0x16: {  	s20 =	simm.s32 $0xB400;
	[dreg:$0xa] =	wrdreg s10;
	s7 =	sadd.s32 $0xA000, s7  }
0x17: {  	vm0 =	vmmov $0xff;
	v0 =	vimm.f32 $0.0e+00;
	s23 =	simm.s32 $0x0;
	s24 =	simm.s32 @!p0 $0x4;
	[dreg:$0xb] =	wrdreg s7  }
.LBB2_1:
0x18: {  	s7 =	rddreg [dreg:$0x4];
	s8 =	simm.s32 $0xCA80  }
0x19: {  	[tilespmem:s8], [sflag:$0x4] =	stream.linear.gather [hbm4b:s7+s4], $0x280, $0x38;
	[tilespmem:$0x19780] =	vst v63  }
0x1a: {  	_ =	swait.ge [sflag:s19], $0x280  }
0x1b: {  	[sflag:s19] =	ssyncset.done $0x0  }
0x1c: {  	s16 =	simm.s32 $0xCD00;
	s15 =	rddreg [dreg:$0x5];
	[sflag:s19] =	ssyncadd.s32 $0xFFFFFD80  }
0x1d: {  	[tilespmem:s16], [sflag:$0x4] =	stream.linear.gather [hbm4b:s15+s4], $0x280, $0x38;
	[tilespmem:$0x19780] =	vst v63  }
0x1e: {  	_ =	swait.ge [sflag:s19], $0x280  }
0x1f: {  	[sflag:s19] =	ssyncset.done $0x0  }
0x20: {  	s8 =	simm.s32 $0x0;
	[sflag:s19] =	ssyncadd.s32 $0xFFFFFD80  }
0x21: {  	v1 =	vld [tilespmem:s8+$0xCD00]  }
0x22: {  	v2 =	vld [tilespmem:s8+$0xCA80];
	_ =	sdelay $0x2  }
0x23: {  	s7 =	simm.s32 $0x10  }
0x24: {  	v3 =	vld [tilespmem:s7+$0xCD00]  }
0x25: {  	v1 =	vadd.f32 v1, v2;
	v2 =	vld [tilespmem:s7+$0xCA80];
	_ =	sdelay $0x1  }
0x26: {  	v1 =	vadd.f32 $1.000000000e+00, v1;
	_ =	sdelay $0x1  }
0x27: {  	s10 =	simm.s32 $0x20;
	v4 =	vshrl.u32 v1, $0x1;
	v5 =	vmul.f32 $5.000000000e-01, v1  }
0x28: {  	v6 =	vld [tilespmem:s10+$0xCA80];
	v1 =	vsub.s32 $0x5F3759DF, v4;
	v2 =	vadd.f32 v3, v2  }
0x29: {  	v4 =	vld [tilespmem:s10+$0xCD00];
	v3 =	vmul.f32 v1, v5  }
0x2a: {  	v2 =	vadd.f32 $1.000000000e+00, v2  }
0x2b: {  	v3 =	vmul.f32 v1, v3  }
0x2c: {  	s11 =	simm.s32 $0x30;
	v7 =	vshrl.u32 v2, $0x1;
	v9 =	vmul.f32 $5.000000000e-01, v2  }
0x2d: {  	v8 =	vld [tilespmem:s11+$0xCA80];
	v2 =	vsub.f32 $1.500000000e+00, v3;
	v3 =	vsub.s32 $0x5F3759DF, v7  }
0x2e: {  	v7 =	vld [tilespmem:s11+$0xCD00];
	v4 =	vadd.f32 v4, v6;
	v6 =	vmul.f32 v3, v9  }
0x2f: {  	s12 =	simm.s32 $0x40;
	v2 =	vmul.f32 v1, v2  }
0x30: {  	v11 =	vld [tilespmem:s12+$0xCD00];
	v1 =	vadd.f32 $1.000000000e+00, v4;
	v4 =	vmul.f32 v3, v6  }
0x31: {  	v12 =	vld [tilespmem:s12+$0xCA80];
	v6 =	vmul.f32 v2, v5  }
0x32: {  	v10 =	vshrl.u32 v1, $0x1;
	v1 =	vmul.f32 $5.000000000e-01, v1;
	v4 =	vsub.f32 $1.500000000e+00, v4  }
0x33: {  	v10 =	vsub.s32 $0x5F3759DF, v10;
	v7 =	vadd.f32 v7, v8;
	v6 =	vmul.f32 v6, v2  }
0x34: {  	v8 =	vmul.f32 v10, v1;
	v3 =	vmul.f32 v3, v4  }
0x35: {  	v4 =	vsub.f32 $1.500000000e+00, v6;
	v6 =	vadd.f32 $1.000000000e+00, v7  }
0x36: {  	v11 =	vadd.f32 v11, v12;
	v7 =	vmul.f32 v10, v8;
	v8 =	vmul.f32 v3, v9  }
0x37: {  	v4 =	vmul.f32 v4, v2;
	v13 =	vshrl.u32 v6, $0x1;
	v2 =	vmul.f32 $5.000000000e-01, v6  }
0x38: {  	s13 =	simm.s32 $0x50;
	v7 =	vsub.f32 $1.500000000e+00, v7;
	v6 =	vsub.s32 $0x5F3759DF, v13;
	v8 =	vmul.f32 v8, v3  }
0x39: {  	v14 =	vld [tilespmem:s13+$0xCA80];
	v13 =	vmul.f32 v4, v5;
	v12 =	vmul.f32 v6, v2  }
0x3a: {  	v11 =	vadd.f32 $1.000000000e+00, v11;
	v5 =	vmul.f32 v10, v7;
	v10 =	vld [tilespmem:s13+$0xCD00];
	v7 =	vsub.f32 $1.500000000e+00, v8  }
0x3b: {  	v8 =	vmul.f32 v13, v4;
	v12 =	vmul.f32 v6, v12  }
0x3c: {  	v16 =	vshrl.u32 v11, $0x1;
	v15 =	vmul.f32 v5, v1;
	v3 =	vmul.f32 v7, v3  }
0x3d: {  	v7 =	vmul.f32 $5.000000000e-01, v11;
	v8 =	vsub.f32 $1.500000000e+00, v8;
	v13 =	vsub.f32 $1.500000000e+00, v12  }
0x3e: {  	s14 =	simm.s32 $0x60;
	s15 =	simm.s32 $0x1C0;
	v12 =	vsub.s32 $0x5F3759DF, v16;
	v11 =	vmul.f32 v15, v5;
	v9 =	vmul.f32 v3, v9  }
.LBB2_2:
0x3f: {  	s16 =	sshra.s32 s15, $0x2;
	p1 =	sne.s32 s15, $0x9C0;
	s15 =	sadd.s32 $0x40, s15;
	v15 =	vadd.f32 v10, v14;
	v10 =	vld [tilespmem:s14+$0xCD00];
	v16 =	vmul.f32 v12, v7;
	v13 =	vmul.f32 v6, v13;
	v17 =	vmovc v7  }
.Ltmp0:
0x40: {  	v6 =	vmovc v12;
	v14 =	vld [tilespmem:s14+$0xCA80];
	v7 =	vsub.f32 $1.500000000e+00, v11;
	v9 =	vmul.f32 v9, v3;
	v11 =	vmul.f32 v8, v4;
	v4 =	vmovc v3;
	(pc) =	sbr.rel @p1 .LBB2_2-.Ltmp0, $4  }
0x41: {  	v12 =	vadd.f32 $1.000000000e+00, v15;
	v15 =	vmul.f32 v6, v16;
	v16 =	vmul.f32 v13, v2  }
0x42: {  	v3 =	vmul.f32 v7, v5;
	v8 =	vsub.f32 $1.500000000e+00, v9;
	[tilespmem:s8+$0xC800] =	vst v11;
	v5 =	vmov v13;
	s8 =	smov.u32 s7;
	s7 =	smov.u32 s10;
	s10 =	smov.u32 s11  }
0x43: {  	s11 =	smov.u32 s12;
	s12 =	smov.u32 s13;
	s13 =	smov.u32 s14;
	v9 =	vshrl.u32 v12, $0x1;
	v7 =	vmul.f32 $5.000000000e-01, v12;
	v13 =	vsub.f32 $1.500000000e+00, v15  }
0x44: {  	s14 =	smov.u32 s16;
	v11 =	vmul.f32 v16, v5;
	v12 =	vsub.s32 $0x5F3759DF, v9;
	v9 =	vmul.f32 v3, v1;
	v1 =	vmovc v2;
	v2 =	vmovc v17  }
0x45: {  	v15 =	vld [tilespmem:s14+$0xCD00]  }
0x46: {  	v16 =	vld [tilespmem:s14+$0xCA80];
	_ =	sdelay $0x3  }
0x47: {  	v10 =	vadd.f32 v10, v14  }
0x48: {  	v47 =	vadd.f32 v15, v16  }
0x49: {  	v10 =	vadd.f32 $1.000000000e+00, v10  }
0x4a: {  	v14 =	vadd.f32 $1.000000000e+00, v47  }
0x4b: {  	v48 =	vmul.f32 v12, v7;
	v49 =	vshrl.u32 v10, $0x1;
	v10 =	vmul.f32 $5.000000000e-01, v10  }
0x4c: {  	v16 =	vsub.s32 $0x5F3759DF, v49;
	v17 =	vshrl.u32 v14, $0x1;
	v14 =	vmul.f32 $5.000000000e-01, v14  }
0x4d: {  	v18 =	vmul.f32 v16, v10;
	v17 =	vsub.s32 $0x5F3759DF, v17  }
0x4e: {  	v15 =	vmul.f32 v12, v48;
	v19 =	vmul.f32 v17, v14  }
0x4f: {  	v18 =	vmul.f32 v16, v18  }
0x50: {  	v6 =	vmul.f32 v6, v13;
	v15 =	vsub.f32 $1.500000000e+00, v15;
	v50 =	vmul.f32 v17, v19  }
0x51: {  	v4 =	vmul.f32 v8, v4;
	v11 =	vsub.f32 $1.500000000e+00, v11;
	v52 =	vsub.f32 $1.500000000e+00, v18  }
0x52: {  	v53 =	vmul.f32 v6, v2;
	v51 =	vmul.f32 v12, v15;
	v13 =	vsub.f32 $1.500000000e+00, v50  }
0x53: {  	v5 =	vmul.f32 v11, v5;
	v15 =	vmul.f32 v16, v52  }
0x54: {  	v54 =	vmul.f32 v51, v7;
	v13 =	vmul.f32 v17, v13  }
0x55: {  	v8 =	vmul.f32 v53, v6;
	v55 =	vmul.f32 v15, v10  }
0x56: {  	v16 =	vmul.f32 v54, v51;
	v56 =	vmul.f32 v13, v14  }
0x57: {  	v8 =	vsub.f32 $1.500000000e+00, v8;
	v17 =	vmul.f32 v55, v15  }
0x58: {  	v1 =	vmul.f32 v5, v1;
	v16 =	vsub.f32 $1.500000000e+00, v16;
	v11 =	vmul.f32 v56, v13  }
0x59: {  	v9 =	vmul.f32 v9, v3;
	v6 =	vmul.f32 v8, v6;
	v58 =	vsub.f32 $1.500000000e+00, v17  }
0x5a: {  	v1 =	vmul.f32 v1, v5;
	v57 =	vmul.f32 v16, v51;
	v11 =	vsub.f32 $1.500000000e+00, v11  }
0x5b: {  	v2 =	vmul.f32 v6, v2;
	v12 =	vmul.f32 v58, v15  }
0x5c: {  	v59 =	vmul.f32 v57, v7;
	v11 =	vmul.f32 v11, v13  }
0x5d: {  	v9 =	vsub.f32 $1.500000000e+00, v9;
	v2 =	vmul.f32 v2, v6;
	v10 =	vmul.f32 v12, v10  }
0x5e: {  	v1 =	vsub.f32 $1.500000000e+00, v1;
	v7 =	vmul.f32 v59, v57;
	v13 =	vmul.f32 v11, v14  }
0x5f: {  	v3 =	vmul.f32 v9, v3;
	v2 =	vsub.f32 $1.500000000e+00, v2;
	v60 =	vmul.f32 v10, v12  }
0x60: {  	[tilespmem:s8+$0xC800] =	vst v4;
	v1 =	vmul.f32 v1, v5;
	v61 =	vsub.f32 $1.500000000e+00, v7;
	v62 =	vmul.f32 v13, v11  }
0x61: {  	[tilespmem:s7+$0xC800] =	vst v3;
	v2 =	vmul.f32 v2, v6;
	v3 =	vsub.f32 $1.500000000e+00, v60  }
0x62: {  	[tilespmem:s10+$0xC800] =	vst v1;
	v1 =	vmul.f32 v61, v57;
	v63 =	vsub.f32 $1.500000000e+00, v62  }
0x63: {  	[tilespmem:s11+$0xC800] =	vst v2;
	v2 =	vmul.f32 v3, v12  }
0x64: {  	[tilespmem:s12+$0xC800] =	vst v1;
	v1 =	vmul.f32 v63, v11  }
0x65: {  	[tilespmem:s13+$0xC800] =	vst v2  }
0x66: {  	s8 =	simm.s32 $0x0;
	s7 =	simm.s32 $0x0;
	s10 =	simm.s32 $0x0;
	[tilespmem:s14+$0xC800] =	vst v1  }
.LBB2_4:
0x67: {  	s11 =	sshll.u32 s10, $0x7  }
0x68: {  	s11 =	sadd.s32 s5, s11  }
0x69: {  	s11 =	smul.u32 $0x28, s11;
	_ =	sdelay $0x1  }
0x6a: {  	p2 =	por $0x1, $0x1;
	s12 =	sshrl.u32 s11, $0x3  }
.Ltmp1:
0x6b: {  	s12 =	sadd.s32 s6, s12;
	(pc) =	sbr.rel @!p2 .LBB2_5-.Ltmp1, $4  }
0x6c: {  	[tilespmem:s21], [sflag:$0x4] =	stream.linear.gather [hbm4b:s12+s7], $0x1400, $0x38;
	[tilespmem:$0x19780] =	vst v63  }
0x6d: {  	_ =	swait.ge [sflag:s19], $0x1400  }
0x6e: {  	s13 =	sadd.s32 $0x0, s8;
	[sflag:s19] =	ssyncset.done $0x0  }
0x6f: {  	p1 =	por $0x0, $0x0;
	v1 =	vmov s13;
	s12 =	simm.s32 $0xA018;
	[sflag:s19] =	ssyncadd.s32 $0xFFFFEC00  }
0x70: {  	_ =	sdelay $0x2  }
0x71: {  	v2 =	vld [tilespmem:s12+$0xFFFFFFF8]  }
0x72: {  	v3 =	vld.idx.msk [tilespmem:v1+s22+$0x0], $0xffff;
	p2 =	por $0x1, $0x1  }
.Ltmp2:
0x73: {  	v4 =	vld [tilespmem:s12+$0xFFFFFFE8];
	(pc) =	sbr.rel @!p2 .LBB2_7-.Ltmp2, $3  }
0x74: {  	v5 =	vld [tilespmem:s12+$0x0];
	_ =	sdelay $0x1  }
0x75: {  	s13 =	sadd.s32 $0x1, s8;
	s15 =	simm.s32 $0x2  }
0x76: {  	p1 =	por $0x1, $0x1;
	s14 =	simm.s32 $0xA018;
	v1 =	vmov s13;
	s13 =	simm.s32 $0xA018  }
.LBB2_8:
0x77: {  	p2 =	sne.s32 s15, $0x7F;
	v4 =	vmul.f32 v4, v3;
	v6 =	vmul.f32 v2, v3;
	v2 =	vsel vm0, $0x3F800000, v3  }
0x78: {  	v2 =	vmul.f32 v5, v2  }
0x79: {  	[tilespmem:s14+$0xFFFFFFE8] =	vst v4  }
0x7a: {  	s14 =	sadd.s32 $0x28, s14;
	[tilespmem:s13+$0x0] =	vst v2  }
0x7b: {  	v2 =	vld [tilespmem:s14+$0xFFFFFFF8];
	[tilespmem:s13+$0xFFFFFFF8] =	vst v6;
	s13 =	smov.u32 s14  }
0x7c: {  	v3 =	vld.idx.msk [tilespmem:v1+s22+$0x0], $0xffff  }
.Ltmp3:
0x7d: {  	v4 =	vld [tilespmem:s14+$0xFFFFFFE8];
	(pc) =	sbr.rel @p2 .LBB2_8-.Ltmp3, $3  }
0x7e: {  	v5 =	vld [tilespmem:s14+$0x0];
	_ =	sdelay $0x1  }
0x7f: {  	s16 =	sadd.s32 s15, s8  }
0x80: {  	s15 =	sadd.s32 $0x1, s15;
	v1 =	vmov s16  }
.LBB2_9:
0x81: {  	v4 =	vmul.f32 @p1 v4, v3;
	v6 =	vsel @p1 vm0, $0x3F800000, v3  }
0x82: {  	v5 =	vmul.f32 @p1 v5, v6  }
0x83: {  	v2 =	vmul.f32 @p1 v2, v3;
	[tilespmem:s14+$0xFFFFFFE8] =	vst @p1 v4;
	s14 =	sadd.s32 @p1 $0x28, s14  }
0x84: {  	[tilespmem:s13+$0x0] =	vst @p1 v5;
	s12 =	smov.u32 @p1 s14  }
0x85: {  	v3 =	vld [tilespmem:s12+$0xFFFFFFF8];
	[tilespmem:s13+$0xFFFFFFF8] =	vst @p1 v2  }
0x86: {  	v1 =	vld.idx.msk [tilespmem:v1+s22+$0x0], $0xffff  }
0x87: {  	v2 =	vld [tilespmem:s12+$0xFFFFFFE8];
	_ =	sdelay $0x1  }
0x88: {  	v4 =	vld [tilespmem:s12+$0x0];
	_ =	sdelay $0x2  }
0x89: {  	v2 =	vmul.f32 v2, v1  }
0x8a: {  	v63 =	vsel vm0, $0x3F800000, v1;
	v1 =	vmul.f32 v3, v1  }
0x8b: {  	v4 =	vmul.f32 v4, v63;
	[tilespmem:s12+$0xFFFFFFE8] =	vst v2  }
0x8c: {  	s10 =	sadd.s32 $0x1, s10;
	[tilespmem:s12+$0xFFFFFFF8] =	vst v1  }
0x8d: {  	s11 =	sadd.s32 s11, s1;
	p1 =	sne.s32 s10, $0x5;
	[tilespmem:s12+$0x0] =	vst v4  }
0x8e: {  	[spmem:s11] =	stream.linear.scatter [tilespmem:s21], [sflag:$0x4], $0x1400, $0x38;
	[tilespmem:$0x19780] =	vst v63  }
.Ltmp4:
0x8f: {  	_ = 	snop;
	(pc) =	sbr.rel @p1 .LBB2_4-.Ltmp4, $4  }
.Ltmp5:
0x90: {  	_ = 	snop;
	(pc) =	sbr.rel @!p1 .LBB2_10-.Ltmp5, $4  }
0x91: {  	_ =	swait.ge [sflag:s19], $0x1400  }
0x92: {  	[sflag:s19] =	ssyncset.done $0x0  }
0x93: {  	s8 =	sadd.s32 $0x80, s8;
	[sflag:s19] =	ssyncadd.s32 $0xFFFFEC00  }
0x94: {  	_ = 	snop  }
.LBB2_5:
.Ltmp6:
0x95: {  	(pc) =	sbr.rel .LBB2_9-.Ltmp6, $2  }
0x96: {  	_ =	sdelay $0x2  }
0x97: {  	s14 =	simm.s32 $0xA018  }
.LBB2_7:
.Ltmp7:
0x98: {  	(pc) =	sbr.rel .LBB2_9-.Ltmp7, $2  }
0x99: {  	_ =	sdelay $0x2  }
0x9a: {  	s14 =	simm.s32 $0xA018;
	s13 =	simm.s32 $0xA018  }
.LBB2_10:
0x9b: {  	s8 =	simm.s32 $0x0  }
0x9c: {  	s7 =	simm.s32 $0xA0;
	[tilespmem:s8+$0xA010] =	vst v0  }
.LBB2_11:
0x9d: {  	p1 =	sne.s32 s7, $0x4F60;
	[tilespmem:s8+$0xA018] =	vst v0;
	s10 =	smov.u32 s7;
	s7 =	sadd.s32 $0xA0, s7  }
.Ltmp8:
0x9e: {  	[tilespmem:s8+$0xA000] =	vst v0;
	(pc) =	sbr.rel @p1 .LBB2_11-.Ltmp8, $3  }
0x9f: {  	_ =	sdelay $0x1  }
0xa0: {  	s8 =	sshra.s32 s10, $0x2  }
0xa1: {  	[tilespmem:s8+$0xA010] =	vst v0  }
0xa2: {  	[tilespmem:s8+$0xA018] =	vst v0  }
0xa3: {  	[tilespmem:s8+$0xA000] =	vst v0  }
0xa4: {  	[spmem:s9] =	stream.linear.scatter [tilespmem:s21], [sflag:$0x4], $0x1400, $0x38;
	[tilespmem:$0x19780] =	vst v63  }
0xa5: {  	_ =	swait.ge [sflag:s19], $0x1400  }
0xa6: {  	[sflag:s19] =	ssyncset.done $0x0  }
0xa7: {  	s7 =	rddreg [dreg:$0x6];
	[sflag:s19] =	ssyncadd.s32 $0xFFFFEC00  }
0xa8: {  	[spmem:s7] =	stream.linear.scatter [tilespmem:s21], [sflag:$0x4], $0x1400, $0x38;
	[tilespmem:$0x19780] =	vst v63  }
0xa9: {  	_ =	swait.ge [sflag:s19], $0x1400  }
0xaa: {  	[sflag:s19] =	ssyncset.done $0x0  }
0xab: {  	s11 =	rddreg [dreg:$0x7];
	[sflag:s19] =	ssyncadd.s32 $0xFFFFEC00  }
0xac: {  	[spmem:s11] =	stream.linear.scatter [tilespmem:s21], [sflag:$0x4], $0x1400, $0x38;
	[tilespmem:$0x19780] =	vst v63  }
0xad: {  	_ =	swait.ge [sflag:s19], $0x1400  }
0xae: {  	[sflag:s19] =	ssyncset.done $0x0  }
0xaf: {  	s12 =	rddreg [dreg:$0x8];
	[sflag:s19] =	ssyncadd.s32 $0xFFFFEC00  }
0xb0: {  	[spmem:s12] =	stream.linear.scatter [tilespmem:s21], [sflag:$0x4], $0x1400, $0x38;
	[tilespmem:$0x19780] =	vst v63  }
0xb1: {  	_ =	swait.ge [sflag:s19], $0x1400  }
0xb2: {  	[sflag:s19] =	ssyncset.done $0x0  }
0xb3: {  	s13 =	rddreg [dreg:$0x9];
	[sflag:s19] =	ssyncadd.s32 $0xFFFFEC00  }
0xb4: {  	[spmem:s13] =	stream.linear.scatter [tilespmem:s21], [sflag:$0x4], $0x1400, $0x38;
	[tilespmem:$0x19780] =	vst v63  }
0xb5: {  	_ =	swait.ge [sflag:s19], $0x1400  }
0xb6: {  	[sflag:s19] =	ssyncset.done $0x0  }
0xb7: {  	s14 =	simm.s32 $0x0;
	s15 =	rddreg [dreg:$0xa];
	[sflag:s19] =	ssyncadd.s32 $0xFFFFEC00  }
0xb8: {  	[tilespmem:s14], [sflag:$0x4] =	stream.linear.gather [hbm4b:s15+s14], $0x2800, $0x38;
	[tilespmem:$0x19780] =	vst v63  }
0xb9: {  	_ =	swait.ge [sflag:s19], $0x2800  }
0xba: {  	[sflag:s19] =	ssyncset.done $0x0  }
0xbb: {  	s10 =	simm.s32 $0x2800;
	s16 =	rddreg [dreg:$0xb];
	[sflag:s19] =	ssyncadd.s32 $0xFFFFD800  }
0xbc: {  	[tilespmem:s10], [sflag:$0x4] =	stream.linear.gather [hbm4b:s16+s14], $0x2800, $0x38;
	[tilespmem:$0x19780] =	vst v63  }
0xbd: {  	_ =	swait.ge [sflag:s19], $0x2800  }
0xbe: {  	[sflag:s19] =	ssyncset.done $0x0  }
0xbf: {  	[sflag:s19] =	ssyncadd.s32 $0xFFFFD800  }
0xc0: {  	[bflag:$0x0] =	sbarrier.arrive $0xFFFF  }
0xc1: {  	[tilespmem:s26], [sflag:$0x1] =	stream.indirect.gather [spmem:s1], $0x28, s14, s25, $0xb8;
	[tilespmem:$0x19780] =	vst v63  }
0xc2: {  	_ = 	snop  }
0xc3: {  	[tilespmem:s28], [sflag:$0x1] =	stream.indirect.gather [spmem:s1], $0x28, s25, s25, $0xb8;
	[tilespmem:$0x19780] =	vst v63  }
0xc4: {  	s8 =	simm.s32 $0x100  }
0xc5: {  	[tilespmem:s29], [sflag:$0x2] =	stream.indirect.gather [spmem:s1], $0x28, s8, s25, $0xb8;
	[tilespmem:$0x19780] =	vst v63  }
0xc6: {  	s10 =	simm.s32 $0x180  }
0xc7: {  	[tilespmem:s30], [sflag:$0x2] =	stream.indirect.gather [spmem:s1], $0x28, s10, s25, $0xb8;
	[tilespmem:$0x19780] =	vst v63  }
0xc8: {  	_ =	swait.ge [sflag:s31], $0x1400  }
0xc9: {  	[sflag:s31] =	ssyncset.done $0x0  }
0xca: {  	[sflag:s31] =	ssyncadd.s32 $0xFFFFEC00  }
0xcb: {  	_ =	swait.ge [sflag:s31], $0x1400  }
0xcc: {  	[sflag:s31] =	ssyncset.done $0x0  }
0xcd: {  	s11 =	simm.s32 $0x2800;
	[sflag:s31] =	ssyncadd.s32 $0xFFFFEC00  }
0xce: {  	[spmem:s3] =	stream.indirect.scatter.add.f32 [tilespmem:s26], [sflag:$0x3], $0x28, s11, s25, $0xb8;
	[tilespmem:$0x19780] =	vst v63  }
0xcf: {  	s12 =	simm.s32 $0x2880  }
0xd0: {  	[spmem:s3] =	stream.indirect.scatter.add.f32 [tilespmem:s28], [sflag:$0x3], $0x28, s12, s25, $0xb8;
	[tilespmem:$0x19780] =	vst v63  }
0xd1: {  	_ =	swait.ge [sflag:s0], $0x1400  }
0xd2: {  	[sflag:s0] =	ssyncset.done $0x0  }
0xd3: {  	[sflag:s0] =	ssyncadd.s32 $0xFFFFEC00  }
0xd4: {  	_ =	swait.ge [sflag:s0], $0x1400  }
0xd5: {  	[sflag:s0] =	ssyncset.done $0x0  }
0xd6: {  	s13 =	simm.s32 $0x200;
	[sflag:s0] =	ssyncadd.s32 $0xFFFFEC00  }
0xd7: {  	[tilespmem:s26], [sflag:$0x1] =	stream.indirect.gather [spmem:s1], $0x28, s13, s25, $0xb8;
	[tilespmem:$0x19780] =	vst v63  }
0xd8: {  	s14 =	simm.s32 $0x280  }
0xd9: {  	[tilespmem:s28], [sflag:$0x1] =	stream.indirect.gather [spmem:s1], $0x28, s14, s25, $0xb8;
	[tilespmem:$0x19780] =	vst v63  }
0xda: {  	_ =	swait.ge [sflag:s2], $0x1400  }
0xdb: {  	[sflag:s2] =	ssyncset.done $0x0  }
0xdc: {  	[sflag:s2] =	ssyncadd.s32 $0xFFFFEC00  }
0xdd: {  	_ =	swait.ge [sflag:s2], $0x1400  }
0xde: {  	[sflag:s2] =	ssyncset.done $0x0  }
0xdf: {  	s15 =	simm.s32 $0x2900;
	[sflag:s2] =	ssyncadd.s32 $0xFFFFEC00  }
0xe0: {  	[spmem:s3] =	stream.indirect.scatter.add.f32 [tilespmem:s29], [sflag:$0x3], $0x28, s15, s25, $0xb8;
	[tilespmem:$0x19780] =	vst v63  }
0xe1: {  	s16 =	simm.s32 $0x2980  }
0xe2: {  	[spmem:s3] =	stream.indirect.scatter.add.f32 [tilespmem:s30], [sflag:$0x3], $0x28, s16, s25, $0xb8;
	[tilespmem:$0x19780] =	vst v63  }
0xe3: {  	_ =	swait.ge [sflag:s0], $0x1400  }
0xe4: {  	[sflag:s0] =	ssyncset.done $0x0  }
0xe5: {  	[sflag:s0] =	ssyncadd.s32 $0xFFFFEC00  }
0xe6: {  	_ =	swait.ge [sflag:s0], $0x1400  }
0xe7: {  	s7 =	simm.s32 $0x200;
	s11 =	simm.s32 $0x1000;
	[sflag:s0] =	ssyncset.done $0x0  }
.LBB2_13:
0xe8: {  	s12 =	sadd.s32 $0x100, s7  }
0xe9: {  	[sflag:s0] =	ssyncadd.s32 $0xFFFFEC00;
	s10 =	smov.u32 s11;
	s8 =	sadd.s32 $0x800, s11  }
0xea: {  	[tilespmem:s29], [sflag:$0x2] =	stream.indirect.gather [spmem:s1], $0x28, s12, s25, $0xb8;
	[tilespmem:$0x19780] =	vst v63  }
0xeb: {  	p1 =	sne.s32 s11, $0x9000;
	s11 =	sadd.s32 $0x180, s7  }
0xec: {  	[tilespmem:s30], [sflag:$0x2] =	stream.indirect.gather [spmem:s1], $0x28, s11, s25, $0xb8;
	[tilespmem:$0x19780] =	vst v63  }
0xed: {  	_ =	swait.ge [sflag:s31], $0x1400  }
0xee: {  	[sflag:s31] =	ssyncset.done $0x0  }
0xef: {  	[sflag:s31] =	ssyncadd.s32 $0xFFFFEC00  }
0xf0: {  	_ =	swait.ge [sflag:s31], $0x1400  }
0xf1: {  	[sflag:s31] =	ssyncset.done $0x0  }
0xf2: {  	s11 =	sadd.s32 $0x2800, s7;
	[sflag:s31] =	ssyncadd.s32 $0xFFFFEC00  }
0xf3: {  	[spmem:s3] =	stream.indirect.scatter.add.f32 [tilespmem:s26], [sflag:$0x3], $0x28, s11, s25, $0xb8;
	[tilespmem:$0x19780] =	vst v63  }
0xf4: {  	s11 =	sadd.s32 $0x2880, s7  }
0xf5: {  	[spmem:s3] =	stream.indirect.scatter.add.f32 [tilespmem:s28], [sflag:$0x3], $0x28, s11, s25, $0xb8;
	[tilespmem:$0x19780] =	vst v63  }
0xf6: {  	_ =	swait.ge [sflag:s0], $0x1400  }
0xf7: {  	[sflag:s0] =	ssyncset.done $0x0  }
0xf8: {  	[sflag:s0] =	ssyncadd.s32 $0xFFFFEC00  }
0xf9: {  	_ =	swait.ge [sflag:s0], $0x1400  }
0xfa: {  	[sflag:s0] =	ssyncset.done $0x0  }
0xfb: {  	s11 =	sadd.s32 $0x200, s7;
	[sflag:s0] =	ssyncadd.s32 $0xFFFFEC00  }
0xfc: {  	[tilespmem:s26], [sflag:$0x1] =	stream.indirect.gather [spmem:s1], $0x28, s11, s25, $0xb8;
	[tilespmem:$0x19780] =	vst v63  }
0xfd: {  	s11 =	sadd.s32 $0x280, s7  }
0xfe: {  	[tilespmem:s28], [sflag:$0x1] =	stream.indirect.gather [spmem:s1], $0x28, s11, s25, $0xb8;
	[tilespmem:$0x19780] =	vst v63  }
0xff: {  	_ =	swait.ge [sflag:s2], $0x1400  }
0x100: {  	[sflag:s2] =	ssyncset.done $0x0  }
0x101: {  	[sflag:s2] =	ssyncadd.s32 $0xFFFFEC00  }
0x102: {  	_ =	swait.ge [sflag:s2], $0x1400  }
0x103: {  	[sflag:s2] =	ssyncset.done $0x0  }
0x104: {  	s11 =	sadd.s32 $0x2900, s7;
	[sflag:s2] =	ssyncadd.s32 $0xFFFFEC00  }
0x105: {  	[spmem:s3] =	stream.indirect.scatter.add.f32 [tilespmem:s29], [sflag:$0x3], $0x28, s11, s25, $0xb8;
	[tilespmem:$0x19780] =	vst v63  }
0x106: {  	s7 =	sadd.s32 $0x2980, s7  }
0x107: {  	[spmem:s3] =	stream.indirect.scatter.add.f32 [tilespmem:s30], [sflag:$0x3], $0x28, s7, s25, $0xb8;
	[tilespmem:$0x19780] =	vst v63  }
.Ltmp9:
0x108: {  	_ =	swait.ge [sflag:s0], $0x1400;
	(pc) =	sbr.rel @p1 .LBB2_13-.Ltmp9, $4  }
0x109: {  	[sflag:s0] =	ssyncset.done $0x0  }
0x10a: {  	[sflag:s0] =	ssyncadd.s32 $0xFFFFEC00  }
0x10b: {  	_ =	swait.ge [sflag:s0], $0x1400  }
0x10c: {  	s11 =	smov.u32 s8;
	s7 =	sshra.s32 s10, $0x2;
	[sflag:s0] =	ssyncset.done $0x0  }
0x10d: {  	s8 =	sadd.s32 $0x100, s7;
	[sflag:s0] =	ssyncadd.s32 $0xFFFFEC00  }
0x10e: {  	[tilespmem:s29], [sflag:$0x2] =	stream.indirect.gather [spmem:s1], $0x28, s8, s25, $0xb8;
	[tilespmem:$0x19780] =	vst v63  }
0x10f: {  	s11 =	sadd.s32 $0x180, s7  }
0x110: {  	[tilespmem:s30], [sflag:$0x2] =	stream.indirect.gather [spmem:s1], $0x28, s11, s25, $0xb8;
	[tilespmem:$0x19780] =	vst v63  }
0x111: {  	_ =	swait.ge [sflag:s31], $0x1400  }
0x112: {  	[sflag:s31] =	ssyncset.done $0x0  }
0x113: {  	[sflag:s31] =	ssyncadd.s32 $0xFFFFEC00  }
0x114: {  	_ =	swait.ge [sflag:s31], $0x1400  }
0x115: {  	[sflag:s31] =	ssyncset.done $0x0  }
0x116: {  	s12 =	sadd.s32 $0x2800, s7;
	[sflag:s31] =	ssyncadd.s32 $0xFFFFEC00  }
0x117: {  	[spmem:s3] =	stream.indirect.scatter.add.f32 [tilespmem:s26], [sflag:$0x3], $0x28, s12, s25, $0xb8;
	[tilespmem:$0x19780] =	vst v63  }
0x118: {  	s13 =	sadd.s32 $0x2880, s7  }
0x119: {  	[spmem:s3] =	stream.indirect.scatter.add.f32 [tilespmem:s28], [sflag:$0x3], $0x28, s13, s25, $0xb8;
	[tilespmem:$0x19780] =	vst v63  }
0x11a: {  	_ =	swait.ge [sflag:s0], $0x1400  }
0x11b: {  	[sflag:s0] =	ssyncset.done $0x0  }
0x11c: {  	[sflag:s0] =	ssyncadd.s32 $0xFFFFEC00  }
0x11d: {  	_ =	swait.ge [sflag:s0], $0x1400  }
0x11e: {  	[sflag:s0] =	ssyncset.done $0x0  }
0x11f: {  	s14 =	sadd.s32 $0x200, s7;
	[sflag:s0] =	ssyncadd.s32 $0xFFFFEC00  }
0x120: {  	[tilespmem:s26], [sflag:$0x1] =	stream.indirect.gather [spmem:s1], $0x28, s14, s25, $0xb8;
	[tilespmem:$0x19780] =	vst v63  }
0x121: {  	s15 =	sadd.s32 $0x280, s7  }
0x122: {  	[tilespmem:s28], [sflag:$0x1] =	stream.indirect.gather [spmem:s1], $0x28, s15, s25, $0xb8;
	[tilespmem:$0x19780] =	vst v63  }
0x123: {  	_ =	swait.ge [sflag:s2], $0x1400  }
0x124: {  	[sflag:s2] =	ssyncset.done $0x0  }
0x125: {  	[sflag:s2] =	ssyncadd.s32 $0xFFFFEC00  }
0x126: {  	_ =	swait.ge [sflag:s2], $0x1400  }
0x127: {  	[sflag:s2] =	ssyncset.done $0x0  }
0x128: {  	s16 =	sadd.s32 $0x2900, s7;
	[sflag:s2] =	ssyncadd.s32 $0xFFFFEC00  }
0x129: {  	[spmem:s3] =	stream.indirect.scatter.add.f32 [tilespmem:s29], [sflag:$0x3], $0x28, s16, s25, $0xb8;
	[tilespmem:$0x19780] =	vst v63  }
0x12a: {  	s10 =	sadd.s32 $0x2980, s7  }
0x12b: {  	[spmem:s3] =	stream.indirect.scatter.add.f32 [tilespmem:s30], [sflag:$0x3], $0x28, s10, s25, $0xb8;
	[tilespmem:$0x19780] =	vst v63  }
0x12c: {  	_ =	swait.ge [sflag:s0], $0x1400  }
0x12d: {  	[sflag:s0] =	ssyncset.done $0x0  }
0x12e: {  	[sflag:s0] =	ssyncadd.s32 $0xFFFFEC00  }
0x12f: {  	_ =	swait.ge [sflag:s0], $0x1400  }
0x130: {  	[sflag:s0] =	ssyncset.done $0x0  }
0x131: {  	s11 =	simm.s32 $0x2700;
	[sflag:s0] =	ssyncadd.s32 $0xFFFFEC00  }
0x132: {  	[tilespmem:s29], [sflag:$0x2] =	stream.indirect.gather [spmem:s1], $0x28, s11, s25, $0xb8;
	[tilespmem:$0x19780] =	vst v63  }
0x133: {  	s12 =	simm.s32 $0x2780  }
0x134: {  	[tilespmem:s30], [sflag:$0x2] =	stream.indirect.gather [spmem:s1], $0x28, s12, s25, $0xb8;
	[tilespmem:$0x19780] =	vst v63  }
0x135: {  	_ =	swait.ge [sflag:s31], $0x1400  }
0x136: {  	[sflag:s31] =	ssyncset.done $0x0  }
0x137: {  	[sflag:s31] =	ssyncadd.s32 $0xFFFFEC00  }
0x138: {  	_ =	swait.ge [sflag:s31], $0x1400  }
0x139: {  	[sflag:s31] =	ssyncset.done $0x0  }
0x13a: {  	s13 =	simm.s32 $0x4E00;
	[sflag:s31] =	ssyncadd.s32 $0xFFFFEC00  }
0x13b: {  	[spmem:s3] =	stream.indirect.scatter.add.f32 [tilespmem:s26], [sflag:$0x3], $0x28, s13, s25, $0xb8;
	[tilespmem:$0x19780] =	vst v63  }
0x13c: {  	s14 =	simm.s32 $0x4E80  }
0x13d: {  	[spmem:s3] =	stream.indirect.scatter.add.f32 [tilespmem:s28], [sflag:$0x3], $0x28, s14, s25, $0xb8;
	[tilespmem:$0x19780] =	vst v63  }
0x13e: {  	_ =	swait.ge [sflag:s0], $0x1400  }
0x13f: {  	[sflag:s0] =	ssyncset.done $0x0  }
0x140: {  	[sflag:s0] =	ssyncadd.s32 $0xFFFFEC00  }
0x141: {  	_ =	swait.ge [sflag:s0], $0x1400  }
0x142: {  	[sflag:s0] =	ssyncset.done $0x0  }
0x143: {  	[sflag:s0] =	ssyncadd.s32 $0xFFFFEC00  }
0x144: {  	_ =	swait.ge [sflag:s2], $0x1400  }
0x145: {  	[sflag:s2] =	ssyncset.done $0x0  }
0x146: {  	[sflag:s2] =	ssyncadd.s32 $0xFFFFEC00  }
0x147: {  	_ =	swait.ge [sflag:s2], $0x1400  }
0x148: {  	[sflag:s2] =	ssyncset.done $0x0  }
0x149: {  	s15 =	simm.s32 $0x4F00;
	[sflag:s2] =	ssyncadd.s32 $0xFFFFEC00  }
0x14a: {  	[spmem:s3] =	stream.indirect.scatter.add.f32 [tilespmem:s29], [sflag:$0x3], $0x28, s15, s25, $0xb8;
	[tilespmem:$0x19780] =	vst v63  }
0x14b: {  	s16 =	simm.s32 $0x4F80  }
0x14c: {  	[spmem:s3] =	stream.indirect.scatter.add.f32 [tilespmem:s30], [sflag:$0x3], $0x28, s16, s25, $0xb8;
	[tilespmem:$0x19780] =	vst v63  }
0x14d: {  	_ =	swait.ge [sflag:s0], $0x1400  }
0x14e: {  	[sflag:s0] =	ssyncset.done $0x0  }
0x14f: {  	[sflag:s0] =	ssyncadd.s32 $0xFFFFEC00  }
0x150: {  	_ =	swait.ge [sflag:s0], $0x1400  }
0x151: {  	[sflag:s0] =	ssyncset.done $0x0  }
0x152: {  	[sflag:s0] =	ssyncadd.s32 $0xFFFFEC00  }
0x153: {  	s7 =	simm.s32 $0x0;
	s8 =	simm.s32 $0x0;
	[bflag:$0x0] =	sbarrier.arrive $0xFFFF  }
.LBB2_15:
0x154: {  	s10 =	sshll.u32 s8, $0x7  }
0x155: {  	s10 =	sadd.s32 s5, s10  }
0x156: {  	s10 =	smul.u32 $0x28, s10;
	_ =	sdelay $0x1  }
0x157: {  	s11 =	sadd.s32 s10, s3  }
0x158: {  	[tilespmem:s21], [sflag:$0x5] =	stream.linear.gather [spmem:s11], $0x1400, $0x38;
	[tilespmem:$0x19780] =	vst v63  }
0x159: {  	_ =	swait.ge [sflag:s18], $0x1400  }
0x15a: {  	[sflag:s18] =	ssyncset.done $0x0  }
0x15b: {  	s16 =	sadd.s32 s10, s1;
	[sflag:s18] =	ssyncadd.s32 $0xFFFFEC00  }
0x15c: {  	[tilespmem:s20], [sflag:$0x5] =	stream.linear.gather [spmem:s16], $0x1400, $0x38;
	[tilespmem:$0x19780] =	vst v63  }
0x15d: {  	_ =	swait.ge [sflag:s18], $0x1400  }
0x15e: {  	v1 =	vmov s7;
	[sflag:s18] =	ssyncset.done $0x0  }
0x15f: {  	s11 =	simm.s32 $0x0;
	[sflag:s18] =	ssyncadd.s32 $0xFFFFEC00  }
0x160: {  	v3 =	vld [tilespmem:s11+$0xB410]  }
0x161: {  	v4 =	vld [tilespmem:s11+$0xA010];
	_ =	sdelay $0x1  }
0x162: {  	v6 =	vld.idx.msk [tilespmem:v1+s22+$0x0], $0xffff;
	_ =	sdelay $0x1  }
0x163: {  	v1 =	vpsel !p0, $0x0, v3  }
0x164: {  	v1 =	vadd.f32 v1, v4  }
0x165: {  	v2 =	vld [tilespmem:s11+$0xB400]  }
0x166: {  	v5 =	vld [tilespmem:s11+$0xA000];
	v1 =	vmul.f32 v1, v6  }
0x167: {  	v3 =	vld [tilespmem:s11+$0xB418]  }
0x168: {  	[tilespmem:s11+$0xA010] =	vst v1  }
0x169: {  	v4 =	vld [tilespmem:s11+$0xA018]  }
0x16a: {  	v2 =	vpsel !p0, $0x0, v2  }
0x16b: {  	v2 =	vadd.f32 v2, v5  }
0x16c: {  	v1 =	vsel vm0, $0x0, v3  }
0x16d: {  	v2 =	vmul.f32 v2, v6;
	v3 =	vpsel !p0, $0x0, v1  }
0x16e: {  	s12 =	sadd.s32 $0x1, s7;
	v3 =	vadd.f32 v3, v4  }
0x16f: {  	s13 =	simm.s32 $0x140;
	s14 =	simm.s32 $0x28;
	[tilespmem:s11+$0xA000] =	vst v2;
	v2 =	vsel vm0, $0x3F800000, v6;
	v1 =	vmov s12  }
.LBB2_16:
0x170: {  	p1 =	sne.s32 s13, $0x4F60;
	v4 =	vld [tilespmem:s14+$0xA000];
	v2 =	vmul.f32 v3, v2;
	s15 =	smov.u32 s13;
	s13 =	sadd.s32 $0xA0, s13  }
0x171: {  	v3 =	vld [tilespmem:s14+$0xB400]  }
0x172: {  	v5 =	vld [tilespmem:s14+$0xB410];
	[tilespmem:s11+$0xA018] =	vst v2;
	s11 =	smov.u32 s14  }
0x173: {  	v2 =	vld [tilespmem:s11+$0xA010]  }
0x174: {  	v6 =	vld.idx.msk [tilespmem:v1+s22+$0x0], $0xffff;
	_ =	sdelay $0x1  }
0x175: {  	v1 =	vpsel !p0, $0x0, v3  }
0x176: {  	v1 =	vadd.f32 v1, v4;
	v3 =	vpsel !p0, $0x0, v5  }
0x177: {  	v2 =	vadd.f32 v3, v2;
	_ =	sdelay $0x1  }
0x178: {  	v1 =	vmul.f32 v1, v6;
	v2 =	vmul.f32 v2, v6;
	v3 =	vld [tilespmem:s11+$0xB418];
	_ =	sdelay $0x1  }
0x179: {  	[tilespmem:s11+$0xA010] =	vst v2  }
0x17a: {  	[tilespmem:s11+$0xA000] =	vst v1;
	v4 =	vld [tilespmem:s11+$0xA018];
	_ =	sdelay $0x1  }
.Ltmp10:
0x17b: {  	v1 =	vsel vm0, $0x0, v3;
	(pc) =	sbr.rel @p1 .LBB2_16-.Ltmp10, $4  }
0x17c: {  	s12 =	sadd.s32 $0x1, s12;
	v3 =	vpsel !p0, $0x0, v1  }
0x17d: {  	v1 =	vmov s12  }
0x17e: {  	v2 =	vsel vm0, $0x3F800000, v6;
	v3 =	vadd.f32 v3, v4  }
0x17f: {  	s14 =	sshra.s32 s15, $0x2  }
0x180: {  	v4 =	vld [tilespmem:s14+$0xA000];
	v2 =	vmul.f32 v3, v2  }
0x181: {  	v3 =	vld [tilespmem:s14+$0xB400]  }
0x182: {  	v5 =	vld [tilespmem:s14+$0xB410];
	[tilespmem:s11+$0xA018] =	vst v2  }
0x183: {  	v2 =	vld [tilespmem:s14+$0xA010];
	_ =	sdelay $0x1  }
0x184: {  	v1 =	vld.idx.msk [tilespmem:v1+s22+$0x0], $0xffff;
	_ =	sdelay $0x1  }
0x185: {  	v5 =	vpsel !p0, $0x0, v5  }
0x186: {  	v2 =	vadd.f32 v5, v2;
	_ =	sdelay $0x1  }
0x187: {  	v2 =	vmul.f32 v2, v1  }
0x188: {  	v63 =	vld [tilespmem:s14+$0xB418];
	v3 =	vpsel !p0, $0x0, v3  }
0x189: {  	v3 =	vadd.f32 v3, v4;
	[tilespmem:s14+$0xA010] =	vst v2  }
0x18a: {  	v2 =	vld [tilespmem:s14+$0xA018]  }
0x18b: {  	v3 =	vmul.f32 v3, v1;
	_ =	sdelay $0x1  }
0x18c: {  	[tilespmem:s14+$0xA000] =	vst v3;
	v3 =	vsel vm0, $0x0, v63  }
0x18d: {  	v3 =	vpsel !p0, $0x0, v3  }
0x18e: {  	v2 =	vadd.f32 v3, v2  }
0x18f: {  	v1 =	vsel vm0, $0x3F800000, v1  }
0x190: {  	s8 =	sadd.s32 $0x1, s8;
	v1 =	vmul.f32 v2, v1  }
0x191: {  	s10 =	sshrl.u32 s10, $0x3;
	p1 =	sne.s32 s8, $0x5  }
.Ltmp11:
0x192: {  	s10 =	sadd.s32 s17, s10;
	[tilespmem:s14+$0xA018] =	vst v1;
	(pc) =	sbr.rel @p1 .LBB2_15-.Ltmp11, $4  }
0x193: {  	[hbm4b:s10+s4] =	stream.linear.scatter [tilespmem:s21], [sflag:s24], $0x1400, $0x38;
	[tilespmem:$0x19780] =	vst v63  }
0x194: {  	_ =	swait.ge [sflag:s24], $0x1400  }
0x195: {  	[sflag:s24] =	ssyncset.done $0x0  }
0x196: {  	s7 =	sadd.s32 $0x80, s7;
	[sflag:s24] =	ssyncadd.s32 $0xFFFFEC00  }
0x197: {  	s23 =	sadd.s32 $0x1, s23;
	s7 =	rddreg [dreg:$0xc]  }
0x198: {  	p1 =	sne.s32 s23, s7  }
.Ltmp12:
0x199: {  	_ = 	snop;
	(pc) =	sbr.rel @p1 .LBB2_1-.Ltmp12, $1  }
0x19a: {  	_ =	sdelay $0x3  }
0x19b: {  	_ =	sfence.sel $0x180000  }
0x19c: {  	[bflag:$0x0] =	sbarrier.arrive $0xFFFF  }
0x19d: {  	_ =	strace $0x9000004D  }
0x19e: {  	s0 =	stileid.u32;
	[bflag:$0x2] =	sbarrier.arrive $0xFFFF  }
0x19f: {  	p0 =	sne.s32 s0, $0x0;
	s0 =	rddreg [dreg:$0x3]  }
0x1a0: {  	s0 =	sadd.s32 @!p0 $0x100000, s0  }
0x1a1: {  	[sflag:s0] =	ssyncadd.tile.s32 @!p0 $0x1;
	_ =	shalt  }
.Lfunc_end2:
_tile_overlayer_lowered:
.L_overlay_start_2:
0x1a2: {  	(tag) =	ssettag $0x2  }
0x1a3: {  	s0 =	rddreg [dreg:$0x0];
	s2 =	stileid.u32  }
0x1a4: {  	s1 =	rddreg [dreg:$0x1];
	p0 =	sne.s32 s2, $0x0  }
0x1a5: {  	s3 =	rddreg [dreg:$0x2];
	[bflag:$0x3] =	sbarrier.arrive $0xFFFF;
	s2 =	simm.s32 @!p0 $0x1C04  }
0x1a6: {  	[timem:s3], [sflag:s2] =	dma.local @!p0 [hbm:s0], s1  }
0x1a7: {  	s0 =	simm.s32 @!p0 $0x4  }
0x1a8: {  	_ =	swait.ge @!p0 [sflag:s0], s1  }
0x1a9: {  	s1 =	ssub.s32 @!p0 $0x0, s1;
	[sflag:s0] =	ssyncset.done @!p0 $0x0  }
0x1aa: {  	[sflag:s0] =	ssyncadd.s32 @!p0 s1  }
0x1ab: {  	[bflag:$0x3] =	sbarrier.arrive $0xFFFF  }
0x1ac: {  	_ =	shalt  }

// kernel: kernel.8.cloned.1.call-start
scs
__scs_entry_jumppad:
0x0: {  	(pc) =	sbr.rel $0x88, $3  }
0x1: {  	(tag) =	ssettag $0x0;
	lr =	simm.s32 $0x1  }
0x2: {  	[smem:$0x3F9B] =	sst lr;
	_ =	strace $0xD0000000  }
0x3: {  	_ = 	snop  }
0x4: {  	_ = 	snop  }
0x5: {  	_ = 	snop  }
0x6: {  	_ = 	snop  }
0x7: {  	_ = 	snop  }
__scs_overlays_trampoline_lowered:
0x8: {  	[smem:$0x3FAA] =	sst s0  }
0x9: {  	[smem:$0x3FAB] =	sst s1  }
0xa: {  	[smem:$0x3FAC] =	sst s2  }
0xb: {  	[smem:$0x3FAD] =	sst s3  }
0xc: {  	[smem:$0x3FAE] =	sst s4  }
0xd: {  	[smem:$0x3FAF] =	sst s5  }
0xe: {  	[smem:$0x3FB0] =	sst s6  }
0xf: {  	[smem:$0x3FB1] =	sst s7  }
0x10: {  	[smem:$0x3FB2] =	sst s8  }
0x11: {  	[smem:$0x3FB3] =	sst s9;
	s0 =	simm.s32 @!p0 $0x0  }
0x12: {  	s1 =	sld [smem:$0x3F99];
	s0 =	simm.s32 @p0 $0x1  }
0x13: {  	[smem:$0x3FB4] =	sst s0;
	s0 =	simm.s32 @!p1 $0x0  }
0x14: {  	s2 =	sld [smem:$0x3F98];
	s0 =	simm.s32 @p1 $0x1  }
0x15: {  	[smem:$0x3FB5] =	sst s0;
	s0 =	simm.s32 @!p2 $0x0  }
0x16: {  	s3 =	sld [smem:$0x3FDB];
	s0 =	simm.s32 @p2 $0x1  }
0x17: {  	s4 =	simm.s32 $0x1BF5;
	[smem:$0x3FB7] =	sst s0  }
0x18: {  	s0 =	sld [smem:$0x3F9A];
	_ =	swait.ge [sflag:s4], $0x0  }
0x19: {  	s7 =	sld [smem:$0x3F9B]  }
0x1a: {  	s8 =	sadd.s32 $0xFFFFE003, lr  }
0x1b: {  	s9 =	sadd.s32 $0xFFFFFEF7, lr;
	s5 =	simm.s32 $0xFFFFFFFF;
	p2 =	slt.u32 s8, $0xFFFFF086  }
0x1c: {  	p1 =	slt.u32 s9, $0xF7A;
	s5 =	simm.s32 @!p2 $0x0  }
0x1d: {  	s5 =	simm.s32 @p1 $0x1;
	p0 =	seq.s32 s7, s2  }
0x1e: {  	s7 =	smul.u32 @!p0 $0xF7A, s2;
	p2 =	seq.s32 @!p0 s5, $0x0  }
0x1f: {  	s9 =	smul.u32 $0xF7A, s1;
	s8 =	simm.s32 @!p0 $0x1BF5;
	p2 =	por !p2, p0  }
0x20: {  	[sflag:s8] =	ssyncset.s32 @!p0 $0xFFFFF086;
	s6 =	sadd.s32 @!p0 s3, s7;
	s7 =	simm.s32 @!p0 $0x108  }
0x21: {  	s3 =	sadd.s32 s3, s9;
	s6 =	sadd.s32 @!p0 $0x88, s6;
	s7 =	simm.s32 @p2 $0x1082  }
0x22: {  	[simem:s7], [sflag:s8] =	dma.local @!p0 [hbm:s6], $0xF7A  }
0x23: {  	s9 =	sor.u32 $0xD0000000, s2;
	s6 =	simm.s32 $0x108;
	_ =	swait.ge @!p0 [sflag:s8], $0x0  }
0x24: {  	s3 =	sadd.s32 $0x88, s3;
	s6 =	simm.s32 @!p1 $0x1082;
	[sflag:s4] =	ssyncset.s32 $0xFFFFF086  }
0x25: {  	[simem:s6], [sflag:s4] =	dma.local [hbm:s3], $0xF7A  }
0x26: {  	[smem:$0x3F9B] =	sst s1;
	(tag) =	ssettag s2;
	_ =	strace s9  }
0x27: {  	s1 =	sld [smem:$0x3FAB]  }
0x28: {  	s2 =	sld [smem:$0x3FAC]  }
0x29: {  	s4 =	sld [smem:$0x3FAE]  }
0x2a: {  	p0 =	seq.s32 s5, $0x0;
	s5 =	sld [smem:$0x3FAF]  }
0x2b: {  	s6 =	sld [smem:$0x3FB0]  }
0x2c: {  	s7 =	sld [smem:$0x3FB1]  }
0x2d: {  	s3 =	simm.s32 $0x108;
	s8 =	sld [smem:$0x3FB2]  }
0x2e: {  	s3 =	simm.s32 @!p0 $0x1082;
	s9 =	sld [smem:$0x3FB3]  }
0x2f: {  	lr =	sadd.s32 s0, s3;
	s0 =	sld [smem:$0x3FAA]  }
0x30: {  	s3 =	sld [smem:$0x3FAD]  }
0x31: {  	[smem:$0x3FB6] =	sst s10  }
0x32: {  	s10 =	sld [smem:$0x3FB4];
	_ =	sdelay $0x3  }
0x33: {  	p0 =	seq.s32 s10, $0x1;
	s10 =	sld [smem:$0x3FB6];
	_ =	sdelay $0x3  }
0x34: {  	[smem:$0x3FB6] =	sst s10  }
0x35: {  	s10 =	sld [smem:$0x3FB5];
	_ =	sdelay $0x3  }
0x36: {  	p1 =	seq.s32 s10, $0x1;
	s10 =	sld [smem:$0x3FB6];
	_ =	sdelay $0x3  }
0x37: {  	[smem:$0x3FB6] =	sst s10  }
0x38: {  	s10 =	sld [smem:$0x3FB7]  }
0x39: {  	_ = 	snop;
	(pc) =	sbr.ind lr, $3  }
0x3a: {  	_ = 	snop  }
0x3b: {  	_ = 	snop  }
0x3c: {  	p2 =	seq.s32 s10, $0x1;
	s10 =	sld [smem:$0x3FB6]  }
0x3d: {  	_ =	shalt  }
0x3e: {  	_ =	shalt  }
0x3f: {  	_ =	shalt  }
0x40: {  	_ =	shalt  }
0x41: {  	_ =	shalt  }
0x42: {  	_ =	shalt  }
0x43: {  	_ =	shalt  }
0x44: {  	_ =	shalt  }
0x45: {  	_ =	shalt  }
0x46: {  	_ =	shalt  }
0x47: {  	_ =	shalt  }
0x48: {  	_ =	shalt  }
0x49: {  	_ =	shalt  }
0x4a: {  	_ =	shalt  }
0x4b: {  	_ =	shalt  }
0x4c: {  	_ =	shalt  }
0x4d: {  	_ =	shalt  }
0x4e: {  	_ =	shalt  }
0x4f: {  	_ =	shalt  }
0x50: {  	_ =	shalt  }
0x51: {  	_ =	shalt  }
0x52: {  	_ =	shalt  }
0x53: {  	_ =	shalt  }
0x54: {  	_ =	shalt  }
0x55: {  	_ =	shalt  }
0x56: {  	_ =	shalt  }
0x57: {  	_ =	shalt  }
0x58: {  	_ =	shalt  }
0x59: {  	_ =	shalt  }
0x5a: {  	_ =	shalt  }
0x5b: {  	_ =	shalt  }
0x5c: {  	_ =	shalt  }
0x5d: {  	_ =	shalt  }
0x5e: {  	_ =	shalt  }
0x5f: {  	_ =	shalt  }
0x60: {  	_ =	shalt  }
0x61: {  	_ =	shalt  }
0x62: {  	_ =	shalt  }
0x63: {  	_ =	shalt  }
0x64: {  	_ =	shalt  }
0x65: {  	_ =	shalt  }
0x66: {  	_ =	shalt  }
0x67: {  	_ =	shalt  }
0x68: {  	_ =	shalt  }
0x69: {  	_ =	shalt  }
0x6a: {  	_ =	shalt  }
0x6b: {  	_ =	shalt  }
0x6c: {  	_ =	shalt  }
0x6d: {  	_ =	shalt  }
0x6e: {  	_ =	shalt  }
0x6f: {  	_ =	shalt  }
0x70: {  	_ =	shalt  }
0x71: {  	_ =	shalt  }
0x72: {  	_ =	shalt  }
0x73: {  	_ =	shalt  }
0x74: {  	_ =	shalt  }
0x75: {  	_ =	shalt  }
0x76: {  	_ =	shalt  }
0x77: {  	_ =	shalt  }
0x78: {  	_ =	shalt  }
0x79: {  	_ =	shalt  }
0x7a: {  	_ =	shalt  }
0x7b: {  	_ =	shalt  }
0x7c: {  	_ =	shalt  }
0x7d: {  	_ =	shalt  }
0x7e: {  	_ =	shalt  }
0x7f: {  	_ =	shalt  }
0x80: {  	_ =	shalt  }
0x81: {  	_ =	shalt  }
0x82: {  	_ =	shalt  }
0x83: {  	_ =	shalt  }
0x84: {  	_ =	shalt  }
0x85: {  	_ =	shalt  }
0x86: {  	_ =	shalt  }
0x87: {  	_ =	shalt  }
.Lfunc_end0:
.L_simem_size_0:
called_computation_lowered:
.L_overlay_start_0:
0x88: {  	s2 =	sld [smem:$0x3FD9]  }
0x89: {  	s3 =	sld [smem:$0x3FFE];
	_ =	sdelay $0x1  }
0x8a: {  	s1 =	srdreg.scid  }
0x8b: {  	s0 =	sand.u32 $0x1, s1  }
0x8c: {  	s16 =	sshll.u32 s0, $0xA;
	s2 =	sadd.s32 s3, s2  }
0x8d: {  	s2 =	sadd.s32 s2, s16  }
0x8e: {  	[smem:$0x3FC2] =	sst s2  }
0x8f: {  	_ = 	snop  }
0x90: {  	(tm) =	ssettm $0x1  }
0x91: {  	s17 =	sld [smem:$0x3FFB];
	_ =	sdelay $0x3  }
0x92: {  	_ =	strace s17  }
0x93: {  	s2 =	sld [smem:$0x3FFC];
	_ =	sdelay $0x3  }
0x94: {  	_ =	strace s2  }
0x95: {  	s2 =	sld [smem:$0x3FFD];
	_ =	sdelay $0x3  }
0x96: {  	_ =	strace s2  }
0x97: {  	_ =	strace $0x8FFFFFFF  }
0x98: {  	s18 =	sld [smem:$0x3FDB];
	_ =	sdelay $0x1  }
0x99: {  	s19 =	simm.s32 $_scs_section_size  }
0x9a: {  	s4 =	simm.s32 $_size__tile_overlayer_lowered;
	s5 =	simm.s32 $_tile_overlayer_lowered  }
0x9b: {  	s22 =	simm.s32 $0x1BFF;
	s21 =	sshll.u32 s5, $0x1;
	s2 =	sadd.s32 s19, s18  }
0x9c: {  	s6 =	simm.s32 $0x0;
	s20 =	sshll.u32 s4, $0x1;
	s4 =	sadd.s32 s21, s2  }
0x9d: {  	[timem:s6], [sflag:s22] =	dma.local [hbm:s4], s20  }
0x9e: {  	_ =	swait.ge [sflag:s22], s20  }
0x9f: {  	s3 =	ssub.s32 $0x0, s20;
	[sflag:s22] =	ssyncset.done $0x0  }
0xa0: {  	[sflag:s22] =	ssyncadd.s32 s3;
	_ =	sdelay $0x1  }
0xa1: {  	s23 =	simm.s32 $0x1B8B  }
0xa2: {  	_ =	swait.ge [sflag:s23], $0x1  }
0xa3: {  	[sflag:s23] =	ssyncset.done $0x0  }
0xa4: {  	s25 =	simm.s32 $0x1B8E;
	s24 =	sld [smem:$0x3FFE];
	[sflag:s23] =	ssyncadd.s32 $0xFFFFFFFF  }
0xa5: {  	s26 =	simm.s32 $execute0_lowered;
	[smem:$0x3FD2] =	sst s25  }
0xa6: {  	s4 =	sshll.u32 s26, $0x1;
	_ =	strace $0x80000046;
	[dreg:$0x1] =	wrdreg $0xFFFFFFFF  }
0xa7: {  	s28 =	simm.s32 $_size_execute0_lowered;
	s2 =	sadd.s32 s2, s4;
	[dreg:$0x0] =	wrdreg $0x0  }
0xa8: {  	s4 =	sshll.u32 s28, $0x1;
	[dreg:$0x2] =	wrdreg s2  }
0xa9: {  	[dreg:$0x3] =	wrdreg s4  }
0xaa: {  	[dreg:$0x4] =	wrdreg $0xC0  }
0xab: {  	_ =	task [dreg:s6], $0x5FFFF  }
0xac: {  	[dreg:$0x1] =	wrdreg $0xFFFFFFFF  }
0xad: {  	[dreg:$0x0] =	wrdreg $0x60  }
0xae: {  	[dreg:$0x2] =	wrdreg s24  }
0xaf: {  	[dreg:$0x3] =	wrdreg $0x2B000  }
0xb0: {  	[dreg:$0x4] =	wrdreg $0x9  }
0xb1: {  	_ =	task.clear_ibuf [dreg:s6], $0x5FFFF;
	_ =	strace $0x90000046  }
0xb2: {  	s29 =	simm.s32 $0x9;
	_ =	strace $0x80000048  }
0xb3: {  	_ =	swait.ge [sflag:s29], $0x1  }
0xb4: {  	[sflag:s29] =	ssyncadd.s32 $0xFFFFFFFF  }
0xb5: {  	_ =	strace $0x90000048  }
0xb6: {  	_ =	sfence  }
0xb7: {  	s30 =	sld [smem:$0x0];
	_ =	sdelay $0x2  }
0xb8: {  	s31 =	sshll.u32 s1, $0xD;
	s1 =	sshrl.u32 s1, $0x2  }
0xb9: {  	s3 =	sand.u32 $0x4000, s31;
	s1 =	sadd.s32 s1, s30  }
0xba: {  	s0 =	sor.u32 s3, s0;
	s1 =	sshll.u32 s1, $0x11  }
0xbb: {  	s0 =	sor.u32 s1, s0  }
0xbc: {  	s0 =	sadd.s32 $0x8F2B, s0  }
0xbd: {  	[sflag:s0] =	ssyncadd.remote.s32 $0x1  }
0xbe: {  	_ =	sfence.sel $0xFFFF  }
0xbf: {  	[dreg:$0x0] =	wrdreg $0xFFFFFFFF;
	(pc) =	sbr.abs _section_cstart, $3  }
0xc0: {  	[dreg:$0x1] =	wrdreg $0xFFFFFFFF  }
0xc1: {  	_ =	task.clear_ibuf [dreg:s6], $0x2FFFF;
	_ =	strace $0x9FFFFFFF  }
0xc2: {  	(tm) =	ssettm $0x7FFFFFFF  }
0xc3: {  	_ =	shalt  }
tec
execute0_lowered:
.L_overlay_start_1:
0x0: {  	(tag) =	ssettag $0x1  }
0x1: {  	s0 =	srdreg.scid;
	s7 =	rddreg [dreg:$0x0]  }
0x2: {  	s2 =	rddreg [dreg:$0x1];
	s1 =	stileid.u32;
	s3 =	simm.s32 $0x0  }
0x3: {  	s9 =	simm.s32 $0x17200;
	s10 =	simm.s32 $0x80;
	s11 =	simm.s32 $0x2800  }
0x4: {  	s12 =	simm.s32 $0x0;
	s4 =	sand.u32 $0x1, s0;
	s0 =	rddreg [dreg:$0x2]  }
0x5: {  	[smem:$0x7FF] =	sst s3;
	s31 =	smul.u32 $0x280, s1;
	s5 =	sshll.u32 s4, $0x4  }
0x6: {  	s6 =	ssub.s32 $0x2, s4;
	_ =	strace $0x80000047;
	s5 =	sor.u32 s1, s5  }
0x7: {  	p0 =	seq.s32 s4, $0x1;
	s8 =	sshrl.u32 s6, $0x1;
	s5 =	smul.u32 $0x2800, s5  }
0x8: {  	s4 =	sadd.s32 s31, s2;
	s9 =	simm.s32 @!p0 $0x16C00;
	s6 =	ssub.s32 s6, s8  }
0x9: {  	s8 =	sshrl.u32 s31, $0x3;
	s6 =	smax.u32 s6, $0x1;
	s5 =	sshrl.u32 s5, $0x3  }
0xa: {  	s5 =	sadd.s32 s7, s5;
	s7 =	sadd.s32 s9, s7;
	s9 =	simm.s32 $0x1  }
0xb: {  	v0 =	vimm.f32 $1.000000000e+00;
	v1 =	vimm.f32 $0.0e+00;
	s5 =	sadd.s32 $0xCC00, s5;
	s7 =	sadd.s32 s7, s8;
	s8 =	simm.s32 $0x2880  }
.LBB2_1:
0xc: {  	[tilespmem:$0x2800] =	vst v0  }
0xd: {  	[tilespmem:$0x2810] =	vst v0  }
0xe: {  	[tilespmem:$0x2820] =	vst v0  }
0xf: {  	[tilespmem:$0x2830] =	vst v0  }
0x10: {  	[tilespmem:$0x2840] =	vst v0  }
0x11: {  	[tilespmem:$0x2850] =	vst v0  }
0x12: {  	[tilespmem:$0x2860] =	vst v0  }
0x13: {  	[tilespmem:$0x2870] =	vst v0  }
0x14: {  	[tilespmem:$0x2880] =	vst v1  }
0x15: {  	[tilespmem:$0x2890] =	vst v1  }
0x16: {  	[tilespmem:$0x28A0] =	vst v1  }
0x17: {  	[tilespmem:$0x28B0] =	vst v1  }
0x18: {  	[tilespmem:$0x28C0] =	vst v1  }
0x19: {  	[tilespmem:$0x28D0] =	vst v1  }
0x1a: {  	[tilespmem:$0x28E0] =	vst v1  }
0x1b: {  	[tilespmem:$0x28F0] =	vst v1  }
0x1c: {  	[tilespmem:$0x2900] =	vst v1  }
0x1d: {  	[tilespmem:$0x2910] =	vst v1  }
0x1e: {  	[tilespmem:$0x2920] =	vst v1  }
0x1f: {  	[tilespmem:$0x2930] =	vst v1  }
0x20: {  	[tilespmem:$0x2940] =	vst v1  }
0x21: {  	[tilespmem:$0x2950] =	vst v1  }
0x22: {  	[tilespmem:$0x2960] =	vst v1  }
0x23: {  	[tilespmem:$0x2970] =	vst v1  }
0x24: {  	[tilespmem:$0x2980] =	vst v1  }
0x25: {  	[tilespmem:$0x2990] =	vst v1  }
0x26: {  	[tilespmem:$0x29A0] =	vst v1  }
0x27: {  	[tilespmem:$0x29B0] =	vst v1  }
0x28: {  	[tilespmem:$0x29C0] =	vst v1  }
0x29: {  	[tilespmem:$0x29D0] =	vst v1  }
0x2a: {  	[tilespmem:$0x29E0] =	vst v1  }
0x2b: {  	[tilespmem:$0x29F0] =	vst v1  }
0x2c: {  	[tilespmem:$0x2A00] =	vst v1  }
0x2d: {  	[tilespmem:$0x2A10] =	vst v1  }
0x2e: {  	[tilespmem:$0x2A20] =	vst v1  }
0x2f: {  	[tilespmem:$0x2A30] =	vst v1  }
0x30: {  	[tilespmem:$0x2A40] =	vst v1  }
0x31: {  	[tilespmem:$0x2A50] =	vst v1  }
0x32: {  	[tilespmem:$0x2A60] =	vst v1  }
0x33: {  	[tilespmem:$0x2A70] =	vst v1  }
0x34: {  	[tilespmem:$0x2A80] =	vst v1  }
0x35: {  	[tilespmem:$0x2A90] =	vst v1  }
0x36: {  	[tilespmem:$0x2AA0] =	vst v1  }
0x37: {  	[tilespmem:$0x2AB0] =	vst v1  }
0x38: {  	[tilespmem:$0x2AC0] =	vst v1  }
0x39: {  	[tilespmem:$0x2AD0] =	vst v1  }
0x3a: {  	[tilespmem:$0x2AE0] =	vst v1  }
0x3b: {  	[tilespmem:$0x2AF0] =	vst v1  }
0x3c: {  	[spmem:s4] =	stream.linear.scatter [tilespmem:s8], [sflag:$0x1], $0x280, $0x38;
	[tilespmem:$0x2D80] =	vst v63  }
0x3d: {  	_ =	swait.ge [sflag:s9], $0x280  }
0x3e: {  	[sflag:s9] =	ssyncset.done $0x0  }
0x3f: {  	[sflag:s9] =	ssyncadd.s32 $0xFFFFFD80  }
0x40: {  	[tilespmem:s3], [sflag:$0x1] =	stream.linear.gather [hbm4b:s5+s3], $0x2800, $0x38;
	[tilespmem:$0x2D80] =	vst v63  }
0x41: {  	_ =	swait.ge [sflag:s9], $0x2800  }
0x42: {  	[sflag:s9] =	ssyncset.done $0x0  }
0x43: {  	[sflag:s9] =	ssyncadd.s32 $0xFFFFD800  }
0x44: {  	s13 =	simm.s32 $0x0;
	[bflag:$0x0] =	sbarrier.arrive $0xFFFF  }
0x45: {  	[spmem:s2] =	stream.indirect.scatter.add.f32 [tilespmem:s11], [sflag:$0x1], $0x1, s13, s10, $0xb8;
	[tilespmem:$0x2D80] =	vst v63  }
0x46: {  	_ =	swait.ge [sflag:s9], $0x80  }
0x47: {  	s13 =	simm.s32 $0x200;
	[sflag:s9] =	ssyncset.done $0x0  }
.LBB2_2:
0x48: {  	s14 =	sshra.s32 s13, $0x2;
	[sflag:s9] =	ssyncadd.s32 $0xFFFFFF80;
	p0 =	sne.s32 s13, $0x9E00  }
0x49: {  	[spmem:s2] =	stream.indirect.scatter.add.f32 [tilespmem:s11], [sflag:$0x1], $0x1, s14, s10, $0xb8;
	[tilespmem:$0x2D80] =	vst v63  }
.Ltmp0:
0x4a: {  	_ = 	snop;
	(pc) =	sbr.rel @p0 .LBB2_2-.Ltmp0, $4  }
0x4b: {  	_ = 	snop  }
0x4c: {  	s13 =	sadd.s32 $0x200, s13  }
0x4d: {  	_ =	swait.ge [sflag:s9], $0x80  }
0x4e: {  	[sflag:s9] =	ssyncset.done $0x0  }
0x4f: {  	[sflag:s9] =	ssyncadd.s32 $0xFFFFFF80  }
0x50: {  	[bflag:$0x0] =	sbarrier.arrive $0xFFFF  }
0x51: {  	[tilespmem:s8], [sflag:$0x1] =	stream.linear.gather [spmem:s4], $0x280, $0x38;
	[tilespmem:$0x2D80] =	vst v63  }
0x52: {  	s12 =	sadd.s32 $0x1, s12;
	_ =	swait.ge [sflag:s9], $0x280  }
0x53: {  	p0 =	sne.s32 s12, s6;
	[sflag:s9] =	ssyncset.done $0x0  }
.Ltmp1:
0x54: {  	[sflag:s9] =	ssyncadd.s32 $0xFFFFFD80;
	(pc) =	sbr.rel @p0 .LBB2_1-.Ltmp1, $4  }
0x55: {  	[hbm4b:s7+s3] =	stream.linear.scatter [tilespmem:s8], [sflag:$0x1], $0x280, $0x38;
	[tilespmem:$0x2D80] =	vst v63  }
0x56: {  	_ =	swait.ge [sflag:s9], $0x280  }
0x57: {  	[sflag:s9] =	ssyncset.done $0x0  }
0x58: {  	[sflag:s9] =	ssyncadd.s32 $0xFFFFFD80  }
0x59: {  	_ =	sfence.sel $0x180000  }
0x5a: {  	[bflag:$0x0] =	sbarrier.arrive $0xFFFF  }
0x5b: {  	p0 =	sne.s32 s1, $0x0;
	_ =	strace $0x90000047  }
0x5c: {  	s0 =	sadd.s32 @!p0 $0x100000, s0;
	[bflag:$0x2] =	sbarrier.arrive $0xFFFF  }
0x5d: {  	[sflag:s0] =	ssyncadd.tile.s32 @!p0 $0x1;
	_ =	shalt  }
.Lfunc_end2:
_tile_overlayer_lowered:
.L_overlay_start_2:
0x5e: {  	(tag) =	ssettag $0x2  }
0x5f: {  	s0 =	rddreg [dreg:$0x0];
	s2 =	stileid.u32  }
0x60: {  	s1 =	rddreg [dreg:$0x1];
	p0 =	sne.s32 s2, $0x0  }
0x61: {  	s3 =	rddreg [dreg:$0x2];
	[bflag:$0x3] =	sbarrier.arrive $0xFFFF;
	s2 =	simm.s32 @!p0 $0x1C01  }
0x62: {  	[timem:s3], [sflag:s2] =	dma.local @!p0 [hbm:s0], s1  }
0x63: {  	s0 =	simm.s32 @!p0 $0x1  }
0x64: {  	_ =	swait.ge @!p0 [sflag:s0], s1  }
0x65: {  	s1 =	ssub.s32 @!p0 $0x0, s1;
	[sflag:s0] =	ssyncset.done @!p0 $0x0  }
0x66: {  	[sflag:s0] =	ssyncadd.s32 @!p0 s1  }
0x67: {  	[bflag:$0x3] =	sbarrier.arrive $0xFFFF  }
0x68: {  	_ =	shalt  }

</sc_bundles>
